<compile_context>
chip_gen: v7x
topology: tpu7x:2x2x1
jax: 0.10.2.dev20260603
libtpu: 0.0.44.dev20260713+nightly
codegen_flags: <defaults>
</compile_context>

<pallas_src>
import functools
import math

import jax
import jax.numpy as jnp
from jax import lax
from jax.experimental import pallas as pl
from jax.experimental.pallas import tpu as pltpu
from jax.experimental.pallas import tpu_sc as plsc

N = 10000
E = 160000
D_IN = 256
HID = 256
HEADS = 8
NPAD = 10240
H1 = HEADS * HID

E_PAD = 163840
EPT_A = E_PAD // 32
GA = EPT_A // 16
W_ROWS = E_PAD + 16
DEN_ZR = NPAD // 16

EPT_B = E_PAD // 16
COLS = 128
NCHUNK = H1 // COLS
CPC = NCHUNK // 2
BB = 64
NBATCH = EPT_B // BB

HALF = NPAD // 2
ACC_ROWS = HALF + 128
ROWS_PER_TILE = HALF // 16
ZROWS = ACC_ROWS // 16
EB = 80
EPT_C = E // 16
GARBAGE = HALF


def _splat(v):
    return jnp.full((16,), v, jnp.int32)


def _perm_w(w):
    return w.reshape(HEADS, HID, -1).transpose(1, 0, 2).reshape(H1, -1)


def _perm_b(b):
    return b.reshape(HEADS, HID).T.reshape(-1)



def _mm_kernel(x_ref, w_ref, b_ref, o_ref):
    o_ref[...] = (
        jnp.dot(x_ref[...], w_ref[...], preferred_element_type=jnp.float32)
        + b_ref[...]
    )


def _proj_matmul(x, w, b, bm=512, bn=1024):
    m, k = x.shape
    f = w.shape[1]
    bn = min(bn, f)
    grid = (m // bm, f // bn)
    return pl.pallas_call(
        _mm_kernel,
        grid=grid,
        in_specs=[
            pl.BlockSpec((bm, k), lambda i, j: (i, 0)),
            pl.BlockSpec((k, bn), lambda i, j: (0, j)),
            pl.BlockSpec((1, bn), lambda i, j: (0, j)),
        ],
        out_specs=pl.BlockSpec((bm, bn), lambda i, j: (i, j)),
        out_shape=jax.ShapeDtypeStruct((m, f), jnp.float32),
    )(x, w, b.reshape(1, f))


def _proj_matmul_cc(x, w, b, cols=COLS):
    nchunk = w.shape[1] // cols
    return pl.pallas_call(
        _mm_kernel,
        grid=(NPAD // 512, nchunk),
        in_specs=[
            pl.BlockSpec((512, D_IN), lambda i, j: (i, 0)),
            pl.BlockSpec((D_IN, cols), lambda i, j: (0, j)),
            pl.BlockSpec((1, cols), lambda i, j: (0, j)),
        ],
        out_specs=pl.BlockSpec(
            (512, cols), lambda i, j: (j * (NPAD // 512) + i, 0)),
        out_shape=jax.ShapeDtypeStruct((nchunk * NPAD, cols), jnp.float32),
    )(x, w, b.reshape(1, -1))


def _tc2_kernel(agg_ref, den_ref, s_ref, w_ref, b_ref, o_ref):
    j = pl.program_id(1)
    den8 = den_ref[...][:, 0:8]
    dex = jnp.broadcast_to(den8[:, None, :], (512, 16, 8)).reshape(512, 128)
    h = jnp.where(dex > 0, agg_ref[...] / dex, 0.0) + s_ref[...]
    part = jnp.dot(h, w_ref[...], preferred_element_type=jnp.float32)

    @pl.when(j == 0)
    def _():
        o_ref[...] = part + b_ref[...]

    @pl.when(j > 0)
    def _():
        o_ref[...] += part


def _tc3_kernel(acc_ref, qkvs2_ref, wl_ref, bl_ref, o_ref):
    i = pl.program_id(0)
    den = acc_ref[...][:, 0:8]
    agg = acc_ref[...][:, 8:16]
    h2 = jnp.where(den > 0, agg / den, 0.0) + qkvs2_ref[...][:, 24:32]
    z = jnp.dot(h2, wl_ref[...], preferred_element_type=jnp.float32) + bl_ref[...]
    z = jnp.maximum(z, 0.0)
    rows = i * 512 + lax.broadcasted_iota(jnp.int32, (512, 1), 0)
    z = jnp.where(rows < N, z, 0.0)
    part = jnp.sum(z, axis=0, keepdims=True)

    @pl.when(i == 0)
    def _():
        o_ref[...] = jnp.zeros_like(o_ref)

    o_ref[...] += part


def _tc3(accs, qkvs2, wlp, blp):
    return pl.pallas_call(
        _tc3_kernel,
        grid=(NPAD // 512,),
        in_specs=[
            pl.BlockSpec((512, 16), lambda i: (i, 0)),
            pl.BlockSpec((512, 32), lambda i: (i, 0)),
            pl.BlockSpec((8, 128), lambda i: (0, 0)),
            pl.BlockSpec((1, 128), lambda i: (0, 0)),
        ],
        out_specs=pl.BlockSpec((1, 128), lambda i: (0, 0)),
        out_shape=jax.ShapeDtypeStruct((1, 128), jnp.float32),
    )(accs, qkvs2, wlp, blp)



def _sca_body(q_hbm, k_hbm, srcp_hbm, dstp_hbm, w_hbm, den_hbm,
              den_sh, zb, srcT, dstT,
              qb0, qb1, kb0, kb1, qi0, qi1, ki0, ki1, didxb,
              pb, wb, tmp, gsem0, gsem1):
    c = lax.axis_index("c")
    s = lax.axis_index("s")
    qb = (qb0, qb1)
    kb = (kb0, kb1)
    qi = (qi0, qi1)
    ki = (ki0, ki1)
    gsem = (gsem0, gsem1)

    def zr(i, _):
        zb[i, :] = jnp.zeros((16,), jnp.float32)
        return 0
    lax.fori_loop(0, DEN_ZR, zr, 0)
    pltpu.sync_copy(zb, den_sh.at[pl.ds(s * DEN_ZR, DEN_ZR)])
    plsc.subcore_barrier()

    base = (c * 16 + s) * EPT_A
    pltpu.sync_copy(srcp_hbm.at[pl.ds(base, EPT_A)], srcT)
    pltpu.sync_copy(dstp_hbm.at[pl.ds(base, EPT_A)], dstT)

    def prep(g, ph, sl):
        o = _splat(ph * NPAD)
        qi[sl][pl.ds(0, 16)] = dstT[pl.ds(g * 16, 16)] + o
        ki[sl][pl.ds(0, 16)] = srcT[pl.ds(g * 16, 16)] + o

    def fire_gather(sl):
        pltpu.async_copy(q_hbm.at[qi[sl]], qb[sl], gsem[sl])
        pltpu.async_copy(k_hbm.at[ki[sl]], kb[sl], gsem[sl])

    def wait_gather(sl):
        pltpu.make_async_copy(q_hbm.at[qi[sl]], qb[sl], gsem[sl]).wait()
        pltpu.make_async_copy(k_hbm.at[ki[sl]], kb[sl], gsem[sl]).wait()

    def fold(sl, e):
        accs = [jnp.zeros((16,), jnp.float32) for _ in range(4)]
        for j in range(64):
            accs[j % 4] = accs[j % 4] + \
                qb[sl][e, pl.ds(j * 16, 16)] * kb[sl][e, pl.ds(j * 16, 16)]
        a = (accs[0] + accs[1]) + (accs[2] + accs[3])
        tmp[pl.ds(0, 16)] = a
        tmp[pl.ds(16, 16)] = a
        return tmp[pl.ds(0, 16)] + tmp[pl.ds(8, 16)]

    def grp(i, _):
        off = base + i * 16
        wait_gather(0)
        prep(i, 1, 1)
        fire_gather(1)

        def edge0(e, _):
            pb[e, :] = fold(0, e)
            return 0
        lax.fori_loop(0, 16, edge0, 0)

        wait_gather(1)
        prep(jnp.minimum(i + 1, GA - 1), 0, 0)
        fire_gather(0)

        def edge1(e, _):
            wb[e, :] = jnp.exp(pb[e, :] + fold(1, e))
            return 0
        lax.fori_loop(0, 16, edge1, 0)

        didxb[pl.ds(0, 16)] = dstT[pl.ds(i * 16, 16)]
        pltpu.sync_copy(wb, w_hbm.at[pl.ds(off, 16)])
        pltpu.sync_copy(wb, den_sh.at[didxb], add=True)
        return 0

    prep(0, 0, 0)
    fire_gather(0)
    lax.fori_loop(0, GA, grp, 0)
    wait_gather(0)
    plsc.subcore_barrier()
    pltpu.sync_copy(
        den_sh.at[pl.ds(s * DEN_ZR, DEN_ZR)],
        den_hbm.at[pl.ds(c * NPAD + s * DEN_ZR, DEN_ZR)],
    )


_sc_a = functools.partial(
    pl.kernel,
    out_type=(
        jax.ShapeDtypeStruct((W_ROWS, 16), jnp.float32),
        jax.ShapeDtypeStruct((2 * NPAD, 16), jnp.float32),
    ),
    mesh=plsc.VectorSubcoreMesh(core_axis_name="c", subcore_axis_name="s"),
    compiler_params=pltpu.CompilerParams(use_tc_tiling_on_sc=False),
    scratch_types=[
        pltpu.VMEM_SHARED((NPAD, 16), jnp.float32),
        pltpu.VMEM((DEN_ZR, 16), jnp.float32),
        pltpu.VMEM((EPT_A,), jnp.int32),
        pltpu.VMEM((EPT_A,), jnp.int32),
        pltpu.VMEM((16, 1024), jnp.float32),
        pltpu.VMEM((16, 1024), jnp.float32),
        pltpu.VMEM((16, 1024), jnp.float32),
        pltpu.VMEM((16, 1024), jnp.float32),
        pltpu.VMEM((16,), jnp.int32),
        pltpu.VMEM((16,), jnp.int32),
        pltpu.VMEM((16,), jnp.int32),
        pltpu.VMEM((16,), jnp.int32),
        pltpu.VMEM((16,), jnp.int32),
        pltpu.VMEM((16, 16), jnp.float32),
        pltpu.VMEM((16, 16), jnp.float32),
        pltpu.VMEM((32,), jnp.float32),
        pltpu.SemaphoreType.DMA,
        pltpu.SemaphoreType.DMA,
    ],
)(_sca_body)



def _scb_body(v_hbm, w_hbm, src_hbm, dst_hbm, agg_hbm,
              acc_sh, srcT, dstT,
              vb0, vb1, wb0, wb1, sidx0, sidx1, didx0, didx1,
              gsem0, gsem1, ssem0, ssem1):
    c = lax.axis_index("c")
    s = lax.axis_index("s")
    gbase = s * EPT_B
    vb = (vb0, vb1)
    wb = (wb0, wb1)
    sidx = (sidx0, sidx1)
    didx = (didx0, didx1)
    gsem = (gsem0, gsem1)
    ssem = (ssem0, ssem1)

    pltpu.sync_copy(src_hbm.at[pl.ds(gbase, EPT_B)], srcT)
    pltpu.sync_copy(dst_hbm.at[pl.ds(gbase, EPT_B)], dstT)

    def fire_gather(g, sl):
        pltpu.async_copy(v_hbm.at[sidx[sl]], vb[sl], gsem[sl])
        pltpu.async_copy(w_hbm.at[pl.ds(gbase + g * BB, BB)], wb[sl], gsem[sl])

    def wait_gather(sl):
        pltpu.make_async_copy(v_hbm.at[sidx[sl]], vb[sl], gsem[sl]).wait()
        pltpu.make_async_copy(
            w_hbm.at[pl.ds(gbase, BB)], wb[sl], gsem[sl]).wait()

    def fire_scatter(sl):
        pltpu.async_copy(vb[sl], acc_sh.at[didx[sl]], ssem[sl], add=True)

    def wait_scatter(sl):
        pltpu.make_async_copy(vb[sl], acc_sh.at[didx[sl]], ssem[sl]).wait()

    def compute(sl):
        def edge4(i, _):
            for d in range(4):
                e = i * 4 + d
                wrow = wb[sl][e, :]
                for u in range(8):
                    vb[sl][e, pl.ds(u * 16, 16)] = \
                        vb[sl][e, pl.ds(u * 16, 16)] * wrow
            return 0
        lax.fori_loop(0, BB // 4, edge4, 0)

    def chunk(p, _):
        jj = c * CPC + p

        def zrow(i, _):
            for u in range(8):
                vb0[i, pl.ds(u * 16, 16)] = jnp.zeros((16,), jnp.float32)
                vb1[i, pl.ds(u * 16, 16)] = jnp.zeros((16,), jnp.float32)
            return 0
        lax.fori_loop(0, BB, zrow, 0)
        for r in range(10):
            pltpu.sync_copy(vb0, acc_sh.at[pl.ds(s * 640 + r * BB, BB)])

        def prep(g, sl):
            o = _splat(jj * NPAD)
            for u in range(BB // 16):
                sidx[sl][pl.ds(u * 16, 16)] = \
                    srcT[pl.ds(g * BB + u * 16, 16)] + o
                didx[sl][pl.ds(u * 16, 16)] = dstT[pl.ds(g * BB + u * 16, 16)]
        plsc.subcore_barrier()

        prep(0, 1)
        fire_scatter(1)
        prep(0, 0)
        fire_gather(0, 0)

        def pair(i, _):
            g0 = i * 2
            wait_gather(0)
            wait_scatter(1)
            prep(g0 + 1, 1)
            fire_gather(g0 + 1, 1)
            compute(0)
            fire_scatter(0)
            wait_gather(1)
            wait_scatter(0)
            gnext = jnp.minimum(g0 + 2, NBATCH - 2)
            prep(gnext, 0)
            fire_gather(gnext, 0)
            compute(1)
            fire_scatter(1)
            return 0

        lax.fori_loop(0, NBATCH // 2, pair, 0)
        wait_gather(0)
        wait_scatter(1)
        plsc.subcore_barrier()

        pltpu.sync_copy(
            acc_sh.at[pl.ds(s * 640, 640)],
            agg_hbm.at[pl.ds(jj * NPAD + s * 640, 640)],
        )
        plsc.subcore_barrier()
        return 0

    lax.fori_loop(0, CPC, chunk, 0)


_sc_b = functools.partial(
    pl.kernel,
    out_type=jax.ShapeDtypeStruct((NCHUNK * NPAD, COLS), jnp.float32),
    mesh=plsc.VectorSubcoreMesh(core_axis_name="c", subcore_axis_name="s"),
    compiler_params=pltpu.CompilerParams(use_tc_tiling_on_sc=False),
    scratch_types=[
        pltpu.VMEM_SHARED((NPAD, COLS), jnp.float32),
        pltpu.VMEM((EPT_B,), jnp.int32),
        pltpu.VMEM((EPT_B,), jnp.int32),
        pltpu.VMEM((BB, COLS), jnp.float32),
        pltpu.VMEM((BB, COLS), jnp.float32),
        pltpu.VMEM((BB, 16), jnp.float32),
        pltpu.VMEM((BB, 16), jnp.float32),
        pltpu.VMEM((BB,), jnp.int32),
        pltpu.VMEM((BB,), jnp.int32),
        pltpu.VMEM((BB,), jnp.int32),
        pltpu.VMEM((BB,), jnp.int32),
        pltpu.SemaphoreType.DMA,
        pltpu.SemaphoreType.DMA,
        pltpu.SemaphoreType.DMA,
        pltpu.SemaphoreType.DMA,
    ],
)(_scb_body)



def _scc_body(qd_hbm, kd_hbm, vt_hbm, src_hbm, dst_hbm, out_hbm,
              acc_sh, zbuf, srcb, dstb, dlocb, qb, kb, vb, cb, sem):
    c = lax.axis_index("c")
    s = lax.axis_index("s")
    lo = c * HALF

    def zb(i, _):
        zbuf[i, :] = jnp.zeros((16,), jnp.float32)
        return 0
    lax.fori_loop(0, ZROWS, zb, 0)
    pltpu.sync_copy(zbuf, acc_sh.at[pl.ds(s * ZROWS, ZROWS)])
    plsc.subcore_barrier()

    base = s * EPT_C

    def blk(b, _):
        off = base + b * EB
        pltpu.sync_copy(src_hbm.at[pl.ds(off, EB)], srcb)
        pltpu.sync_copy(dst_hbm.at[pl.ds(off, EB)], dstb)

        def idloop(i, _):
            d = dstb[pl.ds(i * 16, 16)]
            inr = (d >= lo) & (d < lo + HALF)
            dlocb[pl.ds(i * 16, 16)] = jnp.where(inr, d - lo, GARBAGE)
            return 0
        lax.fori_loop(0, EB // 16, idloop, 0)

        cq = pltpu.async_copy(qd_hbm.at[dstb], qb, sem)
        ck = pltpu.async_copy(kd_hbm.at[srcb], kb, sem)
        cv = pltpu.async_copy(vt_hbm.at[srcb], vb, sem)
        cq.wait()
        ck.wait()
        cv.wait()

        def eloop(e, _):
            w = jnp.exp(qb[e, :] * kb[e, :])
            cb[e, :] = w * vb[e, :]
            return 0
        lax.fori_loop(0, EB, eloop, 0)

        pltpu.sync_copy(cb, acc_sh.at[dlocb], add=True)
        return 0

    lax.fori_loop(0, EPT_C // EB, blk, 0)
    plsc.subcore_barrier()

    pltpu.sync_copy(
        acc_sh.at[pl.ds(s * ROWS_PER_TILE, ROWS_PER_TILE)],
        out_hbm.at[pl.ds(c * HALF + s * ROWS_PER_TILE, ROWS_PER_TILE)],
    )


_sc_c = functools.partial(
    pl.kernel,
    out_type=jax.ShapeDtypeStruct((NPAD, 16), jnp.float32),
    mesh=plsc.VectorSubcoreMesh(core_axis_name="c", subcore_axis_name="s"),
    compiler_params=pltpu.CompilerParams(use_tc_tiling_on_sc=False),
    scratch_types=[
        pltpu.VMEM_SHARED((ACC_ROWS, 16), jnp.float32),
        pltpu.VMEM((ZROWS, 16), jnp.float32),
        pltpu.VMEM((EB,), jnp.int32),
        pltpu.VMEM((EB,), jnp.int32),
        pltpu.VMEM((EB,), jnp.int32),
        pltpu.VMEM((EB, 16), jnp.float32),
        pltpu.VMEM((EB, 16), jnp.float32),
        pltpu.VMEM((EB, 16), jnp.float32),
        pltpu.VMEM((EB, 16), jnp.float32),
        pltpu.SemaphoreType.DMA,
    ],
)(_scc_body)



def kernel(x, edge_index, Wq1, bq1, Wk1, bk1, Wv1, bv1, Ws1, bs1,
           Wq2, bq2, Wk2, bk2, Wv2, bv2, Ws2, bs2, Wl, bl):
    src = edge_index[0]
    dst = edge_index[1]
    scale = 1.0 / math.sqrt(HID)
    xp = jnp.pad(x, ((0, NPAD - N), (0, 0)))

    q1 = _proj_matmul_cc(xp, _perm_w(Wq1).T * scale, _perm_b(bq1) * scale,
                         cols=1024)
    k1 = _proj_matmul_cc(xp, _perm_w(Wk1).T, _perm_b(bk1), cols=1024)
    v1r = _proj_matmul_cc(xp, _perm_w(Wv1).T, _perm_b(bv1))
    s1r = _proj_matmul_cc(xp, _perm_w(Ws1).T, _perm_b(bs1))

    srcp = jnp.concatenate([src, jnp.zeros((E_PAD - E,), jnp.int32)])
    dstp = jnp.concatenate(
        [dst, jnp.full((E_PAD - E,), NPAD - 1, jnp.int32)])

    w1, denp = _sc_a(q1, k1, srcp, dstp)
    den1 = denp[:NPAD] + denp[NPAD:]

    agg1 = _sc_b(v1r, w1, srcp, dstp)

    w2 = jnp.concatenate([Wq2.T, Wk2.T, Wv2.T, Ws2.T], axis=1)
    w2 = w2.reshape(HEADS, HID, 32).transpose(1, 0, 2).reshape(H1, 32)
    b2 = jnp.concatenate([bq2, bk2, bv2, bs2])
    qkvs2 = pl.pallas_call(
        _tc2_kernel,
        grid=(NPAD // 512, NCHUNK),
        in_specs=[
            pl.BlockSpec((512, COLS), lambda i, j: (j * (NPAD // 512) + i, 0)),
            pl.BlockSpec((512, 16), lambda i, j: (i, 0)),
            pl.BlockSpec((512, COLS), lambda i, j: (j * (NPAD // 512) + i, 0)),
            pl.BlockSpec((COLS, 32), lambda i, j: (j, 0)),
            pl.BlockSpec((1, 32), lambda i, j: (0, 0)),
        ],
        out_specs=pl.BlockSpec((512, 32), lambda i, j: (i, 0)),
        out_shape=jax.ShapeDtypeStruct((NPAD, 32), jnp.float32),
    )(agg1, den1, s1r, w2, b2.reshape(1, 32))

    q2 = qkvs2[:, 0:8]
    k2 = qkvs2[:, 8:16]
    v2 = qkvs2[:, 16:24]
    qd = jnp.concatenate([q2, q2], axis=1)
    kd = jnp.concatenate([k2, k2], axis=1)
    vt = jnp.concatenate([jnp.ones_like(v2), v2], axis=1)
    accs = _sc_c(qd, kd, vt, src, dst)

    wlp = jnp.pad(Wl.T, ((0, 0), (0, 28)))
    blp = jnp.pad(bl, (0, 28)).reshape(1, 128)
    tot = _tc3(accs, qkvs2, wlp, blp)
    return tot[:, :100] / N

# --- scband reference (transcript-rebuilt; emitter-appended) ---
"""Pipeline reference for scband-graph-transformer-48146583388261 (READ-ONLY COPY).

The authoritative reference and input builder live on the scoring server;
editing this copy changes nothing except your own understanding.
"""

import jax, jax.numpy as jnp
import numpy as np
import math

N = 10000
E = 160000
D_IN = 256
HID = 256
HEADS = 8
OUT_CH = 1


def setup_inputs(seed: int = 0) -> dict:
    key = jax.random.key(seed)
    ks = jax.random.split(key, 24)
    x = jax.random.normal(ks[0], (N, D_IN), dtype=jnp.float32)
    edge_index = jax.random.randint(ks[1], (2, E), 0, N, dtype=jnp.int32)
    h1 = HEADS * HID  # 2048
    h2 = HEADS * OUT_CH  # 8
    s1 = 1.0 / math.sqrt(D_IN)
    s2 = 1.0 / math.sqrt(h1)
    inp = {"x": x, "edge_index": edge_index}
    # conv1: TransformerConv(256 -> 256, heads=8), projections in=256 out=2048
    inp["Wq1"] = jax.random.normal(ks[2], (h1, D_IN), dtype=jnp.float32) * s1
    inp["bq1"] = jnp.zeros((h1,), dtype=jnp.float32)
    inp["Wk1"] = jax.random.normal(ks[3], (h1, D_IN), dtype=jnp.float32) * s1
    inp["bk1"] = jnp.zeros((h1,), dtype=jnp.float32)
    inp["Wv1"] = jax.random.normal(ks[4], (h1, D_IN), dtype=jnp.float32) * s1
    inp["bv1"] = jnp.zeros((h1,), dtype=jnp.float32)
    inp["Ws1"] = jax.random.normal(ks[5], (h1, D_IN), dtype=jnp.float32) * s1
    inp["bs1"] = jnp.zeros((h1,), dtype=jnp.float32)
    # conv2: TransformerConv(2048 -> 1, heads=8), projections in=2048 out=8
    inp["Wq2"] = jax.random.normal(ks[6], (h2, h1), dtype=jnp.float32) * s2
    inp["bq2"] = jnp.zeros((h2,), dtype=jnp.float32)
    inp["Wk2"] = jax.random.normal(ks[7], (h2, h1), dtype=jnp.float32) * s2
    inp["bk2"] = jnp.zeros((h2,), dtype=jnp.float32)
    inp["Wv2"] = jax.random.normal(ks[8], (h2, h1), dtype=jnp.float32) * s2
    inp["bv2"] = jnp.zeros((h2,), dtype=jnp.float32)
    inp["Ws2"] = jax.random.normal(ks[9], (h2, h1), dtype=jnp.float32) * s2
    inp["bs2"] = jnp.zeros((h2,), dtype=jnp.float32)
    # final Linear(heads=8 -> 100)
    inp["Wl"] = jax.random.normal(ks[10], (100, h2), dtype=jnp.float32) * (1.0 / math.sqrt(h2))
    inp["bl"] = jnp.zeros((100,), dtype=jnp.float32)
    return inp


def transformer_conv(x, edge_index, Wq, bq, Wk, bk, Wv, bv, Ws, bs, heads, out_ch):
    n = x.shape[0]
    src = edge_index[0]
    dst = edge_index[1]
    q = (x @ Wq.T + bq).reshape(n, heads, out_ch)
    k = (x @ Wk.T + bk).reshape(n, heads, out_ch)
    v = (x @ Wv.T + bv).reshape(n, heads, out_ch)
    # per-edge attention logits, softmax grouped by destination node (PyG softmax)
    logits = (q[dst] * k[src]).sum(-1) / jnp.sqrt(jnp.float32(out_ch))  # [E, heads]
    m = jax.ops.segment_max(logits, dst, num_segments=n)  # [N, heads]
    m = jnp.where(jnp.isfinite(m), m, 0.0)
    a = jnp.exp(logits - m[dst])
    denom = jax.ops.segment_sum(a, dst, num_segments=n)
    alpha = a / denom[dst]
    msg = alpha[:, :, None] * v[src]  # [E, heads, out_ch]
    agg = jax.ops.segment_sum(msg, dst, num_segments=n).reshape(n, heads * out_ch)
    # root/skip connection (lin_skip), concat heads
    return agg + x @ Ws.T + bs


def reference(x, edge_index, Wq1, bq1, Wk1, bk1, Wv1, bv1, Ws1, bs1, Wq2, bq2, Wk2, bk2, Wv2, bv2, Ws2, bs2, Wl, bl):
    h = transformer_conv(x, edge_index, Wq1, bq1, Wk1, bk1, Wv1, bv1, Ws1, bs1, HEADS, HID)
    h = transformer_conv(h, edge_index, Wq2, bq2, Wk2, bk2, Wv2, bv2, Ws2, bs2, HEADS, OUT_CH)
    h = h @ Wl.T + bl
    h = jax.nn.relu(h)
    # dropout is identity in eval mode
    h = h.mean(axis=0, keepdims=True)
    return h

if __name__ == "__main__":
    import jax
    _d = setup_inputs()
    print(jax.jit(kernel)(*tuple(_d.values())))

</pallas_src>

<mosaic_0001>
#map = affine_map<(d0, d1) -> (0, 0)>
#map1 = affine_map<(d0, d1) -> (0)>
module attributes {stable_mosaic.version = 14 : i64} {
  func.func @_scc_body(%arg0: i32, %arg1: i32, %arg2: memref<10240x16xf32, #tpu.memory_space<hbm>>, %arg3: memref<10240x16xf32, #tpu.memory_space<hbm>>, %arg4: memref<10240x16xf32, #tpu.memory_space<hbm>>, %arg5: memref<160000xi32, #tpu.memory_space<hbm>>, %arg6: memref<160000xi32, #tpu.memory_space<hbm>>, %arg7: memref<10240x16xf32, #tpu.memory_space<hbm>>, %arg8: memref<5248x16xf32, #tpu.memory_space<vmem_shared>>, %arg9: memref<328x16xf32, #tpu.memory_space<vmem>>, %arg10: memref<80xi32, #tpu.memory_space<vmem>>, %arg11: memref<80xi32, #tpu.memory_space<vmem>>, %arg12: memref<80xi32, #tpu.memory_space<vmem>>, %arg13: memref<80x16xf32, #tpu.memory_space<vmem>>, %arg14: memref<80x16xf32, #tpu.memory_space<vmem>>, %arg15: memref<80x16xf32, #tpu.memory_space<vmem>>, %arg16: memref<80x16xf32, #tpu.memory_space<vmem>>, %arg17: memref<!tpu.dma_semaphore, #tpu.memory_space<semaphore_mem>>) attributes {dimension_semantics = [#tpu.dimension_semantics<core_parallel>, #tpu.dimension_semantics<subcore_parallel>], iteration_bounds = array<i64: 2, 16>, scalar_prefetch = 0 : i64, scratch_operands = 10 : i64, tpu.core_type = #tpu.core_type<sc_vector_subcore>, window_params = [{transform_indices = #map}, {transform_indices = #map}, {transform_indices = #map}, {transform_indices = #map1}, {transform_indices = #map1}, {transform_indices = #map}]} {
    %mul3A = arith.constant 5120 : i32
    %mul3A_0 = arith.muli %arg0, %mul3A : i32
    %scan3A = arith.constant 0 : i32
    %scan3A_1 = arith.constant 0 : i32
    %scan3A_2 = arith.constant 328 : i32
    %scan3A_3 = arith.addi %scan3A_1, %scan3A_2 : i32
    %scan3A_4 = arith.constant 1 : i32
    %scan3A_5 = scf.for %scan3A_25 = %scan3A_1 to %scan3A_3 step %scan3A_4 iter_args(%scan3A_26 = %scan3A) -> (i32)  : i32 {
      %broadcast_in_dim3A = arith.constant 0.000000e+00 : f32
      %broadcast_in_dim3A_27 = vector.broadcast %broadcast_in_dim3A : f32 to vector<16xf32>
      %swap3A = arith.index_cast %scan3A_25 : i32 to index
      %swap3A_28 = arith.constant 0 : index
      %swap3A_29 = tpu.vector_load %arg9[%swap3A, %swap3A_28] {strides = array<i32>} : memref<328x16xf32, #tpu.memory_space<vmem>>, vector<1x16xf32>,
      %swap3A_30 = vector.shape_cast %swap3A_29 : vector<1x16xf32> to vector<16xf32>
      %swap3A_31 = vector.shape_cast %broadcast_in_dim3A_27 : vector<16xf32> to vector<1x16xf32>
      tpu.vector_store %arg9[%swap3A, %swap3A_28], %swap3A_31 {strides = array<i32>} : memref<328x16xf32, #tpu.memory_space<vmem>>, vector<1x16xf32>,
      %scan3A_32 = arith.constant 0 : i32
      scf.yield %scan3A_32 : i32
    }
    %scan3A_6 = arith.constant 328 : i32
    %mul3A_7 = arith.constant 328 : i32
    %mul3A_8 = arith.muli %arg1, %mul3A_7 : i32
    "tpu.region"() ({
      %run_scoped3A = tpu.sem_alloc : memref<!tpu.dma_semaphore, #tpu.memory_space<semaphore_mem>>
      %dma_start3A = arith.constant 0 : i32
      %dma_start3A_25 = tpu.memref_slice %arg8[%mul3A_8, %dma_start3A] : memref<5248x16xf32, #tpu.memory_space<vmem_shared>> -> memref<328x16xf32, #tpu.memory_space<vmem_shared>>
      %dma_start3A_26 = arith.constant 0 : i32
      %dma_start3A_27 = tpu.memref_slice %arg8[%mul3A_8, %dma_start3A_26] : memref<5248x16xf32, #tpu.memory_space<vmem_shared>> -> memref<328x16xf32, #tpu.memory_space<vmem_shared>>
      tpu.enqueue_dma source(%arg9 : memref<328x16xf32, #tpu.memory_space<vmem>>) target(%dma_start3A_27 : memref<328x16xf32, #tpu.memory_space<vmem_shared>>) target_semaphore(%run_scoped3A : memref<!tpu.dma_semaphore, #tpu.memory_space<semaphore_mem>>)
      %dma_wait3A = arith.constant 0 : i32
      %dma_wait3A_28 = tpu.memref_slice %arg8[%mul3A_8, %dma_wait3A] : memref<5248x16xf32, #tpu.memory_space<vmem_shared>> -> memref<328x16xf32, #tpu.memory_space<vmem_shared>>
      %dma_wait3A_29 = arith.constant 0 : i32
      %dma_wait3A_30 = tpu.memref_slice %arg8[%mul3A_8, %dma_wait3A_29] : memref<5248x16xf32, #tpu.memory_space<vmem_shared>> -> memref<328x16xf32, #tpu.memory_space<vmem_shared>>
      tpu.wait_dma2 semaphore(%run_scoped3A : memref<!tpu.dma_semaphore, #tpu.memory_space<semaphore_mem>>) src(%arg9 : memref<328x16xf32, #tpu.memory_space<vmem>>) dst(%dma_wait3A_30 : memref<328x16xf32, #tpu.memory_space<vmem_shared>>)
      tpu.yield
    }) : () -> ()
    %barrier3A = arith.constant 0 : index
    tpu.barrier barrier_id(%barrier3A)
    %mul3A_9 = arith.constant 10000 : i32
    %mul3A_10 = arith.muli %arg1, %mul3A_9 : i32
    %scan3A_11 = arith.constant 0 : i32
    %scan3A_12 = arith.constant 0 : i32
    %scan3A_13 = arith.constant 125 : i32
    %scan3A_14 = arith.addi %scan3A_12, %scan3A_13 : i32
    %scan3A_15 = arith.constant 1 : i32
    %scan3A_16 = scf.for %scan3A_25 = %scan3A_12 to %scan3A_14 step %scan3A_15 iter_args(%scan3A_26 = %scan3A_11) -> (i32)  : i32 {
      %mul3A_27 = arith.constant 80 : i32
      %mul3A_28 = arith.muli %scan3A_25, %mul3A_27 : i32
      %add3A_29 = arith.addi %mul3A_10, %mul3A_28 : i32
      "tpu.region"() ({
        %run_scoped3A = tpu.sem_alloc : memref<!tpu.dma_semaphore, #tpu.memory_space<semaphore_mem>>
        %dma_start3A_61 = tpu.memref_slice %arg5[%add3A_29] : memref<160000xi32, #tpu.memory_space<hbm>> -> memref<80xi32, #tpu.memory_space<hbm>>
        %dma_start3A_62 = tpu.memref_slice %arg5[%add3A_29] : memref<160000xi32, #tpu.memory_space<hbm>> -> memref<80xi32, #tpu.memory_space<hbm>>
        tpu.enqueue_dma source(%dma_start3A_62 : memref<80xi32, #tpu.memory_space<hbm>>) target(%arg10 : memref<80xi32, #tpu.memory_space<vmem>>) target_semaphore(%run_scoped3A : memref<!tpu.dma_semaphore, #tpu.memory_space<semaphore_mem>>)
        %dma_wait3A_63 = tpu.memref_slice %arg5[%add3A_29] : memref<160000xi32, #tpu.memory_space<hbm>> -> memref<80xi32, #tpu.memory_space<hbm>>
        %dma_wait3A_64 = tpu.memref_slice %arg5[%add3A_29] : memref<160000xi32, #tpu.memory_space<hbm>> -> memref<80xi32, #tpu.memory_space<hbm>>
        tpu.wait_dma2 semaphore(%run_scoped3A : memref<!tpu.dma_semaphore, #tpu.memory_space<semaphore_mem>>) src(%dma_wait3A_64 : memref<80xi32, #tpu.memory_space<hbm>>) dst(%arg10 : memref<80xi32, #tpu.memory_space<vmem>>)
        tpu.yield
      }) : () -> ()
      "tpu.region"() ({
        %run_scoped3A = tpu.sem_alloc : memref<!tpu.dma_semaphore, #tpu.memory_space<semaphore_mem>>
        %dma_start3A_61 = tpu.memref_slice %arg6[%add3A_29] : memref<160000xi32, #tpu.memory_space<hbm>> -> memref<80xi32, #tpu.memory_space<hbm>>
        %dma_start3A_62 = tpu.memref_slice %arg6[%add3A_29] : memref<160000xi32, #tpu.memory_space<hbm>> -> memref<80xi32, #tpu.memory_space<hbm>>
        tpu.enqueue_dma source(%dma_start3A_62 : memref<80xi32, #tpu.memory_space<hbm>>) target(%arg11 : memref<80xi32, #tpu.memory_space<vmem>>) target_semaphore(%run_scoped3A : memref<!tpu.dma_semaphore, #tpu.memory_space<semaphore_mem>>)
        %dma_wait3A_63 = tpu.memref_slice %arg6[%add3A_29] : memref<160000xi32, #tpu.memory_space<hbm>> -> memref<80xi32, #tpu.memory_space<hbm>>
        %dma_wait3A_64 = tpu.memref_slice %arg6[%add3A_29] : memref<160000xi32, #tpu.memory_space<hbm>> -> memref<80xi32, #tpu.memory_space<hbm>>
        tpu.wait_dma2 semaphore(%run_scoped3A : memref<!tpu.dma_semaphore, #tpu.memory_space<semaphore_mem>>) src(%dma_wait3A_64 : memref<80xi32, #tpu.memory_space<hbm>>) dst(%arg11 : memref<80xi32, #tpu.memory_space<vmem>>)
        tpu.yield
      }) : () -> ()
      %scan3A_30 = arith.constant 0 : i32
      %scan3A_31 = arith.constant 0 : i32
      %scan3A_32 = arith.constant 5 : i32
      %scan3A_33 = arith.addi %scan3A_31, %scan3A_32 : i32
      %scan3A_34 = arith.constant 1 : i32
      %scan3A_35 = scf.for %scan3A_61 = %scan3A_31 to %scan3A_33 step %scan3A_34 iter_args(%scan3A_62 = %scan3A_30) -> (i32)  : i32 {
        %mul3A_63 = arith.constant 16 : i32
        %mul3A_64 = arith.muli %scan3A_61, %mul3A_63 : i32
        %get3A = arith.index_cast %mul3A_64 : i32 to index
        %get3A_65 = tpu.vector_load %arg11[%get3A] {strides = array<i32>} : memref<80xi32, #tpu.memory_space<vmem>>, vector<16xi32>,
        %get3A_66 = vector.shape_cast %get3A_65 : vector<16xi32> to vector<16xi32>
        %ge3A = vector.broadcast %mul3A_0 : i32 to vector<16xi32>
        %ge3A_67 = arith.cmpi sge, %get3A_66, %ge3A : vector<16xi32>
        %add3A_68 = arith.constant 5120 : i32
        %add3A_69 = arith.addi %mul3A_0, %add3A_68 : i32
        %lt3A = vector.broadcast %add3A_69 : i32 to vector<16xi32>
        %lt3A_70 = arith.cmpi slt, %get3A_66, %lt3A : vector<16xi32>
        %and3A = arith.andi %ge3A_67, %lt3A_70 : vector<16xi1>
        %sub3A = vector.broadcast %mul3A_0 : i32 to vector<16xi32>
        %sub3A_71 = arith.subi %get3A_66, %sub3A : vector<16xi32>
        %jit3A = arith.constant 5120 : i32
        %broadcast_in_dim3A = vector.broadcast %jit3A : i32 to vector<16xi32>
        %select_n3A = arith.select %and3A, %sub3A_71, %broadcast_in_dim3A : vector<16xi1>, vector<16xi32>
        %mul3A_72 = arith.constant 16 : i32
        %mul3A_73 = arith.muli %scan3A_61, %mul3A_72 : i32
        %swap3A = arith.index_cast %mul3A_73 : i32 to index
        %swap3A_74 = tpu.vector_load %arg12[%swap3A] {strides = array<i32>} : memref<80xi32, #tpu.memory_space<vmem>>, vector<16xi32>,
        %swap3A_75 = vector.shape_cast %swap3A_74 : vector<16xi32> to vector<16xi32>
        %swap3A_76 = vector.shape_cast %select_n3A : vector<16xi32> to vector<16xi32>
        tpu.vector_store %arg12[%swap3A], %swap3A_76 {strides = array<i32>} : memref<80xi32, #tpu.memory_space<vmem>>, vector<16xi32>,
        %scan3A_77 = arith.constant 0 : i32
        scf.yield %scan3A_77 : i32
      }
      %scan3A_36 = arith.constant 5 : i32
      %dma_start3A = arith.constant 0 : i32
      %dma_start3A_37 = arith.constant 0 : i32
      %dma_start3A_38 = tpu.memref_slice %arg2[%dma_start3A, %dma_start3A_37] : memref<10240x16xf32, #tpu.memory_space<hbm>> -> memref<10240x16xf32, #tpu.memory_space<hbm>>
      tpu.enqueue_indirect_dma source(%dma_start3A_38 : memref<10240x16xf32, #tpu.memory_space<hbm>>) target(%arg13 : memref<80x16xf32, #tpu.memory_space<vmem>>) offsets(%arg11 : memref<80xi32, #tpu.memory_space<vmem>>) semaphore(%arg17 : memref<!tpu.dma_semaphore, #tpu.memory_space<semaphore_mem>>)
      %dma_start3A_39 = arith.constant 0 : i32
      %dma_start3A_40 = arith.constant 0 : i32
      %dma_start3A_41 = tpu.memref_slice %arg3[%dma_start3A_39, %dma_start3A_40] : memref<10240x16xf32, #tpu.memory_space<hbm>> -> memref<10240x16xf32, #tpu.memory_space<hbm>>
      tpu.enqueue_indirect_dma source(%dma_start3A_41 : memref<10240x16xf32, #tpu.memory_space<hbm>>) target(%arg14 : memref<80x16xf32, #tpu.memory_space<vmem>>) offsets(%arg10 : memref<80xi32, #tpu.memory_space<vmem>>) semaphore(%arg17 : memref<!tpu.dma_semaphore, #tpu.memory_space<semaphore_mem>>)
      %dma_start3A_42 = arith.constant 0 : i32
      %dma_start3A_43 = arith.constant 0 : i32
      %dma_start3A_44 = tpu.memref_slice %arg4[%dma_start3A_42, %dma_start3A_43] : memref<10240x16xf32, #tpu.memory_space<hbm>> -> memref<10240x16xf32, #tpu.memory_space<hbm>>
      tpu.enqueue_indirect_dma source(%dma_start3A_44 : memref<10240x16xf32, #tpu.memory_space<hbm>>) target(%arg15 : memref<80x16xf32, #tpu.memory_space<vmem>>) offsets(%arg10 : memref<80xi32, #tpu.memory_space<vmem>>) semaphore(%arg17 : memref<!tpu.dma_semaphore, #tpu.memory_space<semaphore_mem>>)
      %dma_wait3A = arith.constant 0 : i32
      %dma_wait3A_45 = arith.constant 0 : i32
      %dma_wait3A_46 = tpu.memref_slice %arg2[%dma_wait3A, %dma_wait3A_45] : memref<10240x16xf32, #tpu.memory_space<hbm>> -> memref<10240x16xf32, #tpu.memory_space<hbm>>
      tpu.wait_indirect_dma semaphore(%arg17 : memref<!tpu.dma_semaphore, #tpu.memory_space<semaphore_mem>>) src(%dma_wait3A_46 : memref<10240x16xf32, #tpu.memory_space<hbm>>) dst(%arg13 : memref<80x16xf32, #tpu.memory_space<vmem>>)
      %dma_wait3A_47 = arith.constant 0 : i32
      %dma_wait3A_48 = arith.constant 0 : i32
      %dma_wait3A_49 = tpu.memref_slice %arg3[%dma_wait3A_47, %dma_wait3A_48] : memref<10240x16xf32, #tpu.memory_space<hbm>> -> memref<10240x16xf32, #tpu.memory_space<hbm>>
      tpu.wait_indirect_dma semaphore(%arg17 : memref<!tpu.dma_semaphore, #tpu.memory_space<semaphore_mem>>) src(%dma_wait3A_49 : memref<10240x16xf32, #tpu.memory_space<hbm>>) dst(%arg14 : memref<80x16xf32, #tpu.memory_space<vmem>>)
      %dma_wait3A_50 = arith.constant 0 : i32
      %dma_wait3A_51 = arith.constant 0 : i32
      %dma_wait3A_52 = tpu.memref_slice %arg4[%dma_wait3A_50, %dma_wait3A_51] : memref<10240x16xf32, #tpu.memory_space<hbm>> -> memref<10240x16xf32, #tpu.memory_space<hbm>>
      tpu.wait_indirect_dma semaphore(%arg17 : memref<!tpu.dma_semaphore, #tpu.memory_space<semaphore_mem>>) src(%dma_wait3A_52 : memref<10240x16xf32, #tpu.memory_space<hbm>>) dst(%arg15 : memref<80x16xf32, #tpu.memory_space<vmem>>)
      %scan3A_53 = arith.constant 0 : i32
      %scan3A_54 = arith.constant 0 : i32
      %scan3A_55 = arith.constant 80 : i32
      %scan3A_56 = arith.addi %scan3A_54, %scan3A_55 : i32
      %scan3A_57 = arith.constant 1 : i32
      %scan3A_58 = scf.for %scan3A_61 = %scan3A_54 to %scan3A_56 step %scan3A_57 iter_args(%scan3A_62 = %scan3A_53) -> (i32)  : i32 {
        %get3A = arith.index_cast %scan3A_61 : i32 to index
        %get3A_63 = arith.constant 0 : index
        %get3A_64 = tpu.vector_load %arg13[%get3A, %get3A_63] {strides = array<i32>} : memref<80x16xf32, #tpu.memory_space<vmem>>, vector<1x16xf32>,
        %get3A_65 = vector.shape_cast %get3A_64 : vector<1x16xf32> to vector<16xf32>
        %get3A_66 = arith.index_cast %scan3A_61 : i32 to index
        %get3A_67 = arith.constant 0 : index
        %get3A_68 = tpu.vector_load %arg14[%get3A_66, %get3A_67] {strides = array<i32>} : memref<80x16xf32, #tpu.memory_space<vmem>>, vector<1x16xf32>,
        %get3A_69 = vector.shape_cast %get3A_68 : vector<1x16xf32> to vector<16xf32>
        %mul3A_70 = arith.mulf %get3A_65, %get3A_69 : vector<16xf32>
        %exp3A = math.exp %mul3A_70 : vector<16xf32>
        %get3A_71 = arith.index_cast %scan3A_61 : i32 to index
        %get3A_72 = arith.constant 0 : index
        %get3A_73 = tpu.vector_load %arg15[%get3A_71, %get3A_72] {strides = array<i32>} : memref<80x16xf32, #tpu.memory_space<vmem>>, vector<1x16xf32>,
        %get3A_74 = vector.shape_cast %get3A_73 : vector<1x16xf32> to vector<16xf32>
        %mul3A_75 = arith.mulf %exp3A, %get3A_74 : vector<16xf32>
        %swap3A = arith.index_cast %scan3A_61 : i32 to index
        %swap3A_76 = arith.constant 0 : index
        %swap3A_77 = tpu.vector_load %arg16[%swap3A, %swap3A_76] {strides = array<i32>} : memref<80x16xf32, #tpu.memory_space<vmem>>, vector<1x16xf32>,
        %swap3A_78 = vector.shape_cast %swap3A_77 : vector<1x16xf32> to vector<16xf32>
        %swap3A_79 = vector.shape_cast %mul3A_75 : vector<16xf32> to vector<1x16xf32>
        tpu.vector_store %arg16[%swap3A, %swap3A_76], %swap3A_79 {strides = array<i32>} : memref<80x16xf32, #tpu.memory_space<vmem>>, vector<1x16xf32>,
        %scan3A_80 = arith.constant 0 : i32
        scf.yield %scan3A_80 : i32
      }
      %scan3A_59 = arith.constant 80 : i32
      "tpu.region"() ({
        %run_scoped3A = tpu.sem_alloc : memref<!tpu.dma_semaphore, #tpu.memory_space<semaphore_mem>>
        %dma_start3A_61 = arith.constant 0 : i32
        %dma_start3A_62 = arith.constant 0 : i32
        %dma_start3A_63 = tpu.memref_slice %arg8[%dma_start3A_61, %dma_start3A_62] : memref<5248x16xf32, #tpu.memory_space<vmem_shared>> -> memref<5248x16xf32, #tpu.memory_space<vmem_shared>>
        tpu.enqueue_indirect_dma source(%arg16 : memref<80x16xf32, #tpu.memory_space<vmem>>) target(%dma_start3A_63 : memref<5248x16xf32, #tpu.memory_space<vmem_shared>>) offsets(%arg12 : memref<80xi32, #tpu.memory_space<vmem>>) semaphore(%run_scoped3A : memref<!tpu.dma_semaphore, #tpu.memory_space<semaphore_mem>>) {add = true}
        %dma_wait3A_64 = arith.constant 0 : i32
        %dma_wait3A_65 = arith.constant 0 : i32
        %dma_wait3A_66 = tpu.memref_slice %arg8[%dma_wait3A_64, %dma_wait3A_65] : memref<5248x16xf32, #tpu.memory_space<vmem_shared>> -> memref<5248x16xf32, #tpu.memory_space<vmem_shared>>
        tpu.wait_indirect_dma semaphore(%run_scoped3A : memref<!tpu.dma_semaphore, #tpu.memory_space<semaphore_mem>>) src(%arg16 : memref<80x16xf32, #tpu.memory_space<vmem>>) dst(%dma_wait3A_66 : memref<5248x16xf32, #tpu.memory_space<vmem_shared>>)
        tpu.yield
      }) : () -> ()
      %scan3A_60 = arith.constant 0 : i32
      scf.yield %scan3A_60 : i32
    }
    %scan3A_17 = arith.constant 125 : i32
    %barrier3A_18 = arith.constant 0 : index
    tpu.barrier barrier_id(%barrier3A_18)
    %mul3A_19 = arith.constant 320 : i32
    %mul3A_20 = arith.muli %arg1, %mul3A_19 : i32
    %mul3A_21 = arith.constant 5120 : i32
    %mul3A_22 = arith.muli %arg0, %mul3A_21 : i32
    %mul3A_23 = arith.constant 320 : i32
    %mul3A_24 = arith.muli %arg1, %mul3A_23 : i32
    %add3A = arith.addi %mul3A_22, %mul3A_24 : i32
    "tpu.region"() ({
      %run_scoped3A = tpu.sem_alloc : memref<!tpu.dma_semaphore, #tpu.memory_space<semaphore_mem>>
      %dma_start3A = arith.constant 0 : i32
      %dma_start3A_25 = tpu.memref_slice %arg7[%add3A, %dma_start3A] : memref<10240x16xf32, #tpu.memory_space<hbm>> -> memref<320x16xf32, #tpu.memory_space<hbm>>
      %dma_start3A_26 = arith.constant 0 : i32
      %dma_start3A_27 = tpu.memref_slice %arg8[%mul3A_20, %dma_start3A_26] : memref<5248x16xf32, #tpu.memory_space<vmem_shared>> -> memref<320x16xf32, #tpu.memory_space<vmem_shared>>
      tpu.enqueue_dma source(%dma_start3A_27 : memref<320x16xf32, #tpu.memory_space<vmem_shared>>) target(%dma_start3A_25 : memref<320x16xf32, #tpu.memory_space<hbm>>) target_semaphore(%run_scoped3A : memref<!tpu.dma_semaphore, #tpu.memory_space<semaphore_mem>>)
      %dma_wait3A = arith.constant 0 : i32
      %dma_wait3A_28 = tpu.memref_slice %arg7[%add3A, %dma_wait3A] : memref<10240x16xf32, #tpu.memory_space<hbm>> -> memref<320x16xf32, #tpu.memory_space<hbm>>
      %dma_wait3A_29 = arith.constant 0 : i32
      %dma_wait3A_30 = tpu.memref_slice %arg8[%mul3A_20, %dma_wait3A_29] : memref<5248x16xf32, #tpu.memory_space<vmem_shared>> -> memref<320x16xf32, #tpu.memory_space<vmem_shared>>
      tpu.wait_dma2 semaphore(%run_scoped3A : memref<!tpu.dma_semaphore, #tpu.memory_space<semaphore_mem>>) src(%dma_wait3A_30 : memref<320x16xf32, #tpu.memory_space<vmem_shared>>) dst(%dma_wait3A_28 : memref<320x16xf32, #tpu.memory_space<hbm>>)
      tpu.yield
    }) : () -> ()
    return
  }
}

#map = affine_map<(d0, d1) -> (0, 0)>
#map1 = affine_map<(d0, d1) -> (0)>
module attributes {stable_mosaic.version = 14 : i64} {
  func.func @_sca_body(%arg0: i32, %arg1: i32, %arg2: memref<20480x1024xf32, #tpu.memory_space<hbm>>, %arg3: memref<20480x1024xf32, #tpu.memory_space<hbm>>, %arg4: memref<163840xi32, #tpu.memory_space<hbm>>, %arg5: memref<163840xi32, #tpu.memory_space<hbm>>, %arg6: memref<163856x16xf32, #tpu.memory_space<hbm>>, %arg7: memref<20480x16xf32, #tpu.memory_space<hbm>>, %arg8: memref<10240x16xf32, #tpu.memory_space<vmem_shared>>, %arg9: memref<640x16xf32, #tpu.memory_space<vmem>>, %arg10: memref<5120xi32, #tpu.memory_space<vmem>>, %arg11: memref<5120xi32, #tpu.memory_space<vmem>>, %arg12: memref<16x1024xf32, #tpu.memory_space<vmem>>, %arg13: memref<16x1024xf32, #tpu.memory_space<vmem>>, %arg14: memref<16x1024xf32, #tpu.memory_space<vmem>>, %arg15: memref<16x1024xf32, #tpu.memory_space<vmem>>, %arg16: memref<16xi32, #tpu.memory_space<vmem>>, %arg17: memref<16xi32, #tpu.memory_space<vmem>>, %arg18: memref<16xi32, #tpu.memory_space<vmem>>, %arg19: memref<16xi32, #tpu.memory_space<vmem>>, %arg20: memref<16xi32, #tpu.memory_space<vmem>>, %arg21: memref<16x16xf32, #tpu.memory_space<vmem>>, %arg22: memref<16x16xf32, #tpu.memory_space<vmem>>, %arg23: memref<32xf32, #tpu.memory_space<vmem>>, %arg24: memref<!tpu.dma_semaphore, #tpu.memory_space<semaphore_mem>>, %arg25: memref<!tpu.dma_semaphore, #tpu.memory_space<semaphore_mem>>) attributes {dimension_semantics = [#tpu.dimension_semantics<core_parallel>, #tpu.dimension_semantics<subcore_parallel>], iteration_bounds = array<i64: 2, 16>, scalar_prefetch = 0 : i64, scratch_operands = 18 : i64, tpu.core_type = #tpu.core_type<sc_vector_subcore>, window_params = [{transform_indices = #map}, {transform_indices = #map}, {transform_indices = #map1}, {transform_indices = #map1}, {transform_indices = #map}, {transform_indices = #map}]} {
    %scan3A = arith.constant 0 : i32
    %scan3A_0 = arith.constant 0 : i32
    %scan3A_1 = arith.constant 640 : i32
    %scan3A_2 = arith.addi %scan3A_0, %scan3A_1 : i32
    %scan3A_3 = arith.constant 1 : i32
    %scan3A_4 = scf.for %scan3A_51 = %scan3A_0 to %scan3A_2 step %scan3A_3 iter_args(%scan3A_52 = %scan3A) -> (i32)  : i32 {
      %broadcast_in_dim3A_53 = arith.constant 0.000000e+00 : f32
      %broadcast_in_dim3A_54 = vector.broadcast %broadcast_in_dim3A_53 : f32 to vector<16xf32>
      %swap3A_55 = arith.index_cast %scan3A_51 : i32 to index
      %swap3A_56 = arith.constant 0 : index
      %swap3A_57 = tpu.vector_load %arg9[%swap3A_55, %swap3A_56] {strides = array<i32>} : memref<640x16xf32, #tpu.memory_space<vmem>>, vector<1x16xf32>,
      %swap3A_58 = vector.shape_cast %swap3A_57 : vector<1x16xf32> to vector<16xf32>
      %swap3A_59 = vector.shape_cast %broadcast_in_dim3A_54 : vector<16xf32> to vector<1x16xf32>
      tpu.vector_store %arg9[%swap3A_55, %swap3A_56], %swap3A_59 {strides = array<i32>} : memref<640x16xf32, #tpu.memory_space<vmem>>, vector<1x16xf32>,
      %scan3A_60 = arith.constant 0 : i32
      scf.yield %scan3A_60 : i32
    }
    %scan3A_5 = arith.constant 640 : i32
    %mul3A = arith.constant 640 : i32
    %mul3A_6 = arith.muli %arg1, %mul3A : i32
    "tpu.region"() ({
      %run_scoped3A = tpu.sem_alloc : memref<!tpu.dma_semaphore, #tpu.memory_space<semaphore_mem>>
      %dma_start3A_51 = arith.constant 0 : i32
      %dma_start3A_52 = tpu.memref_slice %arg8[%mul3A_6, %dma_start3A_51] : memref<10240x16xf32, #tpu.memory_space<vmem_shared>> -> memref<640x16xf32, #tpu.memory_space<vmem_shared>>
      %dma_start3A_53 = arith.constant 0 : i32
      %dma_start3A_54 = tpu.memref_slice %arg8[%mul3A_6, %dma_start3A_53] : memref<10240x16xf32, #tpu.memory_space<vmem_shared>> -> memref<640x16xf32, #tpu.memory_space<vmem_shared>>
      tpu.enqueue_dma source(%arg9 : memref<640x16xf32, #tpu.memory_space<vmem>>) target(%dma_start3A_54 : memref<640x16xf32, #tpu.memory_space<vmem_shared>>) target_semaphore(%run_scoped3A : memref<!tpu.dma_semaphore, #tpu.memory_space<semaphore_mem>>)
      %dma_wait3A_55 = arith.constant 0 : i32
      %dma_wait3A_56 = tpu.memref_slice %arg8[%mul3A_6, %dma_wait3A_55] : memref<10240x16xf32, #tpu.memory_space<vmem_shared>> -> memref<640x16xf32, #tpu.memory_space<vmem_shared>>
      %dma_wait3A_57 = arith.constant 0 : i32
      %dma_wait3A_58 = tpu.memref_slice %arg8[%mul3A_6, %dma_wait3A_57] : memref<10240x16xf32, #tpu.memory_space<vmem_shared>> -> memref<640x16xf32, #tpu.memory_space<vmem_shared>>
      tpu.wait_dma2 semaphore(%run_scoped3A : memref<!tpu.dma_semaphore, #tpu.memory_space<semaphore_mem>>) src(%arg9 : memref<640x16xf32, #tpu.memory_space<vmem>>) dst(%dma_wait3A_58 : memref<640x16xf32, #tpu.memory_space<vmem_shared>>)
      tpu.yield
    }) : () -> ()
    %barrier3A = arith.constant 0 : index
    tpu.barrier barrier_id(%barrier3A)
    %mul3A_7 = arith.constant 16 : i32
    %mul3A_8 = arith.muli %arg0, %mul3A_7 : i32
    %add3A = arith.addi %mul3A_8, %arg1 : i32
    %mul3A_9 = arith.constant 5120 : i32
    %mul3A_10 = arith.muli %add3A, %mul3A_9 : i32
    "tpu.region"() ({
      %run_scoped3A = tpu.sem_alloc : memref<!tpu.dma_semaphore, #tpu.memory_space<semaphore_mem>>
      %dma_start3A_51 = tpu.memref_slice %arg4[%mul3A_10] : memref<163840xi32, #tpu.memory_space<hbm>> -> memref<5120xi32, #tpu.memory_space<hbm>>
      %dma_start3A_52 = tpu.memref_slice %arg4[%mul3A_10] : memref<163840xi32, #tpu.memory_space<hbm>> -> memref<5120xi32, #tpu.memory_space<hbm>>
      tpu.enqueue_dma source(%dma_start3A_52 : memref<5120xi32, #tpu.memory_space<hbm>>) target(%arg10 : memref<5120xi32, #tpu.memory_space<vmem>>) target_semaphore(%run_scoped3A : memref<!tpu.dma_semaphore, #tpu.memory_space<semaphore_mem>>)
      %dma_wait3A_53 = tpu.memref_slice %arg4[%mul3A_10] : memref<163840xi32, #tpu.memory_space<hbm>> -> memref<5120xi32, #tpu.memory_space<hbm>>
      %dma_wait3A_54 = tpu.memref_slice %arg4[%mul3A_10] : memref<163840xi32, #tpu.memory_space<hbm>> -> memref<5120xi32, #tpu.memory_space<hbm>>
      tpu.wait_dma2 semaphore(%run_scoped3A : memref<!tpu.dma_semaphore, #tpu.memory_space<semaphore_mem>>) src(%dma_wait3A_54 : memref<5120xi32, #tpu.memory_space<hbm>>) dst(%arg10 : memref<5120xi32, #tpu.memory_space<vmem>>)
      tpu.yield
    }) : () -> ()
    "tpu.region"() ({
      %run_scoped3A = tpu.sem_alloc : memref<!tpu.dma_semaphore, #tpu.memory_space<semaphore_mem>>
      %dma_start3A_51 = tpu.memref_slice %arg5[%mul3A_10] : memref<163840xi32, #tpu.memory_space<hbm>> -> memref<5120xi32, #tpu.memory_space<hbm>>
      %dma_start3A_52 = tpu.memref_slice %arg5[%mul3A_10] : memref<163840xi32, #tpu.memory_space<hbm>> -> memref<5120xi32, #tpu.memory_space<hbm>>
      tpu.enqueue_dma source(%dma_start3A_52 : memref<5120xi32, #tpu.memory_space<hbm>>) target(%arg11 : memref<5120xi32, #tpu.memory_space<vmem>>) target_semaphore(%run_scoped3A : memref<!tpu.dma_semaphore, #tpu.memory_space<semaphore_mem>>)
      %dma_wait3A_53 = tpu.memref_slice %arg5[%mul3A_10] : memref<163840xi32, #tpu.memory_space<hbm>> -> memref<5120xi32, #tpu.memory_space<hbm>>
      %dma_wait3A_54 = tpu.memref_slice %arg5[%mul3A_10] : memref<163840xi32, #tpu.memory_space<hbm>> -> memref<5120xi32, #tpu.memory_space<hbm>>
      tpu.wait_dma2 semaphore(%run_scoped3A : memref<!tpu.dma_semaphore, #tpu.memory_space<semaphore_mem>>) src(%dma_wait3A_54 : memref<5120xi32, #tpu.memory_space<hbm>>) dst(%arg11 : memref<5120xi32, #tpu.memory_space<vmem>>)
      tpu.yield
    }) : () -> ()
    %broadcast_in_dim3A = arith.constant 0 : i32
    %broadcast_in_dim3A_11 = vector.broadcast %broadcast_in_dim3A : i32 to vector<16xi32>
    %get3A = arith.constant 0 : index
    %get3A_12 = tpu.vector_load %arg11[%get3A] {strides = array<i32>} : memref<5120xi32, #tpu.memory_space<vmem>>, vector<16xi32>,
    %get3A_13 = vector.shape_cast %get3A_12 : vector<16xi32> to vector<16xi32>
    %add3A_14 = arith.addi %get3A_13, %broadcast_in_dim3A_11 : vector<16xi32>
    %swap3A = arith.constant 0 : index
    %swap3A_15 = tpu.vector_load %arg16[%swap3A] {strides = array<i32>} : memref<16xi32, #tpu.memory_space<vmem>>, vector<16xi32>,
    %swap3A_16 = vector.shape_cast %swap3A_15 : vector<16xi32> to vector<16xi32>
    %swap3A_17 = vector.shape_cast %add3A_14 : vector<16xi32> to vector<16xi32>
    tpu.vector_store %arg16[%swap3A], %swap3A_17 {strides = array<i32>} : memref<16xi32, #tpu.memory_space<vmem>>, vector<16xi32>,
    %get3A_18 = arith.constant 0 : index
    %get3A_19 = tpu.vector_load %arg10[%get3A_18] {strides = array<i32>} : memref<5120xi32, #tpu.memory_space<vmem>>, vector<16xi32>,
    %get3A_20 = vector.shape_cast %get3A_19 : vector<16xi32> to vector<16xi32>
    %add3A_21 = arith.addi %get3A_20, %broadcast_in_dim3A_11 : vector<16xi32>
    %swap3A_22 = arith.constant 0 : index
    %swap3A_23 = tpu.vector_load %arg18[%swap3A_22] {strides = array<i32>} : memref<16xi32, #tpu.memory_space<vmem>>, vector<16xi32>,
    %swap3A_24 = vector.shape_cast %swap3A_23 : vector<16xi32> to vector<16xi32>
    %swap3A_25 = vector.shape_cast %add3A_21 : vector<16xi32> to vector<16xi32>
    tpu.vector_store %arg18[%swap3A_22], %swap3A_25 {strides = array<i32>} : memref<16xi32, #tpu.memory_space<vmem>>, vector<16xi32>,
    %dma_start3A = arith.constant 0 : i32
    %dma_start3A_26 = arith.constant 0 : i32
    %dma_start3A_27 = tpu.memref_slice %arg2[%dma_start3A, %dma_start3A_26] : memref<20480x1024xf32, #tpu.memory_space<hbm>> -> memref<20480x1024xf32, #tpu.memory_space<hbm>>
    tpu.enqueue_indirect_dma source(%dma_start3A_27 : memref<20480x1024xf32, #tpu.memory_space<hbm>>) target(%arg12 : memref<16x1024xf32, #tpu.memory_space<vmem>>) offsets(%arg16 : memref<16xi32, #tpu.memory_space<vmem>>) semaphore(%arg24 : memref<!tpu.dma_semaphore, #tpu.memory_space<semaphore_mem>>)
    %dma_start3A_28 = arith.constant 0 : i32
    %dma_start3A_29 = arith.constant 0 : i32
    %dma_start3A_30 = tpu.memref_slice %arg3[%dma_start3A_28, %dma_start3A_29] : memref<20480x1024xf32, #tpu.memory_space<hbm>> -> memref<20480x1024xf32, #tpu.memory_space<hbm>>
    tpu.enqueue_indirect_dma source(%dma_start3A_30 : memref<20480x1024xf32, #tpu.memory_space<hbm>>) target(%arg14 : memref<16x1024xf32, #tpu.memory_space<vmem>>) offsets(%arg18 : memref<16xi32, #tpu.memory_space<vmem>>) semaphore(%arg24 : memref<!tpu.dma_semaphore, #tpu.memory_space<semaphore_mem>>)
    %scan3A_31 = arith.constant 0 : i32
    %scan3A_32 = arith.constant 0 : i32
    %scan3A_33 = arith.constant 320 : i32
    %scan3A_34 = arith.addi %scan3A_32, %scan3A_33 : i32
    %scan3A_35 = arith.constant 1 : i32
    %scan3A_36 = scf.for %scan3A_51 = %scan3A_32 to %scan3A_34 step %scan3A_35 iter_args(%scan3A_52 = %scan3A_31) -> (i32)  : i32 {
      %mul3A_53 = arith.constant 16 : i32
      %mul3A_54 = arith.muli %scan3A_51, %mul3A_53 : i32
      %add3A_55 = arith.addi %mul3A_10, %mul3A_54 : i32
      %dma_wait3A_56 = arith.constant 0 : i32
      %dma_wait3A_57 = arith.constant 0 : i32
      %dma_wait3A_58 = tpu.memref_slice %arg2[%dma_wait3A_56, %dma_wait3A_57] : memref<20480x1024xf32, #tpu.memory_space<hbm>> -> memref<20480x1024xf32, #tpu.memory_space<hbm>>
      tpu.wait_indirect_dma semaphore(%arg24 : memref<!tpu.dma_semaphore, #tpu.memory_space<semaphore_mem>>) src(%dma_wait3A_58 : memref<20480x1024xf32, #tpu.memory_space<hbm>>) dst(%arg12 : memref<16x1024xf32, #tpu.memory_space<vmem>>)
      %dma_wait3A_59 = arith.constant 0 : i32
      %dma_wait3A_60 = arith.constant 0 : i32
      %dma_wait3A_61 = tpu.memref_slice %arg3[%dma_wait3A_59, %dma_wait3A_60] : memref<20480x1024xf32, #tpu.memory_space<hbm>> -> memref<20480x1024xf32, #tpu.memory_space<hbm>>
      tpu.wait_indirect_dma semaphore(%arg24 : memref<!tpu.dma_semaphore, #tpu.memory_space<semaphore_mem>>) src(%dma_wait3A_61 : memref<20480x1024xf32, #tpu.memory_space<hbm>>) dst(%arg14 : memref<16x1024xf32, #tpu.memory_space<vmem>>)
      %broadcast_in_dim3A_62 = arith.constant 10240 : i32
      %broadcast_in_dim3A_63 = vector.broadcast %broadcast_in_dim3A_62 : i32 to vector<16xi32>
      %mul3A_64 = arith.constant 16 : i32
      %mul3A_65 = arith.muli %scan3A_51, %mul3A_64 : i32
      %get3A_66 = arith.index_cast %mul3A_65 : i32 to index
      %get3A_67 = tpu.vector_load %arg11[%get3A_66] {strides = array<i32>} : memref<5120xi32, #tpu.memory_space<vmem>>, vector<16xi32>,
      %get3A_68 = vector.shape_cast %get3A_67 : vector<16xi32> to vector<16xi32>
      %add3A_69 = arith.addi %get3A_68, %broadcast_in_dim3A_63 : vector<16xi32>
      %swap3A_70 = arith.constant 0 : index
      %swap3A_71 = tpu.vector_load %arg17[%swap3A_70] {strides = array<i32>} : memref<16xi32, #tpu.memory_space<vmem>>, vector<16xi32>,
      %swap3A_72 = vector.shape_cast %swap3A_71 : vector<16xi32> to vector<16xi32>
      %swap3A_73 = vector.shape_cast %add3A_69 : vector<16xi32> to vector<16xi32>
      tpu.vector_store %arg17[%swap3A_70], %swap3A_73 {strides = array<i32>} : memref<16xi32, #tpu.memory_space<vmem>>, vector<16xi32>,
      %mul3A_74 = arith.constant 16 : i32
      %mul3A_75 = arith.muli %scan3A_51, %mul3A_74 : i32
      %get3A_76 = arith.index_cast %mul3A_75 : i32 to index
      %get3A_77 = tpu.vector_load %arg10[%get3A_76] {strides = array<i32>} : memref<5120xi32, #tpu.memory_space<vmem>>, vector<16xi32>,
      %get3A_78 = vector.shape_cast %get3A_77 : vector<16xi32> to vector<16xi32>
      %add3A_79 = arith.addi %get3A_78, %broadcast_in_dim3A_63 : vector<16xi32>
      %swap3A_80 = arith.constant 0 : index
      %swap3A_81 = tpu.vector_load %arg19[%swap3A_80] {strides = array<i32>} : memref<16xi32, #tpu.memory_space<vmem>>, vector<16xi32>,
      %swap3A_82 = vector.shape_cast %swap3A_81 : vector<16xi32> to vector<16xi32>
      %swap3A_83 = vector.shape_cast %add3A_79 : vector<16xi32> to vector<16xi32>
      tpu.vector_store %arg19[%swap3A_80], %swap3A_83 {strides = array<i32>} : memref<16xi32, #tpu.memory_space<vmem>>, vector<16xi32>,
      %dma_start3A_84 = arith.constant 0 : i32
      %dma_start3A_85 = arith.constant 0 : i32
      %dma_start3A_86 = tpu.memref_slice %arg2[%dma_start3A_84, %dma_start3A_85] : memref<20480x1024xf32, #tpu.memory_space<hbm>> -> memref<20480x1024xf32, #tpu.memory_space<hbm>>
      tpu.enqueue_indirect_dma source(%dma_start3A_86 : memref<20480x1024xf32, #tpu.memory_space<hbm>>) target(%arg13 : memref<16x1024xf32, #tpu.memory_space<vmem>>) offsets(%arg17 : memref<16xi32, #tpu.memory_space<vmem>>) semaphore(%arg25 : memref<!tpu.dma_semaphore, #tpu.memory_space<semaphore_mem>>)
      %dma_start3A_87 = arith.constant 0 : i32
      %dma_start3A_88 = arith.constant 0 : i32
      %dma_start3A_89 = tpu.memref_slice %arg3[%dma_start3A_87, %dma_start3A_88] : memref<20480x1024xf32, #tpu.memory_space<hbm>> -> memref<20480x1024xf32, #tpu.memory_space<hbm>>
      tpu.enqueue_indirect_dma source(%dma_start3A_89 : memref<20480x1024xf32, #tpu.memory_space<hbm>>) target(%arg15 : memref<16x1024xf32, #tpu.memory_space<vmem>>) offsets(%arg19 : memref<16xi32, #tpu.memory_space<vmem>>) semaphore(%arg25 : memref<!tpu.dma_semaphore, #tpu.memory_space<semaphore_mem>>)
      %scan3A_90 = arith.constant 0 : i32
      %scan3A_91 = arith.constant 0 : i32
      %scan3A_92 = arith.constant 16 : i32
      %scan3A_93 = arith.addi %scan3A_91, %scan3A_92 : i32
      %scan3A_94 = arith.constant 1 : i32
      %scan3A_95 = scf.for %scan3A_151 = %scan3A_91 to %scan3A_93 step %scan3A_94 iter_args(%scan3A_152 = %scan3A_90) -> (i32)  : i32 {
        %broadcast_in_dim3A_153 = arith.constant 0.000000e+00 : f32
        %broadcast_in_dim3A_154 = vector.broadcast %broadcast_in_dim3A_153 : f32 to vector<16xf32>
        %broadcast_in_dim3A_155 = arith.constant 0.000000e+00 : f32
        %broadcast_in_dim3A_156 = vector.broadcast %broadcast_in_dim3A_155 : f32 to vector<16xf32>
        %broadcast_in_dim3A_157 = arith.constant 0.000000e+00 : f32
        %broadcast_in_dim3A_158 = vector.broadcast %broadcast_in_dim3A_157 : f32 to vector<16xf32>
        %broadcast_in_dim3A_159 = arith.constant 0.000000e+00 : f32
        %broadcast_in_dim3A_160 = vector.broadcast %broadcast_in_dim3A_159 : f32 to vector<16xf32>
        %get3A_161 = arith.index_cast %scan3A_151 : i32 to index
        %get3A_162 = arith.constant 0 : index
        %get3A_163 = tpu.vector_load %arg12[%get3A_161, %get3A_162] {strides = array<i32>} : memref<16x1024xf32, #tpu.memory_space<vmem>>, vector<1x16xf32>,
        %get3A_164 = vector.shape_cast %get3A_163 : vector<1x16xf32> to vector<16xf32>
        %get3A_165 = arith.index_cast %scan3A_151 : i32 to index
        %get3A_166 = arith.constant 0 : index
        %get3A_167 = tpu.vector_load %arg14[%get3A_165, %get3A_166] {strides = array<i32>} : memref<16x1024xf32, #tpu.memory_space<vmem>>, vector<1x16xf32>,
        %get3A_168 = vector.shape_cast %get3A_167 : vector<1x16xf32> to vector<16xf32>
        %mul3A_169 = arith.mulf %get3A_164, %get3A_168 : vector<16xf32>
        %add3A_170 = arith.addf %broadcast_in_dim3A_154, %mul3A_169 : vector<16xf32>
        %get3A_171 = arith.index_cast %scan3A_151 : i32 to index
        %get3A_172 = arith.constant 16 : index
        %get3A_173 = tpu.vector_load %arg12[%get3A_171, %get3A_172] {strides = array<i32>} : memref<16x1024xf32, #tpu.memory_space<vmem>>, vector<1x16xf32>,
        %get3A_174 = vector.shape_cast %get3A_173 : vector<1x16xf32> to vector<16xf32>
        %get3A_175 = arith.index_cast %scan3A_151 : i32 to index
        %get3A_176 = arith.constant 16 : index
        %get3A_177 = tpu.vector_load %arg14[%get3A_175, %get3A_176] {strides = array<i32>} : memref<16x1024xf32, #tpu.memory_space<vmem>>, vector<1x16xf32>,
        %get3A_178 = vector.shape_cast %get3A_177 : vector<1x16xf32> to vector<16xf32>
        %mul3A_179 = arith.mulf %get3A_174, %get3A_178 : vector<16xf32>
        %add3A_180 = arith.addf %broadcast_in_dim3A_156, %mul3A_179 : vector<16xf32>
        %get3A_181 = arith.index_cast %scan3A_151 : i32 to index
        %get3A_182 = arith.constant 32 : index
        %get3A_183 = tpu.vector_load %arg12[%get3A_181, %get3A_182] {strides = array<i32>} : memref<16x1024xf32, #tpu.memory_space<vmem>>, vector<1x16xf32>,
        %get3A_184 = vector.shape_cast %get3A_183 : vector<1x16xf32> to vector<16xf32>
        %get3A_185 = arith.index_cast %scan3A_151 : i32 to index
        %get3A_186 = arith.constant 32 : index
        %get3A_187 = tpu.vector_load %arg14[%get3A_185, %get3A_186] {strides = array<i32>} : memref<16x1024xf32, #tpu.memory_space<vmem>>, vector<1x16xf32>,
        %get3A_188 = vector.shape_cast %get3A_187 : vector<1x16xf32> to vector<16xf32>
        %mul3A_189 = arith.mulf %get3A_184, %get3A_188 : vector<16xf32>
        %add3A_190 = arith.addf %broadcast_in_dim3A_158, %mul3A_189 : vector<16xf32>
        %get3A_191 = arith.index_cast %scan3A_151 : i32 to index
        %get3A_192 = arith.constant 48 : index
        %get3A_193 = tpu.vector_load %arg12[%get3A_191, %get3A_192] {strides = array<i32>} : memref<16x1024xf32, #tpu.memory_space<vmem>>, vector<1x16xf32>,
        %get3A_194 = vector.shape_cast %get3A_193 : vector<1x16xf32> to vector<16xf32>
        %get3A_195 = arith.index_cast %scan3A_151 : i32 to index
        %get3A_196 = arith.constant 48 : index
        %get3A_197 = tpu.vector_load %arg14[%get3A_195, %get3A_196] {strides = array<i32>} : memref<16x1024xf32, #tpu.memory_space<vmem>>, vector<1x16xf32>,
        %get3A_198 = vector.shape_cast %get3A_197 : vector<1x16xf32> to vector<16xf32>
        %mul3A_199 = arith.mulf %get3A_194, %get3A_198 : vector<16xf32>
        %add3A_200 = arith.addf %broadcast_in_dim3A_160, %mul3A_199 : vector<16xf32>
        %get3A_201 = arith.index_cast %scan3A_151 : i32 to index
        %get3A_202 = arith.constant 64 : index
        %get3A_203 = tpu.vector_load %arg12[%get3A_201, %get3A_202] {strides = array<i32>} : memref<16x1024xf32, #tpu.memory_space<vmem>>, vector<1x16xf32>,
        %get3A_204 = vector.shape_cast %get3A_203 : vector<1x16xf32> to vector<16xf32>
        %get3A_205 = arith.index_cast %scan3A_151 : i32 to index
        %get3A_206 = arith.constant 64 : index
        %get3A_207 = tpu.vector_load %arg14[%get3A_205, %get3A_206] {strides = array<i32>} : memref<16x1024xf32, #tpu.memory_space<vmem>>, vector<1x16xf32>,
        %get3A_208 = vector.shape_cast %get3A_207 : vector<1x16xf32> to vector<16xf32>
        %mul3A_209 = arith.mulf %get3A_204, %get3A_208 : vector<16xf32>
        %add3A_210 = arith.addf %add3A_170, %mul3A_209 : vector<16xf32>
        %get3A_211 = arith.index_cast %scan3A_151 : i32 to index
        %get3A_212 = arith.constant 80 : index
        %get3A_213 = tpu.vector_load %arg12[%get3A_211, %get3A_212] {strides = array<i32>} : memref<16x1024xf32, #tpu.memory_space<vmem>>, vector<1x16xf32>,
        %get3A_214 = vector.shape_cast %get3A_213 : vector<1x16xf32> to vector<16xf32>
        %get3A_215 = arith.index_cast %scan3A_151 : i32 to index
        %get3A_216 = arith.constant 80 : index
        %get3A_217 = tpu.vector_load %arg14[%get3A_215, %get3A_216] {strides = array<i32>} : memref<16x1024xf32, #tpu.memory_space<vmem>>, vector<1x16xf32>,
        %get3A_218 = vector.shape_cast %get3A_217 : vector<1x16xf32> to vector<16xf32>
        %mul3A_219 = arith.mulf %get3A_214, %get3A_218 : vector<16xf32>
        %add3A_220 = arith.addf %add3A_180, %mul3A_219 : vector<16xf32>
        %get3A_221 = arith.index_cast %scan3A_151 : i32 to index
        %get3A_222 = arith.constant 96 : index
        %get3A_223 = tpu.vector_load %arg12[%get3A_221, %get3A_222] {strides = array<i32>} : memref<16x1024xf32, #tpu.memory_space<vmem>>, vector<1x16xf32>,
        %get3A_224 = vector.shape_cast %get3A_223 : vector<1x16xf32> to vector<16xf32>
        %get3A_225 = arith.index_cast %scan3A_151 : i32 to index
        %get3A_226 = arith.constant 96 : index
        %get3A_227 = tpu.vector_load %arg14[%get3A_225, %get3A_226] {strides = array<i32>} : memref<16x1024xf32, #tpu.memory_space<vmem>>, vector<1x16xf32>,
        %get3A_228 = vector.shape_cast %get3A_227 : vector<1x16xf32> to vector<16xf32>
        %mul3A_229 = arith.mulf %get3A_224, %get3A_228 : vector<16xf32>
        %add3A_230 = arith.addf %add3A_190, %mul3A_229 : vector<16xf32>
        %get3A_231 = arith.index_cast %scan3A_151 : i32 to index
        %get3A_232 = arith.constant 112 : index
        %get3A_233 = tpu.vector_load %arg12[%get3A_231, %get3A_232] {strides = array<i32>} : memref<16x1024xf32, #tpu.memory_space<vmem>>, vector<1x16xf32>,
        %get3A_234 = vector.shape_cast %get3A_233 : vector<1x16xf32> to vector<16xf32>
        %get3A_235 = arith.index_cast %scan3A_151 : i32 to index
        %get3A_236 = arith.constant 112 : index
        %get3A_237 = tpu.vector_load %arg14[%get3A_235, %get3A_236] {strides = array<i32>} : memref<16x1024xf32, #tpu.memory_space<vmem>>, vector<1x16xf32>,
        %get3A_238 = vector.shape_cast %get3A_237 : vector<1x16xf32> to vector<16xf32>
        %mul3A_239 = arith.mulf %get3A_234, %get3A_238 : vector<16xf32>
        %add3A_240 = arith.addf %add3A_200, %mul3A_239 : vector<16xf32>
        %get3A_241 = arith.index_cast %scan3A_151 : i32 to index
        %get3A_242 = arith.constant 128 : index
        %get3A_243 = tpu.vector_load %arg12[%get3A_241, %get3A_242] {strides = array<i32>} : memref<16x1024xf32, #tpu.memory_space<vmem>>, vector<1x16xf32>,
        %get3A_244 = vector.shape_cast %get3A_243 : vector<1x16xf32> to vector<16xf32>
        %get3A_245 = arith.index_cast %scan3A_151 : i32 to index
        %get3A_246 = arith.constant 128 : index
        %get3A_247 = tpu.vector_load %arg14[%get3A_245, %get3A_246] {strides = array<i32>} : memref<16x1024xf32, #tpu.memory_space<vmem>>, vector<1x16xf32>,
        %get3A_248 = vector.shape_cast %get3A_247 : vector<1x16xf32> to vector<16xf32>
        %mul3A_249 = arith.mulf %get3A_244, %get3A_248 : vector<16xf32>
        %add3A_250 = arith.addf %add3A_210, %mul3A_249 : vector<16xf32>
        %get3A_251 = arith.index_cast %scan3A_151 : i32 to index
        %get3A_252 = arith.constant 144 : index
        %get3A_253 = tpu.vector_load %arg12[%get3A_251, %get3A_252] {strides = array<i32>} : memref<16x1024xf32, #tpu.memory_space<vmem>>, vector<1x16xf32>,
        %get3A_254 = vector.shape_cast %get3A_253 : vector<1x16xf32> to vector<16xf32>
        %get3A_255 = arith.index_cast %scan3A_151 : i32 to index
        %get3A_256 = arith.constant 144 : index
        %get3A_257 = tpu.vector_load %arg14[%get3A_255, %get3A_256] {strides = array<i32>} : memref<16x1024xf32, #tpu.memory_space<vmem>>, vector<1x16xf32>,
        %get3A_258 = vector.shape_cast %get3A_257 : vector<1x16xf32> to vector<16xf32>
        %mul3A_259 = arith.mulf %get3A_254, %get3A_258 : vector<16xf32>
        %add3A_260 = arith.addf %add3A_220, %mul3A_259 : vector<16xf32>
        %get3A_261 = arith.index_cast %scan3A_151 : i32 to index
        %get3A_262 = arith.constant 160 : index
        %get3A_263 = tpu.vector_load %arg12[%get3A_261, %get3A_262] {strides = array<i32>} : memref<16x1024xf32, #tpu.memory_space<vmem>>, vector<1x16xf32>,
        %get3A_264 = vector.shape_cast %get3A_263 : vector<1x16xf32> to vector<16xf32>
        %get3A_265 = arith.index_cast %scan3A_151 : i32 to index
        %get3A_266 = arith.constant 160 : index
        %get3A_267 = tpu.vector_load %arg14[%get3A_265, %get3A_266] {strides = array<i32>} : memref<16x1024xf32, #tpu.memory_space<vmem>>, vector<1x16xf32>,
        %get3A_268 = vector.shape_cast %get3A_267 : vector<1x16xf32> to vector<16xf32>
        %mul3A_269 = arith.mulf %get3A_264, %get3A_268 : vector<16xf32>
        %add3A_270 = arith.addf %add3A_230, %mul3A_269 : vector<16xf32>
        %get3A_271 = arith.index_cast %scan3A_151 : i32 to index
        %get3A_272 = arith.constant 176 : index
        %get3A_273 = tpu.vector_load %arg12[%get3A_271, %get3A_272] {strides = array<i32>} : memref<16x1024xf32, #tpu.memory_space<vmem>>, vector<1x16xf32>,
        %get3A_274 = vector.shape_cast %get3A_273 : vector<1x16xf32> to vector<16xf32>
        %get3A_275 = arith.index_cast %scan3A_151 : i32 to index
        %get3A_276 = arith.constant 176 : index
        %get3A_277 = tpu.vector_load %arg14[%get3A_275, %get3A_276] {strides = array<i32>} : memref<16x1024xf32, #tpu.memory_space<vmem>>, vector<1x16xf32>,
        %get3A_278 = vector.shape_cast %get3A_277 : vector<1x16xf32> to vector<16xf32>
        %mul3A_279 = arith.mulf %get3A_274, %get3A_278 : vector<16xf32>
        %add3A_280 = arith.addf %add3A_240, %mul3A_279 : vector<16xf32>
        %get3A_281 = arith.index_cast %scan3A_151 : i32 to index
        %get3A_282 = arith.constant 192 : index
        %get3A_283 = tpu.vector_load %arg12[%get3A_281, %get3A_282] {strides = array<i32>} : memref<16x1024xf32, #tpu.memory_space<vmem>>, vector<1x16xf32>,
        %get3A_284 = vector.shape_cast %get3A_283 : vector<1x16xf32> to vector<16xf32>
        %get3A_285 = arith.index_cast %scan3A_151 : i32 to index
        %get3A_286 = arith.constant 192 : index
        %get3A_287 = tpu.vector_load %arg14[%get3A_285, %get3A_286] {strides = array<i32>} : memref<16x1024xf32, #tpu.memory_space<vmem>>, vector<1x16xf32>,
        %get3A_288 = vector.shape_cast %get3A_287 : vector<1x16xf32> to vector<16xf32>
        %mul3A_289 = arith.mulf %get3A_284, %get3A_288 : vector<16xf32>
        %add3A_290 = arith.addf %add3A_250, %mul3A_289 : vector<16xf32>
        %get3A_291 = arith.index_cast %scan3A_151 : i32 to index
        %get3A_292 = arith.constant 208 : index
        %get3A_293 = tpu.vector_load %arg12[%get3A_291, %get3A_292] {strides = array<i32>} : memref<16x1024xf32, #tpu.memory_space<vmem>>, vector<1x16xf32>,
        %get3A_294 = vector.shape_cast %get3A_293 : vector<1x16xf32> to vector<16xf32>
        %get3A_295 = arith.index_cast %scan3A_151 : i32 to index
        %get3A_296 = arith.constant 208 : index
        %get3A_297 = tpu.vector_load %arg14[%get3A_295, %get3A_296] {strides = array<i32>} : memref<16x1024xf32, #tpu.memory_space<vmem>>, vector<1x16xf32>,
        %get3A_298 = vector.shape_cast %get3A_297 : vector<1x16xf32> to vector<16xf32>
        %mul3A_299 = arith.mulf %get3A_294, %get3A_298 : vector<16xf32>
        %add3A_300 = arith.addf %add3A_260, %mul3A_299 : vector<16xf32>
        %get3A_301 = arith.index_cast %scan3A_151 : i32 to index
        %get3A_302 = arith.constant 224 : index
        %get3A_303 = tpu.vector_load %arg12[%get3A_301, %get3A_302] {strides = array<i32>} : memref<16x1024xf32, #tpu.memory_space<vmem>>, vector<1x16xf32>,
        %get3A_304 = vector.shape_cast %get3A_303 : vector<1x16xf32> to vector<16xf32>
        %get3A_305 = arith.index_cast %scan3A_151 : i32 to index
        %get3A_306 = arith.constant 224 : index
        %get3A_307 = tpu.vector_load %arg14[%get3A_305, %get3A_306] {strides = array<i32>} : memref<16x1024xf32, #tpu.memory_space<vmem>>, vector<1x16xf32>,
        %get3A_308 = vector.shape_cast %get3A_307 : vector<1x16xf32> to vector<16xf32>
        %mul3A_309 = arith.mulf %get3A_304, %get3A_308 : vector<16xf32>
        %add3A_310 = arith.addf %add3A_270, %mul3A_309 : vector<16xf32>
        %get3A_311 = arith.index_cast %scan3A_151 : i32 to index
        %get3A_312 = arith.constant 240 : index
        %get3A_313 = tpu.vector_load %arg12[%get3A_311, %get3A_312] {strides = array<i32>} : memref<16x1024xf32, #tpu.memory_space<vmem>>, vector<1x16xf32>,
        %get3A_314 = vector.shape_cast %get3A_313 : vector<1x16xf32> to vector<16xf32>
        %get3A_315 = arith.index_cast %scan3A_151 : i32 to index
        %get3A_316 = arith.constant 240 : index
        %get3A_317 = tpu.vector_load %arg14[%get3A_315, %get3A_316] {strides = array<i32>} : memref<16x1024xf32, #tpu.memory_space<vmem>>, vector<1x16xf32>,
        %get3A_318 = vector.shape_cast %get3A_317 : vector<1x16xf32> to vector<16xf32>
        %mul3A_319 = arith.mulf %get3A_314, %get3A_318 : vector<16xf32>
        %add3A_320 = arith.addf %add3A_280, %mul3A_319 : vector<16xf32>
        %get3A_321 = arith.index_cast %scan3A_151 : i32 to index
        %get3A_322 = arith.constant 256 : index
        %get3A_323 = tpu.vector_load %arg12[%get3A_321, %get3A_322] {strides = array<i32>} : memref<16x1024xf32, #tpu.memory_space<vmem>>, vector<1x16xf32>,
        %get3A_324 = vector.shape_cast %get3A_323 : vector<1x16xf32> to vector<16xf32>
        %get3A_325 = arith.index_cast %scan3A_151 : i32 to index
        %get3A_326 = arith.constant 256 : index
        %get3A_327 = tpu.vector_load %arg14[%get3A_325, %get3A_326] {strides = array<i32>} : memref<16x1024xf32, #tpu.memory_space<vmem>>, vector<1x16xf32>,
        %get3A_328 = vector.shape_cast %get3A_327 : vector<1x16xf32> to vector<16xf32>
        %mul3A_329 = arith.mulf %get3A_324, %get3A_328 : vector<16xf32>
        %add3A_330 = arith.addf %add3A_290, %mul3A_329 : vector<16xf32>
        %get3A_331 = arith.index_cast %scan3A_151 : i32 to index
        %get3A_332 = arith.constant 272 : index
        %get3A_333 = tpu.vector_load %arg12[%get3A_331, %get3A_332] {strides = array<i32>} : memref<16x1024xf32, #tpu.memory_space<vmem>>, vector<1x16xf32>,
        %get3A_334 = vector.shape_cast %get3A_333 : vector<1x16xf32> to vector<16xf32>
        %get3A_335 = arith.index_cast %scan3A_151 : i32 to index
        %get3A_336 = arith.constant 272 : index
        %get3A_337 = tpu.vector_load %arg14[%get3A_335, %get3A_336] {strides = array<i32>} : memref<16x1024xf32, #tpu.memory_space<vmem>>, vector<1x16xf32>,
        %get3A_338 = vector.shape_cast %get3A_337 : vector<1x16xf32> to vector<16xf32>
        %mul3A_339 = arith.mulf %get3A_334, %get3A_338 : vector<16xf32>
        %add3A_340 = arith.addf %add3A_300, %mul3A_339 : vector<16xf32>
        %get3A_341 = arith.index_cast %scan3A_151 : i32 to index
        %get3A_342 = arith.constant 288 : index
        %get3A_343 = tpu.vector_load %arg12[%get3A_341, %get3A_342] {strides = array<i32>} : memref<16x1024xf32, #tpu.memory_space<vmem>>, vector<1x16xf32>,
        %get3A_344 = vector.shape_cast %get3A_343 : vector<1x16xf32> to vector<16xf32>
        %get3A_345 = arith.index_cast %scan3A_151 : i32 to index
        %get3A_346 = arith.constant 288 : index
        %get3A_347 = tpu.vector_load %arg14[%get3A_345, %get3A_346] {strides = array<i32>} : memref<16x1024xf32, #tpu.memory_space<vmem>>, vector<1x16xf32>,
        %get3A_348 = vector.shape_cast %get3A_347 : vector<1x16xf32> to vector<16xf32>
        %mul3A_349 = arith.mulf %get3A_344, %get3A_348 : vector<16xf32>
        %add3A_350 = arith.addf %add3A_310, %mul3A_349 : vector<16xf32>
        %get3A_351 = arith.index_cast %scan3A_151 : i32 to index
        %get3A_352 = arith.constant 304 : index
        %get3A_353 = tpu.vector_load %arg12[%get3A_351, %get3A_352] {strides = array<i32>} : memref<16x1024xf32, #tpu.memory_space<vmem>>, vector<1x16xf32>,
        %get3A_354 = vector.shape_cast %get3A_353 : vector<1x16xf32> to vector<16xf32>
        %get3A_355 = arith.index_cast %scan3A_151 : i32 to index
        %get3A_356 = arith.constant 304 : index
        %get3A_357 = tpu.vector_load %arg14[%get3A_355, %get3A_356] {strides = array<i32>} : memref<16x1024xf32, #tpu.memory_space<vmem>>, vector<1x16xf32>,
        %get3A_358 = vector.shape_cast %get3A_357 : vector<1x16xf32> to vector<16xf32>
        %mul3A_359 = arith.mulf %get3A_354, %get3A_358 : vector<16xf32>
        %add3A_360 = arith.addf %add3A_320, %mul3A_359 : vector<16xf32>
        %get3A_361 = arith.index_cast %scan3A_151 : i32 to index
        %get3A_362 = arith.constant 320 : index
        %get3A_363 = tpu.vector_load %arg12[%get3A_361, %get3A_362] {strides = array<i32>} : memref<16x1024xf32, #tpu.memory_space<vmem>>, vector<1x16xf32>,
        %get3A_364 = vector.shape_cast %get3A_363 : vector<1x16xf32> to vector<16xf32>
        %get3A_365 = arith.index_cast %scan3A_151 : i32 to index
        %get3A_366 = arith.constant 320 : index
        %get3A_367 = tpu.vector_load %arg14[%get3A_365, %get3A_366] {strides = array<i32>} : memref<16x1024xf32, #tpu.memory_space<vmem>>, vector<1x16xf32>,
        %get3A_368 = vector.shape_cast %get3A_367 : vector<1x16xf32> to vector<16xf32>
        %mul3A_369 = arith.mulf %get3A_364, %get3A_368 : vector<16xf32>
        %add3A_370 = arith.addf %add3A_330, %mul3A_369 : vector<16xf32>
        %get3A_371 = arith.index_cast %scan3A_151 : i32 to index
        %get3A_372 = arith.constant 336 : index
        %get3A_373 = tpu.vector_load %arg12[%get3A_371, %get3A_372] {strides = array<i32>} : memref<16x1024xf32, #tpu.memory_space<vmem>>, vector<1x16xf32>,
        %get3A_374 = vector.shape_cast %get3A_373 : vector<1x16xf32> to vector<16xf32>
        %get3A_375 = arith.index_cast %scan3A_151 : i32 to index
        %get3A_376 = arith.constant 336 : index
        %get3A_377 = tpu.vector_load %arg14[%get3A_375, %get3A_376] {strides = array<i32>} : memref<16x1024xf32, #tpu.memory_space<vmem>>, vector<1x16xf32>,
        %get3A_378 = vector.shape_cast %get3A_377 : vector<1x16xf32> to vector<16xf32>
        %mul3A_379 = arith.mulf %get3A_374, %get3A_378 : vector<16xf32>
        %add3A_380 = arith.addf %add3A_340, %mul3A_379 : vector<16xf32>
        %get3A_381 = arith.index_cast %scan3A_151 : i32 to index
        %get3A_382 = arith.constant 352 : index
        %get3A_383 = tpu.vector_load %arg12[%get3A_381, %get3A_382] {strides = array<i32>} : memref<16x1024xf32, #tpu.memory_space<vmem>>, vector<1x16xf32>,
        %get3A_384 = vector.shape_cast %get3A_383 : vector<1x16xf32> to vector<16xf32>
        %get3A_385 = arith.index_cast %scan3A_151 : i32 to index
        %get3A_386 = arith.constant 352 : index
        %get3A_387 = tpu.vector_load %arg14[%get3A_385, %get3A_386] {strides = array<i32>} : memref<16x1024xf32, #tpu.memory_space<vmem>>, vector<1x16xf32>,
        %get3A_388 = vector.shape_cast %get3A_387 : vector<1x16xf32> to vector<16xf32>
        %mul3A_389 = arith.mulf %get3A_384, %get3A_388 : vector<16xf32>
        %add3A_390 = arith.addf %add3A_350, %mul3A_389 : vector<16xf32>
        %get3A_391 = arith.index_cast %scan3A_151 : i32 to index
        %get3A_392 = arith.constant 368 : index
        %get3A_393 = tpu.vector_load %arg12[%get3A_391, %get3A_392] {strides = array<i32>} : memref<16x1024xf32, #tpu.memory_space<vmem>>, vector<1x16xf32>,
        %get3A_394 = vector.shape_cast %get3A_393 : vector<1x16xf32> to vector<16xf32>
        %get3A_395 = arith.index_cast %scan3A_151 : i32 to index
        %get3A_396 = arith.constant 368 : index
        %get3A_397 = tpu.vector_load %arg14[%get3A_395, %get3A_396] {strides = array<i32>} : memref<16x1024xf32, #tpu.memory_space<vmem>>, vector<1x16xf32>,
        %get3A_398 = vector.shape_cast %get3A_397 : vector<1x16xf32> to vector<16xf32>
        %mul3A_399 = arith.mulf %get3A_394, %get3A_398 : vector<16xf32>
        %add3A_400 = arith.addf %add3A_360, %mul3A_399 : vector<16xf32>
        %get3A_401 = arith.index_cast %scan3A_151 : i32 to index
        %get3A_402 = arith.constant 384 : index
        %get3A_403 = tpu.vector_load %arg12[%get3A_401, %get3A_402] {strides = array<i32>} : memref<16x1024xf32, #tpu.memory_space<vmem>>, vector<1x16xf32>,
        %get3A_404 = vector.shape_cast %get3A_403 : vector<1x16xf32> to vector<16xf32>
        %get3A_405 = arith.index_cast %scan3A_151 : i32 to index
        %get3A_406 = arith.constant 384 : index
        %get3A_407 = tpu.vector_load %arg14[%get3A_405, %get3A_406] {strides = array<i32>} : memref<16x1024xf32, #tpu.memory_space<vmem>>, vector<1x16xf32>,
        %get3A_408 = vector.shape_cast %get3A_407 : vector<1x16xf32> to vector<16xf32>
        %mul3A_409 = arith.mulf %get3A_404, %get3A_408 : vector<16xf32>
        %add3A_410 = arith.addf %add3A_370, %mul3A_409 : vector<16xf32>
        %get3A_411 = arith.index_cast %scan3A_151 : i32 to index
        %get3A_412 = arith.constant 400 : index
        %get3A_413 = tpu.vector_load %arg12[%get3A_411, %get3A_412] {strides = array<i32>} : memref<16x1024xf32, #tpu.memory_space<vmem>>, vector<1x16xf32>,
        %get3A_414 = vector.shape_cast %get3A_413 : vector<1x16xf32> to vector<16xf32>
        %get3A_415 = arith.index_cast %scan3A_151 : i32 to index
        %get3A_416 = arith.constant 400 : index
        %get3A_417 = tpu.vector_load %arg14[%get3A_415, %get3A_416] {strides = array<i32>} : memref<16x1024xf32, #tpu.memory_space<vmem>>, vector<1x16xf32>,
        %get3A_418 = vector.shape_cast %get3A_417 : vector<1x16xf32> to vector<16xf32>
        %mul3A_419 = arith.mulf %get3A_414, %get3A_418 : vector<16xf32>
        %add3A_420 = arith.addf %add3A_380, %mul3A_419 : vector<16xf32>
        %get3A_421 = arith.index_cast %scan3A_151 : i32 to index
        %get3A_422 = arith.constant 416 : index
        %get3A_423 = tpu.vector_load %arg12[%get3A_421, %get3A_422] {strides = array<i32>} : memref<16x1024xf32, #tpu.memory_space<vmem>>, vector<1x16xf32>,
        %get3A_424 = vector.shape_cast %get3A_423 : vector<1x16xf32> to vector<16xf32>
        %get3A_425 = arith.index_cast %scan3A_151 : i32 to index
        %get3A_426 = arith.constant 416 : index
        %get3A_427 = tpu.vector_load %arg14[%get3A_425, %get3A_426] {strides = array<i32>} : memref<16x1024xf32, #tpu.memory_space<vmem>>, vector<1x16xf32>,
        %get3A_428 = vector.shape_cast %get3A_427 : vector<1x16xf32> to vector<16xf32>
        %mul3A_429 = arith.mulf %get3A_424, %get3A_428 : vector<16xf32>
        %add3A_430 = arith.addf %add3A_390, %mul3A_429 : vector<16xf32>
        %get3A_431 = arith.index_cast %scan3A_151 : i32 to index
        %get3A_432 = arith.constant 432 : index
        %get3A_433 = tpu.vector_load %arg12[%get3A_431, %get3A_432] {strides = array<i32>} : memref<16x1024xf32, #tpu.memory_space<vmem>>, vector<1x16xf32>,
        %get3A_434 = vector.shape_cast %get3A_433 : vector<1x16xf32> to vector<16xf32>
        %get3A_435 = arith.index_cast %scan3A_151 : i32 to index
        %get3A_436 = arith.constant 432 : index
        %get3A_437 = tpu.vector_load %arg14[%get3A_435, %get3A_436] {strides = array<i32>} : memref<16x1024xf32, #tpu.memory_space<vmem>>, vector<1x16xf32>,
        %get3A_438 = vector.shape_cast %get3A_437 : vector<1x16xf32> to vector<16xf32>
        %mul3A_439 = arith.mulf %get3A_434, %get3A_438 : vector<16xf32>
        %add3A_440 = arith.addf %add3A_400, %mul3A_439 : vector<16xf32>
        %get3A_441 = arith.index_cast %scan3A_151 : i32 to index
        %get3A_442 = arith.constant 448 : index
        %get3A_443 = tpu.vector_load %arg12[%get3A_441, %get3A_442] {strides = array<i32>} : memref<16x1024xf32, #tpu.memory_space<vmem>>, vector<1x16xf32>,
        %get3A_444 = vector.shape_cast %get3A_443 : vector<1x16xf32> to vector<16xf32>
        %get3A_445 = arith.index_cast %scan3A_151 : i32 to index
        %get3A_446 = arith.constant 448 : index
        %get3A_447 = tpu.vector_load %arg14[%get3A_445, %get3A_446] {strides = array<i32>} : memref<16x1024xf32, #tpu.memory_space<vmem>>, vector<1x16xf32>,
        %get3A_448 = vector.shape_cast %get3A_447 : vector<1x16xf32> to vector<16xf32>
        %mul3A_449 = arith.mulf %get3A_444, %get3A_448 : vector<16xf32>
        %add3A_450 = arith.addf %add3A_410, %mul3A_449 : vector<16xf32>
        %get3A_451 = arith.index_cast %scan3A_151 : i32 to index
        %get3A_452 = arith.constant 464 : index
        %get3A_453 = tpu.vector_load %arg12[%get3A_451, %get3A_452] {strides = array<i32>} : memref<16x1024xf32, #tpu.memory_space<vmem>>, vector<1x16xf32>,
        %get3A_454 = vector.shape_cast %get3A_453 : vector<1x16xf32> to vector<16xf32>
        %get3A_455 = arith.index_cast %scan3A_151 : i32 to index
        %get3A_456 = arith.constant 464 : index
        %get3A_457 = tpu.vector_load %arg14[%get3A_455, %get3A_456] {strides = array<i32>} : memref<16x1024xf32, #tpu.memory_space<vmem>>, vector<1x16xf32>,
        %get3A_458 = vector.shape_cast %get3A_457 : vector<1x16xf32> to vector<16xf32>
        %mul3A_459 = arith.mulf %get3A_454, %get3A_458 : vector<16xf32>
        %add3A_460 = arith.addf %add3A_420, %mul3A_459 : vector<16xf32>
        %get3A_461 = arith.index_cast %scan3A_151 : i32 to index
        %get3A_462 = arith.constant 480 : index
        %get3A_463 = tpu.vector_load %arg12[%get3A_461, %get3A_462] {strides = array<i32>} : memref<16x1024xf32, #tpu.memory_space<vmem>>, vector<1x16xf32>,
        %get3A_464 = vector.shape_cast %get3A_463 : vector<1x16xf32> to vector<16xf32>
        %get3A_465 = arith.index_cast %scan3A_151 : i32 to index
        %get3A_466 = arith.constant 480 : index
        %get3A_467 = tpu.vector_load %arg14[%get3A_465, %get3A_466] {strides = array<i32>} : memref<16x1024xf32, #tpu.memory_space<vmem>>, vector<1x16xf32>,
        %get3A_468 = vector.shape_cast %get3A_467 : vector<1x16xf32> to vector<16xf32>
        %mul3A_469 = arith.mulf %get3A_464, %get3A_468 : vector<16xf32>
        %add3A_470 = arith.addf %add3A_430, %mul3A_469 : vector<16xf32>
        %get3A_471 = arith.index_cast %scan3A_151 : i32 to index
        %get3A_472 = arith.constant 496 : index
        %get3A_473 = tpu.vector_load %arg12[%get3A_471, %get3A_472] {strides = array<i32>} : memref<16x1024xf32, #tpu.memory_space<vmem>>, vector<1x16xf32>,
        %get3A_474 = vector.shape_cast %get3A_473 : vector<1x16xf32> to vector<16xf32>
        %get3A_475 = arith.index_cast %scan3A_151 : i32 to index
        %get3A_476 = arith.constant 496 : index
        %get3A_477 = tpu.vector_load %arg14[%get3A_475, %get3A_476] {strides = array<i32>} : memref<16x1024xf32, #tpu.memory_space<vmem>>, vector<1x16xf32>,
        %get3A_478 = vector.shape_cast %get3A_477 : vector<1x16xf32> to vector<16xf32>
        %mul3A_479 = arith.mulf %get3A_474, %get3A_478 : vector<16xf32>
        %add3A_480 = arith.addf %add3A_440, %mul3A_479 : vector<16xf32>
        %get3A_481 = arith.index_cast %scan3A_151 : i32 to index
        %get3A_482 = arith.constant 512 : index
        %get3A_483 = tpu.vector_load %arg12[%get3A_481, %get3A_482] {strides = array<i32>} : memref<16x1024xf32, #tpu.memory_space<vmem>>, vector<1x16xf32>,
        %get3A_484 = vector.shape_cast %get3A_483 : vector<1x16xf32> to vector<16xf32>
        %get3A_485 = arith.index_cast %scan3A_151 : i32 to index
        %get3A_486 = arith.constant 512 : index
        %get3A_487 = tpu.vector_load %arg14[%get3A_485, %get3A_486] {strides = array<i32>} : memref<16x1024xf32, #tpu.memory_space<vmem>>, vector<1x16xf32>,
        %get3A_488 = vector.shape_cast %get3A_487 : vector<1x16xf32> to vector<16xf32>
        %mul3A_489 = arith.mulf %get3A_484, %get3A_488 : vector<16xf32>
        %add3A_490 = arith.addf %add3A_450, %mul3A_489 : vector<16xf32>
        %get3A_491 = arith.index_cast %scan3A_151 : i32 to index
        %get3A_492 = arith.constant 528 : index
        %get3A_493 = tpu.vector_load %arg12[%get3A_491, %get3A_492] {strides = array<i32>} : memref<16x1024xf32, #tpu.memory_space<vmem>>, vector<1x16xf32>,
        %get3A_494 = vector.shape_cast %get3A_493 : vector<1x16xf32> to vector<16xf32>
        %get3A_495 = arith.index_cast %scan3A_151 : i32 to index
        %get3A_496 = arith.constant 528 : index
        %get3A_497 = tpu.vector_load %arg14[%get3A_495, %get3A_496] {strides = array<i32>} : memref<16x1024xf32, #tpu.memory_space<vmem>>, vector<1x16xf32>,
        %get3A_498 = vector.shape_cast %get3A_497 : vector<1x16xf32> to vector<16xf32>
        %mul3A_499 = arith.mulf %get3A_494, %get3A_498 : vector<16xf32>
        %add3A_500 = arith.addf %add3A_460, %mul3A_499 : vector<16xf32>
        %get3A_501 = arith.index_cast %scan3A_151 : i32 to index
        %get3A_502 = arith.constant 544 : index
        %get3A_503 = tpu.vector_load %arg12[%get3A_501, %get3A_502] {strides = array<i32>} : memref<16x1024xf32, #tpu.memory_space<vmem>>, vector<1x16xf32>,
        %get3A_504 = vector.shape_cast %get3A_503 : vector<1x16xf32> to vector<16xf32>
        %get3A_505 = arith.index_cast %scan3A_151 : i32 to index
        %get3A_506 = arith.constant 544 : index
        %get3A_507 = tpu.vector_load %arg14[%get3A_505, %get3A_506] {strides = array<i32>} : memref<16x1024xf32, #tpu.memory_space<vmem>>, vector<1x16xf32>,
        %get3A_508 = vector.shape_cast %get3A_507 : vector<1x16xf32> to vector<16xf32>
        %mul3A_509 = arith.mulf %get3A_504, %get3A_508 : vector<16xf32>
        %add3A_510 = arith.addf %add3A_470, %mul3A_509 : vector<16xf32>
        %get3A_511 = arith.index_cast %scan3A_151 : i32 to index
        %get3A_512 = arith.constant 560 : index
        %get3A_513 = tpu.vector_load %arg12[%get3A_511, %get3A_512] {strides = array<i32>} : memref<16x1024xf32, #tpu.memory_space<vmem>>, vector<1x16xf32>,
        %get3A_514 = vector.shape_cast %get3A_513 : vector<1x16xf32> to vector<16xf32>
        %get3A_515 = arith.index_cast %scan3A_151 : i32 to index
        %get3A_516 = arith.constant 560 : index
        %get3A_517 = tpu.vector_load %arg14[%get3A_515, %get3A_516] {strides = array<i32>} : memref<16x1024xf32, #tpu.memory_space<vmem>>, vector<1x16xf32>,
        %get3A_518 = vector.shape_cast %get3A_517 : vector<1x16xf32> to vector<16xf32>
        %mul3A_519 = arith.mulf %get3A_514, %get3A_518 : vector<16xf32>
        %add3A_520 = arith.addf %add3A_480, %mul3A_519 : vector<16xf32>
        %get3A_521 = arith.index_cast %scan3A_151 : i32 to index
        %get3A_522 = arith.constant 576 : index
        %get3A_523 = tpu.vector_load %arg12[%get3A_521, %get3A_522] {strides = array<i32>} : memref<16x1024xf32, #tpu.memory_space<vmem>>, vector<1x16xf32>,
        %get3A_524 = vector.shape_cast %get3A_523 : vector<1x16xf32> to vector<16xf32>
        %get3A_525 = arith.index_cast %scan3A_151 : i32 to index
        %get3A_526 = arith.constant 576 : index
        %get3A_527 = tpu.vector_load %arg14[%get3A_525, %get3A_526] {strides = array<i32>} : memref<16x1024xf32, #tpu.memory_space<vmem>>, vector<1x16xf32>,
        %get3A_528 = vector.shape_cast %get3A_527 : vector<1x16xf32> to vector<16xf32>
        %mul3A_529 = arith.mulf %get3A_524, %get3A_528 : vector<16xf32>
        %add3A_530 = arith.addf %add3A_490, %mul3A_529 : vector<16xf32>
        %get3A_531 = arith.index_cast %scan3A_151 : i32 to index
        %get3A_532 = arith.constant 592 : index
        %get3A_533 = tpu.vector_load %arg12[%get3A_531, %get3A_532] {strides = array<i32>} : memref<16x1024xf32, #tpu.memory_space<vmem>>, vector<1x16xf32>,
        %get3A_534 = vector.shape_cast %get3A_533 : vector<1x16xf32> to vector<16xf32>
        %get3A_535 = arith.index_cast %scan3A_151 : i32 to index
        %get3A_536 = arith.constant 592 : index
        %get3A_537 = tpu.vector_load %arg14[%get3A_535, %get3A_536] {strides = array<i32>} : memref<16x1024xf32, #tpu.memory_space<vmem>>, vector<1x16xf32>,
        %get3A_538 = vector.shape_cast %get3A_537 : vector<1x16xf32> to vector<16xf32>
        %mul3A_539 = arith.mulf %get3A_534, %get3A_538 : vector<16xf32>
        %add3A_540 = arith.addf %add3A_500, %mul3A_539 : vector<16xf32>
        %get3A_541 = arith.index_cast %scan3A_151 : i32 to index
        %get3A_542 = arith.constant 608 : index
        %get3A_543 = tpu.vector_load %arg12[%get3A_541, %get3A_542] {strides = array<i32>} : memref<16x1024xf32, #tpu.memory_space<vmem>>, vector<1x16xf32>,
        %get3A_544 = vector.shape_cast %get3A_543 : vector<1x16xf32> to vector<16xf32>
        %get3A_545 = arith.index_cast %scan3A_151 : i32 to index
        %get3A_546 = arith.constant 608 : index
        %get3A_547 = tpu.vector_load %arg14[%get3A_545, %get3A_546] {strides = array<i32>} : memref<16x1024xf32, #tpu.memory_space<vmem>>, vector<1x16xf32>,
        %get3A_548 = vector.shape_cast %get3A_547 : vector<1x16xf32> to vector<16xf32>
        %mul3A_549 = arith.mulf %get3A_544, %get3A_548 : vector<16xf32>
        %add3A_550 = arith.addf %add3A_510, %mul3A_549 : vector<16xf32>
        %get3A_551 = arith.index_cast %scan3A_151 : i32 to index
        %get3A_552 = arith.constant 624 : index
        %get3A_553 = tpu.vector_load %arg12[%get3A_551, %get3A_552] {strides = array<i32>} : memref<16x1024xf32, #tpu.memory_space<vmem>>, vector<1x16xf32>,
        %get3A_554 = vector.shape_cast %get3A_553 : vector<1x16xf32> to vector<16xf32>
        %get3A_555 = arith.index_cast %scan3A_151 : i32 to index
        %get3A_556 = arith.constant 624 : index
        %get3A_557 = tpu.vector_load %arg14[%get3A_555, %get3A_556] {strides = array<i32>} : memref<16x1024xf32, #tpu.memory_space<vmem>>, vector<1x16xf32>,
        %get3A_558 = vector.shape_cast %get3A_557 : vector<1x16xf32> to vector<16xf32>
        %mul3A_559 = arith.mulf %get3A_554, %get3A_558 : vector<16xf32>
        %add3A_560 = arith.addf %add3A_520, %mul3A_559 : vector<16xf32>
        %get3A_561 = arith.index_cast %scan3A_151 : i32 to index
        %get3A_562 = arith.constant 640 : index
        %get3A_563 = tpu.vector_load %arg12[%get3A_561, %get3A_562] {strides = array<i32>} : memref<16x1024xf32, #tpu.memory_space<vmem>>, vector<1x16xf32>,
        %get3A_564 = vector.shape_cast %get3A_563 : vector<1x16xf32> to vector<16xf32>
        %get3A_565 = arith.index_cast %scan3A_151 : i32 to index
        %get3A_566 = arith.constant 640 : index
        %get3A_567 = tpu.vector_load %arg14[%get3A_565, %get3A_566] {strides = array<i32>} : memref<16x1024xf32, #tpu.memory_space<vmem>>, vector<1x16xf32>,
        %get3A_568 = vector.shape_cast %get3A_567 : vector<1x16xf32> to vector<16xf32>
        %mul3A_569 = arith.mulf %get3A_564, %get3A_568 : vector<16xf32>
        %add3A_570 = arith.addf %add3A_530, %mul3A_569 : vector<16xf32>
        %get3A_571 = arith.index_cast %scan3A_151 : i32 to index
        %get3A_572 = arith.constant 656 : index
        %get3A_573 = tpu.vector_load %arg12[%get3A_571, %get3A_572] {strides = array<i32>} : memref<16x1024xf32, #tpu.memory_space<vmem>>, vector<1x16xf32>,
        %get3A_574 = vector.shape_cast %get3A_573 : vector<1x16xf32> to vector<16xf32>
        %get3A_575 = arith.index_cast %scan3A_151 : i32 to index
        %get3A_576 = arith.constant 656 : index
        %get3A_577 = tpu.vector_load %arg14[%get3A_575, %get3A_576] {strides = array<i32>} : memref<16x1024xf32, #tpu.memory_space<vmem>>, vector<1x16xf32>,
        %get3A_578 = vector.shape_cast %get3A_577 : vector<1x16xf32> to vector<16xf32>
        %mul3A_579 = arith.mulf %get3A_574, %get3A_578 : vector<16xf32>
        %add3A_580 = arith.addf %add3A_540, %mul3A_579 : vector<16xf32>
        %get3A_581 = arith.index_cast %scan3A_151 : i32 to index
        %get3A_582 = arith.constant 672 : index
        %get3A_583 = tpu.vector_load %arg12[%get3A_581, %get3A_582] {strides = array<i32>} : memref<16x1024xf32, #tpu.memory_space<vmem>>, vector<1x16xf32>,
        %get3A_584 = vector.shape_cast %get3A_583 : vector<1x16xf32> to vector<16xf32>
        %get3A_585 = arith.index_cast %scan3A_151 : i32 to index
        %get3A_586 = arith.constant 672 : index
        %get3A_587 = tpu.vector_load %arg14[%get3A_585, %get3A_586] {strides = array<i32>} : memref<16x1024xf32, #tpu.memory_space<vmem>>, vector<1x16xf32>,
        %get3A_588 = vector.shape_cast %get3A_587 : vector<1x16xf32> to vector<16xf32>
        %mul3A_589 = arith.mulf %get3A_584, %get3A_588 : vector<16xf32>
        %add3A_590 = arith.addf %add3A_550, %mul3A_589 : vector<16xf32>
        %get3A_591 = arith.index_cast %scan3A_151 : i32 to index
        %get3A_592 = arith.constant 688 : index
        %get3A_593 = tpu.vector_load %arg12[%get3A_591, %get3A_592] {strides = array<i32>} : memref<16x1024xf32, #tpu.memory_space<vmem>>, vector<1x16xf32>,
        %get3A_594 = vector.shape_cast %get3A_593 : vector<1x16xf32> to vector<16xf32>
        %get3A_595 = arith.index_cast %scan3A_151 : i32 to index
        %get3A_596 = arith.constant 688 : index
        %get3A_597 = tpu.vector_load %arg14[%get3A_595, %get3A_596] {strides = array<i32>} : memref<16x1024xf32, #tpu.memory_space<vmem>>, vector<1x16xf32>,
        %get3A_598 = vector.shape_cast %get3A_597 : vector<1x16xf32> to vector<16xf32>
        %mul3A_599 = arith.mulf %get3A_594, %get3A_598 : vector<16xf32>
        %add3A_600 = arith.addf %add3A_560, %mul3A_599 : vector<16xf32>
        %get3A_601 = arith.index_cast %scan3A_151 : i32 to index
        %get3A_602 = arith.constant 704 : index
        %get3A_603 = tpu.vector_load %arg12[%get3A_601, %get3A_602] {strides = array<i32>} : memref<16x1024xf32, #tpu.memory_space<vmem>>, vector<1x16xf32>,
        %get3A_604 = vector.shape_cast %get3A_603 : vector<1x16xf32> to vector<16xf32>
        %get3A_605 = arith.index_cast %scan3A_151 : i32 to index
        %get3A_606 = arith.constant 704 : index
        %get3A_607 = tpu.vector_load %arg14[%get3A_605, %get3A_606] {strides = array<i32>} : memref<16x1024xf32, #tpu.memory_space<vmem>>, vector<1x16xf32>,
        %get3A_608 = vector.shape_cast %get3A_607 : vector<1x16xf32> to vector<16xf32>
        %mul3A_609 = arith.mulf %get3A_604, %get3A_608 : vector<16xf32>
        %add3A_610 = arith.addf %add3A_570, %mul3A_609 : vector<16xf32>
        %get3A_611 = arith.index_cast %scan3A_151 : i32 to index
        %get3A_612 = arith.constant 720 : index
        %get3A_613 = tpu.vector_load %arg12[%get3A_611, %get3A_612] {strides = array<i32>} : memref<16x1024xf32, #tpu.memory_space<vmem>>, vector<1x16xf32>,
        %get3A_614 = vector.shape_cast %get3A_613 : vector<1x16xf32> to vector<16xf32>
        %get3A_615 = arith.index_cast %scan3A_151 : i32 to index
        %get3A_616 = arith.constant 720 : index
        %get3A_617 = tpu.vector_load %arg14[%get3A_615, %get3A_616] {strides = array<i32>} : memref<16x1024xf32, #tpu.memory_space<vmem>>, vector<1x16xf32>,
        %get3A_618 = vector.shape_cast %get3A_617 : vector<1x16xf32> to vector<16xf32>
        %mul3A_619 = arith.mulf %get3A_614, %get3A_618 : vector<16xf32>
        %add3A_620 = arith.addf %add3A_580, %mul3A_619 : vector<16xf32>
        %get3A_621 = arith.index_cast %scan3A_151 : i32 to index
        %get3A_622 = arith.constant 736 : index
        %get3A_623 = tpu.vector_load %arg12[%get3A_621, %get3A_622] {strides = array<i32>} : memref<16x1024xf32, #tpu.memory_space<vmem>>, vector<1x16xf32>,
        %get3A_624 = vector.shape_cast %get3A_623 : vector<1x16xf32> to vector<16xf32>
        %get3A_625 = arith.index_cast %scan3A_151 : i32 to index
        %get3A_626 = arith.constant 736 : index
        %get3A_627 = tpu.vector_load %arg14[%get3A_625, %get3A_626] {strides = array<i32>} : memref<16x1024xf32, #tpu.memory_space<vmem>>, vector<1x16xf32>,
        %get3A_628 = vector.shape_cast %get3A_627 : vector<1x16xf32> to vector<16xf32>
        %mul3A_629 = arith.mulf %get3A_624, %get3A_628 : vector<16xf32>
        %add3A_630 = arith.addf %add3A_590, %mul3A_629 : vector<16xf32>
        %get3A_631 = arith.index_cast %scan3A_151 : i32 to index
        %get3A_632 = arith.constant 752 : index
        %get3A_633 = tpu.vector_load %arg12[%get3A_631, %get3A_632] {strides = array<i32>} : memref<16x1024xf32, #tpu.memory_space<vmem>>, vector<1x16xf32>,
        %get3A_634 = vector.shape_cast %get3A_633 : vector<1x16xf32> to vector<16xf32>
        %get3A_635 = arith.index_cast %scan3A_151 : i32 to index
        %get3A_636 = arith.constant 752 : index
        %get3A_637 = tpu.vector_load %arg14[%get3A_635, %get3A_636] {strides = array<i32>} : memref<16x1024xf32, #tpu.memory_space<vmem>>, vector<1x16xf32>,
        %get3A_638 = vector.shape_cast %get3A_637 : vector<1x16xf32> to vector<16xf32>
        %mul3A_639 = arith.mulf %get3A_634, %get3A_638 : vector<16xf32>
        %add3A_640 = arith.addf %add3A_600, %mul3A_639 : vector<16xf32>
        %get3A_641 = arith.index_cast %scan3A_151 : i32 to index
        %get3A_642 = arith.constant 768 : index
        %get3A_643 = tpu.vector_load %arg12[%get3A_641, %get3A_642] {strides = array<i32>} : memref<16x1024xf32, #tpu.memory_space<vmem>>, vector<1x16xf32>,
        %get3A_644 = vector.shape_cast %get3A_643 : vector<1x16xf32> to vector<16xf32>
        %get3A_645 = arith.index_cast %scan3A_151 : i32 to index
        %get3A_646 = arith.constant 768 : index
        %get3A_647 = tpu.vector_load %arg14[%get3A_645, %get3A_646] {strides = array<i32>} : memref<16x1024xf32, #tpu.memory_space<vmem>>, vector<1x16xf32>,
        %get3A_648 = vector.shape_cast %get3A_647 : vector<1x16xf32> to vector<16xf32>
        %mul3A_649 = arith.mulf %get3A_644, %get3A_648 : vector<16xf32>
        %add3A_650 = arith.addf %add3A_610, %mul3A_649 : vector<16xf32>
        %get3A_651 = arith.index_cast %scan3A_151 : i32 to index
        %get3A_652 = arith.constant 784 : index
        %get3A_653 = tpu.vector_load %arg12[%get3A_651, %get3A_652] {strides = array<i32>} : memref<16x1024xf32, #tpu.memory_space<vmem>>, vector<1x16xf32>,
        %get3A_654 = vector.shape_cast %get3A_653 : vector<1x16xf32> to vector<16xf32>
        %get3A_655 = arith.index_cast %scan3A_151 : i32 to index
        %get3A_656 = arith.constant 784 : index
        %get3A_657 = tpu.vector_load %arg14[%get3A_655, %get3A_656] {strides = array<i32>} : memref<16x1024xf32, #tpu.memory_space<vmem>>, vector<1x16xf32>,
        %get3A_658 = vector.shape_cast %get3A_657 : vector<1x16xf32> to vector<16xf32>
        %mul3A_659 = arith.mulf %get3A_654, %get3A_658 : vector<16xf32>
        %add3A_660 = arith.addf %add3A_620, %mul3A_659 : vector<16xf32>
        %get3A_661 = arith.index_cast %scan3A_151 : i32 to index
        %get3A_662 = arith.constant 800 : index
        %get3A_663 = tpu.vector_load %arg12[%get3A_661, %get3A_662] {strides = array<i32>} : memref<16x1024xf32, #tpu.memory_space<vmem>>, vector<1x16xf32>,
        %get3A_664 = vector.shape_cast %get3A_663 : vector<1x16xf32> to vector<16xf32>
        %get3A_665 = arith.index_cast %scan3A_151 : i32 to index
        %get3A_666 = arith.constant 800 : index
        %get3A_667 = tpu.vector_load %arg14[%get3A_665, %get3A_666] {strides = array<i32>} : memref<16x1024xf32, #tpu.memory_space<vmem>>, vector<1x16xf32>,
        %get3A_668 = vector.shape_cast %get3A_667 : vector<1x16xf32> to vector<16xf32>
        %mul3A_669 = arith.mulf %get3A_664, %get3A_668 : vector<16xf32>
        %add3A_670 = arith.addf %add3A_630, %mul3A_669 : vector<16xf32>
        %get3A_671 = arith.index_cast %scan3A_151 : i32 to index
        %get3A_672 = arith.constant 816 : index
        %get3A_673 = tpu.vector_load %arg12[%get3A_671, %get3A_672] {strides = array<i32>} : memref<16x1024xf32, #tpu.memory_space<vmem>>, vector<1x16xf32>,
        %get3A_674 = vector.shape_cast %get3A_673 : vector<1x16xf32> to vector<16xf32>
        %get3A_675 = arith.index_cast %scan3A_151 : i32 to index
        %get3A_676 = arith.constant 816 : index
        %get3A_677 = tpu.vector_load %arg14[%get3A_675, %get3A_676] {strides = array<i32>} : memref<16x1024xf32, #tpu.memory_space<vmem>>, vector<1x16xf32>,
        %get3A_678 = vector.shape_cast %get3A_677 : vector<1x16xf32> to vector<16xf32>
        %mul3A_679 = arith.mulf %get3A_674, %get3A_678 : vector<16xf32>
        %add3A_680 = arith.addf %add3A_640, %mul3A_679 : vector<16xf32>
        %get3A_681 = arith.index_cast %scan3A_151 : i32 to index
        %get3A_682 = arith.constant 832 : index
        %get3A_683 = tpu.vector_load %arg12[%get3A_681, %get3A_682] {strides = array<i32>} : memref<16x1024xf32, #tpu.memory_space<vmem>>, vector<1x16xf32>,
        %get3A_684 = vector.shape_cast %get3A_683 : vector<1x16xf32> to vector<16xf32>
        %get3A_685 = arith.index_cast %scan3A_151 : i32 to index
        %get3A_686 = arith.constant 832 : index
        %get3A_687 = tpu.vector_load %arg14[%get3A_685, %get3A_686] {strides = array<i32>} : memref<16x1024xf32, #tpu.memory_space<vmem>>, vector<1x16xf32>,
        %get3A_688 = vector.shape_cast %get3A_687 : vector<1x16xf32> to vector<16xf32>
        %mul3A_689 = arith.mulf %get3A_684, %get3A_688 : vector<16xf32>
        %add3A_690 = arith.addf %add3A_650, %mul3A_689 : vector<16xf32>
        %get3A_691 = arith.index_cast %scan3A_151 : i32 to index
        %get3A_692 = arith.constant 848 : index
        %get3A_693 = tpu.vector_load %arg12[%get3A_691, %get3A_692] {strides = array<i32>} : memref<16x1024xf32, #tpu.memory_space<vmem>>, vector<1x16xf32>,
        %get3A_694 = vector.shape_cast %get3A_693 : vector<1x16xf32> to vector<16xf32>
        %get3A_695 = arith.index_cast %scan3A_151 : i32 to index
        %get3A_696 = arith.constant 848 : index
        %get3A_697 = tpu.vector_load %arg14[%get3A_695, %get3A_696] {strides = array<i32>} : memref<16x1024xf32, #tpu.memory_space<vmem>>, vector<1x16xf32>,
        %get3A_698 = vector.shape_cast %get3A_697 : vector<1x16xf32> to vector<16xf32>
        %mul3A_699 = arith.mulf %get3A_694, %get3A_698 : vector<16xf32>
        %add3A_700 = arith.addf %add3A_660, %mul3A_699 : vector<16xf32>
        %get3A_701 = arith.index_cast %scan3A_151 : i32 to index
        %get3A_702 = arith.constant 864 : index
        %get3A_703 = tpu.vector_load %arg12[%get3A_701, %get3A_702] {strides = array<i32>} : memref<16x1024xf32, #tpu.memory_space<vmem>>, vector<1x16xf32>,
        %get3A_704 = vector.shape_cast %get3A_703 : vector<1x16xf32> to vector<16xf32>
        %get3A_705 = arith.index_cast %scan3A_151 : i32 to index
        %get3A_706 = arith.constant 864 : index
        %get3A_707 = tpu.vector_load %arg14[%get3A_705, %get3A_706] {strides = array<i32>} : memref<16x1024xf32, #tpu.memory_space<vmem>>, vector<1x16xf32>,
        %get3A_708 = vector.shape_cast %get3A_707 : vector<1x16xf32> to vector<16xf32>
        %mul3A_709 = arith.mulf %get3A_704, %get3A_708 : vector<16xf32>
        %add3A_710 = arith.addf %add3A_670, %mul3A_709 : vector<16xf32>
        %get3A_711 = arith.index_cast %scan3A_151 : i32 to index
        %get3A_712 = arith.constant 880 : index
        %get3A_713 = tpu.vector_load %arg12[%get3A_711, %get3A_712] {strides = array<i32>} : memref<16x1024xf32, #tpu.memory_space<vmem>>, vector<1x16xf32>,
        %get3A_714 = vector.shape_cast %get3A_713 : vector<1x16xf32> to vector<16xf32>
        %get3A_715 = arith.index_cast %scan3A_151 : i32 to index
        %get3A_716 = arith.constant 880 : index
        %get3A_717 = tpu.vector_load %arg14[%get3A_715, %get3A_716] {strides = array<i32>} : memref<16x1024xf32, #tpu.memory_space<vmem>>, vector<1x16xf32>,
        %get3A_718 = vector.shape_cast %get3A_717 : vector<1x16xf32> to vector<16xf32>
        %mul3A_719 = arith.mulf %get3A_714, %get3A_718 : vector<16xf32>
        %add3A_720 = arith.addf %add3A_680, %mul3A_719 : vector<16xf32>
        %get3A_721 = arith.index_cast %scan3A_151 : i32 to index
        %get3A_722 = arith.constant 896 : index
        %get3A_723 = tpu.vector_load %arg12[%get3A_721, %get3A_722] {strides = array<i32>} : memref<16x1024xf32, #tpu.memory_space<vmem>>, vector<1x16xf32>,
        %get3A_724 = vector.shape_cast %get3A_723 : vector<1x16xf32> to vector<16xf32>
        %get3A_725 = arith.index_cast %scan3A_151 : i32 to index
        %get3A_726 = arith.constant 896 : index
        %get3A_727 = tpu.vector_load %arg14[%get3A_725, %get3A_726] {strides = array<i32>} : memref<16x1024xf32, #tpu.memory_space<vmem>>, vector<1x16xf32>,
        %get3A_728 = vector.shape_cast %get3A_727 : vector<1x16xf32> to vector<16xf32>
        %mul3A_729 = arith.mulf %get3A_724, %get3A_728 : vector<16xf32>
        %add3A_730 = arith.addf %add3A_690, %mul3A_729 : vector<16xf32>
        %get3A_731 = arith.index_cast %scan3A_151 : i32 to index
        %get3A_732 = arith.constant 912 : index
        %get3A_733 = tpu.vector_load %arg12[%get3A_731, %get3A_732] {strides = array<i32>} : memref<16x1024xf32, #tpu.memory_space<vmem>>, vector<1x16xf32>,
        %get3A_734 = vector.shape_cast %get3A_733 : vector<1x16xf32> to vector<16xf32>
        %get3A_735 = arith.index_cast %scan3A_151 : i32 to index
        %get3A_736 = arith.constant 912 : index
        %get3A_737 = tpu.vector_load %arg14[%get3A_735, %get3A_736] {strides = array<i32>} : memref<16x1024xf32, #tpu.memory_space<vmem>>, vector<1x16xf32>,
        %get3A_738 = vector.shape_cast %get3A_737 : vector<1x16xf32> to vector<16xf32>
        %mul3A_739 = arith.mulf %get3A_734, %get3A_738 : vector<16xf32>
        %add3A_740 = arith.addf %add3A_700, %mul3A_739 : vector<16xf32>
        %get3A_741 = arith.index_cast %scan3A_151 : i32 to index
        %get3A_742 = arith.constant 928 : index
        %get3A_743 = tpu.vector_load %arg12[%get3A_741, %get3A_742] {strides = array<i32>} : memref<16x1024xf32, #tpu.memory_space<vmem>>, vector<1x16xf32>,
        %get3A_744 = vector.shape_cast %get3A_743 : vector<1x16xf32> to vector<16xf32>
        %get3A_745 = arith.index_cast %scan3A_151 : i32 to index
        %get3A_746 = arith.constant 928 : index
        %get3A_747 = tpu.vector_load %arg14[%get3A_745, %get3A_746] {strides = array<i32>} : memref<16x1024xf32, #tpu.memory_space<vmem>>, vector<1x16xf32>,
        %get3A_748 = vector.shape_cast %get3A_747 : vector<1x16xf32> to vector<16xf32>
        %mul3A_749 = arith.mulf %get3A_744, %get3A_748 : vector<16xf32>
        %add3A_750 = arith.addf %add3A_710, %mul3A_749 : vector<16xf32>
        %get3A_751 = arith.index_cast %scan3A_151 : i32 to index
        %get3A_752 = arith.constant 944 : index
        %get3A_753 = tpu.vector_load %arg12[%get3A_751, %get3A_752] {strides = array<i32>} : memref<16x1024xf32, #tpu.memory_space<vmem>>, vector<1x16xf32>,
        %get3A_754 = vector.shape_cast %get3A_753 : vector<1x16xf32> to vector<16xf32>
        %get3A_755 = arith.index_cast %scan3A_151 : i32 to index
        %get3A_756 = arith.constant 944 : index
        %get3A_757 = tpu.vector_load %arg14[%get3A_755, %get3A_756] {strides = array<i32>} : memref<16x1024xf32, #tpu.memory_space<vmem>>, vector<1x16xf32>,
        %get3A_758 = vector.shape_cast %get3A_757 : vector<1x16xf32> to vector<16xf32>
        %mul3A_759 = arith.mulf %get3A_754, %get3A_758 : vector<16xf32>
        %add3A_760 = arith.addf %add3A_720, %mul3A_759 : vector<16xf32>
        %get3A_761 = arith.index_cast %scan3A_151 : i32 to index
        %get3A_762 = arith.constant 960 : index
        %get3A_763 = tpu.vector_load %arg12[%get3A_761, %get3A_762] {strides = array<i32>} : memref<16x1024xf32, #tpu.memory_space<vmem>>, vector<1x16xf32>,
        %get3A_764 = vector.shape_cast %get3A_763 : vector<1x16xf32> to vector<16xf32>
        %get3A_765 = arith.index_cast %scan3A_151 : i32 to index
        %get3A_766 = arith.constant 960 : index
        %get3A_767 = tpu.vector_load %arg14[%get3A_765, %get3A_766] {strides = array<i32>} : memref<16x1024xf32, #tpu.memory_space<vmem>>, vector<1x16xf32>,
        %get3A_768 = vector.shape_cast %get3A_767 : vector<1x16xf32> to vector<16xf32>
        %mul3A_769 = arith.mulf %get3A_764, %get3A_768 : vector<16xf32>
        %add3A_770 = arith.addf %add3A_730, %mul3A_769 : vector<16xf32>
        %get3A_771 = arith.index_cast %scan3A_151 : i32 to index
        %get3A_772 = arith.constant 976 : index
        %get3A_773 = tpu.vector_load %arg12[%get3A_771, %get3A_772] {strides = array<i32>} : memref<16x1024xf32, #tpu.memory_space<vmem>>, vector<1x16xf32>,
        %get3A_774 = vector.shape_cast %get3A_773 : vector<1x16xf32> to vector<16xf32>
        %get3A_775 = arith.index_cast %scan3A_151 : i32 to index
        %get3A_776 = arith.constant 976 : index
        %get3A_777 = tpu.vector_load %arg14[%get3A_775, %get3A_776] {strides = array<i32>} : memref<16x1024xf32, #tpu.memory_space<vmem>>, vector<1x16xf32>,
        %get3A_778 = vector.shape_cast %get3A_777 : vector<1x16xf32> to vector<16xf32>
        %mul3A_779 = arith.mulf %get3A_774, %get3A_778 : vector<16xf32>
        %add3A_780 = arith.addf %add3A_740, %mul3A_779 : vector<16xf32>
        %get3A_781 = arith.index_cast %scan3A_151 : i32 to index
        %get3A_782 = arith.constant 992 : index
        %get3A_783 = tpu.vector_load %arg12[%get3A_781, %get3A_782] {strides = array<i32>} : memref<16x1024xf32, #tpu.memory_space<vmem>>, vector<1x16xf32>,
        %get3A_784 = vector.shape_cast %get3A_783 : vector<1x16xf32> to vector<16xf32>
        %get3A_785 = arith.index_cast %scan3A_151 : i32 to index
        %get3A_786 = arith.constant 992 : index
        %get3A_787 = tpu.vector_load %arg14[%get3A_785, %get3A_786] {strides = array<i32>} : memref<16x1024xf32, #tpu.memory_space<vmem>>, vector<1x16xf32>,
        %get3A_788 = vector.shape_cast %get3A_787 : vector<1x16xf32> to vector<16xf32>
        %mul3A_789 = arith.mulf %get3A_784, %get3A_788 : vector<16xf32>
        %add3A_790 = arith.addf %add3A_750, %mul3A_789 : vector<16xf32>
        %get3A_791 = arith.index_cast %scan3A_151 : i32 to index
        %get3A_792 = arith.constant 1008 : index
        %get3A_793 = tpu.vector_load %arg12[%get3A_791, %get3A_792] {strides = array<i32>} : memref<16x1024xf32, #tpu.memory_space<vmem>>, vector<1x16xf32>,
        %get3A_794 = vector.shape_cast %get3A_793 : vector<1x16xf32> to vector<16xf32>
        %get3A_795 = arith.index_cast %scan3A_151 : i32 to index
        %get3A_796 = arith.constant 1008 : index
        %get3A_797 = tpu.vector_load %arg14[%get3A_795, %get3A_796] {strides = array<i32>} : memref<16x1024xf32, #tpu.memory_space<vmem>>, vector<1x16xf32>,
        %get3A_798 = vector.shape_cast %get3A_797 : vector<1x16xf32> to vector<16xf32>
        %mul3A_799 = arith.mulf %get3A_794, %get3A_798 : vector<16xf32>
        %add3A_800 = arith.addf %add3A_760, %mul3A_799 : vector<16xf32>
        %add3A_801 = arith.addf %add3A_770, %add3A_780 : vector<16xf32>
        %add3A_802 = arith.addf %add3A_790, %add3A_800 : vector<16xf32>
        %add3A_803 = arith.addf %add3A_801, %add3A_802 : vector<16xf32>
        %swap3A_804 = arith.constant 0 : index
        %swap3A_805 = tpu.vector_load %arg23[%swap3A_804] {strides = array<i32>} : memref<32xf32, #tpu.memory_space<vmem>>, vector<16xf32>,
        %swap3A_806 = vector.shape_cast %swap3A_805 : vector<16xf32> to vector<16xf32>
        %swap3A_807 = vector.shape_cast %add3A_803 : vector<16xf32> to vector<16xf32>
        tpu.vector_store %arg23[%swap3A_804], %swap3A_807 {strides = array<i32>} : memref<32xf32, #tpu.memory_space<vmem>>, vector<16xf32>,
        %swap3A_808 = arith.constant 16 : index
        %swap3A_809 = tpu.vector_load %arg23[%swap3A_808] {strides = array<i32>} : memref<32xf32, #tpu.memory_space<vmem>>, vector<16xf32>,
        %swap3A_810 = vector.shape_cast %swap3A_809 : vector<16xf32> to vector<16xf32>
        %swap3A_811 = vector.shape_cast %add3A_803 : vector<16xf32> to vector<16xf32>
        tpu.vector_store %arg23[%swap3A_808], %swap3A_811 {strides = array<i32>} : memref<32xf32, #tpu.memory_space<vmem>>, vector<16xf32>,
        %get3A_812 = arith.constant 0 : index
        %get3A_813 = tpu.vector_load %arg23[%get3A_812] {strides = array<i32>} : memref<32xf32, #tpu.memory_space<vmem>>, vector<16xf32>,
        %get3A_814 = vector.shape_cast %get3A_813 : vector<16xf32> to vector<16xf32>
        %get3A_815 = arith.constant 8 : index
        %get3A_816 = tpu.vector_load %arg23[%get3A_815] {strides = array<i32>} : memref<32xf32, #tpu.memory_space<vmem>>, vector<16xf32>,
        %get3A_817 = vector.shape_cast %get3A_816 : vector<16xf32> to vector<16xf32>
        %add3A_818 = arith.addf %get3A_814, %get3A_817 : vector<16xf32>
        %swap3A_819 = arith.index_cast %scan3A_151 : i32 to index
        %swap3A_820 = arith.constant 0 : index
        %swap3A_821 = tpu.vector_load %arg21[%swap3A_819, %swap3A_820] {strides = array<i32>} : memref<16x16xf32, #tpu.memory_space<vmem>>, vector<1x16xf32>,
        %swap3A_822 = vector.shape_cast %swap3A_821 : vector<1x16xf32> to vector<16xf32>
        %swap3A_823 = vector.shape_cast %add3A_818 : vector<16xf32> to vector<1x16xf32>
        tpu.vector_store %arg21[%swap3A_819, %swap3A_820], %swap3A_823 {strides = array<i32>} : memref<16x16xf32, #tpu.memory_space<vmem>>, vector<1x16xf32>,
        %scan3A_824 = arith.constant 0 : i32
        scf.yield %scan3A_824 : i32
      }
      %scan3A_96 = arith.constant 16 : i32
      %dma_wait3A_97 = arith.constant 0 : i32
      %dma_wait3A_98 = arith.constant 0 : i32
      %dma_wait3A_99 = tpu.memref_slice %arg2[%dma_wait3A_97, %dma_wait3A_98] : memref<20480x1024xf32, #tpu.memory_space<hbm>> -> memref<20480x1024xf32, #tpu.memory_space<hbm>>
      tpu.wait_indirect_dma semaphore(%arg25 : memref<!tpu.dma_semaphore, #tpu.memory_space<semaphore_mem>>) src(%dma_wait3A_99 : memref<20480x1024xf32, #tpu.memory_space<hbm>>) dst(%arg13 : memref<16x1024xf32, #tpu.memory_space<vmem>>)
      %dma_wait3A_100 = arith.constant 0 : i32
      %dma_wait3A_101 = arith.constant 0 : i32
      %dma_wait3A_102 = tpu.memref_slice %arg3[%dma_wait3A_100, %dma_wait3A_101] : memref<20480x1024xf32, #tpu.memory_space<hbm>> -> memref<20480x1024xf32, #tpu.memory_space<hbm>>
      tpu.wait_indirect_dma semaphore(%arg25 : memref<!tpu.dma_semaphore, #tpu.memory_space<semaphore_mem>>) src(%dma_wait3A_102 : memref<20480x1024xf32, #tpu.memory_space<hbm>>) dst(%arg15 : memref<16x1024xf32, #tpu.memory_space<vmem>>)
      %add3A_103 = arith.constant 1 : i32
      %add3A_104 = arith.addi %scan3A_51, %add3A_103 : i32
      %min3A = arith.constant 319 : i32
      %min3A_105 = arith.minsi %add3A_104, %min3A : i32
      %broadcast_in_dim3A_106 = arith.constant 0 : i32
      %broadcast_in_dim3A_107 = vector.broadcast %broadcast_in_dim3A_106 : i32 to vector<16xi32>
      %mul3A_108 = arith.constant 16 : i32
      %mul3A_109 = arith.muli %min3A_105, %mul3A_108 : i32
      %get3A_110 = arith.index_cast %mul3A_109 : i32 to index
      %get3A_111 = tpu.vector_load %arg11[%get3A_110] {strides = array<i32>} : memref<5120xi32, #tpu.memory_space<vmem>>, vector<16xi32>,
      %get3A_112 = vector.shape_cast %get3A_111 : vector<16xi32> to vector<16xi32>
      %add3A_113 = arith.addi %get3A_112, %broadcast_in_dim3A_107 : vector<16xi32>
      %swap3A_114 = arith.constant 0 : index
      %swap3A_115 = tpu.vector_load %arg16[%swap3A_114] {strides = array<i32>} : memref<16xi32, #tpu.memory_space<vmem>>, vector<16xi32>,
      %swap3A_116 = vector.shape_cast %swap3A_115 : vector<16xi32> to vector<16xi32>
      %swap3A_117 = vector.shape_cast %add3A_113 : vector<16xi32> to vector<16xi32>
      tpu.vector_store %arg16[%swap3A_114], %swap3A_117 {strides = array<i32>} : memref<16xi32, #tpu.memory_space<vmem>>, vector<16xi32>,
      %mul3A_118 = arith.constant 16 : i32
      %mul3A_119 = arith.muli %min3A_105, %mul3A_118 : i32
      %get3A_120 = arith.index_cast %mul3A_119 : i32 to index
      %get3A_121 = tpu.vector_load %arg10[%get3A_120] {strides = array<i32>} : memref<5120xi32, #tpu.memory_space<vmem>>, vector<16xi32>,
      %get3A_122 = vector.shape_cast %get3A_121 : vector<16xi32> to vector<16xi32>
      %add3A_123 = arith.addi %get3A_122, %broadcast_in_dim3A_107 : vector<16xi32>
      %swap3A_124 = arith.constant 0 : index
      %swap3A_125 = tpu.vector_load %arg18[%swap3A_124] {strides = array<i32>} : memref<16xi32, #tpu.memory_space<vmem>>, vector<16xi32>,
      %swap3A_126 = vector.shape_cast %swap3A_125 : vector<16xi32> to vector<16xi32>
      %swap3A_127 = vector.shape_cast %add3A_123 : vector<16xi32> to vector<16xi32>
      tpu.vector_store %arg18[%swap3A_124], %swap3A_127 {strides = array<i32>} : memref<16xi32, #tpu.memory_space<vmem>>, vector<16xi32>,
      %dma_start3A_128 = arith.constant 0 : i32
      %dma_start3A_129 = arith.constant 0 : i32
      %dma_start3A_130 = tpu.memref_slice %arg2[%dma_start3A_128, %dma_start3A_129] : memref<20480x1024xf32, #tpu.memory_space<hbm>> -> memref<20480x1024xf32, #tpu.memory_space<hbm>>
      tpu.enqueue_indirect_dma source(%dma_start3A_130 : memref<20480x1024xf32, #tpu.memory_space<hbm>>) target(%arg12 : memref<16x1024xf32, #tpu.memory_space<vmem>>) offsets(%arg16 : memref<16xi32, #tpu.memory_space<vmem>>) semaphore(%arg24 : memref<!tpu.dma_semaphore, #tpu.memory_space<semaphore_mem>>)
      %dma_start3A_131 = arith.constant 0 : i32
      %dma_start3A_132 = arith.constant 0 : i32
      %dma_start3A_133 = tpu.memref_slice %arg3[%dma_start3A_131, %dma_start3A_132] : memref<20480x1024xf32, #tpu.memory_space<hbm>> -> memref<20480x1024xf32, #tpu.memory_space<hbm>>
      tpu.enqueue_indirect_dma source(%dma_start3A_133 : memref<20480x1024xf32, #tpu.memory_space<hbm>>) target(%arg14 : memref<16x1024xf32, #tpu.memory_space<vmem>>) offsets(%arg18 : memref<16xi32, #tpu.memory_space<vmem>>) semaphore(%arg24 : memref<!tpu.dma_semaphore, #tpu.memory_space<semaphore_mem>>)
      %scan3A_134 = arith.constant 0 : i32
      %scan3A_135 = arith.constant 0 : i32
      %scan3A_136 = arith.constant 16 : i32
      %scan3A_137 = arith.addi %scan3A_135, %scan3A_136 : i32
      %scan3A_138 = arith.constant 1 : i32
      %scan3A_139 = scf.for %scan3A_151 = %scan3A_135 to %scan3A_137 step %scan3A_138 iter_args(%scan3A_152 = %scan3A_134) -> (i32)  : i32 {
        %get3A_153 = arith.index_cast %scan3A_151 : i32 to index
        %get3A_154 = arith.constant 0 : index
        %get3A_155 = tpu.vector_load %arg21[%get3A_153, %get3A_154] {strides = array<i32>} : memref<16x16xf32, #tpu.memory_space<vmem>>, vector<1x16xf32>,
        %get3A_156 = vector.shape_cast %get3A_155 : vector<1x16xf32> to vector<16xf32>
        %broadcast_in_dim3A_157 = arith.constant 0.000000e+00 : f32
        %broadcast_in_dim3A_158 = vector.broadcast %broadcast_in_dim3A_157 : f32 to vector<16xf32>
        %broadcast_in_dim3A_159 = arith.constant 0.000000e+00 : f32
        %broadcast_in_dim3A_160 = vector.broadcast %broadcast_in_dim3A_159 : f32 to vector<16xf32>
        %broadcast_in_dim3A_161 = arith.constant 0.000000e+00 : f32
        %broadcast_in_dim3A_162 = vector.broadcast %broadcast_in_dim3A_161 : f32 to vector<16xf32>
        %broadcast_in_dim3A_163 = arith.constant 0.000000e+00 : f32
        %broadcast_in_dim3A_164 = vector.broadcast %broadcast_in_dim3A_163 : f32 to vector<16xf32>
        %get3A_165 = arith.index_cast %scan3A_151 : i32 to index
        %get3A_166 = arith.constant 0 : index
        %get3A_167 = tpu.vector_load %arg13[%get3A_165, %get3A_166] {strides = array<i32>} : memref<16x1024xf32, #tpu.memory_space<vmem>>, vector<1x16xf32>,
        %get3A_168 = vector.shape_cast %get3A_167 : vector<1x16xf32> to vector<16xf32>
        %get3A_169 = arith.index_cast %scan3A_151 : i32 to index
        %get3A_170 = arith.constant 0 : index
        %get3A_171 = tpu.vector_load %arg15[%get3A_169, %get3A_170] {strides = array<i32>} : memref<16x1024xf32, #tpu.memory_space<vmem>>, vector<1x16xf32>,
        %get3A_172 = vector.shape_cast %get3A_171 : vector<1x16xf32> to vector<16xf32>
        %mul3A_173 = arith.mulf %get3A_168, %get3A_172 : vector<16xf32>
        %add3A_174 = arith.addf %broadcast_in_dim3A_158, %mul3A_173 : vector<16xf32>
        %get3A_175 = arith.index_cast %scan3A_151 : i32 to index
        %get3A_176 = arith.constant 16 : index
        %get3A_177 = tpu.vector_load %arg13[%get3A_175, %get3A_176] {strides = array<i32>} : memref<16x1024xf32, #tpu.memory_space<vmem>>, vector<1x16xf32>,
        %get3A_178 = vector.shape_cast %get3A_177 : vector<1x16xf32> to vector<16xf32>
        %get3A_179 = arith.index_cast %scan3A_151 : i32 to index
        %get3A_180 = arith.constant 16 : index
        %get3A_181 = tpu.vector_load %arg15[%get3A_179, %get3A_180] {strides = array<i32>} : memref<16x1024xf32, #tpu.memory_space<vmem>>, vector<1x16xf32>,
        %get3A_182 = vector.shape_cast %get3A_181 : vector<1x16xf32> to vector<16xf32>
        %mul3A_183 = arith.mulf %get3A_178, %get3A_182 : vector<16xf32>
        %add3A_184 = arith.addf %broadcast_in_dim3A_160, %mul3A_183 : vector<16xf32>
        %get3A_185 = arith.index_cast %scan3A_151 : i32 to index
        %get3A_186 = arith.constant 32 : index
        %get3A_187 = tpu.vector_load %arg13[%get3A_185, %get3A_186] {strides = array<i32>} : memref<16x1024xf32, #tpu.memory_space<vmem>>, vector<1x16xf32>,
        %get3A_188 = vector.shape_cast %get3A_187 : vector<1x16xf32> to vector<16xf32>
        %get3A_189 = arith.index_cast %scan3A_151 : i32 to index
        %get3A_190 = arith.constant 32 : index
        %get3A_191 = tpu.vector_load %arg15[%get3A_189, %get3A_190] {strides = array<i32>} : memref<16x1024xf32, #tpu.memory_space<vmem>>, vector<1x16xf32>,
        %get3A_192 = vector.shape_cast %get3A_191 : vector<1x16xf32> to vector<16xf32>
        %mul3A_193 = arith.mulf %get3A_188, %get3A_192 : vector<16xf32>
        %add3A_194 = arith.addf %broadcast_in_dim3A_162, %mul3A_193 : vector<16xf32>
        %get3A_195 = arith.index_cast %scan3A_151 : i32 to index
        %get3A_196 = arith.constant 48 : index
        %get3A_197 = tpu.vector_load %arg13[%get3A_195, %get3A_196] {strides = array<i32>} : memref<16x1024xf32, #tpu.memory_space<vmem>>, vector<1x16xf32>,
        %get3A_198 = vector.shape_cast %get3A_197 : vector<1x16xf32> to vector<16xf32>
        %get3A_199 = arith.index_cast %scan3A_151 : i32 to index
        %get3A_200 = arith.constant 48 : index
        %get3A_201 = tpu.vector_load %arg15[%get3A_199, %get3A_200] {strides = array<i32>} : memref<16x1024xf32, #tpu.memory_space<vmem>>, vector<1x16xf32>,
        %get3A_202 = vector.shape_cast %get3A_201 : vector<1x16xf32> to vector<16xf32>
        %mul3A_203 = arith.mulf %get3A_198, %get3A_202 : vector<16xf32>
        %add3A_204 = arith.addf %broadcast_in_dim3A_164, %mul3A_203 : vector<16xf32>
        %get3A_205 = arith.index_cast %scan3A_151 : i32 to index
        %get3A_206 = arith.constant 64 : index
        %get3A_207 = tpu.vector_load %arg13[%get3A_205, %get3A_206] {strides = array<i32>} : memref<16x1024xf32, #tpu.memory_space<vmem>>, vector<1x16xf32>,
        %get3A_208 = vector.shape_cast %get3A_207 : vector<1x16xf32> to vector<16xf32>
        %get3A_209 = arith.index_cast %scan3A_151 : i32 to index
        %get3A_210 = arith.constant 64 : index
        %get3A_211 = tpu.vector_load %arg15[%get3A_209, %get3A_210] {strides = array<i32>} : memref<16x1024xf32, #tpu.memory_space<vmem>>, vector<1x16xf32>,
        %get3A_212 = vector.shape_cast %get3A_211 : vector<1x16xf32> to vector<16xf32>
        %mul3A_213 = arith.mulf %get3A_208, %get3A_212 : vector<16xf32>
        %add3A_214 = arith.addf %add3A_174, %mul3A_213 : vector<16xf32>
        %get3A_215 = arith.index_cast %scan3A_151 : i32 to index
        %get3A_216 = arith.constant 80 : index
        %get3A_217 = tpu.vector_load %arg13[%get3A_215, %get3A_216] {strides = array<i32>} : memref<16x1024xf32, #tpu.memory_space<vmem>>, vector<1x16xf32>,
        %get3A_218 = vector.shape_cast %get3A_217 : vector<1x16xf32> to vector<16xf32>
        %get3A_219 = arith.index_cast %scan3A_151 : i32 to index
        %get3A_220 = arith.constant 80 : index
        %get3A_221 = tpu.vector_load %arg15[%get3A_219, %get3A_220] {strides = array<i32>} : memref<16x1024xf32, #tpu.memory_space<vmem>>, vector<1x16xf32>,
        %get3A_222 = vector.shape_cast %get3A_221 : vector<1x16xf32> to vector<16xf32>
        %mul3A_223 = arith.mulf %get3A_218, %get3A_222 : vector<16xf32>
        %add3A_224 = arith.addf %add3A_184, %mul3A_223 : vector<16xf32>
        %get3A_225 = arith.index_cast %scan3A_151 : i32 to index
        %get3A_226 = arith.constant 96 : index
        %get3A_227 = tpu.vector_load %arg13[%get3A_225, %get3A_226] {strides = array<i32>} : memref<16x1024xf32, #tpu.memory_space<vmem>>, vector<1x16xf32>,
        %get3A_228 = vector.shape_cast %get3A_227 : vector<1x16xf32> to vector<16xf32>
        %get3A_229 = arith.index_cast %scan3A_151 : i32 to index
        %get3A_230 = arith.constant 96 : index
        %get3A_231 = tpu.vector_load %arg15[%get3A_229, %get3A_230] {strides = array<i32>} : memref<16x1024xf32, #tpu.memory_space<vmem>>, vector<1x16xf32>,
        %get3A_232 = vector.shape_cast %get3A_231 : vector<1x16xf32> to vector<16xf32>
        %mul3A_233 = arith.mulf %get3A_228, %get3A_232 : vector<16xf32>
        %add3A_234 = arith.addf %add3A_194, %mul3A_233 : vector<16xf32>
        %get3A_235 = arith.index_cast %scan3A_151 : i32 to index
        %get3A_236 = arith.constant 112 : index
        %get3A_237 = tpu.vector_load %arg13[%get3A_235, %get3A_236] {strides = array<i32>} : memref<16x1024xf32, #tpu.memory_space<vmem>>, vector<1x16xf32>,
        %get3A_238 = vector.shape_cast %get3A_237 : vector<1x16xf32> to vector<16xf32>
        %get3A_239 = arith.index_cast %scan3A_151 : i32 to index
        %get3A_240 = arith.constant 112 : index
        %get3A_241 = tpu.vector_load %arg15[%get3A_239, %get3A_240] {strides = array<i32>} : memref<16x1024xf32, #tpu.memory_space<vmem>>, vector<1x16xf32>,
        %get3A_242 = vector.shape_cast %get3A_241 : vector<1x16xf32> to vector<16xf32>
        %mul3A_243 = arith.mulf %get3A_238, %get3A_242 : vector<16xf32>
        %add3A_244 = arith.addf %add3A_204, %mul3A_243 : vector<16xf32>
        %get3A_245 = arith.index_cast %scan3A_151 : i32 to index
        %get3A_246 = arith.constant 128 : index
        %get3A_247 = tpu.vector_load %arg13[%get3A_245, %get3A_246] {strides = array<i32>} : memref<16x1024xf32, #tpu.memory_space<vmem>>, vector<1x16xf32>,
        %get3A_248 = vector.shape_cast %get3A_247 : vector<1x16xf32> to vector<16xf32>
        %get3A_249 = arith.index_cast %scan3A_151 : i32 to index
        %get3A_250 = arith.constant 128 : index
        %get3A_251 = tpu.vector_load %arg15[%get3A_249, %get3A_250] {strides = array<i32>} : memref<16x1024xf32, #tpu.memory_space<vmem>>, vector<1x16xf32>,
        %get3A_252 = vector.shape_cast %get3A_251 : vector<1x16xf32> to vector<16xf32>
        %mul3A_253 = arith.mulf %get3A_248, %get3A_252 : vector<16xf32>
        %add3A_254 = arith.addf %add3A_214, %mul3A_253 : vector<16xf32>
        %get3A_255 = arith.index_cast %scan3A_151 : i32 to index
        %get3A_256 = arith.constant 144 : index
        %get3A_257 = tpu.vector_load %arg13[%get3A_255, %get3A_256] {strides = array<i32>} : memref<16x1024xf32, #tpu.memory_space<vmem>>, vector<1x16xf32>,
        %get3A_258 = vector.shape_cast %get3A_257 : vector<1x16xf32> to vector<16xf32>
        %get3A_259 = arith.index_cast %scan3A_151 : i32 to index
        %get3A_260 = arith.constant 144 : index
        %get3A_261 = tpu.vector_load %arg15[%get3A_259, %get3A_260] {strides = array<i32>} : memref<16x1024xf32, #tpu.memory_space<vmem>>, vector<1x16xf32>,
        %get3A_262 = vector.shape_cast %get3A_261 : vector<1x16xf32> to vector<16xf32>
        %mul3A_263 = arith.mulf %get3A_258, %get3A_262 : vector<16xf32>
        %add3A_264 = arith.addf %add3A_224, %mul3A_263 : vector<16xf32>
        %get3A_265 = arith.index_cast %scan3A_151 : i32 to index
        %get3A_266 = arith.constant 160 : index
        %get3A_267 = tpu.vector_load %arg13[%get3A_265, %get3A_266] {strides = array<i32>} : memref<16x1024xf32, #tpu.memory_space<vmem>>, vector<1x16xf32>,
        %get3A_268 = vector.shape_cast %get3A_267 : vector<1x16xf32> to vector<16xf32>
        %get3A_269 = arith.index_cast %scan3A_151 : i32 to index
        %get3A_270 = arith.constant 160 : index
        %get3A_271 = tpu.vector_load %arg15[%get3A_269, %get3A_270] {strides = array<i32>} : memref<16x1024xf32, #tpu.memory_space<vmem>>, vector<1x16xf32>,
        %get3A_272 = vector.shape_cast %get3A_271 : vector<1x16xf32> to vector<16xf32>
        %mul3A_273 = arith.mulf %get3A_268, %get3A_272 : vector<16xf32>
        %add3A_274 = arith.addf %add3A_234, %mul3A_273 : vector<16xf32>
        %get3A_275 = arith.index_cast %scan3A_151 : i32 to index
        %get3A_276 = arith.constant 176 : index
        %get3A_277 = tpu.vector_load %arg13[%get3A_275, %get3A_276] {strides = array<i32>} : memref<16x1024xf32, #tpu.memory_space<vmem>>, vector<1x16xf32>,
        %get3A_278 = vector.shape_cast %get3A_277 : vector<1x16xf32> to vector<16xf32>
        %get3A_279 = arith.index_cast %scan3A_151 : i32 to index
        %get3A_280 = arith.constant 176 : index
        %get3A_281 = tpu.vector_load %arg15[%get3A_279, %get3A_280] {strides = array<i32>} : memref<16x1024xf32, #tpu.memory_space<vmem>>, vector<1x16xf32>,
        %get3A_282 = vector.shape_cast %get3A_281 : vector<1x16xf32> to vector<16xf32>
        %mul3A_283 = arith.mulf %get3A_278, %get3A_282 : vector<16xf32>
        %add3A_284 = arith.addf %add3A_244, %mul3A_283 : vector<16xf32>
        %get3A_285 = arith.index_cast %scan3A_151 : i32 to index
        %get3A_286 = arith.constant 192 : index
        %get3A_287 = tpu.vector_load %arg13[%get3A_285, %get3A_286] {strides = array<i32>} : memref<16x1024xf32, #tpu.memory_space<vmem>>, vector<1x16xf32>,
        %get3A_288 = vector.shape_cast %get3A_287 : vector<1x16xf32> to vector<16xf32>
        %get3A_289 = arith.index_cast %scan3A_151 : i32 to index
        %get3A_290 = arith.constant 192 : index
        %get3A_291 = tpu.vector_load %arg15[%get3A_289, %get3A_290] {strides = array<i32>} : memref<16x1024xf32, #tpu.memory_space<vmem>>, vector<1x16xf32>,
        %get3A_292 = vector.shape_cast %get3A_291 : vector<1x16xf32> to vector<16xf32>
        %mul3A_293 = arith.mulf %get3A_288, %get3A_292 : vector<16xf32>
        %add3A_294 = arith.addf %add3A_254, %mul3A_293 : vector<16xf32>
        %get3A_295 = arith.index_cast %scan3A_151 : i32 to index
        %get3A_296 = arith.constant 208 : index
        %get3A_297 = tpu.vector_load %arg13[%get3A_295, %get3A_296] {strides = array<i32>} : memref<16x1024xf32, #tpu.memory_space<vmem>>, vector<1x16xf32>,
        %get3A_298 = vector.shape_cast %get3A_297 : vector<1x16xf32> to vector<16xf32>
        %get3A_299 = arith.index_cast %scan3A_151 : i32 to index
        %get3A_300 = arith.constant 208 : index
        %get3A_301 = tpu.vector_load %arg15[%get3A_299, %get3A_300] {strides = array<i32>} : memref<16x1024xf32, #tpu.memory_space<vmem>>, vector<1x16xf32>,
        %get3A_302 = vector.shape_cast %get3A_301 : vector<1x16xf32> to vector<16xf32>
        %mul3A_303 = arith.mulf %get3A_298, %get3A_302 : vector<16xf32>
        %add3A_304 = arith.addf %add3A_264, %mul3A_303 : vector<16xf32>
        %get3A_305 = arith.index_cast %scan3A_151 : i32 to index
        %get3A_306 = arith.constant 224 : index
        %get3A_307 = tpu.vector_load %arg13[%get3A_305, %get3A_306] {strides = array<i32>} : memref<16x1024xf32, #tpu.memory_space<vmem>>, vector<1x16xf32>,
        %get3A_308 = vector.shape_cast %get3A_307 : vector<1x16xf32> to vector<16xf32>
        %get3A_309 = arith.index_cast %scan3A_151 : i32 to index
        %get3A_310 = arith.constant 224 : index
        %get3A_311 = tpu.vector_load %arg15[%get3A_309, %get3A_310] {strides = array<i32>} : memref<16x1024xf32, #tpu.memory_space<vmem>>, vector<1x16xf32>,
        %get3A_312 = vector.shape_cast %get3A_311 : vector<1x16xf32> to vector<16xf32>
        %mul3A_313 = arith.mulf %get3A_308, %get3A_312 : vector<16xf32>
        %add3A_314 = arith.addf %add3A_274, %mul3A_313 : vector<16xf32>
        %get3A_315 = arith.index_cast %scan3A_151 : i32 to index
        %get3A_316 = arith.constant 240 : index
        %get3A_317 = tpu.vector_load %arg13[%get3A_315, %get3A_316] {strides = array<i32>} : memref<16x1024xf32, #tpu.memory_space<vmem>>, vector<1x16xf32>,
        %get3A_318 = vector.shape_cast %get3A_317 : vector<1x16xf32> to vector<16xf32>
        %get3A_319 = arith.index_cast %scan3A_151 : i32 to index
        %get3A_320 = arith.constant 240 : index
        %get3A_321 = tpu.vector_load %arg15[%get3A_319, %get3A_320] {strides = array<i32>} : memref<16x1024xf32, #tpu.memory_space<vmem>>, vector<1x16xf32>,
        %get3A_322 = vector.shape_cast %get3A_321 : vector<1x16xf32> to vector<16xf32>
        %mul3A_323 = arith.mulf %get3A_318, %get3A_322 : vector<16xf32>
        %add3A_324 = arith.addf %add3A_284, %mul3A_323 : vector<16xf32>
        %get3A_325 = arith.index_cast %scan3A_151 : i32 to index
        %get3A_326 = arith.constant 256 : index
        %get3A_327 = tpu.vector_load %arg13[%get3A_325, %get3A_326] {strides = array<i32>} : memref<16x1024xf32, #tpu.memory_space<vmem>>, vector<1x16xf32>,
        %get3A_328 = vector.shape_cast %get3A_327 : vector<1x16xf32> to vector<16xf32>
        %get3A_329 = arith.index_cast %scan3A_151 : i32 to index
        %get3A_330 = arith.constant 256 : index
        %get3A_331 = tpu.vector_load %arg15[%get3A_329, %get3A_330] {strides = array<i32>} : memref<16x1024xf32, #tpu.memory_space<vmem>>, vector<1x16xf32>,
        %get3A_332 = vector.shape_cast %get3A_331 : vector<1x16xf32> to vector<16xf32>
        %mul3A_333 = arith.mulf %get3A_328, %get3A_332 : vector<16xf32>
        %add3A_334 = arith.addf %add3A_294, %mul3A_333 : vector<16xf32>
        %get3A_335 = arith.index_cast %scan3A_151 : i32 to index
        %get3A_336 = arith.constant 272 : index
        %get3A_337 = tpu.vector_load %arg13[%get3A_335, %get3A_336] {strides = array<i32>} : memref<16x1024xf32, #tpu.memory_space<vmem>>, vector<1x16xf32>,
        %get3A_338 = vector.shape_cast %get3A_337 : vector<1x16xf32> to vector<16xf32>
        %get3A_339 = arith.index_cast %scan3A_151 : i32 to index
        %get3A_340 = arith.constant 272 : index
        %get3A_341 = tpu.vector_load %arg15[%get3A_339, %get3A_340] {strides = array<i32>} : memref<16x1024xf32, #tpu.memory_space<vmem>>, vector<1x16xf32>,
        %get3A_342 = vector.shape_cast %get3A_341 : vector<1x16xf32> to vector<16xf32>
        %mul3A_343 = arith.mulf %get3A_338, %get3A_342 : vector<16xf32>
        %add3A_344 = arith.addf %add3A_304, %mul3A_343 : vector<16xf32>
        %get3A_345 = arith.index_cast %scan3A_151 : i32 to index
        %get3A_346 = arith.constant 288 : index
        %get3A_347 = tpu.vector_load %arg13[%get3A_345, %get3A_346] {strides = array<i32>} : memref<16x1024xf32, #tpu.memory_space<vmem>>, vector<1x16xf32>,
        %get3A_348 = vector.shape_cast %get3A_347 : vector<1x16xf32> to vector<16xf32>
        %get3A_349 = arith.index_cast %scan3A_151 : i32 to index
        %get3A_350 = arith.constant 288 : index
        %get3A_351 = tpu.vector_load %arg15[%get3A_349, %get3A_350] {strides = array<i32>} : memref<16x1024xf32, #tpu.memory_space<vmem>>, vector<1x16xf32>,
        %get3A_352 = vector.shape_cast %get3A_351 : vector<1x16xf32> to vector<16xf32>
        %mul3A_353 = arith.mulf %get3A_348, %get3A_352 : vector<16xf32>
        %add3A_354 = arith.addf %add3A_314, %mul3A_353 : vector<16xf32>
        %get3A_355 = arith.index_cast %scan3A_151 : i32 to index
        %get3A_356 = arith.constant 304 : index
        %get3A_357 = tpu.vector_load %arg13[%get3A_355, %get3A_356] {strides = array<i32>} : memref<16x1024xf32, #tpu.memory_space<vmem>>, vector<1x16xf32>,
        %get3A_358 = vector.shape_cast %get3A_357 : vector<1x16xf32> to vector<16xf32>
        %get3A_359 = arith.index_cast %scan3A_151 : i32 to index
        %get3A_360 = arith.constant 304 : index
        %get3A_361 = tpu.vector_load %arg15[%get3A_359, %get3A_360] {strides = array<i32>} : memref<16x1024xf32, #tpu.memory_space<vmem>>, vector<1x16xf32>,
        %get3A_362 = vector.shape_cast %get3A_361 : vector<1x16xf32> to vector<16xf32>
        %mul3A_363 = arith.mulf %get3A_358, %get3A_362 : vector<16xf32>
        %add3A_364 = arith.addf %add3A_324, %mul3A_363 : vector<16xf32>
        %get3A_365 = arith.index_cast %scan3A_151 : i32 to index
        %get3A_366 = arith.constant 320 : index
        %get3A_367 = tpu.vector_load %arg13[%get3A_365, %get3A_366] {strides = array<i32>} : memref<16x1024xf32, #tpu.memory_space<vmem>>, vector<1x16xf32>,
        %get3A_368 = vector.shape_cast %get3A_367 : vector<1x16xf32> to vector<16xf32>
        %get3A_369 = arith.index_cast %scan3A_151 : i32 to index
        %get3A_370 = arith.constant 320 : index
        %get3A_371 = tpu.vector_load %arg15[%get3A_369, %get3A_370] {strides = array<i32>} : memref<16x1024xf32, #tpu.memory_space<vmem>>, vector<1x16xf32>,
        %get3A_372 = vector.shape_cast %get3A_371 : vector<1x16xf32> to vector<16xf32>
        %mul3A_373 = arith.mulf %get3A_368, %get3A_372 : vector<16xf32>
        %add3A_374 = arith.addf %add3A_334, %mul3A_373 : vector<16xf32>
        %get3A_375 = arith.index_cast %scan3A_151 : i32 to index
        %get3A_376 = arith.constant 336 : index
        %get3A_377 = tpu.vector_load %arg13[%get3A_375, %get3A_376] {strides = array<i32>} : memref<16x1024xf32, #tpu.memory_space<vmem>>, vector<1x16xf32>,
        %get3A_378 = vector.shape_cast %get3A_377 : vector<1x16xf32> to vector<16xf32>
        %get3A_379 = arith.index_cast %scan3A_151 : i32 to index
        %get3A_380 = arith.constant 336 : index
        %get3A_381 = tpu.vector_load %arg15[%get3A_379, %get3A_380] {strides = array<i32>} : memref<16x1024xf32, #tpu.memory_space<vmem>>, vector<1x16xf32>,
        %get3A_382 = vector.shape_cast %get3A_381 : vector<1x16xf32> to vector<16xf32>
        %mul3A_383 = arith.mulf %get3A_378, %get3A_382 : vector<16xf32>
        %add3A_384 = arith.addf %add3A_344, %mul3A_383 : vector<16xf32>
        %get3A_385 = arith.index_cast %scan3A_151 : i32 to index
        %get3A_386 = arith.constant 352 : index
        %get3A_387 = tpu.vector_load %arg13[%get3A_385, %get3A_386] {strides = array<i32>} : memref<16x1024xf32, #tpu.memory_space<vmem>>, vector<1x16xf32>,
        %get3A_388 = vector.shape_cast %get3A_387 : vector<1x16xf32> to vector<16xf32>
        %get3A_389 = arith.index_cast %scan3A_151 : i32 to index
        %get3A_390 = arith.constant 352 : index
        %get3A_391 = tpu.vector_load %arg15[%get3A_389, %get3A_390] {strides = array<i32>} : memref<16x1024xf32, #tpu.memory_space<vmem>>, vector<1x16xf32>,
        %get3A_392 = vector.shape_cast %get3A_391 : vector<1x16xf32> to vector<16xf32>
        %mul3A_393 = arith.mulf %get3A_388, %get3A_392 : vector<16xf32>
        %add3A_394 = arith.addf %add3A_354, %mul3A_393 : vector<16xf32>
        %get3A_395 = arith.index_cast %scan3A_151 : i32 to index
        %get3A_396 = arith.constant 368 : index
        %get3A_397 = tpu.vector_load %arg13[%get3A_395, %get3A_396] {strides = array<i32>} : memref<16x1024xf32, #tpu.memory_space<vmem>>, vector<1x16xf32>,
        %get3A_398 = vector.shape_cast %get3A_397 : vector<1x16xf32> to vector<16xf32>
        %get3A_399 = arith.index_cast %scan3A_151 : i32 to index
        %get3A_400 = arith.constant 368 : index
        %get3A_401 = tpu.vector_load %arg15[%get3A_399, %get3A_400] {strides = array<i32>} : memref<16x1024xf32, #tpu.memory_space<vmem>>, vector<1x16xf32>,
        %get3A_402 = vector.shape_cast %get3A_401 : vector<1x16xf32> to vector<16xf32>
        %mul3A_403 = arith.mulf %get3A_398, %get3A_402 : vector<16xf32>
        %add3A_404 = arith.addf %add3A_364, %mul3A_403 : vector<16xf32>
        %get3A_405 = arith.index_cast %scan3A_151 : i32 to index
        %get3A_406 = arith.constant 384 : index
        %get3A_407 = tpu.vector_load %arg13[%get3A_405, %get3A_406] {strides = array<i32>} : memref<16x1024xf32, #tpu.memory_space<vmem>>, vector<1x16xf32>,
        %get3A_408 = vector.shape_cast %get3A_407 : vector<1x16xf32> to vector<16xf32>
        %get3A_409 = arith.index_cast %scan3A_151 : i32 to index
        %get3A_410 = arith.constant 384 : index
        %get3A_411 = tpu.vector_load %arg15[%get3A_409, %get3A_410] {strides = array<i32>} : memref<16x1024xf32, #tpu.memory_space<vmem>>, vector<1x16xf32>,
        %get3A_412 = vector.shape_cast %get3A_411 : vector<1x16xf32> to vector<16xf32>
        %mul3A_413 = arith.mulf %get3A_408, %get3A_412 : vector<16xf32>
        %add3A_414 = arith.addf %add3A_374, %mul3A_413 : vector<16xf32>
        %get3A_415 = arith.index_cast %scan3A_151 : i32 to index
        %get3A_416 = arith.constant 400 : index
        %get3A_417 = tpu.vector_load %arg13[%get3A_415, %get3A_416] {strides = array<i32>} : memref<16x1024xf32, #tpu.memory_space<vmem>>, vector<1x16xf32>,
        %get3A_418 = vector.shape_cast %get3A_417 : vector<1x16xf32> to vector<16xf32>
        %get3A_419 = arith.index_cast %scan3A_151 : i32 to index
        %get3A_420 = arith.constant 400 : index
        %get3A_421 = tpu.vector_load %arg15[%get3A_419, %get3A_420] {strides = array<i32>} : memref<16x1024xf32, #tpu.memory_space<vmem>>, vector<1x16xf32>,
        %get3A_422 = vector.shape_cast %get3A_421 : vector<1x16xf32> to vector<16xf32>
        %mul3A_423 = arith.mulf %get3A_418, %get3A_422 : vector<16xf32>
        %add3A_424 = arith.addf %add3A_384, %mul3A_423 : vector<16xf32>
        %get3A_425 = arith.index_cast %scan3A_151 : i32 to index
        %get3A_426 = arith.constant 416 : index
        %get3A_427 = tpu.vector_load %arg13[%get3A_425, %get3A_426] {strides = array<i32>} : memref<16x1024xf32, #tpu.memory_space<vmem>>, vector<1x16xf32>,
        %get3A_428 = vector.shape_cast %get3A_427 : vector<1x16xf32> to vector<16xf32>
        %get3A_429 = arith.index_cast %scan3A_151 : i32 to index
        %get3A_430 = arith.constant 416 : index
        %get3A_431 = tpu.vector_load %arg15[%get3A_429, %get3A_430] {strides = array<i32>} : memref<16x1024xf32, #tpu.memory_space<vmem>>, vector<1x16xf32>,
        %get3A_432 = vector.shape_cast %get3A_431 : vector<1x16xf32> to vector<16xf32>
        %mul3A_433 = arith.mulf %get3A_428, %get3A_432 : vector<16xf32>
        %add3A_434 = arith.addf %add3A_394, %mul3A_433 : vector<16xf32>
        %get3A_435 = arith.index_cast %scan3A_151 : i32 to index
        %get3A_436 = arith.constant 432 : index
        %get3A_437 = tpu.vector_load %arg13[%get3A_435, %get3A_436] {strides = array<i32>} : memref<16x1024xf32, #tpu.memory_space<vmem>>, vector<1x16xf32>,
        %get3A_438 = vector.shape_cast %get3A_437 : vector<1x16xf32> to vector<16xf32>
        %get3A_439 = arith.index_cast %scan3A_151 : i32 to index
        %get3A_440 = arith.constant 432 : index
        %get3A_441 = tpu.vector_load %arg15[%get3A_439, %get3A_440] {strides = array<i32>} : memref<16x1024xf32, #tpu.memory_space<vmem>>, vector<1x16xf32>,
        %get3A_442 = vector.shape_cast %get3A_441 : vector<1x16xf32> to vector<16xf32>
        %mul3A_443 = arith.mulf %get3A_438, %get3A_442 : vector<16xf32>
        %add3A_444 = arith.addf %add3A_404, %mul3A_443 : vector<16xf32>
        %get3A_445 = arith.index_cast %scan3A_151 : i32 to index
        %get3A_446 = arith.constant 448 : index
        %get3A_447 = tpu.vector_load %arg13[%get3A_445, %get3A_446] {strides = array<i32>} : memref<16x1024xf32, #tpu.memory_space<vmem>>, vector<1x16xf32>,
        %get3A_448 = vector.shape_cast %get3A_447 : vector<1x16xf32> to vector<16xf32>
        %get3A_449 = arith.index_cast %scan3A_151 : i32 to index
        %get3A_450 = arith.constant 448 : index
        %get3A_451 = tpu.vector_load %arg15[%get3A_449, %get3A_450] {strides = array<i32>} : memref<16x1024xf32, #tpu.memory_space<vmem>>, vector<1x16xf32>,
        %get3A_452 = vector.shape_cast %get3A_451 : vector<1x16xf32> to vector<16xf32>
        %mul3A_453 = arith.mulf %get3A_448, %get3A_452 : vector<16xf32>
        %add3A_454 = arith.addf %add3A_414, %mul3A_453 : vector<16xf32>
        %get3A_455 = arith.index_cast %scan3A_151 : i32 to index
        %get3A_456 = arith.constant 464 : index
        %get3A_457 = tpu.vector_load %arg13[%get3A_455, %get3A_456] {strides = array<i32>} : memref<16x1024xf32, #tpu.memory_space<vmem>>, vector<1x16xf32>,
        %get3A_458 = vector.shape_cast %get3A_457 : vector<1x16xf32> to vector<16xf32>
        %get3A_459 = arith.index_cast %scan3A_151 : i32 to index
        %get3A_460 = arith.constant 464 : index
        %get3A_461 = tpu.vector_load %arg15[%get3A_459, %get3A_460] {strides = array<i32>} : memref<16x1024xf32, #tpu.memory_space<vmem>>, vector<1x16xf32>,
        %get3A_462 = vector.shape_cast %get3A_461 : vector<1x16xf32> to vector<16xf32>
        %mul3A_463 = arith.mulf %get3A_458, %get3A_462 : vector<16xf32>
        %add3A_464 = arith.addf %add3A_424, %mul3A_463 : vector<16xf32>
        %get3A_465 = arith.index_cast %scan3A_151 : i32 to index
        %get3A_466 = arith.constant 480 : index
        %get3A_467 = tpu.vector_load %arg13[%get3A_465, %get3A_466] {strides = array<i32>} : memref<16x1024xf32, #tpu.memory_space<vmem>>, vector<1x16xf32>,
        %get3A_468 = vector.shape_cast %get3A_467 : vector<1x16xf32> to vector<16xf32>
        %get3A_469 = arith.index_cast %scan3A_151 : i32 to index
        %get3A_470 = arith.constant 480 : index
        %get3A_471 = tpu.vector_load %arg15[%get3A_469, %get3A_470] {strides = array<i32>} : memref<16x1024xf32, #tpu.memory_space<vmem>>, vector<1x16xf32>,
        %get3A_472 = vector.shape_cast %get3A_471 : vector<1x16xf32> to vector<16xf32>
        %mul3A_473 = arith.mulf %get3A_468, %get3A_472 : vector<16xf32>
        %add3A_474 = arith.addf %add3A_434, %mul3A_473 : vector<16xf32>
        %get3A_475 = arith.index_cast %scan3A_151 : i32 to index
        %get3A_476 = arith.constant 496 : index
        %get3A_477 = tpu.vector_load %arg13[%get3A_475, %get3A_476] {strides = array<i32>} : memref<16x1024xf32, #tpu.memory_space<vmem>>, vector<1x16xf32>,
        %get3A_478 = vector.shape_cast %get3A_477 : vector<1x16xf32> to vector<16xf32>
        %get3A_479 = arith.index_cast %scan3A_151 : i32 to index
        %get3A_480 = arith.constant 496 : index
        %get3A_481 = tpu.vector_load %arg15[%get3A_479, %get3A_480] {strides = array<i32>} : memref<16x1024xf32, #tpu.memory_space<vmem>>, vector<1x16xf32>,
        %get3A_482 = vector.shape_cast %get3A_481 : vector<1x16xf32> to vector<16xf32>
        %mul3A_483 = arith.mulf %get3A_478, %get3A_482 : vector<16xf32>
        %add3A_484 = arith.addf %add3A_444, %mul3A_483 : vector<16xf32>
        %get3A_485 = arith.index_cast %scan3A_151 : i32 to index
        %get3A_486 = arith.constant 512 : index
        %get3A_487 = tpu.vector_load %arg13[%get3A_485, %get3A_486] {strides = array<i32>} : memref<16x1024xf32, #tpu.memory_space<vmem>>, vector<1x16xf32>,
        %get3A_488 = vector.shape_cast %get3A_487 : vector<1x16xf32> to vector<16xf32>
        %get3A_489 = arith.index_cast %scan3A_151 : i32 to index
        %get3A_490 = arith.constant 512 : index
        %get3A_491 = tpu.vector_load %arg15[%get3A_489, %get3A_490] {strides = array<i32>} : memref<16x1024xf32, #tpu.memory_space<vmem>>, vector<1x16xf32>,
        %get3A_492 = vector.shape_cast %get3A_491 : vector<1x16xf32> to vector<16xf32>
        %mul3A_493 = arith.mulf %get3A_488, %get3A_492 : vector<16xf32>
        %add3A_494 = arith.addf %add3A_454, %mul3A_493 : vector<16xf32>
        %get3A_495 = arith.index_cast %scan3A_151 : i32 to index
        %get3A_496 = arith.constant 528 : index
        %get3A_497 = tpu.vector_load %arg13[%get3A_495, %get3A_496] {strides = array<i32>} : memref<16x1024xf32, #tpu.memory_space<vmem>>, vector<1x16xf32>,
        %get3A_498 = vector.shape_cast %get3A_497 : vector<1x16xf32> to vector<16xf32>
        %get3A_499 = arith.index_cast %scan3A_151 : i32 to index
        %get3A_500 = arith.constant 528 : index
        %get3A_501 = tpu.vector_load %arg15[%get3A_499, %get3A_500] {strides = array<i32>} : memref<16x1024xf32, #tpu.memory_space<vmem>>, vector<1x16xf32>,
        %get3A_502 = vector.shape_cast %get3A_501 : vector<1x16xf32> to vector<16xf32>
        %mul3A_503 = arith.mulf %get3A_498, %get3A_502 : vector<16xf32>
        %add3A_504 = arith.addf %add3A_464, %mul3A_503 : vector<16xf32>
        %get3A_505 = arith.index_cast %scan3A_151 : i32 to index
        %get3A_506 = arith.constant 544 : index
        %get3A_507 = tpu.vector_load %arg13[%get3A_505, %get3A_506] {strides = array<i32>} : memref<16x1024xf32, #tpu.memory_space<vmem>>, vector<1x16xf32>,
        %get3A_508 = vector.shape_cast %get3A_507 : vector<1x16xf32> to vector<16xf32>
        %get3A_509 = arith.index_cast %scan3A_151 : i32 to index
        %get3A_510 = arith.constant 544 : index
        %get3A_511 = tpu.vector_load %arg15[%get3A_509, %get3A_510] {strides = array<i32>} : memref<16x1024xf32, #tpu.memory_space<vmem>>, vector<1x16xf32>,
        %get3A_512 = vector.shape_cast %get3A_511 : vector<1x16xf32> to vector<16xf32>
        %mul3A_513 = arith.mulf %get3A_508, %get3A_512 : vector<16xf32>
        %add3A_514 = arith.addf %add3A_474, %mul3A_513 : vector<16xf32>
        %get3A_515 = arith.index_cast %scan3A_151 : i32 to index
        %get3A_516 = arith.constant 560 : index
        %get3A_517 = tpu.vector_load %arg13[%get3A_515, %get3A_516] {strides = array<i32>} : memref<16x1024xf32, #tpu.memory_space<vmem>>, vector<1x16xf32>,
        %get3A_518 = vector.shape_cast %get3A_517 : vector<1x16xf32> to vector<16xf32>
        %get3A_519 = arith.index_cast %scan3A_151 : i32 to index
        %get3A_520 = arith.constant 560 : index
        %get3A_521 = tpu.vector_load %arg15[%get3A_519, %get3A_520] {strides = array<i32>} : memref<16x1024xf32, #tpu.memory_space<vmem>>, vector<1x16xf32>,
        %get3A_522 = vector.shape_cast %get3A_521 : vector<1x16xf32> to vector<16xf32>
        %mul3A_523 = arith.mulf %get3A_518, %get3A_522 : vector<16xf32>
        %add3A_524 = arith.addf %add3A_484, %mul3A_523 : vector<16xf32>
        %get3A_525 = arith.index_cast %scan3A_151 : i32 to index
        %get3A_526 = arith.constant 576 : index
        %get3A_527 = tpu.vector_load %arg13[%get3A_525, %get3A_526] {strides = array<i32>} : memref<16x1024xf32, #tpu.memory_space<vmem>>, vector<1x16xf32>,
        %get3A_528 = vector.shape_cast %get3A_527 : vector<1x16xf32> to vector<16xf32>
        %get3A_529 = arith.index_cast %scan3A_151 : i32 to index
        %get3A_530 = arith.constant 576 : index
        %get3A_531 = tpu.vector_load %arg15[%get3A_529, %get3A_530] {strides = array<i32>} : memref<16x1024xf32, #tpu.memory_space<vmem>>, vector<1x16xf32>,
        %get3A_532 = vector.shape_cast %get3A_531 : vector<1x16xf32> to vector<16xf32>
        %mul3A_533 = arith.mulf %get3A_528, %get3A_532 : vector<16xf32>
        %add3A_534 = arith.addf %add3A_494, %mul3A_533 : vector<16xf32>
        %get3A_535 = arith.index_cast %scan3A_151 : i32 to index
        %get3A_536 = arith.constant 592 : index
        %get3A_537 = tpu.vector_load %arg13[%get3A_535, %get3A_536] {strides = array<i32>} : memref<16x1024xf32, #tpu.memory_space<vmem>>, vector<1x16xf32>,
        %get3A_538 = vector.shape_cast %get3A_537 : vector<1x16xf32> to vector<16xf32>
        %get3A_539 = arith.index_cast %scan3A_151 : i32 to index
        %get3A_540 = arith.constant 592 : index
        %get3A_541 = tpu.vector_load %arg15[%get3A_539, %get3A_540] {strides = array<i32>} : memref<16x1024xf32, #tpu.memory_space<vmem>>, vector<1x16xf32>,
        %get3A_542 = vector.shape_cast %get3A_541 : vector<1x16xf32> to vector<16xf32>
        %mul3A_543 = arith.mulf %get3A_538, %get3A_542 : vector<16xf32>
        %add3A_544 = arith.addf %add3A_504, %mul3A_543 : vector<16xf32>
        %get3A_545 = arith.index_cast %scan3A_151 : i32 to index
        %get3A_546 = arith.constant 608 : index
        %get3A_547 = tpu.vector_load %arg13[%get3A_545, %get3A_546] {strides = array<i32>} : memref<16x1024xf32, #tpu.memory_space<vmem>>, vector<1x16xf32>,
        %get3A_548 = vector.shape_cast %get3A_547 : vector<1x16xf32> to vector<16xf32>
        %get3A_549 = arith.index_cast %scan3A_151 : i32 to index
        %get3A_550 = arith.constant 608 : index
        %get3A_551 = tpu.vector_load %arg15[%get3A_549, %get3A_550] {strides = array<i32>} : memref<16x1024xf32, #tpu.memory_space<vmem>>, vector<1x16xf32>,
        %get3A_552 = vector.shape_cast %get3A_551 : vector<1x16xf32> to vector<16xf32>
        %mul3A_553 = arith.mulf %get3A_548, %get3A_552 : vector<16xf32>
        %add3A_554 = arith.addf %add3A_514, %mul3A_553 : vector<16xf32>
        %get3A_555 = arith.index_cast %scan3A_151 : i32 to index
        %get3A_556 = arith.constant 624 : index
        %get3A_557 = tpu.vector_load %arg13[%get3A_555, %get3A_556] {strides = array<i32>} : memref<16x1024xf32, #tpu.memory_space<vmem>>, vector<1x16xf32>,
        %get3A_558 = vector.shape_cast %get3A_557 : vector<1x16xf32> to vector<16xf32>
        %get3A_559 = arith.index_cast %scan3A_151 : i32 to index
        %get3A_560 = arith.constant 624 : index
        %get3A_561 = tpu.vector_load %arg15[%get3A_559, %get3A_560] {strides = array<i32>} : memref<16x1024xf32, #tpu.memory_space<vmem>>, vector<1x16xf32>,
        %get3A_562 = vector.shape_cast %get3A_561 : vector<1x16xf32> to vector<16xf32>
        %mul3A_563 = arith.mulf %get3A_558, %get3A_562 : vector<16xf32>
        %add3A_564 = arith.addf %add3A_524, %mul3A_563 : vector<16xf32>
        %get3A_565 = arith.index_cast %scan3A_151 : i32 to index
        %get3A_566 = arith.constant 640 : index
        %get3A_567 = tpu.vector_load %arg13[%get3A_565, %get3A_566] {strides = array<i32>} : memref<16x1024xf32, #tpu.memory_space<vmem>>, vector<1x16xf32>,
        %get3A_568 = vector.shape_cast %get3A_567 : vector<1x16xf32> to vector<16xf32>
        %get3A_569 = arith.index_cast %scan3A_151 : i32 to index
        %get3A_570 = arith.constant 640 : index
        %get3A_571 = tpu.vector_load %arg15[%get3A_569, %get3A_570] {strides = array<i32>} : memref<16x1024xf32, #tpu.memory_space<vmem>>, vector<1x16xf32>,
        %get3A_572 = vector.shape_cast %get3A_571 : vector<1x16xf32> to vector<16xf32>
        %mul3A_573 = arith.mulf %get3A_568, %get3A_572 : vector<16xf32>
        %add3A_574 = arith.addf %add3A_534, %mul3A_573 : vector<16xf32>
        %get3A_575 = arith.index_cast %scan3A_151 : i32 to index
        %get3A_576 = arith.constant 656 : index
        %get3A_577 = tpu.vector_load %arg13[%get3A_575, %get3A_576] {strides = array<i32>} : memref<16x1024xf32, #tpu.memory_space<vmem>>, vector<1x16xf32>,
        %get3A_578 = vector.shape_cast %get3A_577 : vector<1x16xf32> to vector<16xf32>
        %get3A_579 = arith.index_cast %scan3A_151 : i32 to index
        %get3A_580 = arith.constant 656 : index
        %get3A_581 = tpu.vector_load %arg15[%get3A_579, %get3A_580] {strides = array<i32>} : memref<16x1024xf32, #tpu.memory_space<vmem>>, vector<1x16xf32>,
        %get3A_582 = vector.shape_cast %get3A_581 : vector<1x16xf32> to vector<16xf32>
        %mul3A_583 = arith.mulf %get3A_578, %get3A_582 : vector<16xf32>
        %add3A_584 = arith.addf %add3A_544, %mul3A_583 : vector<16xf32>
        %get3A_585 = arith.index_cast %scan3A_151 : i32 to index
        %get3A_586 = arith.constant 672 : index
        %get3A_587 = tpu.vector_load %arg13[%get3A_585, %get3A_586] {strides = array<i32>} : memref<16x1024xf32, #tpu.memory_space<vmem>>, vector<1x16xf32>,
        %get3A_588 = vector.shape_cast %get3A_587 : vector<1x16xf32> to vector<16xf32>
        %get3A_589 = arith.index_cast %scan3A_151 : i32 to index
        %get3A_590 = arith.constant 672 : index
        %get3A_591 = tpu.vector_load %arg15[%get3A_589, %get3A_590] {strides = array<i32>} : memref<16x1024xf32, #tpu.memory_space<vmem>>, vector<1x16xf32>,
        %get3A_592 = vector.shape_cast %get3A_591 : vector<1x16xf32> to vector<16xf32>
        %mul3A_593 = arith.mulf %get3A_588, %get3A_592 : vector<16xf32>
        %add3A_594 = arith.addf %add3A_554, %mul3A_593 : vector<16xf32>
        %get3A_595 = arith.index_cast %scan3A_151 : i32 to index
        %get3A_596 = arith.constant 688 : index
        %get3A_597 = tpu.vector_load %arg13[%get3A_595, %get3A_596] {strides = array<i32>} : memref<16x1024xf32, #tpu.memory_space<vmem>>, vector<1x16xf32>,
        %get3A_598 = vector.shape_cast %get3A_597 : vector<1x16xf32> to vector<16xf32>
        %get3A_599 = arith.index_cast %scan3A_151 : i32 to index
        %get3A_600 = arith.constant 688 : index
        %get3A_601 = tpu.vector_load %arg15[%get3A_599, %get3A_600] {strides = array<i32>} : memref<16x1024xf32, #tpu.memory_space<vmem>>, vector<1x16xf32>,
        %get3A_602 = vector.shape_cast %get3A_601 : vector<1x16xf32> to vector<16xf32>
        %mul3A_603 = arith.mulf %get3A_598, %get3A_602 : vector<16xf32>
        %add3A_604 = arith.addf %add3A_564, %mul3A_603 : vector<16xf32>
        %get3A_605 = arith.index_cast %scan3A_151 : i32 to index
        %get3A_606 = arith.constant 704 : index
        %get3A_607 = tpu.vector_load %arg13[%get3A_605, %get3A_606] {strides = array<i32>} : memref<16x1024xf32, #tpu.memory_space<vmem>>, vector<1x16xf32>,
        %get3A_608 = vector.shape_cast %get3A_607 : vector<1x16xf32> to vector<16xf32>
        %get3A_609 = arith.index_cast %scan3A_151 : i32 to index
        %get3A_610 = arith.constant 704 : index
        %get3A_611 = tpu.vector_load %arg15[%get3A_609, %get3A_610] {strides = array<i32>} : memref<16x1024xf32, #tpu.memory_space<vmem>>, vector<1x16xf32>,
        %get3A_612 = vector.shape_cast %get3A_611 : vector<1x16xf32> to vector<16xf32>
        %mul3A_613 = arith.mulf %get3A_608, %get3A_612 : vector<16xf32>
        %add3A_614 = arith.addf %add3A_574, %mul3A_613 : vector<16xf32>
        %get3A_615 = arith.index_cast %scan3A_151 : i32 to index
        %get3A_616 = arith.constant 720 : index
        %get3A_617 = tpu.vector_load %arg13[%get3A_615, %get3A_616] {strides = array<i32>} : memref<16x1024xf32, #tpu.memory_space<vmem>>, vector<1x16xf32>,
        %get3A_618 = vector.shape_cast %get3A_617 : vector<1x16xf32> to vector<16xf32>
        %get3A_619 = arith.index_cast %scan3A_151 : i32 to index
        %get3A_620 = arith.constant 720 : index
        %get3A_621 = tpu.vector_load %arg15[%get3A_619, %get3A_620] {strides = array<i32>} : memref<16x1024xf32, #tpu.memory_space<vmem>>, vector<1x16xf32>,
        %get3A_622 = vector.shape_cast %get3A_621 : vector<1x16xf32> to vector<16xf32>
        %mul3A_623 = arith.mulf %get3A_618, %get3A_622 : vector<16xf32>
        %add3A_624 = arith.addf %add3A_584, %mul3A_623 : vector<16xf32>
        %get3A_625 = arith.index_cast %scan3A_151 : i32 to index
        %get3A_626 = arith.constant 736 : index
        %get3A_627 = tpu.vector_load %arg13[%get3A_625, %get3A_626] {strides = array<i32>} : memref<16x1024xf32, #tpu.memory_space<vmem>>, vector<1x16xf32>,
        %get3A_628 = vector.shape_cast %get3A_627 : vector<1x16xf32> to vector<16xf32>
        %get3A_629 = arith.index_cast %scan3A_151 : i32 to index
        %get3A_630 = arith.constant 736 : index
        %get3A_631 = tpu.vector_load %arg15[%get3A_629, %get3A_630] {strides = array<i32>} : memref<16x1024xf32, #tpu.memory_space<vmem>>, vector<1x16xf32>,
        %get3A_632 = vector.shape_cast %get3A_631 : vector<1x16xf32> to vector<16xf32>
        %mul3A_633 = arith.mulf %get3A_628, %get3A_632 : vector<16xf32>
        %add3A_634 = arith.addf %add3A_594, %mul3A_633 : vector<16xf32>
        %get3A_635 = arith.index_cast %scan3A_151 : i32 to index
        %get3A_636 = arith.constant 752 : index
        %get3A_637 = tpu.vector_load %arg13[%get3A_635, %get3A_636] {strides = array<i32>} : memref<16x1024xf32, #tpu.memory_space<vmem>>, vector<1x16xf32>,
        %get3A_638 = vector.shape_cast %get3A_637 : vector<1x16xf32> to vector<16xf32>
        %get3A_639 = arith.index_cast %scan3A_151 : i32 to index
        %get3A_640 = arith.constant 752 : index
        %get3A_641 = tpu.vector_load %arg15[%get3A_639, %get3A_640] {strides = array<i32>} : memref<16x1024xf32, #tpu.memory_space<vmem>>, vector<1x16xf32>,
        %get3A_642 = vector.shape_cast %get3A_641 : vector<1x16xf32> to vector<16xf32>
        %mul3A_643 = arith.mulf %get3A_638, %get3A_642 : vector<16xf32>
        %add3A_644 = arith.addf %add3A_604, %mul3A_643 : vector<16xf32>
        %get3A_645 = arith.index_cast %scan3A_151 : i32 to index
        %get3A_646 = arith.constant 768 : index
        %get3A_647 = tpu.vector_load %arg13[%get3A_645, %get3A_646] {strides = array<i32>} : memref<16x1024xf32, #tpu.memory_space<vmem>>, vector<1x16xf32>,
        %get3A_648 = vector.shape_cast %get3A_647 : vector<1x16xf32> to vector<16xf32>
        %get3A_649 = arith.index_cast %scan3A_151 : i32 to index
        %get3A_650 = arith.constant 768 : index
        %get3A_651 = tpu.vector_load %arg15[%get3A_649, %get3A_650] {strides = array<i32>} : memref<16x1024xf32, #tpu.memory_space<vmem>>, vector<1x16xf32>,
        %get3A_652 = vector.shape_cast %get3A_651 : vector<1x16xf32> to vector<16xf32>
        %mul3A_653 = arith.mulf %get3A_648, %get3A_652 : vector<16xf32>
        %add3A_654 = arith.addf %add3A_614, %mul3A_653 : vector<16xf32>
        %get3A_655 = arith.index_cast %scan3A_151 : i32 to index
        %get3A_656 = arith.constant 784 : index
        %get3A_657 = tpu.vector_load %arg13[%get3A_655, %get3A_656] {strides = array<i32>} : memref<16x1024xf32, #tpu.memory_space<vmem>>, vector<1x16xf32>,
        %get3A_658 = vector.shape_cast %get3A_657 : vector<1x16xf32> to vector<16xf32>
        %get3A_659 = arith.index_cast %scan3A_151 : i32 to index
        %get3A_660 = arith.constant 784 : index
        %get3A_661 = tpu.vector_load %arg15[%get3A_659, %get3A_660] {strides = array<i32>} : memref<16x1024xf32, #tpu.memory_space<vmem>>, vector<1x16xf32>,
        %get3A_662 = vector.shape_cast %get3A_661 : vector<1x16xf32> to vector<16xf32>
        %mul3A_663 = arith.mulf %get3A_658, %get3A_662 : vector<16xf32>
        %add3A_664 = arith.addf %add3A_624, %mul3A_663 : vector<16xf32>
        %get3A_665 = arith.index_cast %scan3A_151 : i32 to index
        %get3A_666 = arith.constant 800 : index
        %get3A_667 = tpu.vector_load %arg13[%get3A_665, %get3A_666] {strides = array<i32>} : memref<16x1024xf32, #tpu.memory_space<vmem>>, vector<1x16xf32>,
        %get3A_668 = vector.shape_cast %get3A_667 : vector<1x16xf32> to vector<16xf32>
        %get3A_669 = arith.index_cast %scan3A_151 : i32 to index
        %get3A_670 = arith.constant 800 : index
        %get3A_671 = tpu.vector_load %arg15[%get3A_669, %get3A_670] {strides = array<i32>} : memref<16x1024xf32, #tpu.memory_space<vmem>>, vector<1x16xf32>,
        %get3A_672 = vector.shape_cast %get3A_671 : vector<1x16xf32> to vector<16xf32>
        %mul3A_673 = arith.mulf %get3A_668, %get3A_672 : vector<16xf32>
        %add3A_674 = arith.addf %add3A_634, %mul3A_673 : vector<16xf32>
        %get3A_675 = arith.index_cast %scan3A_151 : i32 to index
        %get3A_676 = arith.constant 816 : index
        %get3A_677 = tpu.vector_load %arg13[%get3A_675, %get3A_676] {strides = array<i32>} : memref<16x1024xf32, #tpu.memory_space<vmem>>, vector<1x16xf32>,
        %get3A_678 = vector.shape_cast %get3A_677 : vector<1x16xf32> to vector<16xf32>
        %get3A_679 = arith.index_cast %scan3A_151 : i32 to index
        %get3A_680 = arith.constant 816 : index
        %get3A_681 = tpu.vector_load %arg15[%get3A_679, %get3A_680] {strides = array<i32>} : memref<16x1024xf32, #tpu.memory_space<vmem>>, vector<1x16xf32>,
        %get3A_682 = vector.shape_cast %get3A_681 : vector<1x16xf32> to vector<16xf32>
        %mul3A_683 = arith.mulf %get3A_678, %get3A_682 : vector<16xf32>
        %add3A_684 = arith.addf %add3A_644, %mul3A_683 : vector<16xf32>
        %get3A_685 = arith.index_cast %scan3A_151 : i32 to index
        %get3A_686 = arith.constant 832 : index
        %get3A_687 = tpu.vector_load %arg13[%get3A_685, %get3A_686] {strides = array<i32>} : memref<16x1024xf32, #tpu.memory_space<vmem>>, vector<1x16xf32>,
        %get3A_688 = vector.shape_cast %get3A_687 : vector<1x16xf32> to vector<16xf32>
        %get3A_689 = arith.index_cast %scan3A_151 : i32 to index
        %get3A_690 = arith.constant 832 : index
        %get3A_691 = tpu.vector_load %arg15[%get3A_689, %get3A_690] {strides = array<i32>} : memref<16x1024xf32, #tpu.memory_space<vmem>>, vector<1x16xf32>,
        %get3A_692 = vector.shape_cast %get3A_691 : vector<1x16xf32> to vector<16xf32>
        %mul3A_693 = arith.mulf %get3A_688, %get3A_692 : vector<16xf32>
        %add3A_694 = arith.addf %add3A_654, %mul3A_693 : vector<16xf32>
        %get3A_695 = arith.index_cast %scan3A_151 : i32 to index
        %get3A_696 = arith.constant 848 : index
        %get3A_697 = tpu.vector_load %arg13[%get3A_695, %get3A_696] {strides = array<i32>} : memref<16x1024xf32, #tpu.memory_space<vmem>>, vector<1x16xf32>,
        %get3A_698 = vector.shape_cast %get3A_697 : vector<1x16xf32> to vector<16xf32>
        %get3A_699 = arith.index_cast %scan3A_151 : i32 to index
        %get3A_700 = arith.constant 848 : index
        %get3A_701 = tpu.vector_load %arg15[%get3A_699, %get3A_700] {strides = array<i32>} : memref<16x1024xf32, #tpu.memory_space<vmem>>, vector<1x16xf32>,
        %get3A_702 = vector.shape_cast %get3A_701 : vector<1x16xf32> to vector<16xf32>
        %mul3A_703 = arith.mulf %get3A_698, %get3A_702 : vector<16xf32>
        %add3A_704 = arith.addf %add3A_664, %mul3A_703 : vector<16xf32>
        %get3A_705 = arith.index_cast %scan3A_151 : i32 to index
        %get3A_706 = arith.constant 864 : index
        %get3A_707 = tpu.vector_load %arg13[%get3A_705, %get3A_706] {strides = array<i32>} : memref<16x1024xf32, #tpu.memory_space<vmem>>, vector<1x16xf32>,
        %get3A_708 = vector.shape_cast %get3A_707 : vector<1x16xf32> to vector<16xf32>
        %get3A_709 = arith.index_cast %scan3A_151 : i32 to index
        %get3A_710 = arith.constant 864 : index
        %get3A_711 = tpu.vector_load %arg15[%get3A_709, %get3A_710] {strides = array<i32>} : memref<16x1024xf32, #tpu.memory_space<vmem>>, vector<1x16xf32>,
        %get3A_712 = vector.shape_cast %get3A_711 : vector<1x16xf32> to vector<16xf32>
        %mul3A_713 = arith.mulf %get3A_708, %get3A_712 : vector<16xf32>
        %add3A_714 = arith.addf %add3A_674, %mul3A_713 : vector<16xf32>
        %get3A_715 = arith.index_cast %scan3A_151 : i32 to index
        %get3A_716 = arith.constant 880 : index
        %get3A_717 = tpu.vector_load %arg13[%get3A_715, %get3A_716] {strides = array<i32>} : memref<16x1024xf32, #tpu.memory_space<vmem>>, vector<1x16xf32>,
        %get3A_718 = vector.shape_cast %get3A_717 : vector<1x16xf32> to vector<16xf32>
        %get3A_719 = arith.index_cast %scan3A_151 : i32 to index
        %get3A_720 = arith.constant 880 : index
        %get3A_721 = tpu.vector_load %arg15[%get3A_719, %get3A_720] {strides = array<i32>} : memref<16x1024xf32, #tpu.memory_space<vmem>>, vector<1x16xf32>,
        %get3A_722 = vector.shape_cast %get3A_721 : vector<1x16xf32> to vector<16xf32>
        %mul3A_723 = arith.mulf %get3A_718, %get3A_722 : vector<16xf32>
        %add3A_724 = arith.addf %add3A_684, %mul3A_723 : vector<16xf32>
        %get3A_725 = arith.index_cast %scan3A_151 : i32 to index
        %get3A_726 = arith.constant 896 : index
        %get3A_727 = tpu.vector_load %arg13[%get3A_725, %get3A_726] {strides = array<i32>} : memref<16x1024xf32, #tpu.memory_space<vmem>>, vector<1x16xf32>,
        %get3A_728 = vector.shape_cast %get3A_727 : vector<1x16xf32> to vector<16xf32>
        %get3A_729 = arith.index_cast %scan3A_151 : i32 to index
        %get3A_730 = arith.constant 896 : index
        %get3A_731 = tpu.vector_load %arg15[%get3A_729, %get3A_730] {strides = array<i32>} : memref<16x1024xf32, #tpu.memory_space<vmem>>, vector<1x16xf32>,
        %get3A_732 = vector.shape_cast %get3A_731 : vector<1x16xf32> to vector<16xf32>
        %mul3A_733 = arith.mulf %get3A_728, %get3A_732 : vector<16xf32>
        %add3A_734 = arith.addf %add3A_694, %mul3A_733 : vector<16xf32>
        %get3A_735 = arith.index_cast %scan3A_151 : i32 to index
        %get3A_736 = arith.constant 912 : index
        %get3A_737 = tpu.vector_load %arg13[%get3A_735, %get3A_736] {strides = array<i32>} : memref<16x1024xf32, #tpu.memory_space<vmem>>, vector<1x16xf32>,
        %get3A_738 = vector.shape_cast %get3A_737 : vector<1x16xf32> to vector<16xf32>
        %get3A_739 = arith.index_cast %scan3A_151 : i32 to index
        %get3A_740 = arith.constant 912 : index
        %get3A_741 = tpu.vector_load %arg15[%get3A_739, %get3A_740] {strides = array<i32>} : memref<16x1024xf32, #tpu.memory_space<vmem>>, vector<1x16xf32>,
        %get3A_742 = vector.shape_cast %get3A_741 : vector<1x16xf32> to vector<16xf32>
        %mul3A_743 = arith.mulf %get3A_738, %get3A_742 : vector<16xf32>
        %add3A_744 = arith.addf %add3A_704, %mul3A_743 : vector<16xf32>
        %get3A_745 = arith.index_cast %scan3A_151 : i32 to index
        %get3A_746 = arith.constant 928 : index
        %get3A_747 = tpu.vector_load %arg13[%get3A_745, %get3A_746] {strides = array<i32>} : memref<16x1024xf32, #tpu.memory_space<vmem>>, vector<1x16xf32>,
        %get3A_748 = vector.shape_cast %get3A_747 : vector<1x16xf32> to vector<16xf32>
        %get3A_749 = arith.index_cast %scan3A_151 : i32 to index
        %get3A_750 = arith.constant 928 : index
        %get3A_751 = tpu.vector_load %arg15[%get3A_749, %get3A_750] {strides = array<i32>} : memref<16x1024xf32, #tpu.memory_space<vmem>>, vector<1x16xf32>,
        %get3A_752 = vector.shape_cast %get3A_751 : vector<1x16xf32> to vector<16xf32>
        %mul3A_753 = arith.mulf %get3A_748, %get3A_752 : vector<16xf32>
        %add3A_754 = arith.addf %add3A_714, %mul3A_753 : vector<16xf32>
        %get3A_755 = arith.index_cast %scan3A_151 : i32 to index
        %get3A_756 = arith.constant 944 : index
        %get3A_757 = tpu.vector_load %arg13[%get3A_755, %get3A_756] {strides = array<i32>} : memref<16x1024xf32, #tpu.memory_space<vmem>>, vector<1x16xf32>,
        %get3A_758 = vector.shape_cast %get3A_757 : vector<1x16xf32> to vector<16xf32>
        %get3A_759 = arith.index_cast %scan3A_151 : i32 to index
        %get3A_760 = arith.constant 944 : index
        %get3A_761 = tpu.vector_load %arg15[%get3A_759, %get3A_760] {strides = array<i32>} : memref<16x1024xf32, #tpu.memory_space<vmem>>, vector<1x16xf32>,
        %get3A_762 = vector.shape_cast %get3A_761 : vector<1x16xf32> to vector<16xf32>
        %mul3A_763 = arith.mulf %get3A_758, %get3A_762 : vector<16xf32>
        %add3A_764 = arith.addf %add3A_724, %mul3A_763 : vector<16xf32>
        %get3A_765 = arith.index_cast %scan3A_151 : i32 to index
        %get3A_766 = arith.constant 960 : index
        %get3A_767 = tpu.vector_load %arg13[%get3A_765, %get3A_766] {strides = array<i32>} : memref<16x1024xf32, #tpu.memory_space<vmem>>, vector<1x16xf32>,
        %get3A_768 = vector.shape_cast %get3A_767 : vector<1x16xf32> to vector<16xf32>
        %get3A_769 = arith.index_cast %scan3A_151 : i32 to index
        %get3A_770 = arith.constant 960 : index
        %get3A_771 = tpu.vector_load %arg15[%get3A_769, %get3A_770] {strides = array<i32>} : memref<16x1024xf32, #tpu.memory_space<vmem>>, vector<1x16xf32>,
        %get3A_772 = vector.shape_cast %get3A_771 : vector<1x16xf32> to vector<16xf32>
        %mul3A_773 = arith.mulf %get3A_768, %get3A_772 : vector<16xf32>
        %add3A_774 = arith.addf %add3A_734, %mul3A_773 : vector<16xf32>
        %get3A_775 = arith.index_cast %scan3A_151 : i32 to index
        %get3A_776 = arith.constant 976 : index
        %get3A_777 = tpu.vector_load %arg13[%get3A_775, %get3A_776] {strides = array<i32>} : memref<16x1024xf32, #tpu.memory_space<vmem>>, vector<1x16xf32>,
        %get3A_778 = vector.shape_cast %get3A_777 : vector<1x16xf32> to vector<16xf32>
        %get3A_779 = arith.index_cast %scan3A_151 : i32 to index
        %get3A_780 = arith.constant 976 : index
        %get3A_781 = tpu.vector_load %arg15[%get3A_779, %get3A_780] {strides = array<i32>} : memref<16x1024xf32, #tpu.memory_space<vmem>>, vector<1x16xf32>,
        %get3A_782 = vector.shape_cast %get3A_781 : vector<1x16xf32> to vector<16xf32>
        %mul3A_783 = arith.mulf %get3A_778, %get3A_782 : vector<16xf32>
        %add3A_784 = arith.addf %add3A_744, %mul3A_783 : vector<16xf32>
        %get3A_785 = arith.index_cast %scan3A_151 : i32 to index
        %get3A_786 = arith.constant 992 : index
        %get3A_787 = tpu.vector_load %arg13[%get3A_785, %get3A_786] {strides = array<i32>} : memref<16x1024xf32, #tpu.memory_space<vmem>>, vector<1x16xf32>,
        %get3A_788 = vector.shape_cast %get3A_787 : vector<1x16xf32> to vector<16xf32>
        %get3A_789 = arith.index_cast %scan3A_151 : i32 to index
        %get3A_790 = arith.constant 992 : index
        %get3A_791 = tpu.vector_load %arg15[%get3A_789, %get3A_790] {strides = array<i32>} : memref<16x1024xf32, #tpu.memory_space<vmem>>, vector<1x16xf32>,
        %get3A_792 = vector.shape_cast %get3A_791 : vector<1x16xf32> to vector<16xf32>
        %mul3A_793 = arith.mulf %get3A_788, %get3A_792 : vector<16xf32>
        %add3A_794 = arith.addf %add3A_754, %mul3A_793 : vector<16xf32>
        %get3A_795 = arith.index_cast %scan3A_151 : i32 to index
        %get3A_796 = arith.constant 1008 : index
        %get3A_797 = tpu.vector_load %arg13[%get3A_795, %get3A_796] {strides = array<i32>} : memref<16x1024xf32, #tpu.memory_space<vmem>>, vector<1x16xf32>,
        %get3A_798 = vector.shape_cast %get3A_797 : vector<1x16xf32> to vector<16xf32>
        %get3A_799 = arith.index_cast %scan3A_151 : i32 to index
        %get3A_800 = arith.constant 1008 : index
        %get3A_801 = tpu.vector_load %arg15[%get3A_799, %get3A_800] {strides = array<i32>} : memref<16x1024xf32, #tpu.memory_space<vmem>>, vector<1x16xf32>,
        %get3A_802 = vector.shape_cast %get3A_801 : vector<1x16xf32> to vector<16xf32>
        %mul3A_803 = arith.mulf %get3A_798, %get3A_802 : vector<16xf32>
        %add3A_804 = arith.addf %add3A_764, %mul3A_803 : vector<16xf32>
        %add3A_805 = arith.addf %add3A_774, %add3A_784 : vector<16xf32>
        %add3A_806 = arith.addf %add3A_794, %add3A_804 : vector<16xf32>
        %add3A_807 = arith.addf %add3A_805, %add3A_806 : vector<16xf32>
        %swap3A_808 = arith.constant 0 : index
        %swap3A_809 = tpu.vector_load %arg23[%swap3A_808] {strides = array<i32>} : memref<32xf32, #tpu.memory_space<vmem>>, vector<16xf32>,
        %swap3A_810 = vector.shape_cast %swap3A_809 : vector<16xf32> to vector<16xf32>
        %swap3A_811 = vector.shape_cast %add3A_807 : vector<16xf32> to vector<16xf32>
        tpu.vector_store %arg23[%swap3A_808], %swap3A_811 {strides = array<i32>} : memref<32xf32, #tpu.memory_space<vmem>>, vector<16xf32>,
        %swap3A_812 = arith.constant 16 : index
        %swap3A_813 = tpu.vector_load %arg23[%swap3A_812] {strides = array<i32>} : memref<32xf32, #tpu.memory_space<vmem>>, vector<16xf32>,
        %swap3A_814 = vector.shape_cast %swap3A_813 : vector<16xf32> to vector<16xf32>
        %swap3A_815 = vector.shape_cast %add3A_807 : vector<16xf32> to vector<16xf32>
        tpu.vector_store %arg23[%swap3A_812], %swap3A_815 {strides = array<i32>} : memref<32xf32, #tpu.memory_space<vmem>>, vector<16xf32>,
        %get3A_816 = arith.constant 0 : index
        %get3A_817 = tpu.vector_load %arg23[%get3A_816] {strides = array<i32>} : memref<32xf32, #tpu.memory_space<vmem>>, vector<16xf32>,
        %get3A_818 = vector.shape_cast %get3A_817 : vector<16xf32> to vector<16xf32>
        %get3A_819 = arith.constant 8 : index
        %get3A_820 = tpu.vector_load %arg23[%get3A_819] {strides = array<i32>} : memref<32xf32, #tpu.memory_space<vmem>>, vector<16xf32>,
        %get3A_821 = vector.shape_cast %get3A_820 : vector<16xf32> to vector<16xf32>
        %add3A_822 = arith.addf %get3A_818, %get3A_821 : vector<16xf32>
        %add3A_823 = arith.addf %get3A_156, %add3A_822 : vector<16xf32>
        %exp3A = math.exp %add3A_823 : vector<16xf32>
        %swap3A_824 = arith.index_cast %scan3A_151 : i32 to index
        %swap3A_825 = arith.constant 0 : index
        %swap3A_826 = tpu.vector_load %arg22[%swap3A_824, %swap3A_825] {strides = array<i32>} : memref<16x16xf32, #tpu.memory_space<vmem>>, vector<1x16xf32>,
        %swap3A_827 = vector.shape_cast %swap3A_826 : vector<1x16xf32> to vector<16xf32>
        %swap3A_828 = vector.shape_cast %exp3A : vector<16xf32> to vector<1x16xf32>
        tpu.vector_store %arg22[%swap3A_824, %swap3A_825], %swap3A_828 {strides = array<i32>} : memref<16x16xf32, #tpu.memory_space<vmem>>, vector<1x16xf32>,
        %scan3A_829 = arith.constant 0 : i32
        scf.yield %scan3A_829 : i32
      }
      %scan3A_140 = arith.constant 16 : i32
      %mul3A_141 = arith.constant 16 : i32
      %mul3A_142 = arith.muli %scan3A_51, %mul3A_141 : i32
      %get3A_143 = arith.index_cast %mul3A_142 : i32 to index
      %get3A_144 = tpu.vector_load %arg11[%get3A_143] {strides = array<i32>} : memref<5120xi32, #tpu.memory_space<vmem>>, vector<16xi32>,
      %get3A_145 = vector.shape_cast %get3A_144 : vector<16xi32> to vector<16xi32>
      %swap3A_146 = arith.constant 0 : index
      %swap3A_147 = tpu.vector_load %arg20[%swap3A_146] {strides = array<i32>} : memref<16xi32, #tpu.memory_space<vmem>>, vector<16xi32>,
      %swap3A_148 = vector.shape_cast %swap3A_147 : vector<16xi32> to vector<16xi32>
      %swap3A_149 = vector.shape_cast %get3A_145 : vector<16xi32> to vector<16xi32>
      tpu.vector_store %arg20[%swap3A_146], %swap3A_149 {strides = array<i32>} : memref<16xi32, #tpu.memory_space<vmem>>, vector<16xi32>,
      "tpu.region"() ({
        %run_scoped3A = tpu.sem_alloc : memref<!tpu.dma_semaphore, #tpu.memory_space<semaphore_mem>>
        %dma_start3A_151 = arith.constant 0 : i32
        %dma_start3A_152 = tpu.memref_slice %arg6[%add3A_55, %dma_start3A_151] : memref<163856x16xf32, #tpu.memory_space<hbm>> -> memref<16x16xf32, #tpu.memory_space<hbm>>
        %dma_start3A_153 = arith.constant 0 : i32
        %dma_start3A_154 = tpu.memref_slice %arg6[%add3A_55, %dma_start3A_153] : memref<163856x16xf32, #tpu.memory_space<hbm>> -> memref<16x16xf32, #tpu.memory_space<hbm>>
        tpu.enqueue_dma source(%arg22 : memref<16x16xf32, #tpu.memory_space<vmem>>) target(%dma_start3A_154 : memref<16x16xf32, #tpu.memory_space<hbm>>) target_semaphore(%run_scoped3A : memref<!tpu.dma_semaphore, #tpu.memory_space<semaphore_mem>>)
        %dma_wait3A_155 = arith.constant 0 : i32
        %dma_wait3A_156 = tpu.memref_slice %arg6[%add3A_55, %dma_wait3A_155] : memref<163856x16xf32, #tpu.memory_space<hbm>> -> memref<16x16xf32, #tpu.memory_space<hbm>>
        %dma_wait3A_157 = arith.constant 0 : i32
        %dma_wait3A_158 = tpu.memref_slice %arg6[%add3A_55, %dma_wait3A_157] : memref<163856x16xf32, #tpu.memory_space<hbm>> -> memref<16x16xf32, #tpu.memory_space<hbm>>
        tpu.wait_dma2 semaphore(%run_scoped3A : memref<!tpu.dma_semaphore, #tpu.memory_space<semaphore_mem>>) src(%arg22 : memref<16x16xf32, #tpu.memory_space<vmem>>) dst(%dma_wait3A_158 : memref<16x16xf32, #tpu.memory_space<hbm>>)
        tpu.yield
      }) : () -> ()
      "tpu.region"() ({
        %run_scoped3A = tpu.sem_alloc : memref<!tpu.dma_semaphore, #tpu.memory_space<semaphore_mem>>
        %dma_start3A_151 = arith.constant 0 : i32
        %dma_start3A_152 = arith.constant 0 : i32
        %dma_start3A_153 = tpu.memref_slice %arg8[%dma_start3A_151, %dma_start3A_152] : memref<10240x16xf32, #tpu.memory_space<vmem_shared>> -> memref<10240x16xf32, #tpu.memory_space<vmem_shared>>
        tpu.enqueue_indirect_dma source(%arg22 : memref<16x16xf32, #tpu.memory_space<vmem>>) target(%dma_start3A_153 : memref<10240x16xf32, #tpu.memory_space<vmem_shared>>) offsets(%arg20 : memref<16xi32, #tpu.memory_space<vmem>>) semaphore(%run_scoped3A : memref<!tpu.dma_semaphore, #tpu.memory_space<semaphore_mem>>) {add = true}
        %dma_wait3A_154 = arith.constant 0 : i32
        %dma_wait3A_155 = arith.constant 0 : i32
        %dma_wait3A_156 = tpu.memref_slice %arg8[%dma_wait3A_154, %dma_wait3A_155] : memref<10240x16xf32, #tpu.memory_space<vmem_shared>> -> memref<10240x16xf32, #tpu.memory_space<vmem_shared>>
        tpu.wait_indirect_dma semaphore(%run_scoped3A : memref<!tpu.dma_semaphore, #tpu.memory_space<semaphore_mem>>) src(%arg22 : memref<16x16xf32, #tpu.memory_space<vmem>>) dst(%dma_wait3A_156 : memref<10240x16xf32, #tpu.memory_space<vmem_shared>>)
        tpu.yield
      }) : () -> ()
      %scan3A_150 = arith.constant 0 : i32
      scf.yield %scan3A_150 : i32
    }
    %scan3A_37 = arith.constant 320 : i32
    %dma_wait3A = arith.constant 0 : i32
    %dma_wait3A_38 = arith.constant 0 : i32
    %dma_wait3A_39 = tpu.memref_slice %arg2[%dma_wait3A, %dma_wait3A_38] : memref<20480x1024xf32, #tpu.memory_space<hbm>> -> memref<20480x1024xf32, #tpu.memory_space<hbm>>
    tpu.wait_indirect_dma semaphore(%arg24 : memref<!tpu.dma_semaphore, #tpu.memory_space<semaphore_mem>>) src(%dma_wait3A_39 : memref<20480x1024xf32, #tpu.memory_space<hbm>>) dst(%arg12 : memref<16x1024xf32, #tpu.memory_space<vmem>>)
    %dma_wait3A_40 = arith.constant 0 : i32
    %dma_wait3A_41 = arith.constant 0 : i32
    %dma_wait3A_42 = tpu.memref_slice %arg3[%dma_wait3A_40, %dma_wait3A_41] : memref<20480x1024xf32, #tpu.memory_space<hbm>> -> memref<20480x1024xf32, #tpu.memory_space<hbm>>
    tpu.wait_indirect_dma semaphore(%arg24 : memref<!tpu.dma_semaphore, #tpu.memory_space<semaphore_mem>>) src(%dma_wait3A_42 : memref<20480x1024xf32, #tpu.memory_space<hbm>>) dst(%arg14 : memref<16x1024xf32, #tpu.memory_space<vmem>>)
    %barrier3A_43 = arith.constant 0 : index
    tpu.barrier barrier_id(%barrier3A_43)
    %mul3A_44 = arith.constant 640 : i32
    %mul3A_45 = arith.muli %arg1, %mul3A_44 : i32
    %mul3A_46 = arith.constant 10240 : i32
    %mul3A_47 = arith.muli %arg0, %mul3A_46 : i32
    %mul3A_48 = arith.constant 640 : i32
    %mul3A_49 = arith.muli %arg1, %mul3A_48 : i32
    %add3A_50 = arith.addi %mul3A_47, %mul3A_49 : i32
    "tpu.region"() ({
      %run_scoped3A = tpu.sem_alloc : memref<!tpu.dma_semaphore, #tpu.memory_space<semaphore_mem>>
      %dma_start3A_51 = arith.constant 0 : i32
      %dma_start3A_52 = tpu.memref_slice %arg7[%add3A_50, %dma_start3A_51] : memref<20480x16xf32, #tpu.memory_space<hbm>> -> memref<640x16xf32, #tpu.memory_space<hbm>>
      %dma_start3A_53 = arith.constant 0 : i32
      %dma_start3A_54 = tpu.memref_slice %arg8[%mul3A_45, %dma_start3A_53] : memref<10240x16xf32, #tpu.memory_space<vmem_shared>> -> memref<640x16xf32, #tpu.memory_space<vmem_shared>>
      tpu.enqueue_dma source(%dma_start3A_54 : memref<640x16xf32, #tpu.memory_space<vmem_shared>>) target(%dma_start3A_52 : memref<640x16xf32, #tpu.memory_space<hbm>>) target_semaphore(%run_scoped3A : memref<!tpu.dma_semaphore, #tpu.memory_space<semaphore_mem>>)
      %dma_wait3A_55 = arith.constant 0 : i32
      %dma_wait3A_56 = tpu.memref_slice %arg7[%add3A_50, %dma_wait3A_55] : memref<20480x16xf32, #tpu.memory_space<hbm>> -> memref<640x16xf32, #tpu.memory_space<hbm>>
      %dma_wait3A_57 = arith.constant 0 : i32
      %dma_wait3A_58 = tpu.memref_slice %arg8[%mul3A_45, %dma_wait3A_57] : memref<10240x16xf32, #tpu.memory_space<vmem_shared>> -> memref<640x16xf32, #tpu.memory_space<vmem_shared>>
      tpu.wait_dma2 semaphore(%run_scoped3A : memref<!tpu.dma_semaphore, #tpu.memory_space<semaphore_mem>>) src(%dma_wait3A_58 : memref<640x16xf32, #tpu.memory_space<vmem_shared>>) dst(%dma_wait3A_56 : memref<640x16xf32, #tpu.memory_space<hbm>>)
      tpu.yield
    }) : () -> ()
    return
  }
}

#map = affine_map<(d0, d1) -> (0, 0)>
#map1 = affine_map<(d0, d1) -> (0)>
module attributes {stable_mosaic.version = 14 : i64} {
  func.func @_scb_body(%arg0: i32, %arg1: i32, %arg2: memref<163840x128xf32, #tpu.memory_space<hbm>>, %arg3: memref<163856x16xf32, #tpu.memory_space<hbm>>, %arg4: memref<163840xi32, #tpu.memory_space<hbm>>, %arg5: memref<163840xi32, #tpu.memory_space<hbm>>, %arg6: memref<163840x128xf32, #tpu.memory_space<hbm>>, %arg7: memref<10240x128xf32, #tpu.memory_space<vmem_shared>>, %arg8: memref<10240xi32, #tpu.memory_space<vmem>>, %arg9: memref<10240xi32, #tpu.memory_space<vmem>>, %arg10: memref<64x128xf32, #tpu.memory_space<vmem>>, %arg11: memref<64x128xf32, #tpu.memory_space<vmem>>, %arg12: memref<64x16xf32, #tpu.memory_space<vmem>>, %arg13: memref<64x16xf32, #tpu.memory_space<vmem>>, %arg14: memref<64xi32, #tpu.memory_space<vmem>>, %arg15: memref<64xi32, #tpu.memory_space<vmem>>, %arg16: memref<64xi32, #tpu.memory_space<vmem>>, %arg17: memref<64xi32, #tpu.memory_space<vmem>>, %arg18: memref<!tpu.dma_semaphore, #tpu.memory_space<semaphore_mem>>, %arg19: memref<!tpu.dma_semaphore, #tpu.memory_space<semaphore_mem>>, %arg20: memref<!tpu.dma_semaphore, #tpu.memory_space<semaphore_mem>>, %arg21: memref<!tpu.dma_semaphore, #tpu.memory_space<semaphore_mem>>) attributes {dimension_semantics = [#tpu.dimension_semantics<core_parallel>, #tpu.dimension_semantics<subcore_parallel>], iteration_bounds = array<i64: 2, 16>, scalar_prefetch = 0 : i64, scratch_operands = 15 : i64, tpu.core_type = #tpu.core_type<sc_vector_subcore>, window_params = [{transform_indices = #map}, {transform_indices = #map}, {transform_indices = #map1}, {transform_indices = #map1}, {transform_indices = #map}]} {
    %mul3A = arith.constant 10240 : i32
    %mul3A_0 = arith.muli %arg1, %mul3A : i32
    "tpu.region"() ({
      %run_scoped3A = tpu.sem_alloc : memref<!tpu.dma_semaphore, #tpu.memory_space<semaphore_mem>>
      %dma_start3A = tpu.memref_slice %arg4[%mul3A_0] : memref<163840xi32, #tpu.memory_space<hbm>> -> memref<10240xi32, #tpu.memory_space<hbm>>
      %dma_start3A_7 = tpu.memref_slice %arg4[%mul3A_0] : memref<163840xi32, #tpu.memory_space<hbm>> -> memref<10240xi32, #tpu.memory_space<hbm>>
      tpu.enqueue_dma source(%dma_start3A_7 : memref<10240xi32, #tpu.memory_space<hbm>>) target(%arg8 : memref<10240xi32, #tpu.memory_space<vmem>>) target_semaphore(%run_scoped3A : memref<!tpu.dma_semaphore, #tpu.memory_space<semaphore_mem>>)
      %dma_wait3A = tpu.memref_slice %arg4[%mul3A_0] : memref<163840xi32, #tpu.memory_space<hbm>> -> memref<10240xi32, #tpu.memory_space<hbm>>
      %dma_wait3A_8 = tpu.memref_slice %arg4[%mul3A_0] : memref<163840xi32, #tpu.memory_space<hbm>> -> memref<10240xi32, #tpu.memory_space<hbm>>
      tpu.wait_dma2 semaphore(%run_scoped3A : memref<!tpu.dma_semaphore, #tpu.memory_space<semaphore_mem>>) src(%dma_wait3A_8 : memref<10240xi32, #tpu.memory_space<hbm>>) dst(%arg8 : memref<10240xi32, #tpu.memory_space<vmem>>)
      tpu.yield
    }) : () -> ()
    "tpu.region"() ({
      %run_scoped3A = tpu.sem_alloc : memref<!tpu.dma_semaphore, #tpu.memory_space<semaphore_mem>>
      %dma_start3A = tpu.memref_slice %arg5[%mul3A_0] : memref<163840xi32, #tpu.memory_space<hbm>> -> memref<10240xi32, #tpu.memory_space<hbm>>
      %dma_start3A_7 = tpu.memref_slice %arg5[%mul3A_0] : memref<163840xi32, #tpu.memory_space<hbm>> -> memref<10240xi32, #tpu.memory_space<hbm>>
      tpu.enqueue_dma source(%dma_start3A_7 : memref<10240xi32, #tpu.memory_space<hbm>>) target(%arg9 : memref<10240xi32, #tpu.memory_space<vmem>>) target_semaphore(%run_scoped3A : memref<!tpu.dma_semaphore, #tpu.memory_space<semaphore_mem>>)
      %dma_wait3A = tpu.memref_slice %arg5[%mul3A_0] : memref<163840xi32, #tpu.memory_space<hbm>> -> memref<10240xi32, #tpu.memory_space<hbm>>
      %dma_wait3A_8 = tpu.memref_slice %arg5[%mul3A_0] : memref<163840xi32, #tpu.memory_space<hbm>> -> memref<10240xi32, #tpu.memory_space<hbm>>
      tpu.wait_dma2 semaphore(%run_scoped3A : memref<!tpu.dma_semaphore, #tpu.memory_space<semaphore_mem>>) src(%dma_wait3A_8 : memref<10240xi32, #tpu.memory_space<hbm>>) dst(%arg9 : memref<10240xi32, #tpu.memory_space<vmem>>)
      tpu.yield
    }) : () -> ()
    %scan3A = arith.constant 0 : i32
    %scan3A_1 = arith.constant 0 : i32
    %scan3A_2 = arith.constant 8 : i32
    %scan3A_3 = arith.addi %scan3A_1, %scan3A_2 : i32
    %scan3A_4 = arith.constant 1 : i32
    %scan3A_5 = scf.for %scan3A_7 = %scan3A_1 to %scan3A_3 step %scan3A_4 iter_args(%scan3A_8 = %scan3A) -> (i32)  : i32 {
      %mul3A_9 = arith.constant 8 : i32
      %mul3A_10 = arith.muli %arg0, %mul3A_9 : i32
      %add3A = arith.addi %mul3A_10, %scan3A_7 : i32
      %scan3A_11 = arith.constant 0 : i32
      %scan3A_12 = arith.constant 0 : i32
      %scan3A_13 = arith.constant 64 : i32
      %scan3A_14 = arith.addi %scan3A_12, %scan3A_13 : i32
      %scan3A_15 = arith.constant 1 : i32
      %scan3A_16 = scf.for %scan3A_218 = %scan3A_12 to %scan3A_14 step %scan3A_15 iter_args(%scan3A_219 = %scan3A_11) -> (i32)  : i32 {
        %broadcast_in_dim3A_220 = arith.constant 0.000000e+00 : f32
        %broadcast_in_dim3A_221 = vector.broadcast %broadcast_in_dim3A_220 : f32 to vector<16xf32>
        %swap3A_222 = arith.index_cast %scan3A_218 : i32 to index
        %swap3A_223 = arith.constant 0 : index
        %swap3A_224 = tpu.vector_load %arg10[%swap3A_222, %swap3A_223] {strides = array<i32>} : memref<64x128xf32, #tpu.memory_space<vmem>>, vector<1x16xf32>,
        %swap3A_225 = vector.shape_cast %swap3A_224 : vector<1x16xf32> to vector<16xf32>
        %swap3A_226 = vector.shape_cast %broadcast_in_dim3A_221 : vector<16xf32> to vector<1x16xf32>
        tpu.vector_store %arg10[%swap3A_222, %swap3A_223], %swap3A_226 {strides = array<i32>} : memref<64x128xf32, #tpu.memory_space<vmem>>, vector<1x16xf32>,
        %broadcast_in_dim3A_227 = arith.constant 0.000000e+00 : f32
        %broadcast_in_dim3A_228 = vector.broadcast %broadcast_in_dim3A_227 : f32 to vector<16xf32>
        %swap3A_229 = arith.index_cast %scan3A_218 : i32 to index
        %swap3A_230 = arith.constant 0 : index
        %swap3A_231 = tpu.vector_load %arg11[%swap3A_229, %swap3A_230] {strides = array<i32>} : memref<64x128xf32, #tpu.memory_space<vmem>>, vector<1x16xf32>,
        %swap3A_232 = vector.shape_cast %swap3A_231 : vector<1x16xf32> to vector<16xf32>
        %swap3A_233 = vector.shape_cast %broadcast_in_dim3A_228 : vector<16xf32> to vector<1x16xf32>
        tpu.vector_store %arg11[%swap3A_229, %swap3A_230], %swap3A_233 {strides = array<i32>} : memref<64x128xf32, #tpu.memory_space<vmem>>, vector<1x16xf32>,
        %broadcast_in_dim3A_234 = arith.constant 0.000000e+00 : f32
        %broadcast_in_dim3A_235 = vector.broadcast %broadcast_in_dim3A_234 : f32 to vector<16xf32>
        %swap3A_236 = arith.index_cast %scan3A_218 : i32 to index
        %swap3A_237 = arith.constant 16 : index
        %swap3A_238 = tpu.vector_load %arg10[%swap3A_236, %swap3A_237] {strides = array<i32>} : memref<64x128xf32, #tpu.memory_space<vmem>>, vector<1x16xf32>,
        %swap3A_239 = vector.shape_cast %swap3A_238 : vector<1x16xf32> to vector<16xf32>
        %swap3A_240 = vector.shape_cast %broadcast_in_dim3A_235 : vector<16xf32> to vector<1x16xf32>
        tpu.vector_store %arg10[%swap3A_236, %swap3A_237], %swap3A_240 {strides = array<i32>} : memref<64x128xf32, #tpu.memory_space<vmem>>, vector<1x16xf32>,
        %broadcast_in_dim3A_241 = arith.constant 0.000000e+00 : f32
        %broadcast_in_dim3A_242 = vector.broadcast %broadcast_in_dim3A_241 : f32 to vector<16xf32>
        %swap3A_243 = arith.index_cast %scan3A_218 : i32 to index
        %swap3A_244 = arith.constant 16 : index
        %swap3A_245 = tpu.vector_load %arg11[%swap3A_243, %swap3A_244] {strides = array<i32>} : memref<64x128xf32, #tpu.memory_space<vmem>>, vector<1x16xf32>,
        %swap3A_246 = vector.shape_cast %swap3A_245 : vector<1x16xf32> to vector<16xf32>
        %swap3A_247 = vector.shape_cast %broadcast_in_dim3A_242 : vector<16xf32> to vector<1x16xf32>
        tpu.vector_store %arg11[%swap3A_243, %swap3A_244], %swap3A_247 {strides = array<i32>} : memref<64x128xf32, #tpu.memory_space<vmem>>, vector<1x16xf32>,
        %broadcast_in_dim3A_248 = arith.constant 0.000000e+00 : f32
        %broadcast_in_dim3A_249 = vector.broadcast %broadcast_in_dim3A_248 : f32 to vector<16xf32>
        %swap3A_250 = arith.index_cast %scan3A_218 : i32 to index
        %swap3A_251 = arith.constant 32 : index
        %swap3A_252 = tpu.vector_load %arg10[%swap3A_250, %swap3A_251] {strides = array<i32>} : memref<64x128xf32, #tpu.memory_space<vmem>>, vector<1x16xf32>,
        %swap3A_253 = vector.shape_cast %swap3A_252 : vector<1x16xf32> to vector<16xf32>
        %swap3A_254 = vector.shape_cast %broadcast_in_dim3A_249 : vector<16xf32> to vector<1x16xf32>
        tpu.vector_store %arg10[%swap3A_250, %swap3A_251], %swap3A_254 {strides = array<i32>} : memref<64x128xf32, #tpu.memory_space<vmem>>, vector<1x16xf32>,
        %broadcast_in_dim3A_255 = arith.constant 0.000000e+00 : f32
        %broadcast_in_dim3A_256 = vector.broadcast %broadcast_in_dim3A_255 : f32 to vector<16xf32>
        %swap3A_257 = arith.index_cast %scan3A_218 : i32 to index
        %swap3A_258 = arith.constant 32 : index
        %swap3A_259 = tpu.vector_load %arg11[%swap3A_257, %swap3A_258] {strides = array<i32>} : memref<64x128xf32, #tpu.memory_space<vmem>>, vector<1x16xf32>,
        %swap3A_260 = vector.shape_cast %swap3A_259 : vector<1x16xf32> to vector<16xf32>
        %swap3A_261 = vector.shape_cast %broadcast_in_dim3A_256 : vector<16xf32> to vector<1x16xf32>
        tpu.vector_store %arg11[%swap3A_257, %swap3A_258], %swap3A_261 {strides = array<i32>} : memref<64x128xf32, #tpu.memory_space<vmem>>, vector<1x16xf32>,
        %broadcast_in_dim3A_262 = arith.constant 0.000000e+00 : f32
        %broadcast_in_dim3A_263 = vector.broadcast %broadcast_in_dim3A_262 : f32 to vector<16xf32>
        %swap3A_264 = arith.index_cast %scan3A_218 : i32 to index
        %swap3A_265 = arith.constant 48 : index
        %swap3A_266 = tpu.vector_load %arg10[%swap3A_264, %swap3A_265] {strides = array<i32>} : memref<64x128xf32, #tpu.memory_space<vmem>>, vector<1x16xf32>,
        %swap3A_267 = vector.shape_cast %swap3A_266 : vector<1x16xf32> to vector<16xf32>
        %swap3A_268 = vector.shape_cast %broadcast_in_dim3A_263 : vector<16xf32> to vector<1x16xf32>
        tpu.vector_store %arg10[%swap3A_264, %swap3A_265], %swap3A_268 {strides = array<i32>} : memref<64x128xf32, #tpu.memory_space<vmem>>, vector<1x16xf32>,
        %broadcast_in_dim3A_269 = arith.constant 0.000000e+00 : f32
        %broadcast_in_dim3A_270 = vector.broadcast %broadcast_in_dim3A_269 : f32 to vector<16xf32>
        %swap3A_271 = arith.index_cast %scan3A_218 : i32 to index
        %swap3A_272 = arith.constant 48 : index
        %swap3A_273 = tpu.vector_load %arg11[%swap3A_271, %swap3A_272] {strides = array<i32>} : memref<64x128xf32, #tpu.memory_space<vmem>>, vector<1x16xf32>,
        %swap3A_274 = vector.shape_cast %swap3A_273 : vector<1x16xf32> to vector<16xf32>
        %swap3A_275 = vector.shape_cast %broadcast_in_dim3A_270 : vector<16xf32> to vector<1x16xf32>
        tpu.vector_store %arg11[%swap3A_271, %swap3A_272], %swap3A_275 {strides = array<i32>} : memref<64x128xf32, #tpu.memory_space<vmem>>, vector<1x16xf32>,
        %broadcast_in_dim3A_276 = arith.constant 0.000000e+00 : f32
        %broadcast_in_dim3A_277 = vector.broadcast %broadcast_in_dim3A_276 : f32 to vector<16xf32>
        %swap3A_278 = arith.index_cast %scan3A_218 : i32 to index
        %swap3A_279 = arith.constant 64 : index
        %swap3A_280 = tpu.vector_load %arg10[%swap3A_278, %swap3A_279] {strides = array<i32>} : memref<64x128xf32, #tpu.memory_space<vmem>>, vector<1x16xf32>,
        %swap3A_281 = vector.shape_cast %swap3A_280 : vector<1x16xf32> to vector<16xf32>
        %swap3A_282 = vector.shape_cast %broadcast_in_dim3A_277 : vector<16xf32> to vector<1x16xf32>
        tpu.vector_store %arg10[%swap3A_278, %swap3A_279], %swap3A_282 {strides = array<i32>} : memref<64x128xf32, #tpu.memory_space<vmem>>, vector<1x16xf32>,
        %broadcast_in_dim3A_283 = arith.constant 0.000000e+00 : f32
        %broadcast_in_dim3A_284 = vector.broadcast %broadcast_in_dim3A_283 : f32 to vector<16xf32>
        %swap3A_285 = arith.index_cast %scan3A_218 : i32 to index
        %swap3A_286 = arith.constant 64 : index
        %swap3A_287 = tpu.vector_load %arg11[%swap3A_285, %swap3A_286] {strides = array<i32>} : memref<64x128xf32, #tpu.memory_space<vmem>>, vector<1x16xf32>,
        %swap3A_288 = vector.shape_cast %swap3A_287 : vector<1x16xf32> to vector<16xf32>
        %swap3A_289 = vector.shape_cast %broadcast_in_dim3A_284 : vector<16xf32> to vector<1x16xf32>
        tpu.vector_store %arg11[%swap3A_285, %swap3A_286], %swap3A_289 {strides = array<i32>} : memref<64x128xf32, #tpu.memory_space<vmem>>, vector<1x16xf32>,
        %broadcast_in_dim3A_290 = arith.constant 0.000000e+00 : f32
        %broadcast_in_dim3A_291 = vector.broadcast %broadcast_in_dim3A_290 : f32 to vector<16xf32>
        %swap3A_292 = arith.index_cast %scan3A_218 : i32 to index
        %swap3A_293 = arith.constant 80 : index
        %swap3A_294 = tpu.vector_load %arg10[%swap3A_292, %swap3A_293] {strides = array<i32>} : memref<64x128xf32, #tpu.memory_space<vmem>>, vector<1x16xf32>,
        %swap3A_295 = vector.shape_cast %swap3A_294 : vector<1x16xf32> to vector<16xf32>
        %swap3A_296 = vector.shape_cast %broadcast_in_dim3A_291 : vector<16xf32> to vector<1x16xf32>
        tpu.vector_store %arg10[%swap3A_292, %swap3A_293], %swap3A_296 {strides = array<i32>} : memref<64x128xf32, #tpu.memory_space<vmem>>, vector<1x16xf32>,
        %broadcast_in_dim3A_297 = arith.constant 0.000000e+00 : f32
        %broadcast_in_dim3A_298 = vector.broadcast %broadcast_in_dim3A_297 : f32 to vector<16xf32>
        %swap3A_299 = arith.index_cast %scan3A_218 : i32 to index
        %swap3A_300 = arith.constant 80 : index
        %swap3A_301 = tpu.vector_load %arg11[%swap3A_299, %swap3A_300] {strides = array<i32>} : memref<64x128xf32, #tpu.memory_space<vmem>>, vector<1x16xf32>,
        %swap3A_302 = vector.shape_cast %swap3A_301 : vector<1x16xf32> to vector<16xf32>
        %swap3A_303 = vector.shape_cast %broadcast_in_dim3A_298 : vector<16xf32> to vector<1x16xf32>
        tpu.vector_store %arg11[%swap3A_299, %swap3A_300], %swap3A_303 {strides = array<i32>} : memref<64x128xf32, #tpu.memory_space<vmem>>, vector<1x16xf32>,
        %broadcast_in_dim3A_304 = arith.constant 0.000000e+00 : f32
        %broadcast_in_dim3A_305 = vector.broadcast %broadcast_in_dim3A_304 : f32 to vector<16xf32>
        %swap3A_306 = arith.index_cast %scan3A_218 : i32 to index
        %swap3A_307 = arith.constant 96 : index
        %swap3A_308 = tpu.vector_load %arg10[%swap3A_306, %swap3A_307] {strides = array<i32>} : memref<64x128xf32, #tpu.memory_space<vmem>>, vector<1x16xf32>,
        %swap3A_309 = vector.shape_cast %swap3A_308 : vector<1x16xf32> to vector<16xf32>
        %swap3A_310 = vector.shape_cast %broadcast_in_dim3A_305 : vector<16xf32> to vector<1x16xf32>
        tpu.vector_store %arg10[%swap3A_306, %swap3A_307], %swap3A_310 {strides = array<i32>} : memref<64x128xf32, #tpu.memory_space<vmem>>, vector<1x16xf32>,
        %broadcast_in_dim3A_311 = arith.constant 0.000000e+00 : f32
        %broadcast_in_dim3A_312 = vector.broadcast %broadcast_in_dim3A_311 : f32 to vector<16xf32>
        %swap3A_313 = arith.index_cast %scan3A_218 : i32 to index
        %swap3A_314 = arith.constant 96 : index
        %swap3A_315 = tpu.vector_load %arg11[%swap3A_313, %swap3A_314] {strides = array<i32>} : memref<64x128xf32, #tpu.memory_space<vmem>>, vector<1x16xf32>,
        %swap3A_316 = vector.shape_cast %swap3A_315 : vector<1x16xf32> to vector<16xf32>
        %swap3A_317 = vector.shape_cast %broadcast_in_dim3A_312 : vector<16xf32> to vector<1x16xf32>
        tpu.vector_store %arg11[%swap3A_313, %swap3A_314], %swap3A_317 {strides = array<i32>} : memref<64x128xf32, #tpu.memory_space<vmem>>, vector<1x16xf32>,
        %broadcast_in_dim3A_318 = arith.constant 0.000000e+00 : f32
        %broadcast_in_dim3A_319 = vector.broadcast %broadcast_in_dim3A_318 : f32 to vector<16xf32>
        %swap3A_320 = arith.index_cast %scan3A_218 : i32 to index
        %swap3A_321 = arith.constant 112 : index
        %swap3A_322 = tpu.vector_load %arg10[%swap3A_320, %swap3A_321] {strides = array<i32>} : memref<64x128xf32, #tpu.memory_space<vmem>>, vector<1x16xf32>,
        %swap3A_323 = vector.shape_cast %swap3A_322 : vector<1x16xf32> to vector<16xf32>
        %swap3A_324 = vector.shape_cast %broadcast_in_dim3A_319 : vector<16xf32> to vector<1x16xf32>
        tpu.vector_store %arg10[%swap3A_320, %swap3A_321], %swap3A_324 {strides = array<i32>} : memref<64x128xf32, #tpu.memory_space<vmem>>, vector<1x16xf32>,
        %broadcast_in_dim3A_325 = arith.constant 0.000000e+00 : f32
        %broadcast_in_dim3A_326 = vector.broadcast %broadcast_in_dim3A_325 : f32 to vector<16xf32>
        %swap3A_327 = arith.index_cast %scan3A_218 : i32 to index
        %swap3A_328 = arith.constant 112 : index
        %swap3A_329 = tpu.vector_load %arg11[%swap3A_327, %swap3A_328] {strides = array<i32>} : memref<64x128xf32, #tpu.memory_space<vmem>>, vector<1x16xf32>,
        %swap3A_330 = vector.shape_cast %swap3A_329 : vector<1x16xf32> to vector<16xf32>
        %swap3A_331 = vector.shape_cast %broadcast_in_dim3A_326 : vector<16xf32> to vector<1x16xf32>
        tpu.vector_store %arg11[%swap3A_327, %swap3A_328], %swap3A_331 {strides = array<i32>} : memref<64x128xf32, #tpu.memory_space<vmem>>, vector<1x16xf32>,
        %scan3A_332 = arith.constant 0 : i32
        scf.yield %scan3A_332 : i32
      }
      %scan3A_17 = arith.constant 64 : i32
      %mul3A_18 = arith.constant 640 : i32
      %mul3A_19 = arith.muli %arg1, %mul3A_18 : i32
      %add3A_20 = arith.constant 0 : i32
      %add3A_21 = arith.addi %mul3A_19, %add3A_20 : i32
      "tpu.region"() ({
        %run_scoped3A = tpu.sem_alloc : memref<!tpu.dma_semaphore, #tpu.memory_space<semaphore_mem>>
        %dma_start3A_218 = arith.constant 0 : i32
        %dma_start3A_219 = tpu.memref_slice %arg7[%add3A_21, %dma_start3A_218] : memref<10240x128xf32, #tpu.memory_space<vmem_shared>> -> memref<64x128xf32, #tpu.memory_space<vmem_shared>>
        %dma_start3A_220 = arith.constant 0 : i32
        %dma_start3A_221 = tpu.memref_slice %arg7[%add3A_21, %dma_start3A_220] : memref<10240x128xf32, #tpu.memory_space<vmem_shared>> -> memref<64x128xf32, #tpu.memory_space<vmem_shared>>
        tpu.enqueue_dma source(%arg10 : memref<64x128xf32, #tpu.memory_space<vmem>>) target(%dma_start3A_221 : memref<64x128xf32, #tpu.memory_space<vmem_shared>>) target_semaphore(%run_scoped3A : memref<!tpu.dma_semaphore, #tpu.memory_space<semaphore_mem>>)
        %dma_wait3A_222 = arith.constant 0 : i32
        %dma_wait3A_223 = tpu.memref_slice %arg7[%add3A_21, %dma_wait3A_222] : memref<10240x128xf32, #tpu.memory_space<vmem_shared>> -> memref<64x128xf32, #tpu.memory_space<vmem_shared>>
        %dma_wait3A_224 = arith.constant 0 : i32
        %dma_wait3A_225 = tpu.memref_slice %arg7[%add3A_21, %dma_wait3A_224] : memref<10240x128xf32, #tpu.memory_space<vmem_shared>> -> memref<64x128xf32, #tpu.memory_space<vmem_shared>>
        tpu.wait_dma2 semaphore(%run_scoped3A : memref<!tpu.dma_semaphore, #tpu.memory_space<semaphore_mem>>) src(%arg10 : memref<64x128xf32, #tpu.memory_space<vmem>>) dst(%dma_wait3A_225 : memref<64x128xf32, #tpu.memory_space<vmem_shared>>)
        tpu.yield
      }) : () -> ()
      %mul3A_22 = arith.constant 640 : i32
      %mul3A_23 = arith.muli %arg1, %mul3A_22 : i32
      %add3A_24 = arith.constant 64 : i32
      %add3A_25 = arith.addi %mul3A_23, %add3A_24 : i32
      "tpu.region"() ({
        %run_scoped3A = tpu.sem_alloc : memref<!tpu.dma_semaphore, #tpu.memory_space<semaphore_mem>>
        %dma_start3A_218 = arith.constant 0 : i32
        %dma_start3A_219 = tpu.memref_slice %arg7[%add3A_25, %dma_start3A_218] : memref<10240x128xf32, #tpu.memory_space<vmem_shared>> -> memref<64x128xf32, #tpu.memory_space<vmem_shared>>
        %dma_start3A_220 = arith.constant 0 : i32
        %dma_start3A_221 = tpu.memref_slice %arg7[%add3A_25, %dma_start3A_220] : memref<10240x128xf32, #tpu.memory_space<vmem_shared>> -> memref<64x128xf32, #tpu.memory_space<vmem_shared>>
        tpu.enqueue_dma source(%arg10 : memref<64x128xf32, #tpu.memory_space<vmem>>) target(%dma_start3A_221 : memref<64x128xf32, #tpu.memory_space<vmem_shared>>) target_semaphore(%run_scoped3A : memref<!tpu.dma_semaphore, #tpu.memory_space<semaphore_mem>>)
        %dma_wait3A_222 = arith.constant 0 : i32
        %dma_wait3A_223 = tpu.memref_slice %arg7[%add3A_25, %dma_wait3A_222] : memref<10240x128xf32, #tpu.memory_space<vmem_shared>> -> memref<64x128xf32, #tpu.memory_space<vmem_shared>>
        %dma_wait3A_224 = arith.constant 0 : i32
        %dma_wait3A_225 = tpu.memref_slice %arg7[%add3A_25, %dma_wait3A_224] : memref<10240x128xf32, #tpu.memory_space<vmem_shared>> -> memref<64x128xf32, #tpu.memory_space<vmem_shared>>
        tpu.wait_dma2 semaphore(%run_scoped3A : memref<!tpu.dma_semaphore, #tpu.memory_space<semaphore_mem>>) src(%arg10 : memref<64x128xf32, #tpu.memory_space<vmem>>) dst(%dma_wait3A_225 : memref<64x128xf32, #tpu.memory_space<vmem_shared>>)
        tpu.yield
      }) : () -> ()
      %mul3A_26 = arith.constant 640 : i32
      %mul3A_27 = arith.muli %arg1, %mul3A_26 : i32
      %add3A_28 = arith.constant 128 : i32
      %add3A_29 = arith.addi %mul3A_27, %add3A_28 : i32
      "tpu.region"() ({
        %run_scoped3A = tpu.sem_alloc : memref<!tpu.dma_semaphore, #tpu.memory_space<semaphore_mem>>
        %dma_start3A_218 = arith.constant 0 : i32
        %dma_start3A_219 = tpu.memref_slice %arg7[%add3A_29, %dma_start3A_218] : memref<10240x128xf32, #tpu.memory_space<vmem_shared>> -> memref<64x128xf32, #tpu.memory_space<vmem_shared>>
        %dma_start3A_220 = arith.constant 0 : i32
        %dma_start3A_221 = tpu.memref_slice %arg7[%add3A_29, %dma_start3A_220] : memref<10240x128xf32, #tpu.memory_space<vmem_shared>> -> memref<64x128xf32, #tpu.memory_space<vmem_shared>>
        tpu.enqueue_dma source(%arg10 : memref<64x128xf32, #tpu.memory_space<vmem>>) target(%dma_start3A_221 : memref<64x128xf32, #tpu.memory_space<vmem_shared>>) target_semaphore(%run_scoped3A : memref<!tpu.dma_semaphore, #tpu.memory_space<semaphore_mem>>)
        %dma_wait3A_222 = arith.constant 0 : i32
        %dma_wait3A_223 = tpu.memref_slice %arg7[%add3A_29, %dma_wait3A_222] : memref<10240x128xf32, #tpu.memory_space<vmem_shared>> -> memref<64x128xf32, #tpu.memory_space<vmem_shared>>
        %dma_wait3A_224 = arith.constant 0 : i32
        %dma_wait3A_225 = tpu.memref_slice %arg7[%add3A_29, %dma_wait3A_224] : memref<10240x128xf32, #tpu.memory_space<vmem_shared>> -> memref<64x128xf32, #tpu.memory_space<vmem_shared>>
        tpu.wait_dma2 semaphore(%run_scoped3A : memref<!tpu.dma_semaphore, #tpu.memory_space<semaphore_mem>>) src(%arg10 : memref<64x128xf32, #tpu.memory_space<vmem>>) dst(%dma_wait3A_225 : memref<64x128xf32, #tpu.memory_space<vmem_shared>>)
        tpu.yield
      }) : () -> ()
      %mul3A_30 = arith.constant 640 : i32
      %mul3A_31 = arith.muli %arg1, %mul3A_30 : i32
      %add3A_32 = arith.constant 192 : i32
      %add3A_33 = arith.addi %mul3A_31, %add3A_32 : i32
      "tpu.region"() ({
        %run_scoped3A = tpu.sem_alloc : memref<!tpu.dma_semaphore, #tpu.memory_space<semaphore_mem>>
        %dma_start3A_218 = arith.constant 0 : i32
        %dma_start3A_219 = tpu.memref_slice %arg7[%add3A_33, %dma_start3A_218] : memref<10240x128xf32, #tpu.memory_space<vmem_shared>> -> memref<64x128xf32, #tpu.memory_space<vmem_shared>>
        %dma_start3A_220 = arith.constant 0 : i32
        %dma_start3A_221 = tpu.memref_slice %arg7[%add3A_33, %dma_start3A_220] : memref<10240x128xf32, #tpu.memory_space<vmem_shared>> -> memref<64x128xf32, #tpu.memory_space<vmem_shared>>
        tpu.enqueue_dma source(%arg10 : memref<64x128xf32, #tpu.memory_space<vmem>>) target(%dma_start3A_221 : memref<64x128xf32, #tpu.memory_space<vmem_shared>>) target_semaphore(%run_scoped3A : memref<!tpu.dma_semaphore, #tpu.memory_space<semaphore_mem>>)
        %dma_wait3A_222 = arith.constant 0 : i32
        %dma_wait3A_223 = tpu.memref_slice %arg7[%add3A_33, %dma_wait3A_222] : memref<10240x128xf32, #tpu.memory_space<vmem_shared>> -> memref<64x128xf32, #tpu.memory_space<vmem_shared>>
        %dma_wait3A_224 = arith.constant 0 : i32
        %dma_wait3A_225 = tpu.memref_slice %arg7[%add3A_33, %dma_wait3A_224] : memref<10240x128xf32, #tpu.memory_space<vmem_shared>> -> memref<64x128xf32, #tpu.memory_space<vmem_shared>>
        tpu.wait_dma2 semaphore(%run_scoped3A : memref<!tpu.dma_semaphore, #tpu.memory_space<semaphore_mem>>) src(%arg10 : memref<64x128xf32, #tpu.memory_space<vmem>>) dst(%dma_wait3A_225 : memref<64x128xf32, #tpu.memory_space<vmem_shared>>)
        tpu.yield
      }) : () -> ()
      %mul3A_34 = arith.constant 640 : i32
      %mul3A_35 = arith.muli %arg1, %mul3A_34 : i32
      %add3A_36 = arith.constant 256 : i32
      %add3A_37 = arith.addi %mul3A_35, %add3A_36 : i32
      "tpu.region"() ({
        %run_scoped3A = tpu.sem_alloc : memref<!tpu.dma_semaphore, #tpu.memory_space<semaphore_mem>>
        %dma_start3A_218 = arith.constant 0 : i32
        %dma_start3A_219 = tpu.memref_slice %arg7[%add3A_37, %dma_start3A_218] : memref<10240x128xf32, #tpu.memory_space<vmem_shared>> -> memref<64x128xf32, #tpu.memory_space<vmem_shared>>
        %dma_start3A_220 = arith.constant 0 : i32
        %dma_start3A_221 = tpu.memref_slice %arg7[%add3A_37, %dma_start3A_220] : memref<10240x128xf32, #tpu.memory_space<vmem_shared>> -> memref<64x128xf32, #tpu.memory_space<vmem_shared>>
        tpu.enqueue_dma source(%arg10 : memref<64x128xf32, #tpu.memory_space<vmem>>) target(%dma_start3A_221 : memref<64x128xf32, #tpu.memory_space<vmem_shared>>) target_semaphore(%run_scoped3A : memref<!tpu.dma_semaphore, #tpu.memory_space<semaphore_mem>>)
        %dma_wait3A_222 = arith.constant 0 : i32
        %dma_wait3A_223 = tpu.memref_slice %arg7[%add3A_37, %dma_wait3A_222] : memref<10240x128xf32, #tpu.memory_space<vmem_shared>> -> memref<64x128xf32, #tpu.memory_space<vmem_shared>>
        %dma_wait3A_224 = arith.constant 0 : i32
        %dma_wait3A_225 = tpu.memref_slice %arg7[%add3A_37, %dma_wait3A_224] : memref<10240x128xf32, #tpu.memory_space<vmem_shared>> -> memref<64x128xf32, #tpu.memory_space<vmem_shared>>
        tpu.wait_dma2 semaphore(%run_scoped3A : memref<!tpu.dma_semaphore, #tpu.memory_space<semaphore_mem>>) src(%arg10 : memref<64x128xf32, #tpu.memory_space<vmem>>) dst(%dma_wait3A_225 : memref<64x128xf32, #tpu.memory_space<vmem_shared>>)
        tpu.yield
      }) : () -> ()
      %mul3A_38 = arith.constant 640 : i32
      %mul3A_39 = arith.muli %arg1, %mul3A_38 : i32
      %add3A_40 = arith.constant 320 : i32
      %add3A_41 = arith.addi %mul3A_39, %add3A_40 : i32
      "tpu.region"() ({
        %run_scoped3A = tpu.sem_alloc : memref<!tpu.dma_semaphore, #tpu.memory_space<semaphore_mem>>
        %dma_start3A_218 = arith.constant 0 : i32
        %dma_start3A_219 = tpu.memref_slice %arg7[%add3A_41, %dma_start3A_218] : memref<10240x128xf32, #tpu.memory_space<vmem_shared>> -> memref<64x128xf32, #tpu.memory_space<vmem_shared>>
        %dma_start3A_220 = arith.constant 0 : i32
        %dma_start3A_221 = tpu.memref_slice %arg7[%add3A_41, %dma_start3A_220] : memref<10240x128xf32, #tpu.memory_space<vmem_shared>> -> memref<64x128xf32, #tpu.memory_space<vmem_shared>>
        tpu.enqueue_dma source(%arg10 : memref<64x128xf32, #tpu.memory_space<vmem>>) target(%dma_start3A_221 : memref<64x128xf32, #tpu.memory_space<vmem_shared>>) target_semaphore(%run_scoped3A : memref<!tpu.dma_semaphore, #tpu.memory_space<semaphore_mem>>)
        %dma_wait3A_222 = arith.constant 0 : i32
        %dma_wait3A_223 = tpu.memref_slice %arg7[%add3A_41, %dma_wait3A_222] : memref<10240x128xf32, #tpu.memory_space<vmem_shared>> -> memref<64x128xf32, #tpu.memory_space<vmem_shared>>
        %dma_wait3A_224 = arith.constant 0 : i32
        %dma_wait3A_225 = tpu.memref_slice %arg7[%add3A_41, %dma_wait3A_224] : memref<10240x128xf32, #tpu.memory_space<vmem_shared>> -> memref<64x128xf32, #tpu.memory_space<vmem_shared>>
        tpu.wait_dma2 semaphore(%run_scoped3A : memref<!tpu.dma_semaphore, #tpu.memory_space<semaphore_mem>>) src(%arg10 : memref<64x128xf32, #tpu.memory_space<vmem>>) dst(%dma_wait3A_225 : memref<64x128xf32, #tpu.memory_space<vmem_shared>>)
        tpu.yield
      }) : () -> ()
      %mul3A_42 = arith.constant 640 : i32
      %mul3A_43 = arith.muli %arg1, %mul3A_42 : i32
      %add3A_44 = arith.constant 384 : i32
      %add3A_45 = arith.addi %mul3A_43, %add3A_44 : i32
      "tpu.region"() ({
        %run_scoped3A = tpu.sem_alloc : memref<!tpu.dma_semaphore, #tpu.memory_space<semaphore_mem>>
        %dma_start3A_218 = arith.constant 0 : i32
        %dma_start3A_219 = tpu.memref_slice %arg7[%add3A_45, %dma_start3A_218] : memref<10240x128xf32, #tpu.memory_space<vmem_shared>> -> memref<64x128xf32, #tpu.memory_space<vmem_shared>>
        %dma_start3A_220 = arith.constant 0 : i32
        %dma_start3A_221 = tpu.memref_slice %arg7[%add3A_45, %dma_start3A_220] : memref<10240x128xf32, #tpu.memory_space<vmem_shared>> -> memref<64x128xf32, #tpu.memory_space<vmem_shared>>
        tpu.enqueue_dma source(%arg10 : memref<64x128xf32, #tpu.memory_space<vmem>>) target(%dma_start3A_221 : memref<64x128xf32, #tpu.memory_space<vmem_shared>>) target_semaphore(%run_scoped3A : memref<!tpu.dma_semaphore, #tpu.memory_space<semaphore_mem>>)
        %dma_wait3A_222 = arith.constant 0 : i32
        %dma_wait3A_223 = tpu.memref_slice %arg7[%add3A_45, %dma_wait3A_222] : memref<10240x128xf32, #tpu.memory_space<vmem_shared>> -> memref<64x128xf32, #tpu.memory_space<vmem_shared>>
        %dma_wait3A_224 = arith.constant 0 : i32
        %dma_wait3A_225 = tpu.memref_slice %arg7[%add3A_45, %dma_wait3A_224] : memref<10240x128xf32, #tpu.memory_space<vmem_shared>> -> memref<64x128xf32, #tpu.memory_space<vmem_shared>>
        tpu.wait_dma2 semaphore(%run_scoped3A : memref<!tpu.dma_semaphore, #tpu.memory_space<semaphore_mem>>) src(%arg10 : memref<64x128xf32, #tpu.memory_space<vmem>>) dst(%dma_wait3A_225 : memref<64x128xf32, #tpu.memory_space<vmem_shared>>)
        tpu.yield
      }) : () -> ()
      %mul3A_46 = arith.constant 640 : i32
      %mul3A_47 = arith.muli %arg1, %mul3A_46 : i32
      %add3A_48 = arith.constant 448 : i32
      %add3A_49 = arith.addi %mul3A_47, %add3A_48 : i32
      "tpu.region"() ({
        %run_scoped3A = tpu.sem_alloc : memref<!tpu.dma_semaphore, #tpu.memory_space<semaphore_mem>>
        %dma_start3A_218 = arith.constant 0 : i32
        %dma_start3A_219 = tpu.memref_slice %arg7[%add3A_49, %dma_start3A_218] : memref<10240x128xf32, #tpu.memory_space<vmem_shared>> -> memref<64x128xf32, #tpu.memory_space<vmem_shared>>
        %dma_start3A_220 = arith.constant 0 : i32
        %dma_start3A_221 = tpu.memref_slice %arg7[%add3A_49, %dma_start3A_220] : memref<10240x128xf32, #tpu.memory_space<vmem_shared>> -> memref<64x128xf32, #tpu.memory_space<vmem_shared>>
        tpu.enqueue_dma source(%arg10 : memref<64x128xf32, #tpu.memory_space<vmem>>) target(%dma_start3A_221 : memref<64x128xf32, #tpu.memory_space<vmem_shared>>) target_semaphore(%run_scoped3A : memref<!tpu.dma_semaphore, #tpu.memory_space<semaphore_mem>>)
        %dma_wait3A_222 = arith.constant 0 : i32
        %dma_wait3A_223 = tpu.memref_slice %arg7[%add3A_49, %dma_wait3A_222] : memref<10240x128xf32, #tpu.memory_space<vmem_shared>> -> memref<64x128xf32, #tpu.memory_space<vmem_shared>>
        %dma_wait3A_224 = arith.constant 0 : i32
        %dma_wait3A_225 = tpu.memref_slice %arg7[%add3A_49, %dma_wait3A_224] : memref<10240x128xf32, #tpu.memory_space<vmem_shared>> -> memref<64x128xf32, #tpu.memory_space<vmem_shared>>
        tpu.wait_dma2 semaphore(%run_scoped3A : memref<!tpu.dma_semaphore, #tpu.memory_space<semaphore_mem>>) src(%arg10 : memref<64x128xf32, #tpu.memory_space<vmem>>) dst(%dma_wait3A_225 : memref<64x128xf32, #tpu.memory_space<vmem_shared>>)
        tpu.yield
      }) : () -> ()
      %mul3A_50 = arith.constant 640 : i32
      %mul3A_51 = arith.muli %arg1, %mul3A_50 : i32
      %add3A_52 = arith.constant 512 : i32
      %add3A_53 = arith.addi %mul3A_51, %add3A_52 : i32
      "tpu.region"() ({
        %run_scoped3A = tpu.sem_alloc : memref<!tpu.dma_semaphore, #tpu.memory_space<semaphore_mem>>
        %dma_start3A_218 = arith.constant 0 : i32
        %dma_start3A_219 = tpu.memref_slice %arg7[%add3A_53, %dma_start3A_218] : memref<10240x128xf32, #tpu.memory_space<vmem_shared>> -> memref<64x128xf32, #tpu.memory_space<vmem_shared>>
        %dma_start3A_220 = arith.constant 0 : i32
        %dma_start3A_221 = tpu.memref_slice %arg7[%add3A_53, %dma_start3A_220] : memref<10240x128xf32, #tpu.memory_space<vmem_shared>> -> memref<64x128xf32, #tpu.memory_space<vmem_shared>>
        tpu.enqueue_dma source(%arg10 : memref<64x128xf32, #tpu.memory_space<vmem>>) target(%dma_start3A_221 : memref<64x128xf32, #tpu.memory_space<vmem_shared>>) target_semaphore(%run_scoped3A : memref<!tpu.dma_semaphore, #tpu.memory_space<semaphore_mem>>)
        %dma_wait3A_222 = arith.constant 0 : i32
        %dma_wait3A_223 = tpu.memref_slice %arg7[%add3A_53, %dma_wait3A_222] : memref<10240x128xf32, #tpu.memory_space<vmem_shared>> -> memref<64x128xf32, #tpu.memory_space<vmem_shared>>
        %dma_wait3A_224 = arith.constant 0 : i32
        %dma_wait3A_225 = tpu.memref_slice %arg7[%add3A_53, %dma_wait3A_224] : memref<10240x128xf32, #tpu.memory_space<vmem_shared>> -> memref<64x128xf32, #tpu.memory_space<vmem_shared>>
        tpu.wait_dma2 semaphore(%run_scoped3A : memref<!tpu.dma_semaphore, #tpu.memory_space<semaphore_mem>>) src(%arg10 : memref<64x128xf32, #tpu.memory_space<vmem>>) dst(%dma_wait3A_225 : memref<64x128xf32, #tpu.memory_space<vmem_shared>>)
        tpu.yield
      }) : () -> ()
      %mul3A_54 = arith.constant 640 : i32
      %mul3A_55 = arith.muli %arg1, %mul3A_54 : i32
      %add3A_56 = arith.constant 576 : i32
      %add3A_57 = arith.addi %mul3A_55, %add3A_56 : i32
      "tpu.region"() ({
        %run_scoped3A = tpu.sem_alloc : memref<!tpu.dma_semaphore, #tpu.memory_space<semaphore_mem>>
        %dma_start3A_218 = arith.constant 0 : i32
        %dma_start3A_219 = tpu.memref_slice %arg7[%add3A_57, %dma_start3A_218] : memref<10240x128xf32, #tpu.memory_space<vmem_shared>> -> memref<64x128xf32, #tpu.memory_space<vmem_shared>>
        %dma_start3A_220 = arith.constant 0 : i32
        %dma_start3A_221 = tpu.memref_slice %arg7[%add3A_57, %dma_start3A_220] : memref<10240x128xf32, #tpu.memory_space<vmem_shared>> -> memref<64x128xf32, #tpu.memory_space<vmem_shared>>
        tpu.enqueue_dma source(%arg10 : memref<64x128xf32, #tpu.memory_space<vmem>>) target(%dma_start3A_221 : memref<64x128xf32, #tpu.memory_space<vmem_shared>>) target_semaphore(%run_scoped3A : memref<!tpu.dma_semaphore, #tpu.memory_space<semaphore_mem>>)
        %dma_wait3A_222 = arith.constant 0 : i32
        %dma_wait3A_223 = tpu.memref_slice %arg7[%add3A_57, %dma_wait3A_222] : memref<10240x128xf32, #tpu.memory_space<vmem_shared>> -> memref<64x128xf32, #tpu.memory_space<vmem_shared>>
        %dma_wait3A_224 = arith.constant 0 : i32
        %dma_wait3A_225 = tpu.memref_slice %arg7[%add3A_57, %dma_wait3A_224] : memref<10240x128xf32, #tpu.memory_space<vmem_shared>> -> memref<64x128xf32, #tpu.memory_space<vmem_shared>>
        tpu.wait_dma2 semaphore(%run_scoped3A : memref<!tpu.dma_semaphore, #tpu.memory_space<semaphore_mem>>) src(%arg10 : memref<64x128xf32, #tpu.memory_space<vmem>>) dst(%dma_wait3A_225 : memref<64x128xf32, #tpu.memory_space<vmem_shared>>)
        tpu.yield
      }) : () -> ()
      %barrier3A = arith.constant 0 : index
      tpu.barrier barrier_id(%barrier3A)
      %mul3A_58 = arith.constant 10240 : i32
      %mul3A_59 = arith.muli %add3A, %mul3A_58 : i32
      %broadcast_in_dim3A = vector.broadcast %mul3A_59 : i32 to vector<16xi32>
      %get3A = arith.constant 0 : index
      %get3A_60 = tpu.vector_load %arg8[%get3A] {strides = array<i32>} : memref<10240xi32, #tpu.memory_space<vmem>>, vector<16xi32>,
      %get3A_61 = vector.shape_cast %get3A_60 : vector<16xi32> to vector<16xi32>
      %add3A_62 = arith.addi %get3A_61, %broadcast_in_dim3A : vector<16xi32>
      %swap3A = arith.constant 0 : index
      %swap3A_63 = tpu.vector_load %arg15[%swap3A] {strides = array<i32>} : memref<64xi32, #tpu.memory_space<vmem>>, vector<16xi32>,
      %swap3A_64 = vector.shape_cast %swap3A_63 : vector<16xi32> to vector<16xi32>
      %swap3A_65 = vector.shape_cast %add3A_62 : vector<16xi32> to vector<16xi32>
      tpu.vector_store %arg15[%swap3A], %swap3A_65 {strides = array<i32>} : memref<64xi32, #tpu.memory_space<vmem>>, vector<16xi32>,
      %get3A_66 = arith.constant 0 : index
      %get3A_67 = tpu.vector_load %arg9[%get3A_66] {strides = array<i32>} : memref<10240xi32, #tpu.memory_space<vmem>>, vector<16xi32>,
      %get3A_68 = vector.shape_cast %get3A_67 : vector<16xi32> to vector<16xi32>
      %swap3A_69 = arith.constant 0 : index
      %swap3A_70 = tpu.vector_load %arg17[%swap3A_69] {strides = array<i32>} : memref<64xi32, #tpu.memory_space<vmem>>, vector<16xi32>,
      %swap3A_71 = vector.shape_cast %swap3A_70 : vector<16xi32> to vector<16xi32>
      %swap3A_72 = vector.shape_cast %get3A_68 : vector<16xi32> to vector<16xi32>
      tpu.vector_store %arg17[%swap3A_69], %swap3A_72 {strides = array<i32>} : memref<64xi32, #tpu.memory_space<vmem>>, vector<16xi32>,
      %get3A_73 = arith.constant 16 : index
      %get3A_74 = tpu.vector_load %arg8[%get3A_73] {strides = array<i32>} : memref<10240xi32, #tpu.memory_space<vmem>>, vector<16xi32>,
      %get3A_75 = vector.shape_cast %get3A_74 : vector<16xi32> to vector<16xi32>
      %add3A_76 = arith.addi %get3A_75, %broadcast_in_dim3A : vector<16xi32>
      %swap3A_77 = arith.constant 16 : index
      %swap3A_78 = tpu.vector_load %arg15[%swap3A_77] {strides = array<i32>} : memref<64xi32, #tpu.memory_space<vmem>>, vector<16xi32>,
      %swap3A_79 = vector.shape_cast %swap3A_78 : vector<16xi32> to vector<16xi32>
      %swap3A_80 = vector.shape_cast %add3A_76 : vector<16xi32> to vector<16xi32>
      tpu.vector_store %arg15[%swap3A_77], %swap3A_80 {strides = array<i32>} : memref<64xi32, #tpu.memory_space<vmem>>, vector<16xi32>,
      %get3A_81 = arith.constant 16 : index
      %get3A_82 = tpu.vector_load %arg9[%get3A_81] {strides = array<i32>} : memref<10240xi32, #tpu.memory_space<vmem>>, vector<16xi32>,
      %get3A_83 = vector.shape_cast %get3A_82 : vector<16xi32> to vector<16xi32>
      %swap3A_84 = arith.constant 16 : index
      %swap3A_85 = tpu.vector_load %arg17[%swap3A_84] {strides = array<i32>} : memref<64xi32, #tpu.memory_space<vmem>>, vector<16xi32>,
      %swap3A_86 = vector.shape_cast %swap3A_85 : vector<16xi32> to vector<16xi32>
      %swap3A_87 = vector.shape_cast %get3A_83 : vector<16xi32> to vector<16xi32>
      tpu.vector_store %arg17[%swap3A_84], %swap3A_87 {strides = array<i32>} : memref<64xi32, #tpu.memory_space<vmem>>, vector<16xi32>,
      %get3A_88 = arith.constant 32 : index
      %get3A_89 = tpu.vector_load %arg8[%get3A_88] {strides = array<i32>} : memref<10240xi32, #tpu.memory_space<vmem>>, vector<16xi32>,
      %get3A_90 = vector.shape_cast %get3A_89 : vector<16xi32> to vector<16xi32>
      %add3A_91 = arith.addi %get3A_90, %broadcast_in_dim3A : vector<16xi32>
      %swap3A_92 = arith.constant 32 : index
      %swap3A_93 = tpu.vector_load %arg15[%swap3A_92] {strides = array<i32>} : memref<64xi32, #tpu.memory_space<vmem>>, vector<16xi32>,
      %swap3A_94 = vector.shape_cast %swap3A_93 : vector<16xi32> to vector<16xi32>
      %swap3A_95 = vector.shape_cast %add3A_91 : vector<16xi32> to vector<16xi32>
      tpu.vector_store %arg15[%swap3A_92], %swap3A_95 {strides = array<i32>} : memref<64xi32, #tpu.memory_space<vmem>>, vector<16xi32>,
      %get3A_96 = arith.constant 32 : index
      %get3A_97 = tpu.vector_load %arg9[%get3A_96] {strides = array<i32>} : memref<10240xi32, #tpu.memory_space<vmem>>, vector<16xi32>,
      %get3A_98 = vector.shape_cast %get3A_97 : vector<16xi32> to vector<16xi32>
      %swap3A_99 = arith.constant 32 : index
      %swap3A_100 = tpu.vector_load %arg17[%swap3A_99] {strides = array<i32>} : memref<64xi32, #tpu.memory_space<vmem>>, vector<16xi32>,
      %swap3A_101 = vector.shape_cast %swap3A_100 : vector<16xi32> to vector<16xi32>
      %swap3A_102 = vector.shape_cast %get3A_98 : vector<16xi32> to vector<16xi32>
      tpu.vector_store %arg17[%swap3A_99], %swap3A_102 {strides = array<i32>} : memref<64xi32, #tpu.memory_space<vmem>>, vector<16xi32>,
      %get3A_103 = arith.constant 48 : index
      %get3A_104 = tpu.vector_load %arg8[%get3A_103] {strides = array<i32>} : memref<10240xi32, #tpu.memory_space<vmem>>, vector<16xi32>,
      %get3A_105 = vector.shape_cast %get3A_104 : vector<16xi32> to vector<16xi32>
      %add3A_106 = arith.addi %get3A_105, %broadcast_in_dim3A : vector<16xi32>
      %swap3A_107 = arith.constant 48 : index
      %swap3A_108 = tpu.vector_load %arg15[%swap3A_107] {strides = array<i32>} : memref<64xi32, #tpu.memory_space<vmem>>, vector<16xi32>,
      %swap3A_109 = vector.shape_cast %swap3A_108 : vector<16xi32> to vector<16xi32>
      %swap3A_110 = vector.shape_cast %add3A_106 : vector<16xi32> to vector<16xi32>
      tpu.vector_store %arg15[%swap3A_107], %swap3A_110 {strides = array<i32>} : memref<64xi32, #tpu.memory_space<vmem>>, vector<16xi32>,
      %get3A_111 = arith.constant 48 : index
      %get3A_112 = tpu.vector_load %arg9[%get3A_111] {strides = array<i32>} : memref<10240xi32, #tpu.memory_space<vmem>>, vector<16xi32>,
      %get3A_113 = vector.shape_cast %get3A_112 : vector<16xi32> to vector<16xi32>
      %swap3A_114 = arith.constant 48 : index
      %swap3A_115 = tpu.vector_load %arg17[%swap3A_114] {strides = array<i32>} : memref<64xi32, #tpu.memory_space<vmem>>, vector<16xi32>,
      %swap3A_116 = vector.shape_cast %swap3A_115 : vector<16xi32> to vector<16xi32>
      %swap3A_117 = vector.shape_cast %get3A_113 : vector<16xi32> to vector<16xi32>
      tpu.vector_store %arg17[%swap3A_114], %swap3A_117 {strides = array<i32>} : memref<64xi32, #tpu.memory_space<vmem>>, vector<16xi32>,
      %dma_start3A = arith.constant 0 : i32
      %dma_start3A_118 = arith.constant 0 : i32
      %dma_start3A_119 = tpu.memref_slice %arg7[%dma_start3A, %dma_start3A_118] : memref<10240x128xf32, #tpu.memory_space<vmem_shared>> -> memref<10240x128xf32, #tpu.memory_space<vmem_shared>>
      tpu.enqueue_indirect_dma source(%arg11 : memref<64x128xf32, #tpu.memory_space<vmem>>) target(%dma_start3A_119 : memref<10240x128xf32, #tpu.memory_space<vmem_shared>>) offsets(%arg17 : memref<64xi32, #tpu.memory_space<vmem>>) semaphore(%arg21 : memref<!tpu.dma_semaphore, #tpu.memory_space<semaphore_mem>>) {add = true}
      %mul3A_120 = arith.constant 10240 : i32
      %mul3A_121 = arith.muli %add3A, %mul3A_120 : i32
      %broadcast_in_dim3A_122 = vector.broadcast %mul3A_121 : i32 to vector<16xi32>
      %get3A_123 = arith.constant 0 : index
      %get3A_124 = tpu.vector_load %arg8[%get3A_123] {strides = array<i32>} : memref<10240xi32, #tpu.memory_space<vmem>>, vector<16xi32>,
      %get3A_125 = vector.shape_cast %get3A_124 : vector<16xi32> to vector<16xi32>
      %add3A_126 = arith.addi %get3A_125, %broadcast_in_dim3A_122 : vector<16xi32>
      %swap3A_127 = arith.constant 0 : index
      %swap3A_128 = tpu.vector_load %arg14[%swap3A_127] {strides = array<i32>} : memref<64xi32, #tpu.memory_space<vmem>>, vector<16xi32>,
      %swap3A_129 = vector.shape_cast %swap3A_128 : vector<16xi32> to vector<16xi32>
      %swap3A_130 = vector.shape_cast %add3A_126 : vector<16xi32> to vector<16xi32>
      tpu.vector_store %arg14[%swap3A_127], %swap3A_130 {strides = array<i32>} : memref<64xi32, #tpu.memory_space<vmem>>, vector<16xi32>,
      %get3A_131 = arith.constant 0 : index
      %get3A_132 = tpu.vector_load %arg9[%get3A_131] {strides = array<i32>} : memref<10240xi32, #tpu.memory_space<vmem>>, vector<16xi32>,
      %get3A_133 = vector.shape_cast %get3A_132 : vector<16xi32> to vector<16xi32>
      %swap3A_134 = arith.constant 0 : index
      %swap3A_135 = tpu.vector_load %arg16[%swap3A_134] {strides = array<i32>} : memref<64xi32, #tpu.memory_space<vmem>>, vector<16xi32>,
      %swap3A_136 = vector.shape_cast %swap3A_135 : vector<16xi32> to vector<16xi32>
      %swap3A_137 = vector.shape_cast %get3A_133 : vector<16xi32> to vector<16xi32>
      tpu.vector_store %arg16[%swap3A_134], %swap3A_137 {strides = array<i32>} : memref<64xi32, #tpu.memory_space<vmem>>, vector<16xi32>,
      %get3A_138 = arith.constant 16 : index
      %get3A_139 = tpu.vector_load %arg8[%get3A_138] {strides = array<i32>} : memref<10240xi32, #tpu.memory_space<vmem>>, vector<16xi32>,
      %get3A_140 = vector.shape_cast %get3A_139 : vector<16xi32> to vector<16xi32>
      %add3A_141 = arith.addi %get3A_140, %broadcast_in_dim3A_122 : vector<16xi32>
      %swap3A_142 = arith.constant 16 : index
      %swap3A_143 = tpu.vector_load %arg14[%swap3A_142] {strides = array<i32>} : memref<64xi32, #tpu.memory_space<vmem>>, vector<16xi32>,
      %swap3A_144 = vector.shape_cast %swap3A_143 : vector<16xi32> to vector<16xi32>
      %swap3A_145 = vector.shape_cast %add3A_141 : vector<16xi32> to vector<16xi32>
      tpu.vector_store %arg14[%swap3A_142], %swap3A_145 {strides = array<i32>} : memref<64xi32, #tpu.memory_space<vmem>>, vector<16xi32>,
      %get3A_146 = arith.constant 16 : index
      %get3A_147 = tpu.vector_load %arg9[%get3A_146] {strides = array<i32>} : memref<10240xi32, #tpu.memory_space<vmem>>, vector<16xi32>,
      %get3A_148 = vector.shape_cast %get3A_147 : vector<16xi32> to vector<16xi32>
      %swap3A_149 = arith.constant 16 : index
      %swap3A_150 = tpu.vector_load %arg16[%swap3A_149] {strides = array<i32>} : memref<64xi32, #tpu.memory_space<vmem>>, vector<16xi32>,
      %swap3A_151 = vector.shape_cast %swap3A_150 : vector<16xi32> to vector<16xi32>
      %swap3A_152 = vector.shape_cast %get3A_148 : vector<16xi32> to vector<16xi32>
      tpu.vector_store %arg16[%swap3A_149], %swap3A_152 {strides = array<i32>} : memref<64xi32, #tpu.memory_space<vmem>>, vector<16xi32>,
      %get3A_153 = arith.constant 32 : index
      %get3A_154 = tpu.vector_load %arg8[%get3A_153] {strides = array<i32>} : memref<10240xi32, #tpu.memory_space<vmem>>, vector<16xi32>,
      %get3A_155 = vector.shape_cast %get3A_154 : vector<16xi32> to vector<16xi32>
      %add3A_156 = arith.addi %get3A_155, %broadcast_in_dim3A_122 : vector<16xi32>
      %swap3A_157 = arith.constant 32 : index
      %swap3A_158 = tpu.vector_load %arg14[%swap3A_157] {strides = array<i32>} : memref<64xi32, #tpu.memory_space<vmem>>, vector<16xi32>,
      %swap3A_159 = vector.shape_cast %swap3A_158 : vector<16xi32> to vector<16xi32>
      %swap3A_160 = vector.shape_cast %add3A_156 : vector<16xi32> to vector<16xi32>
      tpu.vector_store %arg14[%swap3A_157], %swap3A_160 {strides = array<i32>} : memref<64xi32, #tpu.memory_space<vmem>>, vector<16xi32>,
      %get3A_161 = arith.constant 32 : index
      %get3A_162 = tpu.vector_load %arg9[%get3A_161] {strides = array<i32>} : memref<10240xi32, #tpu.memory_space<vmem>>, vector<16xi32>,
      %get3A_163 = vector.shape_cast %get3A_162 : vector<16xi32> to vector<16xi32>
      %swap3A_164 = arith.constant 32 : index
      %swap3A_165 = tpu.vector_load %arg16[%swap3A_164] {strides = array<i32>} : memref<64xi32, #tpu.memory_space<vmem>>, vector<16xi32>,
      %swap3A_166 = vector.shape_cast %swap3A_165 : vector<16xi32> to vector<16xi32>
      %swap3A_167 = vector.shape_cast %get3A_163 : vector<16xi32> to vector<16xi32>
      tpu.vector_store %arg16[%swap3A_164], %swap3A_167 {strides = array<i32>} : memref<64xi32, #tpu.memory_space<vmem>>, vector<16xi32>,
      %get3A_168 = arith.constant 48 : index
      %get3A_169 = tpu.vector_load %arg8[%get3A_168] {strides = array<i32>} : memref<10240xi32, #tpu.memory_space<vmem>>, vector<16xi32>,
      %get3A_170 = vector.shape_cast %get3A_169 : vector<16xi32> to vector<16xi32>
      %add3A_171 = arith.addi %get3A_170, %broadcast_in_dim3A_122 : vector<16xi32>
      %swap3A_172 = arith.constant 48 : index
      %swap3A_173 = tpu.vector_load %arg14[%swap3A_172] {strides = array<i32>} : memref<64xi32, #tpu.memory_space<vmem>>, vector<16xi32>,
      %swap3A_174 = vector.shape_cast %swap3A_173 : vector<16xi32> to vector<16xi32>
      %swap3A_175 = vector.shape_cast %add3A_171 : vector<16xi32> to vector<16xi32>
      tpu.vector_store %arg14[%swap3A_172], %swap3A_175 {strides = array<i32>} : memref<64xi32, #tpu.memory_space<vmem>>, vector<16xi32>,
      %get3A_176 = arith.constant 48 : index
      %get3A_177 = tpu.vector_load %arg9[%get3A_176] {strides = array<i32>} : memref<10240xi32, #tpu.memory_space<vmem>>, vector<16xi32>,
      %get3A_178 = vector.shape_cast %get3A_177 : vector<16xi32> to vector<16xi32>
      %swap3A_179 = arith.constant 48 : index
      %swap3A_180 = tpu.vector_load %arg16[%swap3A_179] {strides = array<i32>} : memref<64xi32, #tpu.memory_space<vmem>>, vector<16xi32>,
      %swap3A_181 = vector.shape_cast %swap3A_180 : vector<16xi32> to vector<16xi32>
      %swap3A_182 = vector.shape_cast %get3A_178 : vector<16xi32> to vector<16xi32>
      tpu.vector_store %arg16[%swap3A_179], %swap3A_182 {strides = array<i32>} : memref<64xi32, #tpu.memory_space<vmem>>, vector<16xi32>,
      %dma_start3A_183 = arith.constant 0 : i32
      %dma_start3A_184 = arith.constant 0 : i32
      %dma_start3A_185 = tpu.memref_slice %arg2[%dma_start3A_183, %dma_start3A_184] : memref<163840x128xf32, #tpu.memory_space<hbm>> -> memref<163840x128xf32, #tpu.memory_space<hbm>>
      tpu.enqueue_indirect_dma source(%dma_start3A_185 : memref<163840x128xf32, #tpu.memory_space<hbm>>) target(%arg10 : memref<64x128xf32, #tpu.memory_space<vmem>>) offsets(%arg14 : memref<64xi32, #tpu.memory_space<vmem>>) semaphore(%arg18 : memref<!tpu.dma_semaphore, #tpu.memory_space<semaphore_mem>>)
      %add3A_186 = arith.constant 0 : i32
      %add3A_187 = arith.addi %mul3A_0, %add3A_186 : i32
      %dma_start3A_188 = arith.constant 0 : i32
      %dma_start3A_189 = tpu.memref_slice %arg3[%add3A_187, %dma_start3A_188] : memref<163856x16xf32, #tpu.memory_space<hbm>> -> memref<64x16xf32, #tpu.memory_space<hbm>>
      %dma_start3A_190 = arith.constant 0 : i32
      %dma_start3A_191 = tpu.memref_slice %arg3[%add3A_187, %dma_start3A_190] : memref<163856x16xf32, #tpu.memory_space<hbm>> -> memref<64x16xf32, #tpu.memory_space<hbm>>
      tpu.enqueue_dma source(%dma_start3A_191 : memref<64x16xf32, #tpu.memory_space<hbm>>) target(%arg12 : memref<64x16xf32, #tpu.memory_space<vmem>>) target_semaphore(%arg18 : memref<!tpu.dma_semaphore, #tpu.memory_space<semaphore_mem>>)
      %scan3A_192 = arith.constant 0 : i32
      %scan3A_193 = arith.constant 0 : i32
      %scan3A_194 = arith.constant 80 : i32
      %scan3A_195 = arith.addi %scan3A_193, %scan3A_194 : i32
      %scan3A_196 = arith.constant 1 : i32
      %scan3A_197 = scf.for %scan3A_218 = %scan3A_193 to %scan3A_195 step %scan3A_196 iter_args(%scan3A_219 = %scan3A_192) -> (i32)  : i32 {
        %mul3A_220 = arith.constant 2 : i32
        %mul3A_221 = arith.muli %scan3A_218, %mul3A_220 : i32
        %dma_wait3A_222 = arith.constant 0 : i32
        %dma_wait3A_223 = arith.constant 0 : i32
        %dma_wait3A_224 = tpu.memref_slice %arg2[%dma_wait3A_222, %dma_wait3A_223] : memref<163840x128xf32, #tpu.memory_space<hbm>> -> memref<163840x128xf32, #tpu.memory_space<hbm>>
        tpu.wait_indirect_dma semaphore(%arg18 : memref<!tpu.dma_semaphore, #tpu.memory_space<semaphore_mem>>) src(%dma_wait3A_224 : memref<163840x128xf32, #tpu.memory_space<hbm>>) dst(%arg10 : memref<64x128xf32, #tpu.memory_space<vmem>>)
        %dma_wait3A_225 = arith.constant 0 : i32
        %dma_wait3A_226 = tpu.memref_slice %arg3[%mul3A_0, %dma_wait3A_225] : memref<163856x16xf32, #tpu.memory_space<hbm>> -> memref<64x16xf32, #tpu.memory_space<hbm>>
        %dma_wait3A_227 = arith.constant 0 : i32
        %dma_wait3A_228 = tpu.memref_slice %arg3[%mul3A_0, %dma_wait3A_227] : memref<163856x16xf32, #tpu.memory_space<hbm>> -> memref<64x16xf32, #tpu.memory_space<hbm>>
        tpu.wait_dma2 semaphore(%arg18 : memref<!tpu.dma_semaphore, #tpu.memory_space<semaphore_mem>>) src(%dma_wait3A_228 : memref<64x16xf32, #tpu.memory_space<hbm>>) dst(%arg12 : memref<64x16xf32, #tpu.memory_space<vmem>>)
        %dma_wait3A_229 = arith.constant 0 : i32
        %dma_wait3A_230 = arith.constant 0 : i32
        %dma_wait3A_231 = tpu.memref_slice %arg7[%dma_wait3A_229, %dma_wait3A_230] : memref<10240x128xf32, #tpu.memory_space<vmem_shared>> -> memref<10240x128xf32, #tpu.memory_space<vmem_shared>>
        tpu.wait_indirect_dma semaphore(%arg21 : memref<!tpu.dma_semaphore, #tpu.memory_space<semaphore_mem>>) src(%arg11 : memref<64x128xf32, #tpu.memory_space<vmem>>) dst(%dma_wait3A_231 : memref<10240x128xf32, #tpu.memory_space<vmem_shared>>)
        %add3A_232 = arith.constant 1 : i32
        %add3A_233 = arith.addi %mul3A_221, %add3A_232 : i32
        %mul3A_234 = arith.constant 10240 : i32
        %mul3A_235 = arith.muli %add3A, %mul3A_234 : i32
        %broadcast_in_dim3A_236 = vector.broadcast %mul3A_235 : i32 to vector<16xi32>
        %mul3A_237 = arith.constant 64 : i32
        %mul3A_238 = arith.muli %add3A_233, %mul3A_237 : i32
        %add3A_239 = arith.constant 0 : i32
        %add3A_240 = arith.addi %mul3A_238, %add3A_239 : i32
        %get3A_241 = arith.index_cast %add3A_240 : i32 to index
        %get3A_242 = tpu.vector_load %arg8[%get3A_241] {strides = array<i32>} : memref<10240xi32, #tpu.memory_space<vmem>>, vector<16xi32>,
        %get3A_243 = vector.shape_cast %get3A_242 : vector<16xi32> to vector<16xi32>
        %add3A_244 = arith.addi %get3A_243, %broadcast_in_dim3A_236 : vector<16xi32>
        %swap3A_245 = arith.constant 0 : index
        %swap3A_246 = tpu.vector_load %arg15[%swap3A_245] {strides = array<i32>} : memref<64xi32, #tpu.memory_space<vmem>>, vector<16xi32>,
        %swap3A_247 = vector.shape_cast %swap3A_246 : vector<16xi32> to vector<16xi32>
        %swap3A_248 = vector.shape_cast %add3A_244 : vector<16xi32> to vector<16xi32>
        tpu.vector_store %arg15[%swap3A_245], %swap3A_248 {strides = array<i32>} : memref<64xi32, #tpu.memory_space<vmem>>, vector<16xi32>,
        %mul3A_249 = arith.constant 64 : i32
        %mul3A_250 = arith.muli %add3A_233, %mul3A_249 : i32
        %add3A_251 = arith.constant 0 : i32
        %add3A_252 = arith.addi %mul3A_250, %add3A_251 : i32
        %get3A_253 = arith.index_cast %add3A_252 : i32 to index
        %get3A_254 = tpu.vector_load %arg9[%get3A_253] {strides = array<i32>} : memref<10240xi32, #tpu.memory_space<vmem>>, vector<16xi32>,
        %get3A_255 = vector.shape_cast %get3A_254 : vector<16xi32> to vector<16xi32>
        %swap3A_256 = arith.constant 0 : index
        %swap3A_257 = tpu.vector_load %arg17[%swap3A_256] {strides = array<i32>} : memref<64xi32, #tpu.memory_space<vmem>>, vector<16xi32>,
        %swap3A_258 = vector.shape_cast %swap3A_257 : vector<16xi32> to vector<16xi32>
        %swap3A_259 = vector.shape_cast %get3A_255 : vector<16xi32> to vector<16xi32>
        tpu.vector_store %arg17[%swap3A_256], %swap3A_259 {strides = array<i32>} : memref<64xi32, #tpu.memory_space<vmem>>, vector<16xi32>,
        %mul3A_260 = arith.constant 64 : i32
        %mul3A_261 = arith.muli %add3A_233, %mul3A_260 : i32
        %add3A_262 = arith.constant 16 : i32
        %add3A_263 = arith.addi %mul3A_261, %add3A_262 : i32
        %get3A_264 = arith.index_cast %add3A_263 : i32 to index
        %get3A_265 = tpu.vector_load %arg8[%get3A_264] {strides = array<i32>} : memref<10240xi32, #tpu.memory_space<vmem>>, vector<16xi32>,
        %get3A_266 = vector.shape_cast %get3A_265 : vector<16xi32> to vector<16xi32>
        %add3A_267 = arith.addi %get3A_266, %broadcast_in_dim3A_236 : vector<16xi32>
        %swap3A_268 = arith.constant 16 : index
        %swap3A_269 = tpu.vector_load %arg15[%swap3A_268] {strides = array<i32>} : memref<64xi32, #tpu.memory_space<vmem>>, vector<16xi32>,
        %swap3A_270 = vector.shape_cast %swap3A_269 : vector<16xi32> to vector<16xi32>
        %swap3A_271 = vector.shape_cast %add3A_267 : vector<16xi32> to vector<16xi32>
        tpu.vector_store %arg15[%swap3A_268], %swap3A_271 {strides = array<i32>} : memref<64xi32, #tpu.memory_space<vmem>>, vector<16xi32>,
        %mul3A_272 = arith.constant 64 : i32
        %mul3A_273 = arith.muli %add3A_233, %mul3A_272 : i32
        %add3A_274 = arith.constant 16 : i32
        %add3A_275 = arith.addi %mul3A_273, %add3A_274 : i32
        %get3A_276 = arith.index_cast %add3A_275 : i32 to index
        %get3A_277 = tpu.vector_load %arg9[%get3A_276] {strides = array<i32>} : memref<10240xi32, #tpu.memory_space<vmem>>, vector<16xi32>,
        %get3A_278 = vector.shape_cast %get3A_277 : vector<16xi32> to vector<16xi32>
        %swap3A_279 = arith.constant 16 : index
        %swap3A_280 = tpu.vector_load %arg17[%swap3A_279] {strides = array<i32>} : memref<64xi32, #tpu.memory_space<vmem>>, vector<16xi32>,
        %swap3A_281 = vector.shape_cast %swap3A_280 : vector<16xi32> to vector<16xi32>
        %swap3A_282 = vector.shape_cast %get3A_278 : vector<16xi32> to vector<16xi32>
        tpu.vector_store %arg17[%swap3A_279], %swap3A_282 {strides = array<i32>} : memref<64xi32, #tpu.memory_space<vmem>>, vector<16xi32>,
        %mul3A_283 = arith.constant 64 : i32
        %mul3A_284 = arith.muli %add3A_233, %mul3A_283 : i32
        %add3A_285 = arith.constant 32 : i32
        %add3A_286 = arith.addi %mul3A_284, %add3A_285 : i32
        %get3A_287 = arith.index_cast %add3A_286 : i32 to index
        %get3A_288 = tpu.vector_load %arg8[%get3A_287] {strides = array<i32>} : memref<10240xi32, #tpu.memory_space<vmem>>, vector<16xi32>,
        %get3A_289 = vector.shape_cast %get3A_288 : vector<16xi32> to vector<16xi32>
        %add3A_290 = arith.addi %get3A_289, %broadcast_in_dim3A_236 : vector<16xi32>
        %swap3A_291 = arith.constant 32 : index
        %swap3A_292 = tpu.vector_load %arg15[%swap3A_291] {strides = array<i32>} : memref<64xi32, #tpu.memory_space<vmem>>, vector<16xi32>,
        %swap3A_293 = vector.shape_cast %swap3A_292 : vector<16xi32> to vector<16xi32>
        %swap3A_294 = vector.shape_cast %add3A_290 : vector<16xi32> to vector<16xi32>
        tpu.vector_store %arg15[%swap3A_291], %swap3A_294 {strides = array<i32>} : memref<64xi32, #tpu.memory_space<vmem>>, vector<16xi32>,
        %mul3A_295 = arith.constant 64 : i32
        %mul3A_296 = arith.muli %add3A_233, %mul3A_295 : i32
        %add3A_297 = arith.constant 32 : i32
        %add3A_298 = arith.addi %mul3A_296, %add3A_297 : i32
        %get3A_299 = arith.index_cast %add3A_298 : i32 to index
        %get3A_300 = tpu.vector_load %arg9[%get3A_299] {strides = array<i32>} : memref<10240xi32, #tpu.memory_space<vmem>>, vector<16xi32>,
        %get3A_301 = vector.shape_cast %get3A_300 : vector<16xi32> to vector<16xi32>
        %swap3A_302 = arith.constant 32 : index
        %swap3A_303 = tpu.vector_load %arg17[%swap3A_302] {strides = array<i32>} : memref<64xi32, #tpu.memory_space<vmem>>, vector<16xi32>,
        %swap3A_304 = vector.shape_cast %swap3A_303 : vector<16xi32> to vector<16xi32>
        %swap3A_305 = vector.shape_cast %get3A_301 : vector<16xi32> to vector<16xi32>
        tpu.vector_store %arg17[%swap3A_302], %swap3A_305 {strides = array<i32>} : memref<64xi32, #tpu.memory_space<vmem>>, vector<16xi32>,
        %mul3A_306 = arith.constant 64 : i32
        %mul3A_307 = arith.muli %add3A_233, %mul3A_306 : i32
        %add3A_308 = arith.constant 48 : i32
        %add3A_309 = arith.addi %mul3A_307, %add3A_308 : i32
        %get3A_310 = arith.index_cast %add3A_309 : i32 to index
        %get3A_311 = tpu.vector_load %arg8[%get3A_310] {strides = array<i32>} : memref<10240xi32, #tpu.memory_space<vmem>>, vector<16xi32>,
        %get3A_312 = vector.shape_cast %get3A_311 : vector<16xi32> to vector<16xi32>
        %add3A_313 = arith.addi %get3A_312, %broadcast_in_dim3A_236 : vector<16xi32>
        %swap3A_314 = arith.constant 48 : index
        %swap3A_315 = tpu.vector_load %arg15[%swap3A_314] {strides = array<i32>} : memref<64xi32, #tpu.memory_space<vmem>>, vector<16xi32>,
        %swap3A_316 = vector.shape_cast %swap3A_315 : vector<16xi32> to vector<16xi32>
        %swap3A_317 = vector.shape_cast %add3A_313 : vector<16xi32> to vector<16xi32>
        tpu.vector_store %arg15[%swap3A_314], %swap3A_317 {strides = array<i32>} : memref<64xi32, #tpu.memory_space<vmem>>, vector<16xi32>,
        %mul3A_318 = arith.constant 64 : i32
        %mul3A_319 = arith.muli %add3A_233, %mul3A_318 : i32
        %add3A_320 = arith.constant 48 : i32
        %add3A_321 = arith.addi %mul3A_319, %add3A_320 : i32
        %get3A_322 = arith.index_cast %add3A_321 : i32 to index
        %get3A_323 = tpu.vector_load %arg9[%get3A_322] {strides = array<i32>} : memref<10240xi32, #tpu.memory_space<vmem>>, vector<16xi32>,
        %get3A_324 = vector.shape_cast %get3A_323 : vector<16xi32> to vector<16xi32>
        %swap3A_325 = arith.constant 48 : index
        %swap3A_326 = tpu.vector_load %arg17[%swap3A_325] {strides = array<i32>} : memref<64xi32, #tpu.memory_space<vmem>>, vector<16xi32>,
        %swap3A_327 = vector.shape_cast %swap3A_326 : vector<16xi32> to vector<16xi32>
        %swap3A_328 = vector.shape_cast %get3A_324 : vector<16xi32> to vector<16xi32>
        tpu.vector_store %arg17[%swap3A_325], %swap3A_328 {strides = array<i32>} : memref<64xi32, #tpu.memory_space<vmem>>, vector<16xi32>,
        %add3A_329 = arith.constant 1 : i32
        %add3A_330 = arith.addi %mul3A_221, %add3A_329 : i32
        %dma_start3A_331 = arith.constant 0 : i32
        %dma_start3A_332 = arith.constant 0 : i32
        %dma_start3A_333 = tpu.memref_slice %arg2[%dma_start3A_331, %dma_start3A_332] : memref<163840x128xf32, #tpu.memory_space<hbm>> -> memref<163840x128xf32, #tpu.memory_space<hbm>>
        tpu.enqueue_indirect_dma source(%dma_start3A_333 : memref<163840x128xf32, #tpu.memory_space<hbm>>) target(%arg11 : memref<64x128xf32, #tpu.memory_space<vmem>>) offsets(%arg15 : memref<64xi32, #tpu.memory_space<vmem>>) semaphore(%arg19 : memref<!tpu.dma_semaphore, #tpu.memory_space<semaphore_mem>>)
        %mul3A_334 = arith.constant 64 : i32
        %mul3A_335 = arith.muli %add3A_330, %mul3A_334 : i32
        %add3A_336 = arith.addi %mul3A_0, %mul3A_335 : i32
        %dma_start3A_337 = arith.constant 0 : i32
        %dma_start3A_338 = tpu.memref_slice %arg3[%add3A_336, %dma_start3A_337] : memref<163856x16xf32, #tpu.memory_space<hbm>> -> memref<64x16xf32, #tpu.memory_space<hbm>>
        %dma_start3A_339 = arith.constant 0 : i32
        %dma_start3A_340 = tpu.memref_slice %arg3[%add3A_336, %dma_start3A_339] : memref<163856x16xf32, #tpu.memory_space<hbm>> -> memref<64x16xf32, #tpu.memory_space<hbm>>
        tpu.enqueue_dma source(%dma_start3A_340 : memref<64x16xf32, #tpu.memory_space<hbm>>) target(%arg13 : memref<64x16xf32, #tpu.memory_space<vmem>>) target_semaphore(%arg19 : memref<!tpu.dma_semaphore, #tpu.memory_space<semaphore_mem>>)
        %scan3A_341 = arith.constant 0 : i32
        %scan3A_342 = arith.constant 0 : i32
        %scan3A_343 = arith.constant 16 : i32
        %scan3A_344 = arith.addi %scan3A_342, %scan3A_343 : i32
        %scan3A_345 = arith.constant 1 : i32
        %scan3A_346 = scf.for %scan3A_480 = %scan3A_342 to %scan3A_344 step %scan3A_345 iter_args(%scan3A_481 = %scan3A_341) -> (i32)  : i32 {
          %mul3A_482 = arith.constant 4 : i32
          %mul3A_483 = arith.muli %scan3A_480, %mul3A_482 : i32
          %add3A_484 = arith.constant 0 : i32
          %add3A_485 = arith.addi %mul3A_483, %add3A_484 : i32
          %get3A_486 = arith.index_cast %add3A_485 : i32 to index
          %get3A_487 = arith.constant 0 : index
          %get3A_488 = tpu.vector_load %arg12[%get3A_486, %get3A_487] {strides = array<i32>} : memref<64x16xf32, #tpu.memory_space<vmem>>, vector<1x16xf32>,
          %get3A_489 = vector.shape_cast %get3A_488 : vector<1x16xf32> to vector<16xf32>
          %get3A_490 = arith.index_cast %add3A_485 : i32 to index
          %get3A_491 = arith.constant 0 : index
          %get3A_492 = tpu.vector_load %arg10[%get3A_490, %get3A_491] {strides = array<i32>} : memref<64x128xf32, #tpu.memory_space<vmem>>, vector<1x16xf32>,
          %get3A_493 = vector.shape_cast %get3A_492 : vector<1x16xf32> to vector<16xf32>
          %mul3A_494 = arith.mulf %get3A_493, %get3A_489 : vector<16xf32>
          %swap3A_495 = arith.index_cast %add3A_485 : i32 to index
          %swap3A_496 = arith.constant 0 : index
          %swap3A_497 = tpu.vector_load %arg10[%swap3A_495, %swap3A_496] {strides = array<i32>} : memref<64x128xf32, #tpu.memory_space<vmem>>, vector<1x16xf32>,
          %swap3A_498 = vector.shape_cast %swap3A_497 : vector<1x16xf32> to vector<16xf32>
          %swap3A_499 = vector.shape_cast %mul3A_494 : vector<16xf32> to vector<1x16xf32>
          tpu.vector_store %arg10[%swap3A_495, %swap3A_496], %swap3A_499 {strides = array<i32>} : memref<64x128xf32, #tpu.memory_space<vmem>>, vector<1x16xf32>,
          %get3A_500 = arith.index_cast %add3A_485 : i32 to index
          %get3A_501 = arith.constant 16 : index
          %get3A_502 = tpu.vector_load %arg10[%get3A_500, %get3A_501] {strides = array<i32>} : memref<64x128xf32, #tpu.memory_space<vmem>>, vector<1x16xf32>,
          %get3A_503 = vector.shape_cast %get3A_502 : vector<1x16xf32> to vector<16xf32>
          %mul3A_504 = arith.mulf %get3A_503, %get3A_489 : vector<16xf32>
          %swap3A_505 = arith.index_cast %add3A_485 : i32 to index
          %swap3A_506 = arith.constant 16 : index
          %swap3A_507 = tpu.vector_load %arg10[%swap3A_505, %swap3A_506] {strides = array<i32>} : memref<64x128xf32, #tpu.memory_space<vmem>>, vector<1x16xf32>,
          %swap3A_508 = vector.shape_cast %swap3A_507 : vector<1x16xf32> to vector<16xf32>
          %swap3A_509 = vector.shape_cast %mul3A_504 : vector<16xf32> to vector<1x16xf32>
          tpu.vector_store %arg10[%swap3A_505, %swap3A_506], %swap3A_509 {strides = array<i32>} : memref<64x128xf32, #tpu.memory_space<vmem>>, vector<1x16xf32>,
          %get3A_510 = arith.index_cast %add3A_485 : i32 to index
          %get3A_511 = arith.constant 32 : index
          %get3A_512 = tpu.vector_load %arg10[%get3A_510, %get3A_511] {strides = array<i32>} : memref<64x128xf32, #tpu.memory_space<vmem>>, vector<1x16xf32>,
          %get3A_513 = vector.shape_cast %get3A_512 : vector<1x16xf32> to vector<16xf32>
          %mul3A_514 = arith.mulf %get3A_513, %get3A_489 : vector<16xf32>
          %swap3A_515 = arith.index_cast %add3A_485 : i32 to index
          %swap3A_516 = arith.constant 32 : index
          %swap3A_517 = tpu.vector_load %arg10[%swap3A_515, %swap3A_516] {strides = array<i32>} : memref<64x128xf32, #tpu.memory_space<vmem>>, vector<1x16xf32>,
          %swap3A_518 = vector.shape_cast %swap3A_517 : vector<1x16xf32> to vector<16xf32>
          %swap3A_519 = vector.shape_cast %mul3A_514 : vector<16xf32> to vector<1x16xf32>
          tpu.vector_store %arg10[%swap3A_515, %swap3A_516], %swap3A_519 {strides = array<i32>} : memref<64x128xf32, #tpu.memory_space<vmem>>, vector<1x16xf32>,
          %get3A_520 = arith.index_cast %add3A_485 : i32 to index
          %get3A_521 = arith.constant 48 : index
          %get3A_522 = tpu.vector_load %arg10[%get3A_520, %get3A_521] {strides = array<i32>} : memref<64x128xf32, #tpu.memory_space<vmem>>, vector<1x16xf32>,
          %get3A_523 = vector.shape_cast %get3A_522 : vector<1x16xf32> to vector<16xf32>
          %mul3A_524 = arith.mulf %get3A_523, %get3A_489 : vector<16xf32>
          %swap3A_525 = arith.index_cast %add3A_485 : i32 to index
          %swap3A_526 = arith.constant 48 : index
          %swap3A_527 = tpu.vector_load %arg10[%swap3A_525, %swap3A_526] {strides = array<i32>} : memref<64x128xf32, #tpu.memory_space<vmem>>, vector<1x16xf32>,
          %swap3A_528 = vector.shape_cast %swap3A_527 : vector<1x16xf32> to vector<16xf32>
          %swap3A_529 = vector.shape_cast %mul3A_524 : vector<16xf32> to vector<1x16xf32>
          tpu.vector_store %arg10[%swap3A_525, %swap3A_526], %swap3A_529 {strides = array<i32>} : memref<64x128xf32, #tpu.memory_space<vmem>>, vector<1x16xf32>,
          %get3A_530 = arith.index_cast %add3A_485 : i32 to index
          %get3A_531 = arith.constant 64 : index
          %get3A_532 = tpu.vector_load %arg10[%get3A_530, %get3A_531] {strides = array<i32>} : memref<64x128xf32, #tpu.memory_space<vmem>>, vector<1x16xf32>,
          %get3A_533 = vector.shape_cast %get3A_532 : vector<1x16xf32> to vector<16xf32>
          %mul3A_534 = arith.mulf %get3A_533, %get3A_489 : vector<16xf32>
          %swap3A_535 = arith.index_cast %add3A_485 : i32 to index
          %swap3A_536 = arith.constant 64 : index
          %swap3A_537 = tpu.vector_load %arg10[%swap3A_535, %swap3A_536] {strides = array<i32>} : memref<64x128xf32, #tpu.memory_space<vmem>>, vector<1x16xf32>,
          %swap3A_538 = vector.shape_cast %swap3A_537 : vector<1x16xf32> to vector<16xf32>
          %swap3A_539 = vector.shape_cast %mul3A_534 : vector<16xf32> to vector<1x16xf32>
          tpu.vector_store %arg10[%swap3A_535, %swap3A_536], %swap3A_539 {strides = array<i32>} : memref<64x128xf32, #tpu.memory_space<vmem>>, vector<1x16xf32>,
          %get3A_540 = arith.index_cast %add3A_485 : i32 to index
          %get3A_541 = arith.constant 80 : index
          %get3A_542 = tpu.vector_load %arg10[%get3A_540, %get3A_541] {strides = array<i32>} : memref<64x128xf32, #tpu.memory_space<vmem>>, vector<1x16xf32>,
          %get3A_543 = vector.shape_cast %get3A_542 : vector<1x16xf32> to vector<16xf32>
          %mul3A_544 = arith.mulf %get3A_543, %get3A_489 : vector<16xf32>
          %swap3A_545 = arith.index_cast %add3A_485 : i32 to index
          %swap3A_546 = arith.constant 80 : index
          %swap3A_547 = tpu.vector_load %arg10[%swap3A_545, %swap3A_546] {strides = array<i32>} : memref<64x128xf32, #tpu.memory_space<vmem>>, vector<1x16xf32>,
          %swap3A_548 = vector.shape_cast %swap3A_547 : vector<1x16xf32> to vector<16xf32>
          %swap3A_549 = vector.shape_cast %mul3A_544 : vector<16xf32> to vector<1x16xf32>
          tpu.vector_store %arg10[%swap3A_545, %swap3A_546], %swap3A_549 {strides = array<i32>} : memref<64x128xf32, #tpu.memory_space<vmem>>, vector<1x16xf32>,
          %get3A_550 = arith.index_cast %add3A_485 : i32 to index
          %get3A_551 = arith.constant 96 : index
          %get3A_552 = tpu.vector_load %arg10[%get3A_550, %get3A_551] {strides = array<i32>} : memref<64x128xf32, #tpu.memory_space<vmem>>, vector<1x16xf32>,
          %get3A_553 = vector.shape_cast %get3A_552 : vector<1x16xf32> to vector<16xf32>
          %mul3A_554 = arith.mulf %get3A_553, %get3A_489 : vector<16xf32>
          %swap3A_555 = arith.index_cast %add3A_485 : i32 to index
          %swap3A_556 = arith.constant 96 : index
          %swap3A_557 = tpu.vector_load %arg10[%swap3A_555, %swap3A_556] {strides = array<i32>} : memref<64x128xf32, #tpu.memory_space<vmem>>, vector<1x16xf32>,
          %swap3A_558 = vector.shape_cast %swap3A_557 : vector<1x16xf32> to vector<16xf32>
          %swap3A_559 = vector.shape_cast %mul3A_554 : vector<16xf32> to vector<1x16xf32>
          tpu.vector_store %arg10[%swap3A_555, %swap3A_556], %swap3A_559 {strides = array<i32>} : memref<64x128xf32, #tpu.memory_space<vmem>>, vector<1x16xf32>,
          %get3A_560 = arith.index_cast %add3A_485 : i32 to index
          %get3A_561 = arith.constant 112 : index
          %get3A_562 = tpu.vector_load %arg10[%get3A_560, %get3A_561] {strides = array<i32>} : memref<64x128xf32, #tpu.memory_space<vmem>>, vector<1x16xf32>,
          %get3A_563 = vector.shape_cast %get3A_562 : vector<1x16xf32> to vector<16xf32>
          %mul3A_564 = arith.mulf %get3A_563, %get3A_489 : vector<16xf32>
          %swap3A_565 = arith.index_cast %add3A_485 : i32 to index
          %swap3A_566 = arith.constant 112 : index
          %swap3A_567 = tpu.vector_load %arg10[%swap3A_565, %swap3A_566] {strides = array<i32>} : memref<64x128xf32, #tpu.memory_space<vmem>>, vector<1x16xf32>,
          %swap3A_568 = vector.shape_cast %swap3A_567 : vector<1x16xf32> to vector<16xf32>
          %swap3A_569 = vector.shape_cast %mul3A_564 : vector<16xf32> to vector<1x16xf32>
          tpu.vector_store %arg10[%swap3A_565, %swap3A_566], %swap3A_569 {strides = array<i32>} : memref<64x128xf32, #tpu.memory_space<vmem>>, vector<1x16xf32>,
          %mul3A_570 = arith.constant 4 : i32
          %mul3A_571 = arith.muli %scan3A_480, %mul3A_570 : i32
          %add3A_572 = arith.constant 1 : i32
          %add3A_573 = arith.addi %mul3A_571, %add3A_572 : i32
          %get3A_574 = arith.index_cast %add3A_573 : i32 to index
          %get3A_575 = arith.constant 0 : index
          %get3A_576 = tpu.vector_load %arg12[%get3A_574, %get3A_575] {strides = array<i32>} : memref<64x16xf32, #tpu.memory_space<vmem>>, vector<1x16xf32>,
          %get3A_577 = vector.shape_cast %get3A_576 : vector<1x16xf32> to vector<16xf32>
          %get3A_578 = arith.index_cast %add3A_573 : i32 to index
          %get3A_579 = arith.constant 0 : index
          %get3A_580 = tpu.vector_load %arg10[%get3A_578, %get3A_579] {strides = array<i32>} : memref<64x128xf32, #tpu.memory_space<vmem>>, vector<1x16xf32>,
          %get3A_581 = vector.shape_cast %get3A_580 : vector<1x16xf32> to vector<16xf32>
          %mul3A_582 = arith.mulf %get3A_581, %get3A_577 : vector<16xf32>
          %swap3A_583 = arith.index_cast %add3A_573 : i32 to index
          %swap3A_584 = arith.constant 0 : index
          %swap3A_585 = tpu.vector_load %arg10[%swap3A_583, %swap3A_584] {strides = array<i32>} : memref<64x128xf32, #tpu.memory_space<vmem>>, vector<1x16xf32>,
          %swap3A_586 = vector.shape_cast %swap3A_585 : vector<1x16xf32> to vector<16xf32>
          %swap3A_587 = vector.shape_cast %mul3A_582 : vector<16xf32> to vector<1x16xf32>
          tpu.vector_store %arg10[%swap3A_583, %swap3A_584], %swap3A_587 {strides = array<i32>} : memref<64x128xf32, #tpu.memory_space<vmem>>, vector<1x16xf32>,
          %get3A_588 = arith.index_cast %add3A_573 : i32 to index
          %get3A_589 = arith.constant 16 : index
          %get3A_590 = tpu.vector_load %arg10[%get3A_588, %get3A_589] {strides = array<i32>} : memref<64x128xf32, #tpu.memory_space<vmem>>, vector<1x16xf32>,
          %get3A_591 = vector.shape_cast %get3A_590 : vector<1x16xf32> to vector<16xf32>
          %mul3A_592 = arith.mulf %get3A_591, %get3A_577 : vector<16xf32>
          %swap3A_593 = arith.index_cast %add3A_573 : i32 to index
          %swap3A_594 = arith.constant 16 : index
          %swap3A_595 = tpu.vector_load %arg10[%swap3A_593, %swap3A_594] {strides = array<i32>} : memref<64x128xf32, #tpu.memory_space<vmem>>, vector<1x16xf32>,
          %swap3A_596 = vector.shape_cast %swap3A_595 : vector<1x16xf32> to vector<16xf32>
          %swap3A_597 = vector.shape_cast %mul3A_592 : vector<16xf32> to vector<1x16xf32>
          tpu.vector_store %arg10[%swap3A_593, %swap3A_594], %swap3A_597 {strides = array<i32>} : memref<64x128xf32, #tpu.memory_space<vmem>>, vector<1x16xf32>,
          %get3A_598 = arith.index_cast %add3A_573 : i32 to index
          %get3A_599 = arith.constant 32 : index
          %get3A_600 = tpu.vector_load %arg10[%get3A_598, %get3A_599] {strides = array<i32>} : memref<64x128xf32, #tpu.memory_space<vmem>>, vector<1x16xf32>,
          %get3A_601 = vector.shape_cast %get3A_600 : vector<1x16xf32> to vector<16xf32>
          %mul3A_602 = arith.mulf %get3A_601, %get3A_577 : vector<16xf32>
          %swap3A_603 = arith.index_cast %add3A_573 : i32 to index
          %swap3A_604 = arith.constant 32 : index
          %swap3A_605 = tpu.vector_load %arg10[%swap3A_603, %swap3A_604] {strides = array<i32>} : memref<64x128xf32, #tpu.memory_space<vmem>>, vector<1x16xf32>,
          %swap3A_606 = vector.shape_cast %swap3A_605 : vector<1x16xf32> to vector<16xf32>
          %swap3A_607 = vector.shape_cast %mul3A_602 : vector<16xf32> to vector<1x16xf32>
          tpu.vector_store %arg10[%swap3A_603, %swap3A_604], %swap3A_607 {strides = array<i32>} : memref<64x128xf32, #tpu.memory_space<vmem>>, vector<1x16xf32>,
          %get3A_608 = arith.index_cast %add3A_573 : i32 to index
          %get3A_609 = arith.constant 48 : index
          %get3A_610 = tpu.vector_load %arg10[%get3A_608, %get3A_609] {strides = array<i32>} : memref<64x128xf32, #tpu.memory_space<vmem>>, vector<1x16xf32>,
          %get3A_611 = vector.shape_cast %get3A_610 : vector<1x16xf32> to vector<16xf32>
          %mul3A_612 = arith.mulf %get3A_611, %get3A_577 : vector<16xf32>
          %swap3A_613 = arith.index_cast %add3A_573 : i32 to index
          %swap3A_614 = arith.constant 48 : index
          %swap3A_615 = tpu.vector_load %arg10[%swap3A_613, %swap3A_614] {strides = array<i32>} : memref<64x128xf32, #tpu.memory_space<vmem>>, vector<1x16xf32>,
          %swap3A_616 = vector.shape_cast %swap3A_615 : vector<1x16xf32> to vector<16xf32>
          %swap3A_617 = vector.shape_cast %mul3A_612 : vector<16xf32> to vector<1x16xf32>
          tpu.vector_store %arg10[%swap3A_613, %swap3A_614], %swap3A_617 {strides = array<i32>} : memref<64x128xf32, #tpu.memory_space<vmem>>, vector<1x16xf32>,
          %get3A_618 = arith.index_cast %add3A_573 : i32 to index
          %get3A_619 = arith.constant 64 : index
          %get3A_620 = tpu.vector_load %arg10[%get3A_618, %get3A_619] {strides = array<i32>} : memref<64x128xf32, #tpu.memory_space<vmem>>, vector<1x16xf32>,
          %get3A_621 = vector.shape_cast %get3A_620 : vector<1x16xf32> to vector<16xf32>
          %mul3A_622 = arith.mulf %get3A_621, %get3A_577 : vector<16xf32>
          %swap3A_623 = arith.index_cast %add3A_573 : i32 to index
          %swap3A_624 = arith.constant 64 : index
          %swap3A_625 = tpu.vector_load %arg10[%swap3A_623, %swap3A_624] {strides = array<i32>} : memref<64x128xf32, #tpu.memory_space<vmem>>, vector<1x16xf32>,
          %swap3A_626 = vector.shape_cast %swap3A_625 : vector<1x16xf32> to vector<16xf32>
          %swap3A_627 = vector.shape_cast %mul3A_622 : vector<16xf32> to vector<1x16xf32>
          tpu.vector_store %arg10[%swap3A_623, %swap3A_624], %swap3A_627 {strides = array<i32>} : memref<64x128xf32, #tpu.memory_space<vmem>>, vector<1x16xf32>,
          %get3A_628 = arith.index_cast %add3A_573 : i32 to index
          %get3A_629 = arith.constant 80 : index
          %get3A_630 = tpu.vector_load %arg10[%get3A_628, %get3A_629] {strides = array<i32>} : memref<64x128xf32, #tpu.memory_space<vmem>>, vector<1x16xf32>,
          %get3A_631 = vector.shape_cast %get3A_630 : vector<1x16xf32> to vector<16xf32>
          %mul3A_632 = arith.mulf %get3A_631, %get3A_577 : vector<16xf32>
          %swap3A_633 = arith.index_cast %add3A_573 : i32 to index
          %swap3A_634 = arith.constant 80 : index
          %swap3A_635 = tpu.vector_load %arg10[%swap3A_633, %swap3A_634] {strides = array<i32>} : memref<64x128xf32, #tpu.memory_space<vmem>>, vector<1x16xf32>,
          %swap3A_636 = vector.shape_cast %swap3A_635 : vector<1x16xf32> to vector<16xf32>
          %swap3A_637 = vector.shape_cast %mul3A_632 : vector<16xf32> to vector<1x16xf32>
          tpu.vector_store %arg10[%swap3A_633, %swap3A_634], %swap3A_637 {strides = array<i32>} : memref<64x128xf32, #tpu.memory_space<vmem>>, vector<1x16xf32>,
          %get3A_638 = arith.index_cast %add3A_573 : i32 to index
          %get3A_639 = arith.constant 96 : index
          %get3A_640 = tpu.vector_load %arg10[%get3A_638, %get3A_639] {strides = array<i32>} : memref<64x128xf32, #tpu.memory_space<vmem>>, vector<1x16xf32>,
          %get3A_641 = vector.shape_cast %get3A_640 : vector<1x16xf32> to vector<16xf32>
          %mul3A_642 = arith.mulf %get3A_641, %get3A_577 : vector<16xf32>
          %swap3A_643 = arith.index_cast %add3A_573 : i32 to index
          %swap3A_644 = arith.constant 96 : index
          %swap3A_645 = tpu.vector_load %arg10[%swap3A_643, %swap3A_644] {strides = array<i32>} : memref<64x128xf32, #tpu.memory_space<vmem>>, vector<1x16xf32>,
          %swap3A_646 = vector.shape_cast %swap3A_645 : vector<1x16xf32> to vector<16xf32>
          %swap3A_647 = vector.shape_cast %mul3A_642 : vector<16xf32> to vector<1x16xf32>
          tpu.vector_store %arg10[%swap3A_643, %swap3A_644], %swap3A_647 {strides = array<i32>} : memref<64x128xf32, #tpu.memory_space<vmem>>, vector<1x16xf32>,
          %get3A_648 = arith.index_cast %add3A_573 : i32 to index
          %get3A_649 = arith.constant 112 : index
          %get3A_650 = tpu.vector_load %arg10[%get3A_648, %get3A_649] {strides = array<i32>} : memref<64x128xf32, #tpu.memory_space<vmem>>, vector<1x16xf32>,
          %get3A_651 = vector.shape_cast %get3A_650 : vector<1x16xf32> to vector<16xf32>
          %mul3A_652 = arith.mulf %get3A_651, %get3A_577 : vector<16xf32>
          %swap3A_653 = arith.index_cast %add3A_573 : i32 to index
          %swap3A_654 = arith.constant 112 : index
          %swap3A_655 = tpu.vector_load %arg10[%swap3A_653, %swap3A_654] {strides = array<i32>} : memref<64x128xf32, #tpu.memory_space<vmem>>, vector<1x16xf32>,
          %swap3A_656 = vector.shape_cast %swap3A_655 : vector<1x16xf32> to vector<16xf32>
          %swap3A_657 = vector.shape_cast %mul3A_652 : vector<16xf32> to vector<1x16xf32>
          tpu.vector_store %arg10[%swap3A_653, %swap3A_654], %swap3A_657 {strides = array<i32>} : memref<64x128xf32, #tpu.memory_space<vmem>>, vector<1x16xf32>,
          %mul3A_658 = arith.constant 4 : i32
          %mul3A_659 = arith.muli %scan3A_480, %mul3A_658 : i32
          %add3A_660 = arith.constant 2 : i32
          %add3A_661 = arith.addi %mul3A_659, %add3A_660 : i32
          %get3A_662 = arith.index_cast %add3A_661 : i32 to index
          %get3A_663 = arith.constant 0 : index
          %get3A_664 = tpu.vector_load %arg12[%get3A_662, %get3A_663] {strides = array<i32>} : memref<64x16xf32, #tpu.memory_space<vmem>>, vector<1x16xf32>,
          %get3A_665 = vector.shape_cast %get3A_664 : vector<1x16xf32> to vector<16xf32>
          %get3A_666 = arith.index_cast %add3A_661 : i32 to index
          %get3A_667 = arith.constant 0 : index
          %get3A_668 = tpu.vector_load %arg10[%get3A_666, %get3A_667] {strides = array<i32>} : memref<64x128xf32, #tpu.memory_space<vmem>>, vector<1x16xf32>,
          %get3A_669 = vector.shape_cast %get3A_668 : vector<1x16xf32> to vector<16xf32>
          %mul3A_670 = arith.mulf %get3A_669, %get3A_665 : vector<16xf32>
          %swap3A_671 = arith.index_cast %add3A_661 : i32 to index
          %swap3A_672 = arith.constant 0 : index
          %swap3A_673 = tpu.vector_load %arg10[%swap3A_671, %swap3A_672] {strides = array<i32>} : memref<64x128xf32, #tpu.memory_space<vmem>>, vector<1x16xf32>,
          %swap3A_674 = vector.shape_cast %swap3A_673 : vector<1x16xf32> to vector<16xf32>
          %swap3A_675 = vector.shape_cast %mul3A_670 : vector<16xf32> to vector<1x16xf32>
          tpu.vector_store %arg10[%swap3A_671, %swap3A_672], %swap3A_675 {strides = array<i32>} : memref<64x128xf32, #tpu.memory_space<vmem>>, vector<1x16xf32>,
          %get3A_676 = arith.index_cast %add3A_661 : i32 to index
          %get3A_677 = arith.constant 16 : index
          %get3A_678 = tpu.vector_load %arg10[%get3A_676, %get3A_677] {strides = array<i32>} : memref<64x128xf32, #tpu.memory_space<vmem>>, vector<1x16xf32>,
          %get3A_679 = vector.shape_cast %get3A_678 : vector<1x16xf32> to vector<16xf32>
          %mul3A_680 = arith.mulf %get3A_679, %get3A_665 : vector<16xf32>
          %swap3A_681 = arith.index_cast %add3A_661 : i32 to index
          %swap3A_682 = arith.constant 16 : index
          %swap3A_683 = tpu.vector_load %arg10[%swap3A_681, %swap3A_682] {strides = array<i32>} : memref<64x128xf32, #tpu.memory_space<vmem>>, vector<1x16xf32>,
          %swap3A_684 = vector.shape_cast %swap3A_683 : vector<1x16xf32> to vector<16xf32>
          %swap3A_685 = vector.shape_cast %mul3A_680 : vector<16xf32> to vector<1x16xf32>
          tpu.vector_store %arg10[%swap3A_681, %swap3A_682], %swap3A_685 {strides = array<i32>} : memref<64x128xf32, #tpu.memory_space<vmem>>, vector<1x16xf32>,
          %get3A_686 = arith.index_cast %add3A_661 : i32 to index
          %get3A_687 = arith.constant 32 : index
          %get3A_688 = tpu.vector_load %arg10[%get3A_686, %get3A_687] {strides = array<i32>} : memref<64x128xf32, #tpu.memory_space<vmem>>, vector<1x16xf32>,
          %get3A_689 = vector.shape_cast %get3A_688 : vector<1x16xf32> to vector<16xf32>
          %mul3A_690 = arith.mulf %get3A_689, %get3A_665 : vector<16xf32>
          %swap3A_691 = arith.index_cast %add3A_661 : i32 to index
          %swap3A_692 = arith.constant 32 : index
          %swap3A_693 = tpu.vector_load %arg10[%swap3A_691, %swap3A_692] {strides = array<i32>} : memref<64x128xf32, #tpu.memory_space<vmem>>, vector<1x16xf32>,
          %swap3A_694 = vector.shape_cast %swap3A_693 : vector<1x16xf32> to vector<16xf32>
          %swap3A_695 = vector.shape_cast %mul3A_690 : vector<16xf32> to vector<1x16xf32>
          tpu.vector_store %arg10[%swap3A_691, %swap3A_692], %swap3A_695 {strides = array<i32>} : memref<64x128xf32, #tpu.memory_space<vmem>>, vector<1x16xf32>,
          %get3A_696 = arith.index_cast %add3A_661 : i32 to index
          %get3A_697 = arith.constant 48 : index
          %get3A_698 = tpu.vector_load %arg10[%get3A_696, %get3A_697] {strides = array<i32>} : memref<64x128xf32, #tpu.memory_space<vmem>>, vector<1x16xf32>,
          %get3A_699 = vector.shape_cast %get3A_698 : vector<1x16xf32> to vector<16xf32>
          %mul3A_700 = arith.mulf %get3A_699, %get3A_665 : vector<16xf32>
          %swap3A_701 = arith.index_cast %add3A_661 : i32 to index
          %swap3A_702 = arith.constant 48 : index
          %swap3A_703 = tpu.vector_load %arg10[%swap3A_701, %swap3A_702] {strides = array<i32>} : memref<64x128xf32, #tpu.memory_space<vmem>>, vector<1x16xf32>,
          %swap3A_704 = vector.shape_cast %swap3A_703 : vector<1x16xf32> to vector<16xf32>
          %swap3A_705 = vector.shape_cast %mul3A_700 : vector<16xf32> to vector<1x16xf32>
          tpu.vector_store %arg10[%swap3A_701, %swap3A_702], %swap3A_705 {strides = array<i32>} : memref<64x128xf32, #tpu.memory_space<vmem>>, vector<1x16xf32>,
          %get3A_706 = arith.index_cast %add3A_661 : i32 to index
          %get3A_707 = arith.constant 64 : index
          %get3A_708 = tpu.vector_load %arg10[%get3A_706, %get3A_707] {strides = array<i32>} : memref<64x128xf32, #tpu.memory_space<vmem>>, vector<1x16xf32>,
          %get3A_709 = vector.shape_cast %get3A_708 : vector<1x16xf32> to vector<16xf32>
          %mul3A_710 = arith.mulf %get3A_709, %get3A_665 : vector<16xf32>
          %swap3A_711 = arith.index_cast %add3A_661 : i32 to index
          %swap3A_712 = arith.constant 64 : index
          %swap3A_713 = tpu.vector_load %arg10[%swap3A_711, %swap3A_712] {strides = array<i32>} : memref<64x128xf32, #tpu.memory_space<vmem>>, vector<1x16xf32>,
          %swap3A_714 = vector.shape_cast %swap3A_713 : vector<1x16xf32> to vector<16xf32>
          %swap3A_715 = vector.shape_cast %mul3A_710 : vector<16xf32> to vector<1x16xf32>
          tpu.vector_store %arg10[%swap3A_711, %swap3A_712], %swap3A_715 {strides = array<i32>} : memref<64x128xf32, #tpu.memory_space<vmem>>, vector<1x16xf32>,
          %get3A_716 = arith.index_cast %add3A_661 : i32 to index
          %get3A_717 = arith.constant 80 : index
          %get3A_718 = tpu.vector_load %arg10[%get3A_716, %get3A_717] {strides = array<i32>} : memref<64x128xf32, #tpu.memory_space<vmem>>, vector<1x16xf32>,
          %get3A_719 = vector.shape_cast %get3A_718 : vector<1x16xf32> to vector<16xf32>
          %mul3A_720 = arith.mulf %get3A_719, %get3A_665 : vector<16xf32>
          %swap3A_721 = arith.index_cast %add3A_661 : i32 to index
          %swap3A_722 = arith.constant 80 : index
          %swap3A_723 = tpu.vector_load %arg10[%swap3A_721, %swap3A_722] {strides = array<i32>} : memref<64x128xf32, #tpu.memory_space<vmem>>, vector<1x16xf32>,
          %swap3A_724 = vector.shape_cast %swap3A_723 : vector<1x16xf32> to vector<16xf32>
          %swap3A_725 = vector.shape_cast %mul3A_720 : vector<16xf32> to vector<1x16xf32>
          tpu.vector_store %arg10[%swap3A_721, %swap3A_722], %swap3A_725 {strides = array<i32>} : memref<64x128xf32, #tpu.memory_space<vmem>>, vector<1x16xf32>,
          %get3A_726 = arith.index_cast %add3A_661 : i32 to index
          %get3A_727 = arith.constant 96 : index
          %get3A_728 = tpu.vector_load %arg10[%get3A_726, %get3A_727] {strides = array<i32>} : memref<64x128xf32, #tpu.memory_space<vmem>>, vector<1x16xf32>,
          %get3A_729 = vector.shape_cast %get3A_728 : vector<1x16xf32> to vector<16xf32>
          %mul3A_730 = arith.mulf %get3A_729, %get3A_665 : vector<16xf32>
          %swap3A_731 = arith.index_cast %add3A_661 : i32 to index
          %swap3A_732 = arith.constant 96 : index
          %swap3A_733 = tpu.vector_load %arg10[%swap3A_731, %swap3A_732] {strides = array<i32>} : memref<64x128xf32, #tpu.memory_space<vmem>>, vector<1x16xf32>,
          %swap3A_734 = vector.shape_cast %swap3A_733 : vector<1x16xf32> to vector<16xf32>
          %swap3A_735 = vector.shape_cast %mul3A_730 : vector<16xf32> to vector<1x16xf32>
          tpu.vector_store %arg10[%swap3A_731, %swap3A_732], %swap3A_735 {strides = array<i32>} : memref<64x128xf32, #tpu.memory_space<vmem>>, vector<1x16xf32>,
          %get3A_736 = arith.index_cast %add3A_661 : i32 to index
          %get3A_737 = arith.constant 112 : index
          %get3A_738 = tpu.vector_load %arg10[%get3A_736, %get3A_737] {strides = array<i32>} : memref<64x128xf32, #tpu.memory_space<vmem>>, vector<1x16xf32>,
          %get3A_739 = vector.shape_cast %get3A_738 : vector<1x16xf32> to vector<16xf32>
          %mul3A_740 = arith.mulf %get3A_739, %get3A_665 : vector<16xf32>
          %swap3A_741 = arith.index_cast %add3A_661 : i32 to index
          %swap3A_742 = arith.constant 112 : index
          %swap3A_743 = tpu.vector_load %arg10[%swap3A_741, %swap3A_742] {strides = array<i32>} : memref<64x128xf32, #tpu.memory_space<vmem>>, vector<1x16xf32>,
          %swap3A_744 = vector.shape_cast %swap3A_743 : vector<1x16xf32> to vector<16xf32>
          %swap3A_745 = vector.shape_cast %mul3A_740 : vector<16xf32> to vector<1x16xf32>
          tpu.vector_store %arg10[%swap3A_741, %swap3A_742], %swap3A_745 {strides = array<i32>} : memref<64x128xf32, #tpu.memory_space<vmem>>, vector<1x16xf32>,
          %mul3A_746 = arith.constant 4 : i32
          %mul3A_747 = arith.muli %scan3A_480, %mul3A_746 : i32
          %add3A_748 = arith.constant 3 : i32
          %add3A_749 = arith.addi %mul3A_747, %add3A_748 : i32
          %get3A_750 = arith.index_cast %add3A_749 : i32 to index
          %get3A_751 = arith.constant 0 : index
          %get3A_752 = tpu.vector_load %arg12[%get3A_750, %get3A_751] {strides = array<i32>} : memref<64x16xf32, #tpu.memory_space<vmem>>, vector<1x16xf32>,
          %get3A_753 = vector.shape_cast %get3A_752 : vector<1x16xf32> to vector<16xf32>
          %get3A_754 = arith.index_cast %add3A_749 : i32 to index
          %get3A_755 = arith.constant 0 : index
          %get3A_756 = tpu.vector_load %arg10[%get3A_754, %get3A_755] {strides = array<i32>} : memref<64x128xf32, #tpu.memory_space<vmem>>, vector<1x16xf32>,
          %get3A_757 = vector.shape_cast %get3A_756 : vector<1x16xf32> to vector<16xf32>
          %mul3A_758 = arith.mulf %get3A_757, %get3A_753 : vector<16xf32>
          %swap3A_759 = arith.index_cast %add3A_749 : i32 to index
          %swap3A_760 = arith.constant 0 : index
          %swap3A_761 = tpu.vector_load %arg10[%swap3A_759, %swap3A_760] {strides = array<i32>} : memref<64x128xf32, #tpu.memory_space<vmem>>, vector<1x16xf32>,
          %swap3A_762 = vector.shape_cast %swap3A_761 : vector<1x16xf32> to vector<16xf32>
          %swap3A_763 = vector.shape_cast %mul3A_758 : vector<16xf32> to vector<1x16xf32>
          tpu.vector_store %arg10[%swap3A_759, %swap3A_760], %swap3A_763 {strides = array<i32>} : memref<64x128xf32, #tpu.memory_space<vmem>>, vector<1x16xf32>,
          %get3A_764 = arith.index_cast %add3A_749 : i32 to index
          %get3A_765 = arith.constant 16 : index
          %get3A_766 = tpu.vector_load %arg10[%get3A_764, %get3A_765] {strides = array<i32>} : memref<64x128xf32, #tpu.memory_space<vmem>>, vector<1x16xf32>,
          %get3A_767 = vector.shape_cast %get3A_766 : vector<1x16xf32> to vector<16xf32>
          %mul3A_768 = arith.mulf %get3A_767, %get3A_753 : vector<16xf32>
          %swap3A_769 = arith.index_cast %add3A_749 : i32 to index
          %swap3A_770 = arith.constant 16 : index
          %swap3A_771 = tpu.vector_load %arg10[%swap3A_769, %swap3A_770] {strides = array<i32>} : memref<64x128xf32, #tpu.memory_space<vmem>>, vector<1x16xf32>,
          %swap3A_772 = vector.shape_cast %swap3A_771 : vector<1x16xf32> to vector<16xf32>
          %swap3A_773 = vector.shape_cast %mul3A_768 : vector<16xf32> to vector<1x16xf32>
          tpu.vector_store %arg10[%swap3A_769, %swap3A_770], %swap3A_773 {strides = array<i32>} : memref<64x128xf32, #tpu.memory_space<vmem>>, vector<1x16xf32>,
          %get3A_774 = arith.index_cast %add3A_749 : i32 to index
          %get3A_775 = arith.constant 32 : index
          %get3A_776 = tpu.vector_load %arg10[%get3A_774, %get3A_775] {strides = array<i32>} : memref<64x128xf32, #tpu.memory_space<vmem>>, vector<1x16xf32>,
          %get3A_777 = vector.shape_cast %get3A_776 : vector<1x16xf32> to vector<16xf32>
          %mul3A_778 = arith.mulf %get3A_777, %get3A_753 : vector<16xf32>
          %swap3A_779 = arith.index_cast %add3A_749 : i32 to index
          %swap3A_780 = arith.constant 32 : index
          %swap3A_781 = tpu.vector_load %arg10[%swap3A_779, %swap3A_780] {strides = array<i32>} : memref<64x128xf32, #tpu.memory_space<vmem>>, vector<1x16xf32>,
          %swap3A_782 = vector.shape_cast %swap3A_781 : vector<1x16xf32> to vector<16xf32>
          %swap3A_783 = vector.shape_cast %mul3A_778 : vector<16xf32> to vector<1x16xf32>
          tpu.vector_store %arg10[%swap3A_779, %swap3A_780], %swap3A_783 {strides = array<i32>} : memref<64x128xf32, #tpu.memory_space<vmem>>, vector<1x16xf32>,
          %get3A_784 = arith.index_cast %add3A_749 : i32 to index
          %get3A_785 = arith.constant 48 : index
          %get3A_786 = tpu.vector_load %arg10[%get3A_784, %get3A_785] {strides = array<i32>} : memref<64x128xf32, #tpu.memory_space<vmem>>, vector<1x16xf32>,
          %get3A_787 = vector.shape_cast %get3A_786 : vector<1x16xf32> to vector<16xf32>
          %mul3A_788 = arith.mulf %get3A_787, %get3A_753 : vector<16xf32>
          %swap3A_789 = arith.index_cast %add3A_749 : i32 to index
          %swap3A_790 = arith.constant 48 : index
          %swap3A_791 = tpu.vector_load %arg10[%swap3A_789, %swap3A_790] {strides = array<i32>} : memref<64x128xf32, #tpu.memory_space<vmem>>, vector<1x16xf32>,
          %swap3A_792 = vector.shape_cast %swap3A_791 : vector<1x16xf32> to vector<16xf32>
          %swap3A_793 = vector.shape_cast %mul3A_788 : vector<16xf32> to vector<1x16xf32>
          tpu.vector_store %arg10[%swap3A_789, %swap3A_790], %swap3A_793 {strides = array<i32>} : memref<64x128xf32, #tpu.memory_space<vmem>>, vector<1x16xf32>,
          %get3A_794 = arith.index_cast %add3A_749 : i32 to index
          %get3A_795 = arith.constant 64 : index
          %get3A_796 = tpu.vector_load %arg10[%get3A_794, %get3A_795] {strides = array<i32>} : memref<64x128xf32, #tpu.memory_space<vmem>>, vector<1x16xf32>,
          %get3A_797 = vector.shape_cast %get3A_796 : vector<1x16xf32> to vector<16xf32>
          %mul3A_798 = arith.mulf %get3A_797, %get3A_753 : vector<16xf32>
          %swap3A_799 = arith.index_cast %add3A_749 : i32 to index
          %swap3A_800 = arith.constant 64 : index
          %swap3A_801 = tpu.vector_load %arg10[%swap3A_799, %swap3A_800] {strides = array<i32>} : memref<64x128xf32, #tpu.memory_space<vmem>>, vector<1x16xf32>,
          %swap3A_802 = vector.shape_cast %swap3A_801 : vector<1x16xf32> to vector<16xf32>
          %swap3A_803 = vector.shape_cast %mul3A_798 : vector<16xf32> to vector<1x16xf32>
          tpu.vector_store %arg10[%swap3A_799, %swap3A_800], %swap3A_803 {strides = array<i32>} : memref<64x128xf32, #tpu.memory_space<vmem>>, vector<1x16xf32>,
          %get3A_804 = arith.index_cast %add3A_749 : i32 to index
          %get3A_805 = arith.constant 80 : index
          %get3A_806 = tpu.vector_load %arg10[%get3A_804, %get3A_805] {strides = array<i32>} : memref<64x128xf32, #tpu.memory_space<vmem>>, vector<1x16xf32>,
          %get3A_807 = vector.shape_cast %get3A_806 : vector<1x16xf32> to vector<16xf32>
          %mul3A_808 = arith.mulf %get3A_807, %get3A_753 : vector<16xf32>
          %swap3A_809 = arith.index_cast %add3A_749 : i32 to index
          %swap3A_810 = arith.constant 80 : index
          %swap3A_811 = tpu.vector_load %arg10[%swap3A_809, %swap3A_810] {strides = array<i32>} : memref<64x128xf32, #tpu.memory_space<vmem>>, vector<1x16xf32>,
          %swap3A_812 = vector.shape_cast %swap3A_811 : vector<1x16xf32> to vector<16xf32>
          %swap3A_813 = vector.shape_cast %mul3A_808 : vector<16xf32> to vector<1x16xf32>
          tpu.vector_store %arg10[%swap3A_809, %swap3A_810], %swap3A_813 {strides = array<i32>} : memref<64x128xf32, #tpu.memory_space<vmem>>, vector<1x16xf32>,
          %get3A_814 = arith.index_cast %add3A_749 : i32 to index
          %get3A_815 = arith.constant 96 : index
          %get3A_816 = tpu.vector_load %arg10[%get3A_814, %get3A_815] {strides = array<i32>} : memref<64x128xf32, #tpu.memory_space<vmem>>, vector<1x16xf32>,
          %get3A_817 = vector.shape_cast %get3A_816 : vector<1x16xf32> to vector<16xf32>
          %mul3A_818 = arith.mulf %get3A_817, %get3A_753 : vector<16xf32>
          %swap3A_819 = arith.index_cast %add3A_749 : i32 to index
          %swap3A_820 = arith.constant 96 : index
          %swap3A_821 = tpu.vector_load %arg10[%swap3A_819, %swap3A_820] {strides = array<i32>} : memref<64x128xf32, #tpu.memory_space<vmem>>, vector<1x16xf32>,
          %swap3A_822 = vector.shape_cast %swap3A_821 : vector<1x16xf32> to vector<16xf32>
          %swap3A_823 = vector.shape_cast %mul3A_818 : vector<16xf32> to vector<1x16xf32>
          tpu.vector_store %arg10[%swap3A_819, %swap3A_820], %swap3A_823 {strides = array<i32>} : memref<64x128xf32, #tpu.memory_space<vmem>>, vector<1x16xf32>,
          %get3A_824 = arith.index_cast %add3A_749 : i32 to index
          %get3A_825 = arith.constant 112 : index
          %get3A_826 = tpu.vector_load %arg10[%get3A_824, %get3A_825] {strides = array<i32>} : memref<64x128xf32, #tpu.memory_space<vmem>>, vector<1x16xf32>,
          %get3A_827 = vector.shape_cast %get3A_826 : vector<1x16xf32> to vector<16xf32>
          %mul3A_828 = arith.mulf %get3A_827, %get3A_753 : vector<16xf32>
          %swap3A_829 = arith.index_cast %add3A_749 : i32 to index
          %swap3A_830 = arith.constant 112 : index
          %swap3A_831 = tpu.vector_load %arg10[%swap3A_829, %swap3A_830] {strides = array<i32>} : memref<64x128xf32, #tpu.memory_space<vmem>>, vector<1x16xf32>,
          %swap3A_832 = vector.shape_cast %swap3A_831 : vector<1x16xf32> to vector<16xf32>
          %swap3A_833 = vector.shape_cast %mul3A_828 : vector<16xf32> to vector<1x16xf32>
          tpu.vector_store %arg10[%swap3A_829, %swap3A_830], %swap3A_833 {strides = array<i32>} : memref<64x128xf32, #tpu.memory_space<vmem>>, vector<1x16xf32>,
          %scan3A_834 = arith.constant 0 : i32
          scf.yield %scan3A_834 : i32
        }
        %scan3A_347 = arith.constant 16 : i32
        %dma_start3A_348 = arith.constant 0 : i32
        %dma_start3A_349 = arith.constant 0 : i32
        %dma_start3A_350 = tpu.memref_slice %arg7[%dma_start3A_348, %dma_start3A_349] : memref<10240x128xf32, #tpu.memory_space<vmem_shared>> -> memref<10240x128xf32, #tpu.memory_space<vmem_shared>>
        tpu.enqueue_indirect_dma source(%arg10 : memref<64x128xf32, #tpu.memory_space<vmem>>) target(%dma_start3A_350 : memref<10240x128xf32, #tpu.memory_space<vmem_shared>>) offsets(%arg16 : memref<64xi32, #tpu.memory_space<vmem>>) semaphore(%arg20 : memref<!tpu.dma_semaphore, #tpu.memory_space<semaphore_mem>>) {add = true}
        %dma_wait3A_351 = arith.constant 0 : i32
        %dma_wait3A_352 = arith.constant 0 : i32
        %dma_wait3A_353 = tpu.memref_slice %arg2[%dma_wait3A_351, %dma_wait3A_352] : memref<163840x128xf32, #tpu.memory_space<hbm>> -> memref<163840x128xf32, #tpu.memory_space<hbm>>
        tpu.wait_indirect_dma semaphore(%arg19 : memref<!tpu.dma_semaphore, #tpu.memory_space<semaphore_mem>>) src(%dma_wait3A_353 : memref<163840x128xf32, #tpu.memory_space<hbm>>) dst(%arg11 : memref<64x128xf32, #tpu.memory_space<vmem>>)
        %dma_wait3A_354 = arith.constant 0 : i32
        %dma_wait3A_355 = tpu.memref_slice %arg3[%mul3A_0, %dma_wait3A_354] : memref<163856x16xf32, #tpu.memory_space<hbm>> -> memref<64x16xf32, #tpu.memory_space<hbm>>
        %dma_wait3A_356 = arith.constant 0 : i32
        %dma_wait3A_357 = tpu.memref_slice %arg3[%mul3A_0, %dma_wait3A_356] : memref<163856x16xf32, #tpu.memory_space<hbm>> -> memref<64x16xf32, #tpu.memory_space<hbm>>
        tpu.wait_dma2 semaphore(%arg19 : memref<!tpu.dma_semaphore, #tpu.memory_space<semaphore_mem>>) src(%dma_wait3A_357 : memref<64x16xf32, #tpu.memory_space<hbm>>) dst(%arg13 : memref<64x16xf32, #tpu.memory_space<vmem>>)
        %dma_wait3A_358 = arith.constant 0 : i32
        %dma_wait3A_359 = arith.constant 0 : i32
        %dma_wait3A_360 = tpu.memref_slice %arg7[%dma_wait3A_358, %dma_wait3A_359] : memref<10240x128xf32, #tpu.memory_space<vmem_shared>> -> memref<10240x128xf32, #tpu.memory_space<vmem_shared>>
        tpu.wait_indirect_dma semaphore(%arg20 : memref<!tpu.dma_semaphore, #tpu.memory_space<semaphore_mem>>) src(%arg10 : memref<64x128xf32, #tpu.memory_space<vmem>>) dst(%dma_wait3A_360 : memref<10240x128xf32, #tpu.memory_space<vmem_shared>>)
        %add3A_361 = arith.constant 2 : i32
        %add3A_362 = arith.addi %mul3A_221, %add3A_361 : i32
        %min3A = arith.constant 158 : i32
        %min3A_363 = arith.minsi %add3A_362, %min3A : i32
        %mul3A_364 = arith.constant 10240 : i32
        %mul3A_365 = arith.muli %add3A, %mul3A_364 : i32
        %broadcast_in_dim3A_366 = vector.broadcast %mul3A_365 : i32 to vector<16xi32>
        %mul3A_367 = arith.constant 64 : i32
        %mul3A_368 = arith.muli %min3A_363, %mul3A_367 : i32
        %add3A_369 = arith.constant 0 : i32
        %add3A_370 = arith.addi %mul3A_368, %add3A_369 : i32
        %get3A_371 = arith.index_cast %add3A_370 : i32 to index
        %get3A_372 = tpu.vector_load %arg8[%get3A_371] {strides = array<i32>} : memref<10240xi32, #tpu.memory_space<vmem>>, vector<16xi32>,
        %get3A_373 = vector.shape_cast %get3A_372 : vector<16xi32> to vector<16xi32>
        %add3A_374 = arith.addi %get3A_373, %broadcast_in_dim3A_366 : vector<16xi32>
        %swap3A_375 = arith.constant 0 : index
        %swap3A_376 = tpu.vector_load %arg14[%swap3A_375] {strides = array<i32>} : memref<64xi32, #tpu.memory_space<vmem>>, vector<16xi32>,
        %swap3A_377 = vector.shape_cast %swap3A_376 : vector<16xi32> to vector<16xi32>
        %swap3A_378 = vector.shape_cast %add3A_374 : vector<16xi32> to vector<16xi32>
        tpu.vector_store %arg14[%swap3A_375], %swap3A_378 {strides = array<i32>} : memref<64xi32, #tpu.memory_space<vmem>>, vector<16xi32>,
        %mul3A_379 = arith.constant 64 : i32
        %mul3A_380 = arith.muli %min3A_363, %mul3A_379 : i32
        %add3A_381 = arith.constant 0 : i32
        %add3A_382 = arith.addi %mul3A_380, %add3A_381 : i32
        %get3A_383 = arith.index_cast %add3A_382 : i32 to index
        %get3A_384 = tpu.vector_load %arg9[%get3A_383] {strides = array<i32>} : memref<10240xi32, #tpu.memory_space<vmem>>, vector<16xi32>,
        %get3A_385 = vector.shape_cast %get3A_384 : vector<16xi32> to vector<16xi32>
        %swap3A_386 = arith.constant 0 : index
        %swap3A_387 = tpu.vector_load %arg16[%swap3A_386] {strides = array<i32>} : memref<64xi32, #tpu.memory_space<vmem>>, vector<16xi32>,
        %swap3A_388 = vector.shape_cast %swap3A_387 : vector<16xi32> to vector<16xi32>
        %swap3A_389 = vector.shape_cast %get3A_385 : vector<16xi32> to vector<16xi32>
        tpu.vector_store %arg16[%swap3A_386], %swap3A_389 {strides = array<i32>} : memref<64xi32, #tpu.memory_space<vmem>>, vector<16xi32>,
        %mul3A_390 = arith.constant 64 : i32
        %mul3A_391 = arith.muli %min3A_363, %mul3A_390 : i32
        %add3A_392 = arith.constant 16 : i32
        %add3A_393 = arith.addi %mul3A_391, %add3A_392 : i32
        %get3A_394 = arith.index_cast %add3A_393 : i32 to index
        %get3A_395 = tpu.vector_load %arg8[%get3A_394] {strides = array<i32>} : memref<10240xi32, #tpu.memory_space<vmem>>, vector<16xi32>,
        %get3A_396 = vector.shape_cast %get3A_395 : vector<16xi32> to vector<16xi32>
        %add3A_397 = arith.addi %get3A_396, %broadcast_in_dim3A_366 : vector<16xi32>
        %swap3A_398 = arith.constant 16 : index
        %swap3A_399 = tpu.vector_load %arg14[%swap3A_398] {strides = array<i32>} : memref<64xi32, #tpu.memory_space<vmem>>, vector<16xi32>,
        %swap3A_400 = vector.shape_cast %swap3A_399 : vector<16xi32> to vector<16xi32>
        %swap3A_401 = vector.shape_cast %add3A_397 : vector<16xi32> to vector<16xi32>
        tpu.vector_store %arg14[%swap3A_398], %swap3A_401 {strides = array<i32>} : memref<64xi32, #tpu.memory_space<vmem>>, vector<16xi32>,
        %mul3A_402 = arith.constant 64 : i32
        %mul3A_403 = arith.muli %min3A_363, %mul3A_402 : i32
        %add3A_404 = arith.constant 16 : i32
        %add3A_405 = arith.addi %mul3A_403, %add3A_404 : i32
        %get3A_406 = arith.index_cast %add3A_405 : i32 to index
        %get3A_407 = tpu.vector_load %arg9[%get3A_406] {strides = array<i32>} : memref<10240xi32, #tpu.memory_space<vmem>>, vector<16xi32>,
        %get3A_408 = vector.shape_cast %get3A_407 : vector<16xi32> to vector<16xi32>
        %swap3A_409 = arith.constant 16 : index
        %swap3A_410 = tpu.vector_load %arg16[%swap3A_409] {strides = array<i32>} : memref<64xi32, #tpu.memory_space<vmem>>, vector<16xi32>,
        %swap3A_411 = vector.shape_cast %swap3A_410 : vector<16xi32> to vector<16xi32>
        %swap3A_412 = vector.shape_cast %get3A_408 : vector<16xi32> to vector<16xi32>
        tpu.vector_store %arg16[%swap3A_409], %swap3A_412 {strides = array<i32>} : memref<64xi32, #tpu.memory_space<vmem>>, vector<16xi32>,
        %mul3A_413 = arith.constant 64 : i32
        %mul3A_414 = arith.muli %min3A_363, %mul3A_413 : i32
        %add3A_415 = arith.constant 32 : i32
        %add3A_416 = arith.addi %mul3A_414, %add3A_415 : i32
        %get3A_417 = arith.index_cast %add3A_416 : i32 to index
        %get3A_418 = tpu.vector_load %arg8[%get3A_417] {strides = array<i32>} : memref<10240xi32, #tpu.memory_space<vmem>>, vector<16xi32>,
        %get3A_419 = vector.shape_cast %get3A_418 : vector<16xi32> to vector<16xi32>
        %add3A_420 = arith.addi %get3A_419, %broadcast_in_dim3A_366 : vector<16xi32>
        %swap3A_421 = arith.constant 32 : index
        %swap3A_422 = tpu.vector_load %arg14[%swap3A_421] {strides = array<i32>} : memref<64xi32, #tpu.memory_space<vmem>>, vector<16xi32>,
        %swap3A_423 = vector.shape_cast %swap3A_422 : vector<16xi32> to vector<16xi32>
        %swap3A_424 = vector.shape_cast %add3A_420 : vector<16xi32> to vector<16xi32>
        tpu.vector_store %arg14[%swap3A_421], %swap3A_424 {strides = array<i32>} : memref<64xi32, #tpu.memory_space<vmem>>, vector<16xi32>,
        %mul3A_425 = arith.constant 64 : i32
        %mul3A_426 = arith.muli %min3A_363, %mul3A_425 : i32
        %add3A_427 = arith.constant 32 : i32
        %add3A_428 = arith.addi %mul3A_426, %add3A_427 : i32
        %get3A_429 = arith.index_cast %add3A_428 : i32 to index
        %get3A_430 = tpu.vector_load %arg9[%get3A_429] {strides = array<i32>} : memref<10240xi32, #tpu.memory_space<vmem>>, vector<16xi32>,
        %get3A_431 = vector.shape_cast %get3A_430 : vector<16xi32> to vector<16xi32>
        %swap3A_432 = arith.constant 32 : index
        %swap3A_433 = tpu.vector_load %arg16[%swap3A_432] {strides = array<i32>} : memref<64xi32, #tpu.memory_space<vmem>>, vector<16xi32>,
        %swap3A_434 = vector.shape_cast %swap3A_433 : vector<16xi32> to vector<16xi32>
        %swap3A_435 = vector.shape_cast %get3A_431 : vector<16xi32> to vector<16xi32>
        tpu.vector_store %arg16[%swap3A_432], %swap3A_435 {strides = array<i32>} : memref<64xi32, #tpu.memory_space<vmem>>, vector<16xi32>,
        %mul3A_436 = arith.constant 64 : i32
        %mul3A_437 = arith.muli %min3A_363, %mul3A_436 : i32
        %add3A_438 = arith.constant 48 : i32
        %add3A_439 = arith.addi %mul3A_437, %add3A_438 : i32
        %get3A_440 = arith.index_cast %add3A_439 : i32 to index
        %get3A_441 = tpu.vector_load %arg8[%get3A_440] {strides = array<i32>} : memref<10240xi32, #tpu.memory_space<vmem>>, vector<16xi32>,
        %get3A_442 = vector.shape_cast %get3A_441 : vector<16xi32> to vector<16xi32>
        %add3A_443 = arith.addi %get3A_442, %broadcast_in_dim3A_366 : vector<16xi32>
        %swap3A_444 = arith.constant 48 : index
        %swap3A_445 = tpu.vector_load %arg14[%swap3A_444] {strides = array<i32>} : memref<64xi32, #tpu.memory_space<vmem>>, vector<16xi32>,
        %swap3A_446 = vector.shape_cast %swap3A_445 : vector<16xi32> to vector<16xi32>
        %swap3A_447 = vector.shape_cast %add3A_443 : vector<16xi32> to vector<16xi32>
        tpu.vector_store %arg14[%swap3A_444], %swap3A_447 {strides = array<i32>} : memref<64xi32, #tpu.memory_space<vmem>>, vector<16xi32>,
        %mul3A_448 = arith.constant 64 : i32
        %mul3A_449 = arith.muli %min3A_363, %mul3A_448 : i32
        %add3A_450 = arith.constant 48 : i32
        %add3A_451 = arith.addi %mul3A_449, %add3A_450 : i32
        %get3A_452 = arith.index_cast %add3A_451 : i32 to index
        %get3A_453 = tpu.vector_load %arg9[%get3A_452] {strides = array<i32>} : memref<10240xi32, #tpu.memory_space<vmem>>, vector<16xi32>,
        %get3A_454 = vector.shape_cast %get3A_453 : vector<16xi32> to vector<16xi32>
        %swap3A_455 = arith.constant 48 : index
        %swap3A_456 = tpu.vector_load %arg16[%swap3A_455] {strides = array<i32>} : memref<64xi32, #tpu.memory_space<vmem>>, vector<16xi32>,
        %swap3A_457 = vector.shape_cast %swap3A_456 : vector<16xi32> to vector<16xi32>
        %swap3A_458 = vector.shape_cast %get3A_454 : vector<16xi32> to vector<16xi32>
        tpu.vector_store %arg16[%swap3A_455], %swap3A_458 {strides = array<i32>} : memref<64xi32, #tpu.memory_space<vmem>>, vector<16xi32>,
        %dma_start3A_459 = arith.constant 0 : i32
        %dma_start3A_460 = arith.constant 0 : i32
        %dma_start3A_461 = tpu.memref_slice %arg2[%dma_start3A_459, %dma_start3A_460] : memref<163840x128xf32, #tpu.memory_space<hbm>> -> memref<163840x128xf32, #tpu.memory_space<hbm>>
        tpu.enqueue_indirect_dma source(%dma_start3A_461 : memref<163840x128xf32, #tpu.memory_space<hbm>>) target(%arg10 : memref<64x128xf32, #tpu.memory_space<vmem>>) offsets(%arg14 : memref<64xi32, #tpu.memory_space<vmem>>) semaphore(%arg18 : memref<!tpu.dma_semaphore, #tpu.memory_space<semaphore_mem>>)
        %mul3A_462 = arith.constant 64 : i32
        %mul3A_463 = arith.muli %min3A_363, %mul3A_462 : i32
        %add3A_464 = arith.addi %mul3A_0, %mul3A_463 : i32
        %dma_start3A_465 = arith.constant 0 : i32
        %dma_start3A_466 = tpu.memref_slice %arg3[%add3A_464, %dma_start3A_465] : memref<163856x16xf32, #tpu.memory_space<hbm>> -> memref<64x16xf32, #tpu.memory_space<hbm>>
        %dma_start3A_467 = arith.constant 0 : i32
        %dma_start3A_468 = tpu.memref_slice %arg3[%add3A_464, %dma_start3A_467] : memref<163856x16xf32, #tpu.memory_space<hbm>> -> memref<64x16xf32, #tpu.memory_space<hbm>>
        tpu.enqueue_dma source(%dma_start3A_468 : memref<64x16xf32, #tpu.memory_space<hbm>>) target(%arg12 : memref<64x16xf32, #tpu.memory_space<vmem>>) target_semaphore(%arg18 : memref<!tpu.dma_semaphore, #tpu.memory_space<semaphore_mem>>)
        %scan3A_469 = arith.constant 0 : i32
        %scan3A_470 = arith.constant 0 : i32
        %scan3A_471 = arith.constant 16 : i32
        %scan3A_472 = arith.addi %scan3A_470, %scan3A_471 : i32
        %scan3A_473 = arith.constant 1 : i32
        %scan3A_474 = scf.for %scan3A_480 = %scan3A_470 to %scan3A_472 step %scan3A_473 iter_args(%scan3A_481 = %scan3A_469) -> (i32)  : i32 {
          %mul3A_482 = arith.constant 4 : i32
          %mul3A_483 = arith.muli %scan3A_480, %mul3A_482 : i32
          %add3A_484 = arith.constant 0 : i32
          %add3A_485 = arith.addi %mul3A_483, %add3A_484 : i32
          %get3A_486 = arith.index_cast %add3A_485 : i32 to index
          %get3A_487 = arith.constant 0 : index
          %get3A_488 = tpu.vector_load %arg13[%get3A_486, %get3A_487] {strides = array<i32>} : memref<64x16xf32, #tpu.memory_space<vmem>>, vector<1x16xf32>,
          %get3A_489 = vector.shape_cast %get3A_488 : vector<1x16xf32> to vector<16xf32>
          %get3A_490 = arith.index_cast %add3A_485 : i32 to index
          %get3A_491 = arith.constant 0 : index
          %get3A_492 = tpu.vector_load %arg11[%get3A_490, %get3A_491] {strides = array<i32>} : memref<64x128xf32, #tpu.memory_space<vmem>>, vector<1x16xf32>,
          %get3A_493 = vector.shape_cast %get3A_492 : vector<1x16xf32> to vector<16xf32>
          %mul3A_494 = arith.mulf %get3A_493, %get3A_489 : vector<16xf32>
          %swap3A_495 = arith.index_cast %add3A_485 : i32 to index
          %swap3A_496 = arith.constant 0 : index
          %swap3A_497 = tpu.vector_load %arg11[%swap3A_495, %swap3A_496] {strides = array<i32>} : memref<64x128xf32, #tpu.memory_space<vmem>>, vector<1x16xf32>,
          %swap3A_498 = vector.shape_cast %swap3A_497 : vector<1x16xf32> to vector<16xf32>
          %swap3A_499 = vector.shape_cast %mul3A_494 : vector<16xf32> to vector<1x16xf32>
          tpu.vector_store %arg11[%swap3A_495, %swap3A_496], %swap3A_499 {strides = array<i32>} : memref<64x128xf32, #tpu.memory_space<vmem>>, vector<1x16xf32>,
          %get3A_500 = arith.index_cast %add3A_485 : i32 to index
          %get3A_501 = arith.constant 16 : index
          %get3A_502 = tpu.vector_load %arg11[%get3A_500, %get3A_501] {strides = array<i32>} : memref<64x128xf32, #tpu.memory_space<vmem>>, vector<1x16xf32>,
          %get3A_503 = vector.shape_cast %get3A_502 : vector<1x16xf32> to vector<16xf32>
          %mul3A_504 = arith.mulf %get3A_503, %get3A_489 : vector<16xf32>
          %swap3A_505 = arith.index_cast %add3A_485 : i32 to index
          %swap3A_506 = arith.constant 16 : index
          %swap3A_507 = tpu.vector_load %arg11[%swap3A_505, %swap3A_506] {strides = array<i32>} : memref<64x128xf32, #tpu.memory_space<vmem>>, vector<1x16xf32>,
          %swap3A_508 = vector.shape_cast %swap3A_507 : vector<1x16xf32> to vector<16xf32>
          %swap3A_509 = vector.shape_cast %mul3A_504 : vector<16xf32> to vector<1x16xf32>
          tpu.vector_store %arg11[%swap3A_505, %swap3A_506], %swap3A_509 {strides = array<i32>} : memref<64x128xf32, #tpu.memory_space<vmem>>, vector<1x16xf32>,
          %get3A_510 = arith.index_cast %add3A_485 : i32 to index
          %get3A_511 = arith.constant 32 : index
          %get3A_512 = tpu.vector_load %arg11[%get3A_510, %get3A_511] {strides = array<i32>} : memref<64x128xf32, #tpu.memory_space<vmem>>, vector<1x16xf32>,
          %get3A_513 = vector.shape_cast %get3A_512 : vector<1x16xf32> to vector<16xf32>
          %mul3A_514 = arith.mulf %get3A_513, %get3A_489 : vector<16xf32>
          %swap3A_515 = arith.index_cast %add3A_485 : i32 to index
          %swap3A_516 = arith.constant 32 : index
          %swap3A_517 = tpu.vector_load %arg11[%swap3A_515, %swap3A_516] {strides = array<i32>} : memref<64x128xf32, #tpu.memory_space<vmem>>, vector<1x16xf32>,
          %swap3A_518 = vector.shape_cast %swap3A_517 : vector<1x16xf32> to vector<16xf32>
          %swap3A_519 = vector.shape_cast %mul3A_514 : vector<16xf32> to vector<1x16xf32>
          tpu.vector_store %arg11[%swap3A_515, %swap3A_516], %swap3A_519 {strides = array<i32>} : memref<64x128xf32, #tpu.memory_space<vmem>>, vector<1x16xf32>,
          %get3A_520 = arith.index_cast %add3A_485 : i32 to index
          %get3A_521 = arith.constant 48 : index
          %get3A_522 = tpu.vector_load %arg11[%get3A_520, %get3A_521] {strides = array<i32>} : memref<64x128xf32, #tpu.memory_space<vmem>>, vector<1x16xf32>,
          %get3A_523 = vector.shape_cast %get3A_522 : vector<1x16xf32> to vector<16xf32>
          %mul3A_524 = arith.mulf %get3A_523, %get3A_489 : vector<16xf32>
          %swap3A_525 = arith.index_cast %add3A_485 : i32 to index
          %swap3A_526 = arith.constant 48 : index
          %swap3A_527 = tpu.vector_load %arg11[%swap3A_525, %swap3A_526] {strides = array<i32>} : memref<64x128xf32, #tpu.memory_space<vmem>>, vector<1x16xf32>,
          %swap3A_528 = vector.shape_cast %swap3A_527 : vector<1x16xf32> to vector<16xf32>
          %swap3A_529 = vector.shape_cast %mul3A_524 : vector<16xf32> to vector<1x16xf32>
          tpu.vector_store %arg11[%swap3A_525, %swap3A_526], %swap3A_529 {strides = array<i32>} : memref<64x128xf32, #tpu.memory_space<vmem>>, vector<1x16xf32>,
          %get3A_530 = arith.index_cast %add3A_485 : i32 to index
          %get3A_531 = arith.constant 64 : index
          %get3A_532 = tpu.vector_load %arg11[%get3A_530, %get3A_531] {strides = array<i32>} : memref<64x128xf32, #tpu.memory_space<vmem>>, vector<1x16xf32>,
          %get3A_533 = vector.shape_cast %get3A_532 : vector<1x16xf32> to vector<16xf32>
          %mul3A_534 = arith.mulf %get3A_533, %get3A_489 : vector<16xf32>
          %swap3A_535 = arith.index_cast %add3A_485 : i32 to index
          %swap3A_536 = arith.constant 64 : index
          %swap3A_537 = tpu.vector_load %arg11[%swap3A_535, %swap3A_536] {strides = array<i32>} : memref<64x128xf32, #tpu.memory_space<vmem>>, vector<1x16xf32>,
          %swap3A_538 = vector.shape_cast %swap3A_537 : vector<1x16xf32> to vector<16xf32>
          %swap3A_539 = vector.shape_cast %mul3A_534 : vector<16xf32> to vector<1x16xf32>
          tpu.vector_store %arg11[%swap3A_535, %swap3A_536], %swap3A_539 {strides = array<i32>} : memref<64x128xf32, #tpu.memory_space<vmem>>, vector<1x16xf32>,
          %get3A_540 = arith.index_cast %add3A_485 : i32 to index
          %get3A_541 = arith.constant 80 : index
          %get3A_542 = tpu.vector_load %arg11[%get3A_540, %get3A_541] {strides = array<i32>} : memref<64x128xf32, #tpu.memory_space<vmem>>, vector<1x16xf32>,
          %get3A_543 = vector.shape_cast %get3A_542 : vector<1x16xf32> to vector<16xf32>
          %mul3A_544 = arith.mulf %get3A_543, %get3A_489 : vector<16xf32>
          %swap3A_545 = arith.index_cast %add3A_485 : i32 to index
          %swap3A_546 = arith.constant 80 : index
          %swap3A_547 = tpu.vector_load %arg11[%swap3A_545, %swap3A_546] {strides = array<i32>} : memref<64x128xf32, #tpu.memory_space<vmem>>, vector<1x16xf32>,
          %swap3A_548 = vector.shape_cast %swap3A_547 : vector<1x16xf32> to vector<16xf32>
          %swap3A_549 = vector.shape_cast %mul3A_544 : vector<16xf32> to vector<1x16xf32>
          tpu.vector_store %arg11[%swap3A_545, %swap3A_546], %swap3A_549 {strides = array<i32>} : memref<64x128xf32, #tpu.memory_space<vmem>>, vector<1x16xf32>,
          %get3A_550 = arith.index_cast %add3A_485 : i32 to index
          %get3A_551 = arith.constant 96 : index
          %get3A_552 = tpu.vector_load %arg11[%get3A_550, %get3A_551] {strides = array<i32>} : memref<64x128xf32, #tpu.memory_space<vmem>>, vector<1x16xf32>,
          %get3A_553 = vector.shape_cast %get3A_552 : vector<1x16xf32> to vector<16xf32>
          %mul3A_554 = arith.mulf %get3A_553, %get3A_489 : vector<16xf32>
          %swap3A_555 = arith.index_cast %add3A_485 : i32 to index
          %swap3A_556 = arith.constant 96 : index
          %swap3A_557 = tpu.vector_load %arg11[%swap3A_555, %swap3A_556] {strides = array<i32>} : memref<64x128xf32, #tpu.memory_space<vmem>>, vector<1x16xf32>,
          %swap3A_558 = vector.shape_cast %swap3A_557 : vector<1x16xf32> to vector<16xf32>
          %swap3A_559 = vector.shape_cast %mul3A_554 : vector<16xf32> to vector<1x16xf32>
          tpu.vector_store %arg11[%swap3A_555, %swap3A_556], %swap3A_559 {strides = array<i32>} : memref<64x128xf32, #tpu.memory_space<vmem>>, vector<1x16xf32>,
          %get3A_560 = arith.index_cast %add3A_485 : i32 to index
          %get3A_561 = arith.constant 112 : index
          %get3A_562 = tpu.vector_load %arg11[%get3A_560, %get3A_561] {strides = array<i32>} : memref<64x128xf32, #tpu.memory_space<vmem>>, vector<1x16xf32>,
          %get3A_563 = vector.shape_cast %get3A_562 : vector<1x16xf32> to vector<16xf32>
          %mul3A_564 = arith.mulf %get3A_563, %get3A_489 : vector<16xf32>
          %swap3A_565 = arith.index_cast %add3A_485 : i32 to index
          %swap3A_566 = arith.constant 112 : index
          %swap3A_567 = tpu.vector_load %arg11[%swap3A_565, %swap3A_566] {strides = array<i32>} : memref<64x128xf32, #tpu.memory_space<vmem>>, vector<1x16xf32>,
          %swap3A_568 = vector.shape_cast %swap3A_567 : vector<1x16xf32> to vector<16xf32>
          %swap3A_569 = vector.shape_cast %mul3A_564 : vector<16xf32> to vector<1x16xf32>
          tpu.vector_store %arg11[%swap3A_565, %swap3A_566], %swap3A_569 {strides = array<i32>} : memref<64x128xf32, #tpu.memory_space<vmem>>, vector<1x16xf32>,
          %mul3A_570 = arith.constant 4 : i32
          %mul3A_571 = arith.muli %scan3A_480, %mul3A_570 : i32
          %add3A_572 = arith.constant 1 : i32
          %add3A_573 = arith.addi %mul3A_571, %add3A_572 : i32
          %get3A_574 = arith.index_cast %add3A_573 : i32 to index
          %get3A_575 = arith.constant 0 : index
          %get3A_576 = tpu.vector_load %arg13[%get3A_574, %get3A_575] {strides = array<i32>} : memref<64x16xf32, #tpu.memory_space<vmem>>, vector<1x16xf32>,
          %get3A_577 = vector.shape_cast %get3A_576 : vector<1x16xf32> to vector<16xf32>
          %get3A_578 = arith.index_cast %add3A_573 : i32 to index
          %get3A_579 = arith.constant 0 : index
          %get3A_580 = tpu.vector_load %arg11[%get3A_578, %get3A_579] {strides = array<i32>} : memref<64x128xf32, #tpu.memory_space<vmem>>, vector<1x16xf32>,
          %get3A_581 = vector.shape_cast %get3A_580 : vector<1x16xf32> to vector<16xf32>
          %mul3A_582 = arith.mulf %get3A_581, %get3A_577 : vector<16xf32>
          %swap3A_583 = arith.index_cast %add3A_573 : i32 to index
          %swap3A_584 = arith.constant 0 : index
          %swap3A_585 = tpu.vector_load %arg11[%swap3A_583, %swap3A_584] {strides = array<i32>} : memref<64x128xf32, #tpu.memory_space<vmem>>, vector<1x16xf32>,
          %swap3A_586 = vector.shape_cast %swap3A_585 : vector<1x16xf32> to vector<16xf32>
          %swap3A_587 = vector.shape_cast %mul3A_582 : vector<16xf32> to vector<1x16xf32>
          tpu.vector_store %arg11[%swap3A_583, %swap3A_584], %swap3A_587 {strides = array<i32>} : memref<64x128xf32, #tpu.memory_space<vmem>>, vector<1x16xf32>,
          %get3A_588 = arith.index_cast %add3A_573 : i32 to index
          %get3A_589 = arith.constant 16 : index
          %get3A_590 = tpu.vector_load %arg11[%get3A_588, %get3A_589] {strides = array<i32>} : memref<64x128xf32, #tpu.memory_space<vmem>>, vector<1x16xf32>,
          %get3A_591 = vector.shape_cast %get3A_590 : vector<1x16xf32> to vector<16xf32>
          %mul3A_592 = arith.mulf %get3A_591, %get3A_577 : vector<16xf32>
          %swap3A_593 = arith.index_cast %add3A_573 : i32 to index
          %swap3A_594 = arith.constant 16 : index
          %swap3A_595 = tpu.vector_load %arg11[%swap3A_593, %swap3A_594] {strides = array<i32>} : memref<64x128xf32, #tpu.memory_space<vmem>>, vector<1x16xf32>,
          %swap3A_596 = vector.shape_cast %swap3A_595 : vector<1x16xf32> to vector<16xf32>
          %swap3A_597 = vector.shape_cast %mul3A_592 : vector<16xf32> to vector<1x16xf32>
          tpu.vector_store %arg11[%swap3A_593, %swap3A_594], %swap3A_597 {strides = array<i32>} : memref<64x128xf32, #tpu.memory_space<vmem>>, vector<1x16xf32>,
          %get3A_598 = arith.index_cast %add3A_573 : i32 to index
          %get3A_599 = arith.constant 32 : index
          %get3A_600 = tpu.vector_load %arg11[%get3A_598, %get3A_599] {strides = array<i32>} : memref<64x128xf32, #tpu.memory_space<vmem>>, vector<1x16xf32>,
          %get3A_601 = vector.shape_cast %get3A_600 : vector<1x16xf32> to vector<16xf32>
          %mul3A_602 = arith.mulf %get3A_601, %get3A_577 : vector<16xf32>
          %swap3A_603 = arith.index_cast %add3A_573 : i32 to index
          %swap3A_604 = arith.constant 32 : index
          %swap3A_605 = tpu.vector_load %arg11[%swap3A_603, %swap3A_604] {strides = array<i32>} : memref<64x128xf32, #tpu.memory_space<vmem>>, vector<1x16xf32>,
          %swap3A_606 = vector.shape_cast %swap3A_605 : vector<1x16xf32> to vector<16xf32>
          %swap3A_607 = vector.shape_cast %mul3A_602 : vector<16xf32> to vector<1x16xf32>
          tpu.vector_store %arg11[%swap3A_603, %swap3A_604], %swap3A_607 {strides = array<i32>} : memref<64x128xf32, #tpu.memory_space<vmem>>, vector<1x16xf32>,
          %get3A_608 = arith.index_cast %add3A_573 : i32 to index
          %get3A_609 = arith.constant 48 : index
          %get3A_610 = tpu.vector_load %arg11[%get3A_608, %get3A_609] {strides = array<i32>} : memref<64x128xf32, #tpu.memory_space<vmem>>, vector<1x16xf32>,
          %get3A_611 = vector.shape_cast %get3A_610 : vector<1x16xf32> to vector<16xf32>
          %mul3A_612 = arith.mulf %get3A_611, %get3A_577 : vector<16xf32>
          %swap3A_613 = arith.index_cast %add3A_573 : i32 to index
          %swap3A_614 = arith.constant 48 : index
          %swap3A_615 = tpu.vector_load %arg11[%swap3A_613, %swap3A_614] {strides = array<i32>} : memref<64x128xf32, #tpu.memory_space<vmem>>, vector<1x16xf32>,
          %swap3A_616 = vector.shape_cast %swap3A_615 : vector<1x16xf32> to vector<16xf32>
          %swap3A_617 = vector.shape_cast %mul3A_612 : vector<16xf32> to vector<1x16xf32>
          tpu.vector_store %arg11[%swap3A_613, %swap3A_614], %swap3A_617 {strides = array<i32>} : memref<64x128xf32, #tpu.memory_space<vmem>>, vector<1x16xf32>,
          %get3A_618 = arith.index_cast %add3A_573 : i32 to index
          %get3A_619 = arith.constant 64 : index
          %get3A_620 = tpu.vector_load %arg11[%get3A_618, %get3A_619] {strides = array<i32>} : memref<64x128xf32, #tpu.memory_space<vmem>>, vector<1x16xf32>,
          %get3A_621 = vector.shape_cast %get3A_620 : vector<1x16xf32> to vector<16xf32>
          %mul3A_622 = arith.mulf %get3A_621, %get3A_577 : vector<16xf32>
          %swap3A_623 = arith.index_cast %add3A_573 : i32 to index
          %swap3A_624 = arith.constant 64 : index
          %swap3A_625 = tpu.vector_load %arg11[%swap3A_623, %swap3A_624] {strides = array<i32>} : memref<64x128xf32, #tpu.memory_space<vmem>>, vector<1x16xf32>,
          %swap3A_626 = vector.shape_cast %swap3A_625 : vector<1x16xf32> to vector<16xf32>
          %swap3A_627 = vector.shape_cast %mul3A_622 : vector<16xf32> to vector<1x16xf32>
          tpu.vector_store %arg11[%swap3A_623, %swap3A_624], %swap3A_627 {strides = array<i32>} : memref<64x128xf32, #tpu.memory_space<vmem>>, vector<1x16xf32>,
          %get3A_628 = arith.index_cast %add3A_573 : i32 to index
          %get3A_629 = arith.constant 80 : index
          %get3A_630 = tpu.vector_load %arg11[%get3A_628, %get3A_629] {strides = array<i32>} : memref<64x128xf32, #tpu.memory_space<vmem>>, vector<1x16xf32>,
          %get3A_631 = vector.shape_cast %get3A_630 : vector<1x16xf32> to vector<16xf32>
          %mul3A_632 = arith.mulf %get3A_631, %get3A_577 : vector<16xf32>
          %swap3A_633 = arith.index_cast %add3A_573 : i32 to index
          %swap3A_634 = arith.constant 80 : index
          %swap3A_635 = tpu.vector_load %arg11[%swap3A_633, %swap3A_634] {strides = array<i32>} : memref<64x128xf32, #tpu.memory_space<vmem>>, vector<1x16xf32>,
          %swap3A_636 = vector.shape_cast %swap3A_635 : vector<1x16xf32> to vector<16xf32>
          %swap3A_637 = vector.shape_cast %mul3A_632 : vector<16xf32> to vector<1x16xf32>
          tpu.vector_store %arg11[%swap3A_633, %swap3A_634], %swap3A_637 {strides = array<i32>} : memref<64x128xf32, #tpu.memory_space<vmem>>, vector<1x16xf32>,
          %get3A_638 = arith.index_cast %add3A_573 : i32 to index
          %get3A_639 = arith.constant 96 : index
          %get3A_640 = tpu.vector_load %arg11[%get3A_638, %get3A_639] {strides = array<i32>} : memref<64x128xf32, #tpu.memory_space<vmem>>, vector<1x16xf32>,
          %get3A_641 = vector.shape_cast %get3A_640 : vector<1x16xf32> to vector<16xf32>
          %mul3A_642 = arith.mulf %get3A_641, %get3A_577 : vector<16xf32>
          %swap3A_643 = arith.index_cast %add3A_573 : i32 to index
          %swap3A_644 = arith.constant 96 : index
          %swap3A_645 = tpu.vector_load %arg11[%swap3A_643, %swap3A_644] {strides = array<i32>} : memref<64x128xf32, #tpu.memory_space<vmem>>, vector<1x16xf32>,
          %swap3A_646 = vector.shape_cast %swap3A_645 : vector<1x16xf32> to vector<16xf32>
          %swap3A_647 = vector.shape_cast %mul3A_642 : vector<16xf32> to vector<1x16xf32>
          tpu.vector_store %arg11[%swap3A_643, %swap3A_644], %swap3A_647 {strides = array<i32>} : memref<64x128xf32, #tpu.memory_space<vmem>>, vector<1x16xf32>,
          %get3A_648 = arith.index_cast %add3A_573 : i32 to index
          %get3A_649 = arith.constant 112 : index
          %get3A_650 = tpu.vector_load %arg11[%get3A_648, %get3A_649] {strides = array<i32>} : memref<64x128xf32, #tpu.memory_space<vmem>>, vector<1x16xf32>,
          %get3A_651 = vector.shape_cast %get3A_650 : vector<1x16xf32> to vector<16xf32>
          %mul3A_652 = arith.mulf %get3A_651, %get3A_577 : vector<16xf32>
          %swap3A_653 = arith.index_cast %add3A_573 : i32 to index
          %swap3A_654 = arith.constant 112 : index
          %swap3A_655 = tpu.vector_load %arg11[%swap3A_653, %swap3A_654] {strides = array<i32>} : memref<64x128xf32, #tpu.memory_space<vmem>>, vector<1x16xf32>,
          %swap3A_656 = vector.shape_cast %swap3A_655 : vector<1x16xf32> to vector<16xf32>
          %swap3A_657 = vector.shape_cast %mul3A_652 : vector<16xf32> to vector<1x16xf32>
          tpu.vector_store %arg11[%swap3A_653, %swap3A_654], %swap3A_657 {strides = array<i32>} : memref<64x128xf32, #tpu.memory_space<vmem>>, vector<1x16xf32>,
          %mul3A_658 = arith.constant 4 : i32
          %mul3A_659 = arith.muli %scan3A_480, %mul3A_658 : i32
          %add3A_660 = arith.constant 2 : i32
          %add3A_661 = arith.addi %mul3A_659, %add3A_660 : i32
          %get3A_662 = arith.index_cast %add3A_661 : i32 to index
          %get3A_663 = arith.constant 0 : index
          %get3A_664 = tpu.vector_load %arg13[%get3A_662, %get3A_663] {strides = array<i32>} : memref<64x16xf32, #tpu.memory_space<vmem>>, vector<1x16xf32>,
          %get3A_665 = vector.shape_cast %get3A_664 : vector<1x16xf32> to vector<16xf32>
          %get3A_666 = arith.index_cast %add3A_661 : i32 to index
          %get3A_667 = arith.constant 0 : index
          %get3A_668 = tpu.vector_load %arg11[%get3A_666, %get3A_667] {strides = array<i32>} : memref<64x128xf32, #tpu.memory_space<vmem>>, vector<1x16xf32>,
          %get3A_669 = vector.shape_cast %get3A_668 : vector<1x16xf32> to vector<16xf32>
          %mul3A_670 = arith.mulf %get3A_669, %get3A_665 : vector<16xf32>
          %swap3A_671 = arith.index_cast %add3A_661 : i32 to index
          %swap3A_672 = arith.constant 0 : index
          %swap3A_673 = tpu.vector_load %arg11[%swap3A_671, %swap3A_672] {strides = array<i32>} : memref<64x128xf32, #tpu.memory_space<vmem>>, vector<1x16xf32>,
          %swap3A_674 = vector.shape_cast %swap3A_673 : vector<1x16xf32> to vector<16xf32>
          %swap3A_675 = vector.shape_cast %mul3A_670 : vector<16xf32> to vector<1x16xf32>
          tpu.vector_store %arg11[%swap3A_671, %swap3A_672], %swap3A_675 {strides = array<i32>} : memref<64x128xf32, #tpu.memory_space<vmem>>, vector<1x16xf32>,
          %get3A_676 = arith.index_cast %add3A_661 : i32 to index
          %get3A_677 = arith.constant 16 : index
          %get3A_678 = tpu.vector_load %arg11[%get3A_676, %get3A_677] {strides = array<i32>} : memref<64x128xf32, #tpu.memory_space<vmem>>, vector<1x16xf32>,
          %get3A_679 = vector.shape_cast %get3A_678 : vector<1x16xf32> to vector<16xf32>
          %mul3A_680 = arith.mulf %get3A_679, %get3A_665 : vector<16xf32>
          %swap3A_681 = arith.index_cast %add3A_661 : i32 to index
          %swap3A_682 = arith.constant 16 : index
          %swap3A_683 = tpu.vector_load %arg11[%swap3A_681, %swap3A_682] {strides = array<i32>} : memref<64x128xf32, #tpu.memory_space<vmem>>, vector<1x16xf32>,
          %swap3A_684 = vector.shape_cast %swap3A_683 : vector<1x16xf32> to vector<16xf32>
          %swap3A_685 = vector.shape_cast %mul3A_680 : vector<16xf32> to vector<1x16xf32>
          tpu.vector_store %arg11[%swap3A_681, %swap3A_682], %swap3A_685 {strides = array<i32>} : memref<64x128xf32, #tpu.memory_space<vmem>>, vector<1x16xf32>,
          %get3A_686 = arith.index_cast %add3A_661 : i32 to index
          %get3A_687 = arith.constant 32 : index
          %get3A_688 = tpu.vector_load %arg11[%get3A_686, %get3A_687] {strides = array<i32>} : memref<64x128xf32, #tpu.memory_space<vmem>>, vector<1x16xf32>,
          %get3A_689 = vector.shape_cast %get3A_688 : vector<1x16xf32> to vector<16xf32>
          %mul3A_690 = arith.mulf %get3A_689, %get3A_665 : vector<16xf32>
          %swap3A_691 = arith.index_cast %add3A_661 : i32 to index
          %swap3A_692 = arith.constant 32 : index
          %swap3A_693 = tpu.vector_load %arg11[%swap3A_691, %swap3A_692] {strides = array<i32>} : memref<64x128xf32, #tpu.memory_space<vmem>>, vector<1x16xf32>,
          %swap3A_694 = vector.shape_cast %swap3A_693 : vector<1x16xf32> to vector<16xf32>
          %swap3A_695 = vector.shape_cast %mul3A_690 : vector<16xf32> to vector<1x16xf32>
          tpu.vector_store %arg11[%swap3A_691, %swap3A_692], %swap3A_695 {strides = array<i32>} : memref<64x128xf32, #tpu.memory_space<vmem>>, vector<1x16xf32>,
          %get3A_696 = arith.index_cast %add3A_661 : i32 to index
          %get3A_697 = arith.constant 48 : index
          %get3A_698 = tpu.vector_load %arg11[%get3A_696, %get3A_697] {strides = array<i32>} : memref<64x128xf32, #tpu.memory_space<vmem>>, vector<1x16xf32>,
          %get3A_699 = vector.shape_cast %get3A_698 : vector<1x16xf32> to vector<16xf32>
          %mul3A_700 = arith.mulf %get3A_699, %get3A_665 : vector<16xf32>
          %swap3A_701 = arith.index_cast %add3A_661 : i32 to index
          %swap3A_702 = arith.constant 48 : index
          %swap3A_703 = tpu.vector_load %arg11[%swap3A_701, %swap3A_702] {strides = array<i32>} : memref<64x128xf32, #tpu.memory_space<vmem>>, vector<1x16xf32>,
          %swap3A_704 = vector.shape_cast %swap3A_703 : vector<1x16xf32> to vector<16xf32>
          %swap3A_705 = vector.shape_cast %mul3A_700 : vector<16xf32> to vector<1x16xf32>
          tpu.vector_store %arg11[%swap3A_701, %swap3A_702], %swap3A_705 {strides = array<i32>} : memref<64x128xf32, #tpu.memory_space<vmem>>, vector<1x16xf32>,
          %get3A_706 = arith.index_cast %add3A_661 : i32 to index
          %get3A_707 = arith.constant 64 : index
          %get3A_708 = tpu.vector_load %arg11[%get3A_706, %get3A_707] {strides = array<i32>} : memref<64x128xf32, #tpu.memory_space<vmem>>, vector<1x16xf32>,
          %get3A_709 = vector.shape_cast %get3A_708 : vector<1x16xf32> to vector<16xf32>
          %mul3A_710 = arith.mulf %get3A_709, %get3A_665 : vector<16xf32>
          %swap3A_711 = arith.index_cast %add3A_661 : i32 to index
          %swap3A_712 = arith.constant 64 : index
          %swap3A_713 = tpu.vector_load %arg11[%swap3A_711, %swap3A_712] {strides = array<i32>} : memref<64x128xf32, #tpu.memory_space<vmem>>, vector<1x16xf32>,
          %swap3A_714 = vector.shape_cast %swap3A_713 : vector<1x16xf32> to vector<16xf32>
          %swap3A_715 = vector.shape_cast %mul3A_710 : vector<16xf32> to vector<1x16xf32>
          tpu.vector_store %arg11[%swap3A_711, %swap3A_712], %swap3A_715 {strides = array<i32>} : memref<64x128xf32, #tpu.memory_space<vmem>>, vector<1x16xf32>,
          %get3A_716 = arith.index_cast %add3A_661 : i32 to index
          %get3A_717 = arith.constant 80 : index
          %get3A_718 = tpu.vector_load %arg11[%get3A_716, %get3A_717] {strides = array<i32>} : memref<64x128xf32, #tpu.memory_space<vmem>>, vector<1x16xf32>,
          %get3A_719 = vector.shape_cast %get3A_718 : vector<1x16xf32> to vector<16xf32>
          %mul3A_720 = arith.mulf %get3A_719, %get3A_665 : vector<16xf32>
          %swap3A_721 = arith.index_cast %add3A_661 : i32 to index
          %swap3A_722 = arith.constant 80 : index
          %swap3A_723 = tpu.vector_load %arg11[%swap3A_721, %swap3A_722] {strides = array<i32>} : memref<64x128xf32, #tpu.memory_space<vmem>>, vector<1x16xf32>,
          %swap3A_724 = vector.shape_cast %swap3A_723 : vector<1x16xf32> to vector<16xf32>
          %swap3A_725 = vector.shape_cast %mul3A_720 : vector<16xf32> to vector<1x16xf32>
          tpu.vector_store %arg11[%swap3A_721, %swap3A_722], %swap3A_725 {strides = array<i32>} : memref<64x128xf32, #tpu.memory_space<vmem>>, vector<1x16xf32>,
          %get3A_726 = arith.index_cast %add3A_661 : i32 to index
          %get3A_727 = arith.constant 96 : index
          %get3A_728 = tpu.vector_load %arg11[%get3A_726, %get3A_727] {strides = array<i32>} : memref<64x128xf32, #tpu.memory_space<vmem>>, vector<1x16xf32>,
          %get3A_729 = vector.shape_cast %get3A_728 : vector<1x16xf32> to vector<16xf32>
          %mul3A_730 = arith.mulf %get3A_729, %get3A_665 : vector<16xf32>
          %swap3A_731 = arith.index_cast %add3A_661 : i32 to index
          %swap3A_732 = arith.constant 96 : index
          %swap3A_733 = tpu.vector_load %arg11[%swap3A_731, %swap3A_732] {strides = array<i32>} : memref<64x128xf32, #tpu.memory_space<vmem>>, vector<1x16xf32>,
          %swap3A_734 = vector.shape_cast %swap3A_733 : vector<1x16xf32> to vector<16xf32>
          %swap3A_735 = vector.shape_cast %mul3A_730 : vector<16xf32> to vector<1x16xf32>
          tpu.vector_store %arg11[%swap3A_731, %swap3A_732], %swap3A_735 {strides = array<i32>} : memref<64x128xf32, #tpu.memory_space<vmem>>, vector<1x16xf32>,
          %get3A_736 = arith.index_cast %add3A_661 : i32 to index
          %get3A_737 = arith.constant 112 : index
          %get3A_738 = tpu.vector_load %arg11[%get3A_736, %get3A_737] {strides = array<i32>} : memref<64x128xf32, #tpu.memory_space<vmem>>, vector<1x16xf32>,
          %get3A_739 = vector.shape_cast %get3A_738 : vector<1x16xf32> to vector<16xf32>
          %mul3A_740 = arith.mulf %get3A_739, %get3A_665 : vector<16xf32>
          %swap3A_741 = arith.index_cast %add3A_661 : i32 to index
          %swap3A_742 = arith.constant 112 : index
          %swap3A_743 = tpu.vector_load %arg11[%swap3A_741, %swap3A_742] {strides = array<i32>} : memref<64x128xf32, #tpu.memory_space<vmem>>, vector<1x16xf32>,
          %swap3A_744 = vector.shape_cast %swap3A_743 : vector<1x16xf32> to vector<16xf32>
          %swap3A_745 = vector.shape_cast %mul3A_740 : vector<16xf32> to vector<1x16xf32>
          tpu.vector_store %arg11[%swap3A_741, %swap3A_742], %swap3A_745 {strides = array<i32>} : memref<64x128xf32, #tpu.memory_space<vmem>>, vector<1x16xf32>,
          %mul3A_746 = arith.constant 4 : i32
          %mul3A_747 = arith.muli %scan3A_480, %mul3A_746 : i32
          %add3A_748 = arith.constant 3 : i32
          %add3A_749 = arith.addi %mul3A_747, %add3A_748 : i32
          %get3A_750 = arith.index_cast %add3A_749 : i32 to index
          %get3A_751 = arith.constant 0 : index
          %get3A_752 = tpu.vector_load %arg13[%get3A_750, %get3A_751] {strides = array<i32>} : memref<64x16xf32, #tpu.memory_space<vmem>>, vector<1x16xf32>,
          %get3A_753 = vector.shape_cast %get3A_752 : vector<1x16xf32> to vector<16xf32>
          %get3A_754 = arith.index_cast %add3A_749 : i32 to index
          %get3A_755 = arith.constant 0 : index
          %get3A_756 = tpu.vector_load %arg11[%get3A_754, %get3A_755] {strides = array<i32>} : memref<64x128xf32, #tpu.memory_space<vmem>>, vector<1x16xf32>,
          %get3A_757 = vector.shape_cast %get3A_756 : vector<1x16xf32> to vector<16xf32>
          %mul3A_758 = arith.mulf %get3A_757, %get3A_753 : vector<16xf32>
          %swap3A_759 = arith.index_cast %add3A_749 : i32 to index
          %swap3A_760 = arith.constant 0 : index
          %swap3A_761 = tpu.vector_load %arg11[%swap3A_759, %swap3A_760] {strides = array<i32>} : memref<64x128xf32, #tpu.memory_space<vmem>>, vector<1x16xf32>,
          %swap3A_762 = vector.shape_cast %swap3A_761 : vector<1x16xf32> to vector<16xf32>
          %swap3A_763 = vector.shape_cast %mul3A_758 : vector<16xf32> to vector<1x16xf32>
          tpu.vector_store %arg11[%swap3A_759, %swap3A_760], %swap3A_763 {strides = array<i32>} : memref<64x128xf32, #tpu.memory_space<vmem>>, vector<1x16xf32>,
          %get3A_764 = arith.index_cast %add3A_749 : i32 to index
          %get3A_765 = arith.constant 16 : index
          %get3A_766 = tpu.vector_load %arg11[%get3A_764, %get3A_765] {strides = array<i32>} : memref<64x128xf32, #tpu.memory_space<vmem>>, vector<1x16xf32>,
          %get3A_767 = vector.shape_cast %get3A_766 : vector<1x16xf32> to vector<16xf32>
          %mul3A_768 = arith.mulf %get3A_767, %get3A_753 : vector<16xf32>
          %swap3A_769 = arith.index_cast %add3A_749 : i32 to index
          %swap3A_770 = arith.constant 16 : index
          %swap3A_771 = tpu.vector_load %arg11[%swap3A_769, %swap3A_770] {strides = array<i32>} : memref<64x128xf32, #tpu.memory_space<vmem>>, vector<1x16xf32>,
          %swap3A_772 = vector.shape_cast %swap3A_771 : vector<1x16xf32> to vector<16xf32>
          %swap3A_773 = vector.shape_cast %mul3A_768 : vector<16xf32> to vector<1x16xf32>
          tpu.vector_store %arg11[%swap3A_769, %swap3A_770], %swap3A_773 {strides = array<i32>} : memref<64x128xf32, #tpu.memory_space<vmem>>, vector<1x16xf32>,
          %get3A_774 = arith.index_cast %add3A_749 : i32 to index
          %get3A_775 = arith.constant 32 : index
          %get3A_776 = tpu.vector_load %arg11[%get3A_774, %get3A_775] {strides = array<i32>} : memref<64x128xf32, #tpu.memory_space<vmem>>, vector<1x16xf32>,
          %get3A_777 = vector.shape_cast %get3A_776 : vector<1x16xf32> to vector<16xf32>
          %mul3A_778 = arith.mulf %get3A_777, %get3A_753 : vector<16xf32>
          %swap3A_779 = arith.index_cast %add3A_749 : i32 to index
          %swap3A_780 = arith.constant 32 : index
          %swap3A_781 = tpu.vector_load %arg11[%swap3A_779, %swap3A_780] {strides = array<i32>} : memref<64x128xf32, #tpu.memory_space<vmem>>, vector<1x16xf32>,
          %swap3A_782 = vector.shape_cast %swap3A_781 : vector<1x16xf32> to vector<16xf32>
          %swap3A_783 = vector.shape_cast %mul3A_778 : vector<16xf32> to vector<1x16xf32>
          tpu.vector_store %arg11[%swap3A_779, %swap3A_780], %swap3A_783 {strides = array<i32>} : memref<64x128xf32, #tpu.memory_space<vmem>>, vector<1x16xf32>,
          %get3A_784 = arith.index_cast %add3A_749 : i32 to index
          %get3A_785 = arith.constant 48 : index
          %get3A_786 = tpu.vector_load %arg11[%get3A_784, %get3A_785] {strides = array<i32>} : memref<64x128xf32, #tpu.memory_space<vmem>>, vector<1x16xf32>,
          %get3A_787 = vector.shape_cast %get3A_786 : vector<1x16xf32> to vector<16xf32>
          %mul3A_788 = arith.mulf %get3A_787, %get3A_753 : vector<16xf32>
          %swap3A_789 = arith.index_cast %add3A_749 : i32 to index
          %swap3A_790 = arith.constant 48 : index
          %swap3A_791 = tpu.vector_load %arg11[%swap3A_789, %swap3A_790] {strides = array<i32>} : memref<64x128xf32, #tpu.memory_space<vmem>>, vector<1x16xf32>,
          %swap3A_792 = vector.shape_cast %swap3A_791 : vector<1x16xf32> to vector<16xf32>
          %swap3A_793 = vector.shape_cast %mul3A_788 : vector<16xf32> to vector<1x16xf32>
          tpu.vector_store %arg11[%swap3A_789, %swap3A_790], %swap3A_793 {strides = array<i32>} : memref<64x128xf32, #tpu.memory_space<vmem>>, vector<1x16xf32>,
          %get3A_794 = arith.index_cast %add3A_749 : i32 to index
          %get3A_795 = arith.constant 64 : index
          %get3A_796 = tpu.vector_load %arg11[%get3A_794, %get3A_795] {strides = array<i32>} : memref<64x128xf32, #tpu.memory_space<vmem>>, vector<1x16xf32>,
          %get3A_797 = vector.shape_cast %get3A_796 : vector<1x16xf32> to vector<16xf32>
          %mul3A_798 = arith.mulf %get3A_797, %get3A_753 : vector<16xf32>
          %swap3A_799 = arith.index_cast %add3A_749 : i32 to index
          %swap3A_800 = arith.constant 64 : index
          %swap3A_801 = tpu.vector_load %arg11[%swap3A_799, %swap3A_800] {strides = array<i32>} : memref<64x128xf32, #tpu.memory_space<vmem>>, vector<1x16xf32>,
          %swap3A_802 = vector.shape_cast %swap3A_801 : vector<1x16xf32> to vector<16xf32>
          %swap3A_803 = vector.shape_cast %mul3A_798 : vector<16xf32> to vector<1x16xf32>
          tpu.vector_store %arg11[%swap3A_799, %swap3A_800], %swap3A_803 {strides = array<i32>} : memref<64x128xf32, #tpu.memory_space<vmem>>, vector<1x16xf32>,
          %get3A_804 = arith.index_cast %add3A_749 : i32 to index
          %get3A_805 = arith.constant 80 : index
          %get3A_806 = tpu.vector_load %arg11[%get3A_804, %get3A_805] {strides = array<i32>} : memref<64x128xf32, #tpu.memory_space<vmem>>, vector<1x16xf32>,
          %get3A_807 = vector.shape_cast %get3A_806 : vector<1x16xf32> to vector<16xf32>
          %mul3A_808 = arith.mulf %get3A_807, %get3A_753 : vector<16xf32>
          %swap3A_809 = arith.index_cast %add3A_749 : i32 to index
          %swap3A_810 = arith.constant 80 : index
          %swap3A_811 = tpu.vector_load %arg11[%swap3A_809, %swap3A_810] {strides = array<i32>} : memref<64x128xf32, #tpu.memory_space<vmem>>, vector<1x16xf32>,
          %swap3A_812 = vector.shape_cast %swap3A_811 : vector<1x16xf32> to vector<16xf32>
          %swap3A_813 = vector.shape_cast %mul3A_808 : vector<16xf32> to vector<1x16xf32>
          tpu.vector_store %arg11[%swap3A_809, %swap3A_810], %swap3A_813 {strides = array<i32>} : memref<64x128xf32, #tpu.memory_space<vmem>>, vector<1x16xf32>,
          %get3A_814 = arith.index_cast %add3A_749 : i32 to index
          %get3A_815 = arith.constant 96 : index
          %get3A_816 = tpu.vector_load %arg11[%get3A_814, %get3A_815] {strides = array<i32>} : memref<64x128xf32, #tpu.memory_space<vmem>>, vector<1x16xf32>,
          %get3A_817 = vector.shape_cast %get3A_816 : vector<1x16xf32> to vector<16xf32>
          %mul3A_818 = arith.mulf %get3A_817, %get3A_753 : vector<16xf32>
          %swap3A_819 = arith.index_cast %add3A_749 : i32 to index
          %swap3A_820 = arith.constant 96 : index
          %swap3A_821 = tpu.vector_load %arg11[%swap3A_819, %swap3A_820] {strides = array<i32>} : memref<64x128xf32, #tpu.memory_space<vmem>>, vector<1x16xf32>,
          %swap3A_822 = vector.shape_cast %swap3A_821 : vector<1x16xf32> to vector<16xf32>
          %swap3A_823 = vector.shape_cast %mul3A_818 : vector<16xf32> to vector<1x16xf32>
          tpu.vector_store %arg11[%swap3A_819, %swap3A_820], %swap3A_823 {strides = array<i32>} : memref<64x128xf32, #tpu.memory_space<vmem>>, vector<1x16xf32>,
          %get3A_824 = arith.index_cast %add3A_749 : i32 to index
          %get3A_825 = arith.constant 112 : index
          %get3A_826 = tpu.vector_load %arg11[%get3A_824, %get3A_825] {strides = array<i32>} : memref<64x128xf32, #tpu.memory_space<vmem>>, vector<1x16xf32>,
          %get3A_827 = vector.shape_cast %get3A_826 : vector<1x16xf32> to vector<16xf32>
          %mul3A_828 = arith.mulf %get3A_827, %get3A_753 : vector<16xf32>
          %swap3A_829 = arith.index_cast %add3A_749 : i32 to index
          %swap3A_830 = arith.constant 112 : index
          %swap3A_831 = tpu.vector_load %arg11[%swap3A_829, %swap3A_830] {strides = array<i32>} : memref<64x128xf32, #tpu.memory_space<vmem>>, vector<1x16xf32>,
          %swap3A_832 = vector.shape_cast %swap3A_831 : vector<1x16xf32> to vector<16xf32>
          %swap3A_833 = vector.shape_cast %mul3A_828 : vector<16xf32> to vector<1x16xf32>
          tpu.vector_store %arg11[%swap3A_829, %swap3A_830], %swap3A_833 {strides = array<i32>} : memref<64x128xf32, #tpu.memory_space<vmem>>, vector<1x16xf32>,
          %scan3A_834 = arith.constant 0 : i32
          scf.yield %scan3A_834 : i32
        }
        %scan3A_475 = arith.constant 16 : i32
        %dma_start3A_476 = arith.constant 0 : i32
        %dma_start3A_477 = arith.constant 0 : i32
        %dma_start3A_478 = tpu.memref_slice %arg7[%dma_start3A_476, %dma_start3A_477] : memref<10240x128xf32, #tpu.memory_space<vmem_shared>> -> memref<10240x128xf32, #tpu.memory_space<vmem_shared>>
        tpu.enqueue_indirect_dma source(%arg11 : memref<64x128xf32, #tpu.memory_space<vmem>>) target(%dma_start3A_478 : memref<10240x128xf32, #tpu.memory_space<vmem_shared>>) offsets(%arg17 : memref<64xi32, #tpu.memory_space<vmem>>) semaphore(%arg21 : memref<!tpu.dma_semaphore, #tpu.memory_space<semaphore_mem>>) {add = true}
        %scan3A_479 = arith.constant 0 : i32
        scf.yield %scan3A_479 : i32
      }
      %scan3A_198 = arith.constant 80 : i32
      %dma_wait3A = arith.constant 0 : i32
      %dma_wait3A_199 = arith.constant 0 : i32
      %dma_wait3A_200 = tpu.memref_slice %arg2[%dma_wait3A, %dma_wait3A_199] : memref<163840x128xf32, #tpu.memory_space<hbm>> -> memref<163840x128xf32, #tpu.memory_space<hbm>>
      tpu.wait_indirect_dma semaphore(%arg18 : memref<!tpu.dma_semaphore, #tpu.memory_space<semaphore_mem>>) src(%dma_wait3A_200 : memref<163840x128xf32, #tpu.memory_space<hbm>>) dst(%arg10 : memref<64x128xf32, #tpu.memory_space<vmem>>)
      %dma_wait3A_201 = arith.constant 0 : i32
      %dma_wait3A_202 = tpu.memref_slice %arg3[%mul3A_0, %dma_wait3A_201] : memref<163856x16xf32, #tpu.memory_space<hbm>> -> memref<64x16xf32, #tpu.memory_space<hbm>>
      %dma_wait3A_203 = arith.constant 0 : i32
      %dma_wait3A_204 = tpu.memref_slice %arg3[%mul3A_0, %dma_wait3A_203] : memref<163856x16xf32, #tpu.memory_space<hbm>> -> memref<64x16xf32, #tpu.memory_space<hbm>>
      tpu.wait_dma2 semaphore(%arg18 : memref<!tpu.dma_semaphore, #tpu.memory_space<semaphore_mem>>) src(%dma_wait3A_204 : memref<64x16xf32, #tpu.memory_space<hbm>>) dst(%arg12 : memref<64x16xf32, #tpu.memory_space<vmem>>)
      %dma_wait3A_205 = arith.constant 0 : i32
      %dma_wait3A_206 = arith.constant 0 : i32
      %dma_wait3A_207 = tpu.memref_slice %arg7[%dma_wait3A_205, %dma_wait3A_206] : memref<10240x128xf32, #tpu.memory_space<vmem_shared>> -> memref<10240x128xf32, #tpu.memory_space<vmem_shared>>
      tpu.wait_indirect_dma semaphore(%arg21 : memref<!tpu.dma_semaphore, #tpu.memory_space<semaphore_mem>>) src(%arg11 : memref<64x128xf32, #tpu.memory_space<vmem>>) dst(%dma_wait3A_207 : memref<10240x128xf32, #tpu.memory_space<vmem_shared>>)
      %barrier3A_208 = arith.constant 0 : index
      tpu.barrier barrier_id(%barrier3A_208)
      %mul3A_209 = arith.constant 640 : i32
      %mul3A_210 = arith.muli %arg1, %mul3A_209 : i32
      %mul3A_211 = arith.constant 10240 : i32
      %mul3A_212 = arith.muli %add3A, %mul3A_211 : i32
      %mul3A_213 = arith.constant 640 : i32
      %mul3A_214 = arith.muli %arg1, %mul3A_213 : i32
      %add3A_215 = arith.addi %mul3A_212, %mul3A_214 : i32
      "tpu.region"() ({
        %run_scoped3A = tpu.sem_alloc : memref<!tpu.dma_semaphore, #tpu.memory_space<semaphore_mem>>
        %dma_start3A_218 = arith.constant 0 : i32
        %dma_start3A_219 = tpu.memref_slice %arg6[%add3A_215, %dma_start3A_218] : memref<163840x128xf32, #tpu.memory_space<hbm>> -> memref<640x128xf32, #tpu.memory_space<hbm>>
        %dma_start3A_220 = arith.constant 0 : i32
        %dma_start3A_221 = tpu.memref_slice %arg7[%mul3A_210, %dma_start3A_220] : memref<10240x128xf32, #tpu.memory_space<vmem_shared>> -> memref<640x128xf32, #tpu.memory_space<vmem_shared>>
        tpu.enqueue_dma source(%dma_start3A_221 : memref<640x128xf32, #tpu.memory_space<vmem_shared>>) target(%dma_start3A_219 : memref<640x128xf32, #tpu.memory_space<hbm>>) target_semaphore(%run_scoped3A : memref<!tpu.dma_semaphore, #tpu.memory_space<semaphore_mem>>)
        %dma_wait3A_222 = arith.constant 0 : i32
        %dma_wait3A_223 = tpu.memref_slice %arg6[%add3A_215, %dma_wait3A_222] : memref<163840x128xf32, #tpu.memory_space<hbm>> -> memref<640x128xf32, #tpu.memory_space<hbm>>
        %dma_wait3A_224 = arith.constant 0 : i32
        %dma_wait3A_225 = tpu.memref_slice %arg7[%mul3A_210, %dma_wait3A_224] : memref<10240x128xf32, #tpu.memory_space<vmem_shared>> -> memref<640x128xf32, #tpu.memory_space<vmem_shared>>
        tpu.wait_dma2 semaphore(%run_scoped3A : memref<!tpu.dma_semaphore, #tpu.memory_space<semaphore_mem>>) src(%dma_wait3A_225 : memref<640x128xf32, #tpu.memory_space<vmem_shared>>) dst(%dma_wait3A_223 : memref<640x128xf32, #tpu.memory_space<hbm>>)
        tpu.yield
      }) : () -> ()
      %barrier3A_216 = arith.constant 0 : index
      tpu.barrier barrier_id(%barrier3A_216)
      %scan3A_217 = arith.constant 0 : i32
      scf.yield %scan3A_217 : i32
    }
    %scan3A_6 = arith.constant 8 : i32
    return
  }
}

module attributes {stable_mosaic.version = 14 : i64} {
  func.func @_mm_kernel(%arg0: i32, %arg1: i32, %arg2: memref<512x256xf32, #tpu.memory_space<vmem>>, %arg3: memref<256x1024xf32, #tpu.memory_space<vmem>>, %arg4: memref<1x1024xf32, #tpu.memory_space<vmem>>, %arg5: memref<512x1024xf32, #tpu.memory_space<vmem>>) attributes {dimension_semantics = [#tpu.dimension_semantics<arbitrary>, #tpu.dimension_semantics<arbitrary>], iteration_bounds = array<i64: 20, 2>, scalar_prefetch = 0 : i64, scratch_operands = 0 : i64, tpu.core_type = #tpu.core_type<tc>, window_params = [{transform_indices = @transform_0, window_bounds = array<i64: 512, 256>}, {transform_indices = @transform_1, window_bounds = array<i64: 256, 1024>}, {transform_indices = @transform_2, window_bounds = array<i64: 1, 1024>}, {transform_indices = @transform_3, window_bounds = array<i64: 512, 1024>}]} {
    %get3A = arith.constant 0 : index
    %get3A_0 = arith.constant 0 : index
    %get3A_1 = vector.load %arg2[%get3A, %get3A_0] : memref<512x256xf32, #tpu.memory_space<vmem>>, vector<512x256xf32>
    %get3A_2 = arith.constant 0 : index
    %get3A_3 = arith.constant 0 : index
    %get3A_4 = vector.load %arg3[%get3A_2, %get3A_3] : memref<256x1024xf32, #tpu.memory_space<vmem>>, vector<256x1024xf32>
    %dot_general3A = arith.constant dense<0.000000e+00> : vector<512x1024xf32>
    %dot_general3A_5 = tpu.matmul %get3A_1, %get3A_4, %dot_general3A {dimension_numbers = #tpu.dot_dimension_numbers<[1], [0], [0], [1], [0, 0, 1, 1], [], []>, transpose_lhs_hint = false} : vector<512x256xf32>, vector<256x1024xf32>, vector<512x1024xf32> -> vector<512x1024xf32>
    %get3A_6 = arith.constant 0 : index
    %get3A_7 = arith.constant 0 : index
    %get3A_8 = vector.load %arg4[%get3A_6, %get3A_7] : memref<1x1024xf32, #tpu.memory_space<vmem>>, vector<1x1024xf32>
    %add3A = vector.broadcast %get3A_8 : vector<1x1024xf32> to vector<512x1024xf32>
    %add3A_9 = arith.addf %dot_general3A_5, %add3A : vector<512x1024xf32>
    %swap3A = arith.constant 0 : index
    %swap3A_10 = arith.constant 0 : index
    %swap3A_11 = vector.load %arg5[%swap3A, %swap3A_10] : memref<512x1024xf32, #tpu.memory_space<vmem>>, vector<512x1024xf32>
    tpu.vector_store %arg5[%swap3A, %swap3A_10], %add3A_9 {strides = array<i32>} : memref<512x1024xf32, #tpu.memory_space<vmem>>, vector<512x1024xf32>,
    return
  }
  func.func @transform_0(%arg0: i32, %arg1: i32) -> (i32, i32) {
    %c0_i32 = arith.constant 0 : i32
    %c0_i32_0 = arith.constant 0 : i32
    return %arg0, %c0_i32 : i32, i32
  }
  func.func @transform_1(%arg0: i32, %arg1: i32) -> (i32, i32) {
    %c0_i32 = arith.constant 0 : i32
    %c0_i32_0 = arith.constant 0 : i32
    return %c0_i32, %arg1 : i32, i32
  }
  func.func @transform_2(%arg0: i32, %arg1: i32) -> (i32, i32) {
    %c0_i32 = arith.constant 0 : i32
    %c0_i32_0 = arith.constant 0 : i32
    return %c0_i32, %arg1 : i32, i32
  }
  func.func @transform_3(%arg0: i32, %arg1: i32) -> (i32, i32) {
    %mul3A = arith.constant 20 : i32
    %mul3A_0 = arith.muli %arg1, %mul3A : i32
    %add3A = arith.addi %mul3A_0, %arg0 : i32
    %c0_i32 = arith.constant 0 : i32
    %c0_i32_1 = arith.constant 0 : i32
    return %add3A, %c0_i32 : i32, i32
  }
}

module attributes {stable_mosaic.version = 14 : i64} {
  func.func @_mm_kernel(%arg0: i32, %arg1: i32, %arg2: memref<512x256xf32, #tpu.memory_space<vmem>>, %arg3: memref<256x128xf32, #tpu.memory_space<vmem>>, %arg4: memref<1x128xf32, #tpu.memory_space<vmem>>, %arg5: memref<512x128xf32, #tpu.memory_space<vmem>>) attributes {dimension_semantics = [#tpu.dimension_semantics<arbitrary>, #tpu.dimension_semantics<arbitrary>], iteration_bounds = array<i64: 20, 16>, scalar_prefetch = 0 : i64, scratch_operands = 0 : i64, tpu.core_type = #tpu.core_type<tc>, window_params = [{transform_indices = @transform_0, window_bounds = array<i64: 512, 256>}, {transform_indices = @transform_1, window_bounds = array<i64: 256, 128>}, {transform_indices = @transform_2, window_bounds = array<i64: 1, 128>}, {transform_indices = @transform_3, window_bounds = array<i64: 512, 128>}]} {
    %get3A = arith.constant 0 : index
    %get3A_0 = arith.constant 0 : index
    %get3A_1 = vector.load %arg2[%get3A, %get3A_0] : memref<512x256xf32, #tpu.memory_space<vmem>>, vector<512x256xf32>
    %get3A_2 = arith.constant 0 : index
    %get3A_3 = arith.constant 0 : index
    %get3A_4 = vector.load %arg3[%get3A_2, %get3A_3] : memref<256x128xf32, #tpu.memory_space<vmem>>, vector<256x128xf32>
    %dot_general3A = arith.constant dense<0.000000e+00> : vector<512x128xf32>
    %dot_general3A_5 = tpu.matmul %get3A_1, %get3A_4, %dot_general3A {dimension_numbers = #tpu.dot_dimension_numbers<[1], [0], [0], [1], [0, 0, 1, 1], [], []>, transpose_lhs_hint = false} : vector<512x256xf32>, vector<256x128xf32>, vector<512x128xf32> -> vector<512x128xf32>
    %get3A_6 = arith.constant 0 : index
    %get3A_7 = arith.constant 0 : index
    %get3A_8 = vector.load %arg4[%get3A_6, %get3A_7] : memref<1x128xf32, #tpu.memory_space<vmem>>, vector<1x128xf32>
    %add3A = vector.broadcast %get3A_8 : vector<1x128xf32> to vector<512x128xf32>
    %add3A_9 = arith.addf %dot_general3A_5, %add3A : vector<512x128xf32>
    %swap3A = arith.constant 0 : index
    %swap3A_10 = arith.constant 0 : index
    %swap3A_11 = vector.load %arg5[%swap3A, %swap3A_10] : memref<512x128xf32, #tpu.memory_space<vmem>>, vector<512x128xf32>
    tpu.vector_store %arg5[%swap3A, %swap3A_10], %add3A_9 {strides = array<i32>} : memref<512x128xf32, #tpu.memory_space<vmem>>, vector<512x128xf32>,
    return
  }
  func.func @transform_0(%arg0: i32, %arg1: i32) -> (i32, i32) {
    %c0_i32 = arith.constant 0 : i32
    %c0_i32_0 = arith.constant 0 : i32
    return %arg0, %c0_i32 : i32, i32
  }
  func.func @transform_1(%arg0: i32, %arg1: i32) -> (i32, i32) {
    %c0_i32 = arith.constant 0 : i32
    %c0_i32_0 = arith.constant 0 : i32
    return %c0_i32, %arg1 : i32, i32
  }
  func.func @transform_2(%arg0: i32, %arg1: i32) -> (i32, i32) {
    %c0_i32 = arith.constant 0 : i32
    %c0_i32_0 = arith.constant 0 : i32
    return %c0_i32, %arg1 : i32, i32
  }
  func.func @transform_3(%arg0: i32, %arg1: i32) -> (i32, i32) {
    %mul3A = arith.constant 20 : i32
    %mul3A_0 = arith.muli %arg1, %mul3A : i32
    %add3A = arith.addi %mul3A_0, %arg0 : i32
    %c0_i32 = arith.constant 0 : i32
    %c0_i32_1 = arith.constant 0 : i32
    return %add3A, %c0_i32 : i32, i32
  }
}

module attributes {stable_mosaic.version = 14 : i64} {
  func.func @_tc2_kernel(%arg0: i32, %arg1: i32, %arg2: memref<512x128xf32, #tpu.memory_space<vmem>>, %arg3: memref<512x16xf32, #tpu.memory_space<vmem>>, %arg4: memref<512x128xf32, #tpu.memory_space<vmem>>, %arg5: memref<128x32xf32, #tpu.memory_space<vmem>>, %arg6: memref<1x32xf32, #tpu.memory_space<vmem>>, %arg7: memref<512x32xf32, #tpu.memory_space<vmem>>) attributes {dimension_semantics = [#tpu.dimension_semantics<arbitrary>, #tpu.dimension_semantics<arbitrary>], iteration_bounds = array<i64: 20, 16>, scalar_prefetch = 0 : i64, scratch_operands = 0 : i64, tpu.core_type = #tpu.core_type<tc>, window_params = [{transform_indices = @transform_0, window_bounds = array<i64: 512, 128>}, {transform_indices = @transform_1, window_bounds = array<i64: 512, 16>}, {transform_indices = @transform_2, window_bounds = array<i64: 512, 128>}, {transform_indices = @transform_3, window_bounds = array<i64: 128, 32>}, {pipeline_mode = #tpu.pipeline_mode<synchronous>, transform_indices = @transform_4, window_bounds = array<i64: 1, 32>}, {transform_indices = @transform_5, window_bounds = array<i64: 512, 32>}]} {
    %get3A = arith.constant 0 : index
    %get3A_0 = arith.constant 0 : index
    %get3A_1 = vector.load %arg3[%get3A, %get3A_0] : memref<512x16xf32, #tpu.memory_space<vmem>>, vector<512x16xf32>
    %slice3A = vector.extract_strided_slice %get3A_1 {offsets = [0, 0], sizes = [512, 8], strides = [1, 1]} : vector<512x16xf32> to vector<512x8xf32>
    %broadcast_in_dim3A = vector.shape_cast %slice3A : vector<512x8xf32> to vector<512x1x8xf32>
    %broadcast_in_dim3A_2 = vector.shape_cast %broadcast_in_dim3A : vector<512x1x8xf32> to vector<512x1x8xf32>
    %broadcast_in_dim3A_3 = vector.broadcast %broadcast_in_dim3A_2 : vector<512x1x8xf32> to vector<512x16x8xf32>
    %reshape3A = vector.shape_cast %broadcast_in_dim3A_3 : vector<512x16x8xf32> to vector<512x128xf32>
    %gt3A = arith.constant 0.000000e+00 : f32
    %gt3A_4 = vector.broadcast %gt3A : f32 to vector<512x128xf32>
    %gt3A_5 = arith.cmpf ogt, %reshape3A, %gt3A_4 : vector<512x128xf32>
    %get3A_6 = arith.constant 0 : index
    %get3A_7 = arith.constant 0 : index
    %get3A_8 = vector.load %arg2[%get3A_6, %get3A_7] : memref<512x128xf32, #tpu.memory_space<vmem>>, vector<512x128xf32>
    %div3A = arith.divf %get3A_8, %reshape3A : vector<512x128xf32>
    %jit3A = arith.constant 0.000000e+00 : f32
    %broadcast_in_dim3A_9 = vector.broadcast %jit3A : f32 to vector<512x128xf32>
    %select_n3A = arith.select %gt3A_5, %div3A, %broadcast_in_dim3A_9 : vector<512x128xi1>, vector<512x128xf32>
    %get3A_10 = arith.constant 0 : index
    %get3A_11 = arith.constant 0 : index
    %get3A_12 = vector.load %arg4[%get3A_10, %get3A_11] : memref<512x128xf32, #tpu.memory_space<vmem>>, vector<512x128xf32>
    %add3A = arith.addf %select_n3A, %get3A_12 : vector<512x128xf32>
    %get3A_13 = arith.constant 0 : index
    %get3A_14 = arith.constant 0 : index
    %get3A_15 = vector.load %arg5[%get3A_13, %get3A_14] : memref<128x32xf32, #tpu.memory_space<vmem>>, vector<128x32xf32>
    %dot_general3A = arith.constant dense<0.000000e+00> : vector<512x32xf32>
    %dot_general3A_16 = tpu.matmul %add3A, %get3A_15, %dot_general3A {dimension_numbers = #tpu.dot_dimension_numbers<[1], [0], [0], [1], [0, 0, 1, 1], [], []>, transpose_lhs_hint = false} : vector<512x128xf32>, vector<128x32xf32>, vector<512x32xf32> -> vector<512x32xf32>
    %eq3A = arith.constant 0 : i32
    %eq3A_17 = arith.cmpi eq, %arg1, %eq3A : i32
    %convert_element_type3A = arith.extui %eq3A_17 : i1 to i32
    %cond3A = arith.constant 0 : i32
    %cond3A_18 = arith.cmpi ne, %convert_element_type3A, %cond3A : i32
    scf.if %cond3A_18 {
      %get3A_24 = arith.constant 0 : index
      %get3A_25 = arith.constant 0 : index
      %get3A_26 = vector.load %arg6[%get3A_24, %get3A_25] : memref<1x32xf32, #tpu.memory_space<vmem>>, vector<1x32xf32>
      %add3A_27 = vector.broadcast %get3A_26 : vector<1x32xf32> to vector<512x32xf32>
      %add3A_28 = arith.addf %dot_general3A_16, %add3A_27 : vector<512x32xf32>
      %swap3A = arith.constant 0 : index
      %swap3A_29 = arith.constant 0 : index
      %swap3A_30 = vector.load %arg7[%swap3A, %swap3A_29] : memref<512x32xf32, #tpu.memory_space<vmem>>, vector<512x32xf32>
      tpu.vector_store %arg7[%swap3A, %swap3A_29], %add3A_28 {strides = array<i32>} : memref<512x32xf32, #tpu.memory_space<vmem>>, vector<512x32xf32>,
    } else {
    }
    %gt3A_19 = arith.constant 0 : i32
    %gt3A_20 = arith.cmpi sgt, %arg1, %gt3A_19 : i32
    %convert_element_type3A_21 = arith.extui %gt3A_20 : i1 to i32
    %cond3A_22 = arith.constant 0 : i32
    %cond3A_23 = arith.cmpi ne, %convert_element_type3A_21, %cond3A_22 : i32
    scf.if %cond3A_23 {
      %get3A_24 = arith.constant 0 : index
      %get3A_25 = arith.constant 0 : index
      %get3A_26 = vector.load %arg7[%get3A_24, %get3A_25] : memref<512x32xf32, #tpu.memory_space<vmem>>, vector<512x32xf32>
      %add3A_27 = arith.addf %get3A_26, %dot_general3A_16 : vector<512x32xf32>
      %swap3A = arith.constant 0 : index
      %swap3A_28 = arith.constant 0 : index
      %swap3A_29 = vector.load %arg7[%swap3A, %swap3A_28] : memref<512x32xf32, #tpu.memory_space<vmem>>, vector<512x32xf32>
      tpu.vector_store %arg7[%swap3A, %swap3A_28], %add3A_27 {strides = array<i32>} : memref<512x32xf32, #tpu.memory_space<vmem>>, vector<512x32xf32>,
    } else {
    }
    return
  }
  func.func @transform_0(%arg0: i32, %arg1: i32) -> (i32, i32) {
    %mul3A = arith.constant 20 : i32
    %mul3A_0 = arith.muli %arg1, %mul3A : i32
    %add3A = arith.addi %mul3A_0, %arg0 : i32
    %c0_i32 = arith.constant 0 : i32
    %c0_i32_1 = arith.constant 0 : i32
    return %add3A, %c0_i32 : i32, i32
  }
  func.func @transform_1(%arg0: i32, %arg1: i32) -> (i32, i32) {
    %c0_i32 = arith.constant 0 : i32
    %c0_i32_0 = arith.constant 0 : i32
    return %arg0, %c0_i32 : i32, i32
  }
  func.func @transform_2(%arg0: i32, %arg1: i32) -> (i32, i32) {
    %mul3A = arith.constant 20 : i32
    %mul3A_0 = arith.muli %arg1, %mul3A : i32
    %add3A = arith.addi %mul3A_0, %arg0 : i32
    %c0_i32 = arith.constant 0 : i32
    %c0_i32_1 = arith.constant 0 : i32
    return %add3A, %c0_i32 : i32, i32
  }
  func.func @transform_3(%arg0: i32, %arg1: i32) -> (i32, i32) {
    %c0_i32 = arith.constant 0 : i32
    %c0_i32_0 = arith.constant 0 : i32
    return %arg1, %c0_i32 : i32, i32
  }
  func.func @transform_4(%arg0: i32, %arg1: i32) -> (i32, i32) {
    %c0_i32 = arith.constant 0 : i32
    %c0_i32_0 = arith.constant 0 : i32
    %c0_i32_1 = arith.constant 0 : i32
    return %c0_i32, %c0_i32_0 : i32, i32
  }
  func.func @transform_5(%arg0: i32, %arg1: i32) -> (i32, i32) {
    %c0_i32 = arith.constant 0 : i32
    %c0_i32_0 = arith.constant 0 : i32
    return %arg0, %c0_i32 : i32, i32
  }
}

module attributes {stable_mosaic.version = 14 : i64} {
  func.func @_tc3_kernel(%arg0: i32, %arg1: memref<512x16xf32, #tpu.memory_space<vmem>>, %arg2: memref<512x32xf32, #tpu.memory_space<vmem>>, %arg3: memref<8x128xf32, #tpu.memory_space<vmem>>, %arg4: memref<1x128xf32, #tpu.memory_space<vmem>>, %arg5: memref<1x128xf32, #tpu.memory_space<vmem>>) attributes {dimension_semantics = [#tpu.dimension_semantics<arbitrary>], iteration_bounds = array<i64: 20>, scalar_prefetch = 0 : i64, scratch_operands = 0 : i64, tpu.core_type = #tpu.core_type<tc>, window_params = [{transform_indices = @transform_0, window_bounds = array<i64: 512, 16>}, {transform_indices = @transform_1, window_bounds = array<i64: 512, 32>}, {pipeline_mode = #tpu.pipeline_mode<synchronous>, transform_indices = @transform_2, window_bounds = array<i64: 8, 128>}, {pipeline_mode = #tpu.pipeline_mode<synchronous>, transform_indices = @transform_3, window_bounds = array<i64: 1, 128>}, {pipeline_mode = #tpu.pipeline_mode<synchronous>, transform_indices = @transform_4, window_bounds = array<i64: 1, 128>}]} {
    %get3A = arith.constant 0 : index
    %get3A_0 = arith.constant 0 : index
    %get3A_1 = vector.load %arg1[%get3A, %get3A_0] : memref<512x16xf32, #tpu.memory_space<vmem>>, vector<512x16xf32>
    %slice3A = vector.extract_strided_slice %get3A_1 {offsets = [0, 0], sizes = [512, 8], strides = [1, 1]} : vector<512x16xf32> to vector<512x8xf32>
    %get3A_2 = arith.constant 0 : index
    %get3A_3 = arith.constant 0 : index
    %get3A_4 = vector.load %arg1[%get3A_2, %get3A_3] : memref<512x16xf32, #tpu.memory_space<vmem>>, vector<512x16xf32>
    %slice3A_5 = vector.extract_strided_slice %get3A_4 {offsets = [0, 8], sizes = [512, 8], strides = [1, 1]} : vector<512x16xf32> to vector<512x8xf32>
    %gt3A = arith.constant 0.000000e+00 : f32
    %gt3A_6 = vector.broadcast %gt3A : f32 to vector<512x8xf32>
    %gt3A_7 = arith.cmpf ogt, %slice3A, %gt3A_6 : vector<512x8xf32>
    %div3A = arith.divf %slice3A_5, %slice3A : vector<512x8xf32>
    %jit3A = arith.constant 0.000000e+00 : f32
    %broadcast_in_dim3A = vector.broadcast %jit3A : f32 to vector<512x8xf32>
    %select_n3A = arith.select %gt3A_7, %div3A, %broadcast_in_dim3A : vector<512x8xi1>, vector<512x8xf32>
    %get3A_8 = arith.constant 0 : index
    %get3A_9 = arith.constant 0 : index
    %get3A_10 = vector.load %arg2[%get3A_8, %get3A_9] : memref<512x32xf32, #tpu.memory_space<vmem>>, vector<512x32xf32>
    %slice3A_11 = vector.extract_strided_slice %get3A_10 {offsets = [0, 24], sizes = [512, 8], strides = [1, 1]} : vector<512x32xf32> to vector<512x8xf32>
    %add3A = arith.addf %select_n3A, %slice3A_11 : vector<512x8xf32>
    %get3A_12 = arith.constant 0 : index
    %get3A_13 = arith.constant 0 : index
    %get3A_14 = vector.load %arg3[%get3A_12, %get3A_13] : memref<8x128xf32, #tpu.memory_space<vmem>>, vector<8x128xf32>
    %dot_general3A = arith.constant dense<0.000000e+00> : vector<512x128xf32>
    %dot_general3A_15 = tpu.matmul %add3A, %get3A_14, %dot_general3A {dimension_numbers = #tpu.dot_dimension_numbers<[1], [0], [0], [1], [0, 0, 1, 1], [], []>, transpose_lhs_hint = false} : vector<512x8xf32>, vector<8x128xf32>, vector<512x128xf32> -> vector<512x128xf32>
    %get3A_16 = arith.constant 0 : index
    %get3A_17 = arith.constant 0 : index
    %get3A_18 = vector.load %arg4[%get3A_16, %get3A_17] : memref<1x128xf32, #tpu.memory_space<vmem>>, vector<1x128xf32>
    %add3A_19 = vector.broadcast %get3A_18 : vector<1x128xf32> to vector<512x128xf32>
    %add3A_20 = arith.addf %dot_general3A_15, %add3A_19 : vector<512x128xf32>
    %max3A = arith.constant 0.000000e+00 : f32
    %max3A_21 = vector.broadcast %max3A : f32 to vector<512x128xf32>
    %max3A_22 = arith.maximumf %add3A_20, %max3A_21 : vector<512x128xf32>
    %mul3A = arith.constant 512 : i32
    %mul3A_23 = arith.muli %arg0, %mul3A : i32
    %iota3A = tpu.iota {dimensions = array<i32: 0>} : vector<512x1xi32>
    %add3A_24 = vector.broadcast %mul3A_23 : i32 to vector<512x1xi32>
    %add3A_25 = arith.addi %add3A_24, %iota3A : vector<512x1xi32>
    %lt3A = arith.constant 10000 : i32
    %lt3A_26 = vector.broadcast %lt3A : i32 to vector<512x1xi32>
    %lt3A_27 = arith.cmpi slt, %add3A_25, %lt3A_26 : vector<512x1xi32>
    %jit3A_28 = arith.constant 0.000000e+00 : f32
    %broadcast_in_dim3A_29 = vector.shape_cast %lt3A_27 : vector<512x1xi1> to vector<512x1xi1>
    %broadcast_in_dim3A_30 = vector.broadcast %broadcast_in_dim3A_29 : vector<512x1xi1> to vector<512x128xi1>
    %broadcast_in_dim3A_31 = vector.broadcast %jit3A_28 : f32 to vector<512x128xf32>
    %select_n3A_32 = arith.select %broadcast_in_dim3A_30, %max3A_22, %broadcast_in_dim3A_31 : vector<512x128xi1>, vector<512x128xf32>
    %reduce_sum3A = arith.constant dense<0.000000e+00> : vector<128xf32>
    %reduce_sum3A_33 = vector.multi_reduction <add>, %select_n3A_32, %reduce_sum3A [0] : vector<512x128xf32> to vector<128xf32>
    %broadcast_in_dim3A_34 = vector.shape_cast %reduce_sum3A_33 : vector<128xf32> to vector<1x128xf32>
    %eq3A = arith.constant 0 : i32
    %eq3A_35 = arith.cmpi eq, %arg0, %eq3A : i32
    %convert_element_type3A = arith.extui %eq3A_35 : i1 to i32
    %cond3A = arith.constant 0 : i32
    %cond3A_36 = arith.cmpi ne, %convert_element_type3A, %cond3A : i32
    scf.if %cond3A_36 {
      %broadcast_in_dim3A_43 = arith.constant 0.000000e+00 : f32
      %broadcast_in_dim3A_44 = vector.broadcast %broadcast_in_dim3A_43 : f32 to vector<1x128xf32>
      %swap3A_45 = arith.constant 0 : index
      %swap3A_46 = arith.constant 0 : index
      %swap3A_47 = vector.load %arg5[%swap3A_45, %swap3A_46] : memref<1x128xf32, #tpu.memory_space<vmem>>, vector<1x128xf32>
      tpu.vector_store %arg5[%swap3A_45, %swap3A_46], %broadcast_in_dim3A_44 {strides = array<i32>} : memref<1x128xf32, #tpu.memory_space<vmem>>, vector<1x128xf32>,
    } else {
    }
    %get3A_37 = arith.constant 0 : index
    %get3A_38 = arith.constant 0 : index
    %get3A_39 = vector.load %arg5[%get3A_37, %get3A_38] : memref<1x128xf32, #tpu.memory_space<vmem>>, vector<1x128xf32>
    %add3A_40 = arith.addf %get3A_39, %broadcast_in_dim3A_34 : vector<1x128xf32>
    %swap3A = arith.constant 0 : index
    %swap3A_41 = arith.constant 0 : index
    %swap3A_42 = vector.load %arg5[%swap3A, %swap3A_41] : memref<1x128xf32, #tpu.memory_space<vmem>>, vector<1x128xf32>
    tpu.vector_store %arg5[%swap3A, %swap3A_41], %add3A_40 {strides = array<i32>} : memref<1x128xf32, #tpu.memory_space<vmem>>, vector<1x128xf32>,
    return
  }
  func.func @transform_0(%arg0: i32) -> (i32, i32) {
    %c0_i32 = arith.constant 0 : i32
    %c0_i32_0 = arith.constant 0 : i32
    return %arg0, %c0_i32 : i32, i32
  }
  func.func @transform_1(%arg0: i32) -> (i32, i32) {
    %c0_i32 = arith.constant 0 : i32
    %c0_i32_0 = arith.constant 0 : i32
    return %arg0, %c0_i32 : i32, i32
  }
  func.func @transform_2(%arg0: i32) -> (i32, i32) {
    %c0_i32 = arith.constant 0 : i32
    %c0_i32_0 = arith.constant 0 : i32
    %c0_i32_1 = arith.constant 0 : i32
    return %c0_i32, %c0_i32_0 : i32, i32
  }
  func.func @transform_3(%arg0: i32) -> (i32, i32) {
    %c0_i32 = arith.constant 0 : i32
    %c0_i32_0 = arith.constant 0 : i32
    %c0_i32_1 = arith.constant 0 : i32
    return %c0_i32, %c0_i32_0 : i32, i32
  }
  func.func @transform_4(%arg0: i32) -> (i32, i32) {
    %c0_i32 = arith.constant 0 : i32
    %c0_i32_0 = arith.constant 0 : i32
    %c0_i32_1 = arith.constant 0 : i32
    return %c0_i32, %c0_i32_0 : i32, i32
  }
}

</mosaic_0001>

<sc_bundles>
// kernel: kernel.11.cloned.1.call-start
scs
__scs_entry_jumppad:
0x0: {  	(pc) =	sbr.rel $0x88, $3  }
0x1: {  	(tag) =	ssettag $0x0;
	lr =	simm.s32 $0x1  }
0x2: {  	[smem:$0x3F8D] =	sst lr;
	_ =	strace $0xD0000000  }
0x3: {  	_ = 	snop  }
0x4: {  	_ = 	snop  }
0x5: {  	_ = 	snop  }
0x6: {  	_ = 	snop  }
0x7: {  	_ = 	snop  }
__scs_overlays_trampoline_lowered:
0x8: {  	[smem:$0x3F9C] =	sst s0  }
0x9: {  	[smem:$0x3F9D] =	sst s1  }
0xa: {  	[smem:$0x3F9E] =	sst s2  }
0xb: {  	[smem:$0x3F9F] =	sst s3  }
0xc: {  	[smem:$0x3FA0] =	sst s4  }
0xd: {  	[smem:$0x3FA1] =	sst s5  }
0xe: {  	[smem:$0x3FA2] =	sst s6  }
0xf: {  	[smem:$0x3FA3] =	sst s7  }
0x10: {  	[smem:$0x3FA4] =	sst s8  }
0x11: {  	[smem:$0x3FA5] =	sst s9;
	s0 =	simm.s32 @!p0 $0x0  }
0x12: {  	s1 =	sld [smem:$0x3F8B];
	s0 =	simm.s32 @p0 $0x1  }
0x13: {  	[smem:$0x3FA6] =	sst s0;
	s0 =	simm.s32 @!p1 $0x0  }
0x14: {  	s2 =	sld [smem:$0x3F8A];
	s0 =	simm.s32 @p1 $0x1  }
0x15: {  	[smem:$0x3FA7] =	sst s0;
	s0 =	simm.s32 @!p2 $0x0  }
0x16: {  	s3 =	sld [smem:$0x3FDB];
	s0 =	simm.s32 @p2 $0x1  }
0x17: {  	s4 =	simm.s32 $0x1BF5;
	[smem:$0x3FA9] =	sst s0  }
0x18: {  	s0 =	sld [smem:$0x3F8C];
	_ =	swait.ge [sflag:s4], $0x0  }
0x19: {  	s7 =	sld [smem:$0x3F8D]  }
0x1a: {  	s8 =	sadd.s32 $0xFFFFE003, lr  }
0x1b: {  	s9 =	sadd.s32 $0xFFFFFEF7, lr;
	s5 =	simm.s32 $0xFFFFFFFF;
	p2 =	slt.u32 s8, $0xFFFFF086  }
0x1c: {  	p1 =	slt.u32 s9, $0xF7A;
	s5 =	simm.s32 @!p2 $0x0  }
0x1d: {  	s5 =	simm.s32 @p1 $0x1;
	p0 =	seq.s32 s7, s2  }
0x1e: {  	s7 =	smul.u32 @!p0 $0xF7A, s2;
	p2 =	seq.s32 @!p0 s5, $0x0  }
0x1f: {  	s9 =	smul.u32 $0xF7A, s1;
	s8 =	simm.s32 @!p0 $0x1BF5;
	p2 =	por !p2, p0  }
0x20: {  	[sflag:s8] =	ssyncset.s32 @!p0 $0xFFFFF086;
	s6 =	sadd.s32 @!p0 s3, s7;
	s7 =	simm.s32 @!p0 $0x108  }
0x21: {  	s3 =	sadd.s32 s3, s9;
	s6 =	sadd.s32 @!p0 $0x88, s6;
	s7 =	simm.s32 @p2 $0x1082  }
0x22: {  	[simem:s7], [sflag:s8] =	dma.local @!p0 [hbm:s6], $0xF7A  }
0x23: {  	s9 =	sor.u32 $0xD0000000, s2;
	s6 =	simm.s32 $0x108;
	_ =	swait.ge @!p0 [sflag:s8], $0x0  }
0x24: {  	s3 =	sadd.s32 $0x88, s3;
	s6 =	simm.s32 @!p1 $0x1082;
	[sflag:s4] =	ssyncset.s32 $0xFFFFF086  }
0x25: {  	[simem:s6], [sflag:s4] =	dma.local [hbm:s3], $0xF7A  }
0x26: {  	[smem:$0x3F8D] =	sst s1;
	(tag) =	ssettag s2;
	_ =	strace s9  }
0x27: {  	s1 =	sld [smem:$0x3F9D]  }
0x28: {  	s2 =	sld [smem:$0x3F9E]  }
0x29: {  	s4 =	sld [smem:$0x3FA0]  }
0x2a: {  	p0 =	seq.s32 s5, $0x0;
	s5 =	sld [smem:$0x3FA1]  }
0x2b: {  	s6 =	sld [smem:$0x3FA2]  }
0x2c: {  	s7 =	sld [smem:$0x3FA3]  }
0x2d: {  	s3 =	simm.s32 $0x108;
	s8 =	sld [smem:$0x3FA4]  }
0x2e: {  	s3 =	simm.s32 @!p0 $0x1082;
	s9 =	sld [smem:$0x3FA5]  }
0x2f: {  	lr =	sadd.s32 s0, s3;
	s0 =	sld [smem:$0x3F9C]  }
0x30: {  	s3 =	sld [smem:$0x3F9F]  }
0x31: {  	[smem:$0x3FA8] =	sst s10  }
0x32: {  	s10 =	sld [smem:$0x3FA6];
	_ =	sdelay $0x3  }
0x33: {  	p0 =	seq.s32 s10, $0x1;
	s10 =	sld [smem:$0x3FA8];
	_ =	sdelay $0x3  }
0x34: {  	[smem:$0x3FA8] =	sst s10  }
0x35: {  	s10 =	sld [smem:$0x3FA7];
	_ =	sdelay $0x3  }
0x36: {  	p1 =	seq.s32 s10, $0x1;
	s10 =	sld [smem:$0x3FA8];
	_ =	sdelay $0x3  }
0x37: {  	[smem:$0x3FA8] =	sst s10  }
0x38: {  	s10 =	sld [smem:$0x3FA9]  }
0x39: {  	_ = 	snop;
	(pc) =	sbr.ind lr, $3  }
0x3a: {  	_ = 	snop  }
0x3b: {  	_ = 	snop  }
0x3c: {  	p2 =	seq.s32 s10, $0x1;
	s10 =	sld [smem:$0x3FA8]  }
0x3d: {  	_ =	shalt  }
0x3e: {  	_ =	shalt  }
0x3f: {  	_ =	shalt  }
0x40: {  	_ =	shalt  }
0x41: {  	_ =	shalt  }
0x42: {  	_ =	shalt  }
0x43: {  	_ =	shalt  }
0x44: {  	_ =	shalt  }
0x45: {  	_ =	shalt  }
0x46: {  	_ =	shalt  }
0x47: {  	_ =	shalt  }
0x48: {  	_ =	shalt  }
0x49: {  	_ =	shalt  }
0x4a: {  	_ =	shalt  }
0x4b: {  	_ =	shalt  }
0x4c: {  	_ =	shalt  }
0x4d: {  	_ =	shalt  }
0x4e: {  	_ =	shalt  }
0x4f: {  	_ =	shalt  }
0x50: {  	_ =	shalt  }
0x51: {  	_ =	shalt  }
0x52: {  	_ =	shalt  }
0x53: {  	_ =	shalt  }
0x54: {  	_ =	shalt  }
0x55: {  	_ =	shalt  }
0x56: {  	_ =	shalt  }
0x57: {  	_ =	shalt  }
0x58: {  	_ =	shalt  }
0x59: {  	_ =	shalt  }
0x5a: {  	_ =	shalt  }
0x5b: {  	_ =	shalt  }
0x5c: {  	_ =	shalt  }
0x5d: {  	_ =	shalt  }
0x5e: {  	_ =	shalt  }
0x5f: {  	_ =	shalt  }
0x60: {  	_ =	shalt  }
0x61: {  	_ =	shalt  }
0x62: {  	_ =	shalt  }
0x63: {  	_ =	shalt  }
0x64: {  	_ =	shalt  }
0x65: {  	_ =	shalt  }
0x66: {  	_ =	shalt  }
0x67: {  	_ =	shalt  }
0x68: {  	_ =	shalt  }
0x69: {  	_ =	shalt  }
0x6a: {  	_ =	shalt  }
0x6b: {  	_ =	shalt  }
0x6c: {  	_ =	shalt  }
0x6d: {  	_ =	shalt  }
0x6e: {  	_ =	shalt  }
0x6f: {  	_ =	shalt  }
0x70: {  	_ =	shalt  }
0x71: {  	_ =	shalt  }
0x72: {  	_ =	shalt  }
0x73: {  	_ =	shalt  }
0x74: {  	_ =	shalt  }
0x75: {  	_ =	shalt  }
0x76: {  	_ =	shalt  }
0x77: {  	_ =	shalt  }
0x78: {  	_ =	shalt  }
0x79: {  	_ =	shalt  }
0x7a: {  	_ =	shalt  }
0x7b: {  	_ =	shalt  }
0x7c: {  	_ =	shalt  }
0x7d: {  	_ =	shalt  }
0x7e: {  	_ =	shalt  }
0x7f: {  	_ =	shalt  }
0x80: {  	_ =	shalt  }
0x81: {  	_ =	shalt  }
0x82: {  	_ =	shalt  }
0x83: {  	_ =	shalt  }
0x84: {  	_ =	shalt  }
0x85: {  	_ =	shalt  }
0x86: {  	_ =	shalt  }
0x87: {  	_ =	shalt  }
.Lfunc_end0:
.L_simem_size_0:
called_computation.2_lowered:
.L_overlay_start_0:
0x88: {  	s2 =	sld [smem:$0x3FD9]  }
0x89: {  	s3 =	sld [smem:$0x3FFE];
	_ =	sdelay $0x1  }
0x8a: {  	s1 =	srdreg.scid  }
0x8b: {  	s0 =	sand.u32 $0x1, s1  }
0x8c: {  	s16 =	sshll.u32 s0, $0xA;
	s2 =	sadd.s32 s3, s2  }
0x8d: {  	s2 =	sadd.s32 s2, s16  }
0x8e: {  	[smem:$0x3FB4] =	sst s2  }
0x8f: {  	_ = 	snop  }
0x90: {  	(tm) =	ssettm $0x1  }
0x91: {  	s17 =	sld [smem:$0x3FFB];
	_ =	sdelay $0x3  }
0x92: {  	_ =	strace s17  }
0x93: {  	s2 =	sld [smem:$0x3FFC];
	_ =	sdelay $0x3  }
0x94: {  	_ =	strace s2  }
0x95: {  	s2 =	sld [smem:$0x3FFD];
	_ =	sdelay $0x3  }
0x96: {  	_ =	strace s2  }
0x97: {  	_ =	strace $0x8FFFFFFF  }
0x98: {  	s18 =	sld [smem:$0x3FDB];
	_ =	sdelay $0x1  }
0x99: {  	s19 =	simm.s32 $_scs_section_size  }
0x9a: {  	s4 =	simm.s32 $_size__tile_overlayer_lowered;
	s5 =	simm.s32 $_tile_overlayer_lowered  }
0x9b: {  	s22 =	simm.s32 $0x1BFF;
	s21 =	sshll.u32 s5, $0x1;
	s2 =	sadd.s32 s19, s18  }
0x9c: {  	s6 =	simm.s32 $0x0;
	s20 =	sshll.u32 s4, $0x1;
	s4 =	sadd.s32 s21, s2  }
0x9d: {  	[timem:s6], [sflag:s22] =	dma.local [hbm:s4], s20  }
0x9e: {  	_ =	swait.ge [sflag:s22], s20  }
0x9f: {  	s3 =	ssub.s32 $0x0, s20;
	[sflag:s22] =	ssyncset.done $0x0  }
0xa0: {  	[sflag:s22] =	ssyncadd.s32 s3;
	_ =	sdelay $0x1  }
0xa1: {  	s23 =	simm.s32 $0x1B8B  }
0xa2: {  	_ =	swait.ge [sflag:s23], $0x1  }
0xa3: {  	[sflag:s23] =	ssyncset.done $0x0  }
0xa4: {  	s25 =	simm.s32 $0x1B8E;
	s24 =	sld [smem:$0x3FFE];
	[sflag:s23] =	ssyncadd.s32 $0xFFFFFFFF  }
0xa5: {  	s26 =	simm.s32 $execute0_lowered;
	[smem:$0x3FD2] =	sst s25  }
0xa6: {  	s4 =	sshll.u32 s26, $0x1;
	_ =	strace $0x8000004C;
	[dreg:$0x1] =	wrdreg $0xFFFFFFFF  }
0xa7: {  	s28 =	simm.s32 $_size_execute0_lowered;
	s2 =	sadd.s32 s2, s4;
	[dreg:$0x0] =	wrdreg $0x0  }
0xa8: {  	s4 =	sshll.u32 s28, $0x1;
	[dreg:$0x2] =	wrdreg s2  }
0xa9: {  	[dreg:$0x3] =	wrdreg s4  }
0xaa: {  	[dreg:$0x4] =	wrdreg $0xC0  }
0xab: {  	_ =	task [dreg:s6], $0x5FFFF  }
0xac: {  	[dreg:$0x1] =	wrdreg $0xFFFFFFFF  }
0xad: {  	[dreg:$0x0] =	wrdreg $0x60  }
0xae: {  	[dreg:$0x2] =	wrdreg s24  }
0xaf: {  	[dreg:$0x3] =	wrdreg $0x0  }
0xb0: {  	[dreg:$0x4] =	wrdreg $0x9  }
0xb1: {  	_ =	task.clear_ibuf [dreg:s6], $0x5FFFF;
	_ =	strace $0x9000004C  }
0xb2: {  	s29 =	simm.s32 $0x9;
	_ =	strace $0x8000004E  }
0xb3: {  	_ =	swait.ge [sflag:s29], $0x1  }
0xb4: {  	[sflag:s29] =	ssyncadd.s32 $0xFFFFFFFF  }
0xb5: {  	_ =	strace $0x9000004E  }
0xb6: {  	_ =	sfence  }
0xb7: {  	s30 =	sld [smem:$0x0];
	_ =	sdelay $0x2  }
0xb8: {  	s31 =	sshll.u32 s1, $0xD;
	s1 =	sshrl.u32 s1, $0x2  }
0xb9: {  	s3 =	sand.u32 $0x4000, s31;
	s1 =	sadd.s32 s1, s30  }
0xba: {  	s0 =	sor.u32 s3, s0;
	s1 =	sshll.u32 s1, $0x11  }
0xbb: {  	s0 =	sor.u32 s1, s0  }
0xbc: {  	s0 =	sadd.s32 $0x8F2B, s0  }
0xbd: {  	[sflag:s0] =	ssyncadd.remote.s32 $0x1  }
0xbe: {  	_ =	sfence.sel $0xFFFF  }
0xbf: {  	[dreg:$0x0] =	wrdreg $0xFFFFFFFF;
	(pc) =	sbr.abs _section_cstart, $3  }
0xc0: {  	[dreg:$0x1] =	wrdreg $0xFFFFFFFF  }
0xc1: {  	_ =	task.clear_ibuf [dreg:s6], $0x2FFFF;
	_ =	strace $0x9FFFFFFF  }
0xc2: {  	(tm) =	ssettm $0x7FFFFFFF  }
0xc3: {  	_ =	shalt  }
tec
execute0_lowered:
.L_overlay_start_1:
0x0: {  	(tag) =	ssettag $0x1  }
0x1: {  	s0 =	srdreg.scid;
	s1 =	rddreg [dreg:$0x0]  }
0x2: {  	s2 =	rddreg [dreg:$0x1];
	s11 =	stileid.u32  }
0x3: {  	s3 =	simm.s32 $0x0;
	s14 =	simm.s32 $0x3;
	s17 =	simm.s32 $0x10  }
0x4: {  	s18 =	simm.s32 $0x17800;
	s19 =	simm.s32 $0x7800;
	s20 =	simm.s32 $0x17820  }
0x5: {  	s21 =	simm.s32 $0xF800;
	s22 =	simm.s32 $0x1;
	s23 =	simm.s32 $0x17810  }
0x6: {  	s28 =	simm.s32 $0x2;
	s29 =	simm.s32 $0x17950;
	s30 =	simm.s32 $0x17840  }
0x7: {  	s31 =	simm.s32 $0x0;
	s0 =	sand.u32 $0x1, s0;
	[smem:$0x7FF] =	sst s3  }
0x8: {  	s8 =	smul.u32 $0x500, s11;
	s5 =	sadd.s32 $0x2D5200, s1;
	s4 =	sshll.u32 s0, $0x4  }
0x9: {  	s6 =	sadd.s32 $0x7D5200, s1;
	s9 =	smul.u32 $0x5000, s0;
	s4 =	sor.u32 s11, s4  }
0xa: {  	_ =	strace $0x8000004D;
	s0 =	ssub.s32 $0x2, s0;
	s4 =	smul.u32 $0x1400, s4  }
0xb: {  	s11 =	smul.u32 $0xA000, s11;
	s24 =	sshrl.u32 s0, $0x1;
	s8 =	sadd.s32 s8, s9  }
0xc: {  	s0 =	ssub.s32 s0, s24;
	s24 =	simm.s32 $0xB800;
	s7 =	sshrl.u32 s4, $0x3  }
0xd: {  	s25 =	sshrl.u32 s11, $0x2;
	s10 =	sadd.s32 s7, s1;
	s7 =	sadd.s32 $0x5F200, s1  }
0xe: {  	s1 =	sadd.s32 s8, s1;
	s8 =	sadd.s32 s25, s2;
	s25 =	simm.s32 $0x17830  }
0xf: {  	s12 =	smax.u32 s0, $0x1;
	s26 =	sadd.s32 $0xA64200, s10;
	s10 =	sadd.s32 $0xA5F200, s10  }
0x10: {  	v0 =	vimm.f32 $0.0e+00;
	s11 =	sadd.s32 $0x55200, s1;
	[dreg:$0x3] =	wrdreg s26;
	s26 =	simm.s32 $0x13800  }
.LBB2_1:
0x11: {  	s0 =	simm.s32 $0x40;
	s1 =	simm.s32 $0x0  }
.LBB2_2:
0x12: {  	p0 =	sne.s32 s0, $0x9FC0;
	[tilespmem:s1+$0x2800] =	vst v0;
	s1 =	smov.u32 s0;
	s0 =	sadd.s32 $0x40, s0  }
.Ltmp0:
0x13: {  	(pc) =	sbr.rel @p0 .LBB2_2-.Ltmp0, $2  }
0x14: {  	_ =	sdelay $0x2  }
0x15: {  	s1 =	sshra.s32 s1, $0x2  }
0x16: {  	[tilespmem:s1+$0x2800] =	vst v0;
	s0 =	simm.s32 $0x2800  }
0x17: {  	[spmem:s8] =	stream.linear.scatter [tilespmem:s0], [sflag:$0x3], $0x2800, $0x38;
	[tilespmem:$0x17A70] =	vst v63  }
0x18: {  	_ =	swait.ge [sflag:s14], $0x2800  }
0x19: {  	[sflag:s14] =	ssyncset.done $0x0  }
0x1a: {  	[sflag:s14] =	ssyncadd.s32 $0xFFFFD800  }
0x1b: {  	[bflag:$0x0] =	sbarrier.arrive $0xFFFF  }
0x1c: {  	s9 =	simm.s32 $0x5000;
	s0 =	simm.s32 $0x0;
	s15 =	rddreg [dreg:$0x3]  }
0x1d: {  	[tilespmem:s9], [sflag:$0x3] =	stream.linear.gather [hbm4b:s15+s0], $0x1400, $0x38;
	[tilespmem:$0x17A70] =	vst v63  }
0x1e: {  	_ =	swait.ge [sflag:s14], $0x1400  }
0x1f: {  	[sflag:s14] =	ssyncset.done $0x0  }
0x20: {  	s16 =	simm.s32 $0x6400;
	[sflag:s14] =	ssyncadd.s32 $0xFFFFEC00  }
0x21: {  	[tilespmem:s16], [sflag:$0x3] =	stream.linear.gather [hbm4b:s10+s0], $0x1400, $0x38;
	[tilespmem:$0x17A70] =	vst v63  }
0x22: {  	_ =	swait.ge [sflag:s14], $0x1400  }
0x23: {  	[sflag:s14] =	ssyncset.done $0x0  }
0x24: {  	[sflag:s14] =	ssyncadd.s32 $0xFFFFEC00  }
0x25: {  	v1 =	vld [tilespmem:$0x6400]  }
0x26: {  	v2 =	vld [tilespmem:$0x5000];
	_ =	sdelay $0x3  }
0x27: {  	[tilespmem:$0x17800] =	vst v1  }
0x28: {  	[tilespmem:$0x17820] =	vst v2  }
0x29: {  	[tilespmem:s19], [sflag:$0x1] =	stream.indirect.gather [hbm4b:s5+s17], $0x400, s18, s17, $0xb8;
	[tilespmem:$0x17A70] =	vst v63  }
0x2a: {  	_ = 	snop  }
0x2b: {  	[tilespmem:s21], [sflag:$0x1] =	stream.indirect.gather [hbm4b:s6+s17], $0x400, s20, s17, $0xb8;
	[tilespmem:$0x17A70] =	vst v63  }
.LBB2_4:
0x2c: {  	_ =	swait.ge [sflag:s22], $0x4000  }
0x2d: {  	[sflag:s22] =	ssyncset.done $0x0  }
0x2e: {  	[sflag:s22] =	ssyncadd.s32 $0xFFFFC000  }
0x2f: {  	_ =	swait.ge [sflag:s22], $0x4000  }
0x30: {  	[sflag:s22] =	ssyncset.done $0x0  }
0x31: {  	s13 =	sshll.u32 s0, $0x4;
	[sflag:s22] =	ssyncadd.s32 $0xFFFFC000  }
0x32: {  	v1 =	vld [tilespmem:s13+$0x6400];
	_ =	sdelay $0x4  }
0x33: {  	v1 =	vadd.s32 $0x2800, v1  }
0x34: {  	[tilespmem:$0x17810] =	vst v1  }
0x35: {  	v1 =	vld [tilespmem:s13+$0x5000];
	_ =	sdelay $0x4  }
0x36: {  	v1 =	vadd.s32 $0x2800, v1  }
0x37: {  	[tilespmem:$0x17830] =	vst v1  }
0x38: {  	[tilespmem:s24], [sflag:$0x2] =	stream.indirect.gather [hbm4b:s5+s17], $0x400, s23, s17, $0xb8;
	[tilespmem:$0x17A70] =	vst v63  }
0x39: {  	s1 =	simm.s32 $0x17850;
	s15 =	simm.s32 $0x0  }
0x3a: {  	[tilespmem:s26], [sflag:$0x2] =	stream.indirect.gather [hbm4b:s6+s17], $0x400, s25, s17, $0xb8;
	[tilespmem:$0x17A70] =	vst v63  }
.LBB2_5:
0x3b: {  	s16 =	sshra.s32 s15, $0x2  }
0x3c: {  	v1 =	vld [tilespmem:s16+$0x7800]  }
0x3d: {  	v2 =	vld [tilespmem:s16+$0xF800]  }
0x3e: {  	v3 =	vld [tilespmem:s16+$0x7810]  }
0x3f: {  	v4 =	vld [tilespmem:s16+$0xF810]  }
0x40: {  	v5 =	vld [tilespmem:s16+$0x7820]  }
0x41: {  	v6 =	vld [tilespmem:s16+$0xF820]  }
0x42: {  	v61 =	vld [tilespmem:s16+$0xFA00]  }
0x43: {  	v7 =	vld [tilespmem:s16+$0x7830]  }
0x44: {  	v8 =	vld [tilespmem:s16+$0xF830]  }
0x45: {  	v9 =	vld [tilespmem:s16+$0x7840]  }
0x46: {  	v10 =	vld [tilespmem:s16+$0xF840]  }
0x47: {  	[tilespmem:$0x1FE80] =	vst v61;
	v61 =	vld [tilespmem:s16+$0x7A10]  }
0x48: {  	v11 =	vld [tilespmem:s16+$0x7850]  }
0x49: {  	v12 =	vld [tilespmem:s16+$0xF850]  }
0x4a: {  	v13 =	vld [tilespmem:s16+$0x7860]  }
0x4b: {  	v14 =	vld [tilespmem:s16+$0xF860]  }
0x4c: {  	[tilespmem:$0x1FE90] =	vst v61;
	v61 =	vld [tilespmem:s16+$0x7A20]  }
0x4d: {  	v15 =	vld [tilespmem:s16+$0x7870]  }
0x4e: {  	v16 =	vld [tilespmem:s16+$0xF870]  }
0x4f: {  	v17 =	vld [tilespmem:s16+$0x7880]  }
0x50: {  	v18 =	vld [tilespmem:s16+$0xF880]  }
0x51: {  	[tilespmem:$0x1FEA0] =	vst v61;
	v61 =	vld [tilespmem:s16+$0xFA20]  }
0x52: {  	v19 =	vld [tilespmem:s16+$0x7890]  }
0x53: {  	v20 =	vld [tilespmem:s16+$0xF890]  }
0x54: {  	v21 =	vld [tilespmem:s16+$0x78A0]  }
0x55: {  	v22 =	vld [tilespmem:s16+$0xF8A0]  }
0x56: {  	[tilespmem:$0x1FEB0] =	vst v61;
	v61 =	vld [tilespmem:s16+$0x7A30]  }
0x57: {  	v23 =	vld [tilespmem:s16+$0x78B0]  }
0x58: {  	v24 =	vld [tilespmem:s16+$0xF8B0]  }
0x59: {  	v25 =	vld [tilespmem:s16+$0x78C0]  }
0x5a: {  	v26 =	vld [tilespmem:s16+$0xF8C0]  }
0x5b: {  	[tilespmem:$0x1FEC0] =	vst v61;
	v61 =	vld [tilespmem:s16+$0xFA30]  }
0x5c: {  	v27 =	vld [tilespmem:s16+$0x78D0]  }
0x5d: {  	v28 =	vld [tilespmem:s16+$0xF8D0]  }
0x5e: {  	v29 =	vld [tilespmem:s16+$0x78E0]  }
0x5f: {  	v30 =	vld [tilespmem:s16+$0xF8E0]  }
0x60: {  	[tilespmem:$0x1FED0] =	vst v61;
	v61 =	vld [tilespmem:s16+$0x7A40]  }
0x61: {  	v31 =	vld [tilespmem:s16+$0x78F0]  }
0x62: {  	v32 =	vld [tilespmem:s16+$0xF8F0]  }
0x63: {  	v33 =	vld [tilespmem:s16+$0x7900]  }
0x64: {  	v34 =	vld [tilespmem:s16+$0xF900]  }
0x65: {  	[tilespmem:$0x1FEE0] =	vst v61;
	v61 =	vld [tilespmem:s16+$0xFA40]  }
0x66: {  	v35 =	vld [tilespmem:s16+$0x7910]  }
0x67: {  	v36 =	vld [tilespmem:s16+$0xF910]  }
0x68: {  	v37 =	vld [tilespmem:s16+$0x7920]  }
0x69: {  	v38 =	vld [tilespmem:s16+$0xF920]  }
0x6a: {  	[tilespmem:$0x1FEF0] =	vst v61;
	v61 =	vld [tilespmem:s16+$0x7A50]  }
0x6b: {  	v39 =	vld [tilespmem:s16+$0x7930]  }
0x6c: {  	v40 =	vld [tilespmem:s16+$0xF930]  }
0x6d: {  	v41 =	vld [tilespmem:s16+$0x7940]  }
0x6e: {  	v42 =	vld [tilespmem:s16+$0xF940]  }
0x6f: {  	[tilespmem:$0x1FF00] =	vst v61;
	v61 =	vld [tilespmem:s16+$0xFA50]  }
0x70: {  	v43 =	vld [tilespmem:s16+$0x7950]  }
0x71: {  	v44 =	vld [tilespmem:s16+$0xF950]  }
0x72: {  	v45 =	vld [tilespmem:s16+$0x7960]  }
0x73: {  	v46 =	vld [tilespmem:s16+$0xF960]  }
0x74: {  	[tilespmem:$0x1FF10] =	vst v61;
	v61 =	vld [tilespmem:s16+$0x7A60]  }
0x75: {  	v47 =	vld [tilespmem:s16+$0x7970]  }
0x76: {  	v48 =	vld [tilespmem:s16+$0xF970]  }
0x77: {  	v49 =	vld [tilespmem:s16+$0x7980]  }
0x78: {  	v50 =	vld [tilespmem:s16+$0xF980]  }
0x79: {  	[tilespmem:$0x1FF20] =	vst v61;
	v61 =	vld [tilespmem:s16+$0xFA60]  }
0x7a: {  	v51 =	vld [tilespmem:s16+$0x7990]  }
0x7b: {  	v52 =	vld [tilespmem:s16+$0xF990]  }
0x7c: {  	v53 =	vld [tilespmem:s16+$0x79A0]  }
0x7d: {  	v54 =	vld [tilespmem:s16+$0xF9A0]  }
0x7e: {  	[tilespmem:$0x1FF30] =	vst v61;
	v61 =	vld [tilespmem:s16+$0x7A70]  }
0x7f: {  	v55 =	vld [tilespmem:s16+$0x79B0]  }
0x80: {  	v56 =	vld [tilespmem:s16+$0xF9B0]  }
0x81: {  	v57 =	vld [tilespmem:s16+$0x79C0]  }
0x82: {  	v58 =	vld [tilespmem:s16+$0xF9C0]  }
0x83: {  	[tilespmem:$0x1FF40] =	vst v61;
	v61 =	vld [tilespmem:s16+$0xFA70]  }
0x84: {  	v0 =	vld [tilespmem:s16+$0x79D0]  }
0x85: {  	v60 =	vld [tilespmem:s16+$0xF9D0]  }
0x86: {  	v59 =	vld [tilespmem:s16+$0x79E0]  }
0x87: {  	v62 =	vld [tilespmem:s16+$0xF9E0]  }
0x88: {  	[tilespmem:$0x1FF50] =	vst v61;
	v61 =	vld [tilespmem:s16+$0x7A80]  }
0x89: {  	v63 =	vld [tilespmem:s16+$0x79F0]  }
0x8a: {  	[tilespmem:$0x1FE50] =	vst v0;
	v0 =	vld [tilespmem:s16+$0xF9F0]  }
0x8b: {  	[tilespmem:$0x1FE60] =	vst v59;
	v59 =	vld [tilespmem:s16+$0x7A00]  }
0x8c: {  	v1 =	vmul.f32 v2, v1;
	v2 =	vld [tilespmem:s16+$0xFAC0]  }
0x8d: {  	[tilespmem:$0x1FF60] =	vst v61;
	v61 =	vld [tilespmem:s16+$0xFA80]  }
0x8e: {  	v9 =	vmul.f32 v10, v9;
	v10 =	vld [tilespmem:s16+$0xFAD0]  }
0x8f: {  	v3 =	vmul.f32 v4, v3;
	v4 =	vld [tilespmem:s16+$0x7AE0]  }
0x90: {  	v5 =	vmul.f32 v6, v5;
	v6 =	vmul.f32 v8, v7;
	v7 =	vld [tilespmem:s16+$0xFAE0]  }
0x91: {  	v8 =	vmul.f32 v12, v11;
	v11 =	vld [tilespmem:s16+$0x7AF0]  }
0x92: {  	[tilespmem:$0x1FF70] =	vst v61;
	v61 =	vld [tilespmem:s16+$0x7A90]  }
0x93: {  	v12 =	vld [tilespmem:s16+$0xFB00]  }
0x94: {  	v18 =	vmul.f32 v18, v17;
	v17 =	vld [tilespmem:s16+$0xFB10]  }
0x95: {  	v20 =	vmul.f32 v20, v19;
	v19 =	vld [tilespmem:s16+$0x7B20]  }
0x96: {  	v26 =	vmul.f32 v26, v25;
	v25 =	vmul.f32 v38, v37;
	v37 =	vld [tilespmem:$0x1FE60];
	v1 =	vadd.f32 $0.0e+00, v1  }
0x97: {  	[tilespmem:$0x1FF80] =	vst v61;
	v61 =	vld [tilespmem:s16+$0xFA90]  }
0x98: {  	v3 =	vadd.f32 $0.0e+00, v3;
	v1 =	vadd.f32 v9, v1;
	v9 =	vmul.f32 v14, v13;
	v13 =	vld [tilespmem:s16+$0xFAF0]  }
0x99: {  	v5 =	vadd.f32 $0.0e+00, v5;
	v14 =	vld [tilespmem:s16+$0x7B10]  }
0x9a: {  	v3 =	vadd.f32 v8, v3;
	[tilespmem:$0x1FE70] =	vst v59;
	v59 =	vld [tilespmem:s16+$0xFA10]  }
0x9b: {  	v22 =	vmul.f32 v22, v21;
	v5 =	vadd.f32 v9, v5;
	v1 =	vadd.f32 v18, v1;
	v18 =	vld [tilespmem:s16+$0x7B30]  }
0x9c: {  	[tilespmem:$0x1FF90] =	vst v61;
	v61 =	vld [tilespmem:s16+$0x7AA0]  }
0x9d: {  	v21 =	vmul.f32 v30, v29;
	v3 =	vadd.f32 v20, v3;
	v20 =	vld [tilespmem:s16+$0xFB40];
	v5 =	vadd.f32 v22, v5  }
0x9e: {  	v38 =	vld [tilespmem:$0x1FE70]  }
0x9f: {  	v9 =	vmul.f32 v62, v37;
	v37 =	vld [tilespmem:s16+$0x7BC0];
	v5 =	vadd.f32 v21, v5  }
0xa0: {  	v1 =	vadd.f32 v26, v1;
	v26 =	vmul.f32 v40, v39;
	v39 =	vld [tilespmem:$0x1FE80]  }
0xa1: {  	v29 =	vmul.f32 v46, v45;
	v5 =	vadd.f32 v25, v5;
	[tilespmem:$0x1FFA0] =	vst v61;
	v61 =	vld [tilespmem:s16+$0xFAA0]  }
0xa2: {  	v24 =	vmul.f32 v24, v23;
	v23 =	vmul.f32 v34, v33;
	v40 =	vld [tilespmem:$0x1FE90]  }
0xa3: {  	v33 =	vmul.f32 v54, v53;
	v21 =	vld [tilespmem:s16+$0xFB30];
	v5 =	vadd.f32 v29, v5  }
0xa4: {  	v1 =	vadd.f32 v23, v1;
	v23 =	vld [tilespmem:s16+$0x7B40]  }
0xa5: {  	v25 =	vld [tilespmem:s16+$0xFB50];
	v5 =	vadd.f32 v33, v5  }
0xa6: {  	[tilespmem:$0x1FFB0] =	vst v61;
	v61 =	vld [tilespmem:s16+$0x7AB0]  }
0xa7: {  	v5 =	vadd.f32 v9, v5;
	v9 =	vld [tilespmem:s16+$0xFB80]  }
0xa8: {  	v45 =	vld [tilespmem:$0x1FEE0]  }
0xa9: {  	v46 =	vld [tilespmem:$0x1FEF0]  }
0xaa: {  	v30 =	vmul.f32 v48, v47;
	v47 =	vld [tilespmem:$0x1FF00]  }
0xab: {  	[tilespmem:$0x1FFC0] =	vst v61;
	v61 =	vld [tilespmem:s16+$0xFAB0]  }
0xac: {  	v48 =	vld [tilespmem:$0x1FF10]  }
0xad: {  	v22 =	vmul.f32 v32, v31;
	v32 =	vmul.f32 v52, v51;
	v51 =	vld [tilespmem:$0x1FF40]  }
0xae: {  	v52 =	vld [tilespmem:$0x1FF50]  }
0xaf: {  	v31 =	vmul.f32 v50, v49;
	v49 =	vld [tilespmem:$0x1FF20]  }
0xb0: {  	[tilespmem:$0x1FFD0] =	vst v61;
	v61 =	vld [tilespmem:s16+$0x7AC0]  }
0xb1: {  	v50 =	vld [tilespmem:$0x1FF30]  }
0xb2: {  	v53 =	vld [tilespmem:$0x1FF60]  }
0xb3: {  	v33 =	vmul.f32 v52, v51;
	v51 =	vld [tilespmem:s16+$0x7BF0]  }
0xb4: {  	v54 =	vld [tilespmem:$0x1FF70]  }
0xb5: {  	[tilespmem:$0x1FFE0] =	vst v61;
	v61 =	vld [tilespmem:s16+$0x7AD0]  }
0xb6: {  	v34 =	vmul.f32 v56, v55;
	v55 =	vld [tilespmem:$0x1FF80]  }
0xb7: {  	v56 =	vld [tilespmem:$0x1FF90]  }
0xb8: {  	v29 =	vmul.f32 v59, v40;
	v59 =	vld [tilespmem:$0x1FFC0]  }
0xb9: {  	v62 =	vld [tilespmem:$0x1FFE0]  }
0xba: {  	[tilespmem:$0x1FFF0] =	vst v61;
	v61 =	vmul.f32 v16, v15;
	v15 =	vld [tilespmem:s16+$0x7B00]  }
0xbb: {  	v6 =	vadd.f32 $0.0e+00, v6;
	v16 =	vld [tilespmem:s16+$0xFB20]  }
0xbc: {  	v0 =	vmul.f32 v0, v63;
	v63 =	vld [tilespmem:$0x1FFF0]  }
0xbd: {  	v6 =	vadd.f32 v61, v6;
	v61 =	vmul.f32 v28, v27;
	v27 =	vmul.f32 v42, v41;
	v41 =	vld [tilespmem:$0x1FEA0]  }
0xbe: {  	v42 =	vld [tilespmem:$0x1FEB0]  }
0xbf: {  	v28 =	vmul.f32 v44, v43;
	v43 =	vld [tilespmem:$0x1FEC0]  }
0xc0: {  	v44 =	vld [tilespmem:$0x1FED0];
	v6 =	vadd.f32 v24, v6  }
0xc1: {  	v3 =	vadd.f32 v61, v3;
	v24 =	vmul.f32 v36, v35;
	v1 =	vadd.f32 v27, v1;
	v27 =	vld [tilespmem:s16+$0x7B60]  }
0xc2: {  	v36 =	vld [tilespmem:$0x1FE50];
	v6 =	vadd.f32 v22, v6  }
0xc3: {  	v35 =	vmul.f32 v58, v57;
	v57 =	vld [tilespmem:$0x1FFA0];
	v3 =	vadd.f32 v24, v3  }
0xc4: {  	v58 =	vld [tilespmem:$0x1FFB0];
	v6 =	vadd.f32 v26, v6  }
0xc5: {  	v24 =	vld [tilespmem:s16+$0xFB60];
	v3 =	vadd.f32 v28, v3  }
0xc6: {  	v4 =	vmul.f32 v7, v4;
	v40 =	vmul.f32 v13, v11;
	v61 =	vld [tilespmem:s16+$0xFBB0];
	v6 =	vadd.f32 v30, v6  }
0xc7: {  	v1 =	vadd.f32 v31, v1;
	v8 =	vmul.f32 v60, v36;
	v60 =	vld [tilespmem:$0x1FFD0];
	v3 =	vadd.f32 v32, v3  }
0xc8: {  	v2 =	vmul.f32 v2, v62;
	v22 =	vld [tilespmem:s16+$0x7B50];
	v31 =	vmul.f32 v48, v47;
	v6 =	vadd.f32 v34, v6  }
0xc9: {  	v47 =	vld [tilespmem:s16+$0x7BE0];
	v1 =	vadd.f32 v35, v1;
	v3 =	vadd.f32 v8, v3;
	v8 =	vmul.f32 v39, v38  }
0xca: {  	v48 =	vmul.f32 v20, v23;
	v26 =	vld [tilespmem:s16+$0x7B70];
	v52 =	vmul.f32 v24, v27;
	v0 =	vadd.f32 v0, v6  }
0xcb: {  	v28 =	vld [tilespmem:s16+$0xFB70];
	v6 =	vmul.f32 v42, v41;
	v1 =	vadd.f32 v8, v1;
	v8 =	vmul.f32 v44, v43  }
0xcc: {  	v30 =	vld [tilespmem:s16+$0x7B80];
	v3 =	vadd.f32 v29, v3;
	v35 =	vmul.f32 v60, v59;
	v42 =	vmul.f32 v12, v15  }
0xcd: {  	v32 =	vld [tilespmem:s16+$0xFB90];
	v43 =	vmul.f32 v17, v14;
	v5 =	vadd.f32 v6, v5;
	v6 =	vmul.f32 v46, v45  }
0xce: {  	v38 =	vld [tilespmem:s16+$0xFBC0];
	v0 =	vadd.f32 v8, v0;
	v8 =	vmul.f32 v50, v49;
	v3 =	vadd.f32 v31, v3  }
0xcf: {  	v34 =	vld [tilespmem:s16+$0x7BA0];
	v45 =	vmul.f32 v16, v19;
	v1 =	vadd.f32 v6, v1;
	v6 =	vmul.f32 v54, v53  }
0xd0: {  	v29 =	vld [tilespmem:s16+$0x7B90];
	v46 =	vmul.f32 v21, v18;
	v5 =	vadd.f32 v8, v5;
	v8 =	vmul.f32 v56, v55  }
0xd1: {  	v41 =	vld [tilespmem:s16+$0x7BD0];
	v0 =	vadd.f32 v33, v0;
	v1 =	vadd.f32 v6, v1;
	v6 =	vmul.f32 v58, v57  }
0xd2: {  	v44 =	vld [tilespmem:s16+$0xFBD0];
	v50 =	vmul.f32 v25, v22;
	v3 =	vadd.f32 v8, v3;
	v8 =	vmul.f32 v10, v63  }
0xd3: {  	v31 =	vld [tilespmem:s16+$0xFBA0];
	v59 =	vmul.f32 v38, v37;
	v0 =	vadd.f32 v35, v0;
	v5 =	vadd.f32 v6, v5  }
0xd4: {  	v33 =	vld [tilespmem:s16+$0x7BB0];
	v53 =	vmul.f32 v28, v26;
	v1 =	vadd.f32 v2, v1;
	v39 =	vadd.f32 v8, v3  }
0xd5: {  	v49 =	vld [tilespmem:s16+$0xFBE0];
	v55 =	vmul.f32 v9, v30;
	v0 =	vadd.f32 v40, v0;
	v4 =	vadd.f32 v4, v5  }
0xd6: {  	v54 =	vld [tilespmem:s16+$0xFBF0];
	v56 =	vmul.f32 v32, v29;
	v1 =	vadd.f32 v42, v1;
	v2 =	vadd.f32 v43, v39  }
0xd7: {  	v60 =	vmul.f32 v44, v41;
	v0 =	vadd.f32 v46, v0;
	v3 =	vadd.f32 v45, v4  }
0xd8: {  	v57 =	vmul.f32 v31, v34;
	v1 =	vadd.f32 v48, v1;
	v2 =	vadd.f32 v50, v2  }
0xd9: {  	v58 =	vmul.f32 v61, v33;
	v0 =	vadd.f32 v53, v0;
	v3 =	vadd.f32 v52, v3  }
0xda: {  	v61 =	vmul.f32 v49, v47;
	v1 =	vadd.f32 v55, v1;
	v2 =	vadd.f32 v56, v2  }
0xdb: {  	v62 =	vmul.f32 v54, v51;
	v0 =	vadd.f32 v58, v0;
	v3 =	vadd.f32 v57, v3  }
0xdc: {  	v1 =	vadd.f32 v59, v1;
	v2 =	vadd.f32 v60, v2  }
0xdd: {  	v0 =	vadd.f32 v62, v0;
	v3 =	vadd.f32 v61, v3;
	_ =	sdelay $0x1  }
0xde: {  	v1 =	vadd.f32 v2, v1;
	v0 =	vadd.f32 v0, v3;
	_ =	sdelay $0x1  }
0xdf: {  	v0 =	vadd.f32 v0, v1;
	_ =	sdelay $0x1  }
0xe0: {  	[tilespmem:$0x17A50] =	vst v0  }
0xe1: {  	[tilespmem:$0x17A60] =	vst v0  }
0xe2: {  	v63 =	vld [tilespmem:$0x17A58];
	_ =	sdelay $0x1  }
0xe3: {  	p0 =	sne.s32 s15, $0xF000  }
.Ltmp1:
0xe4: {  	_ = 	snop;
	(pc) =	sbr.rel @p0 .LBB2_5-.Ltmp1, $3  }
0xe5: {  	_ = 	snop  }
0xe6: {  	v0 =	vadd.f32 v0, v63;
	_ =	sdelay $0x1  }
0xe7: {  	s15 =	sadd.s32 $0x1000, s15;
	[tilespmem:s1+$0x0] =	vst v0;
	s1 =	sadd.s32 $0x10, s1  }
0xe8: {  	_ =	swait.ge [sflag:s28], $0x4000  }
0xe9: {  	[sflag:s28] =	ssyncset.done $0x0  }
0xea: {  	s0 =	sadd.s32 $0x1, s0;
	[sflag:s28] =	ssyncadd.s32 $0xFFFFC000  }
0xeb: {  	p0 =	slt.s32 s0, $0x13F;
	s1 =	smov.u32 s0;
	_ =	swait.ge [sflag:s28], $0x4000  }
0xec: {  	s1 =	simm.s32 @!p0 $0x13F;
	[sflag:s28] =	ssyncset.done $0x0  }
0xed: {  	s1 =	sshll.u32 s1, $0x4;
	[sflag:s28] =	ssyncadd.s32 $0xFFFFC000  }
0xee: {  	v0 =	vld [tilespmem:s1+$0x6400];
	_ =	sdelay $0x4  }
0xef: {  	[tilespmem:$0x17800] =	vst v0  }
0xf0: {  	v0 =	vld [tilespmem:s1+$0x5000];
	_ =	sdelay $0x4  }
0xf1: {  	[tilespmem:$0x17820] =	vst v0  }
0xf2: {  	[tilespmem:s19], [sflag:$0x1] =	stream.indirect.gather [hbm4b:s5+s17], $0x400, s18, s17, $0xb8;
	[tilespmem:$0x17A70] =	vst v63  }
0xf3: {  	s15 =	simm.s32 $0x0;
	s16 =	simm.s32 $0x13A00;
	s1 =	simm.s32 $0xBA00  }
0xf4: {  	[tilespmem:s21], [sflag:$0x1] =	stream.indirect.gather [hbm4b:s6+s17], $0x400, s20, s17, $0xb8;
	[tilespmem:$0x17A70] =	vst v63  }
.LBB2_7:
0xf5: {  	v0 =	vld [tilespmem:s1+$0xFFFFFE00]  }
0xf6: {  	v1 =	vld [tilespmem:s16+$0xFFFFFE00]  }
0xf7: {  	v2 =	vld [tilespmem:s1+$0xFFFFFE10]  }
0xf8: {  	v3 =	vld [tilespmem:s16+$0xFFFFFE10]  }
0xf9: {  	v4 =	vld [tilespmem:s1+$0xFFFFFE20]  }
0xfa: {  	v60 =	vld [tilespmem:s1+$0x0]  }
0xfb: {  	v5 =	vld [tilespmem:s16+$0xFFFFFE20]  }
0xfc: {  	v6 =	vld [tilespmem:s1+$0xFFFFFE30]  }
0xfd: {  	v7 =	vld [tilespmem:s16+$0xFFFFFE30]  }
0xfe: {  	v8 =	vld [tilespmem:s1+$0xFFFFFE40]  }
0xff: {  	[tilespmem:$0x1FCC0] =	vst v60;
	v60 =	vld [tilespmem:s16+$0x0]  }
0x100: {  	v9 =	vld [tilespmem:s16+$0xFFFFFE40]  }
0x101: {  	v10 =	vld [tilespmem:s1+$0xFFFFFE50]  }
0x102: {  	v11 =	vld [tilespmem:s16+$0xFFFFFE50]  }
0x103: {  	v12 =	vld [tilespmem:s1+$0xFFFFFE60]  }
0x104: {  	[tilespmem:$0x1FCD0] =	vst v60;
	v60 =	vld [tilespmem:s1+$0x10]  }
0x105: {  	v13 =	vld [tilespmem:s16+$0xFFFFFE60]  }
0x106: {  	v14 =	vld [tilespmem:s1+$0xFFFFFE70]  }
0x107: {  	v15 =	vld [tilespmem:s16+$0xFFFFFE70]  }
0x108: {  	v16 =	vld [tilespmem:s1+$0xFFFFFE80]  }
0x109: {  	[tilespmem:$0x1FCE0] =	vst v60;
	v60 =	vld [tilespmem:s1+$0x20]  }
0x10a: {  	v17 =	vld [tilespmem:s16+$0xFFFFFE80]  }
0x10b: {  	v18 =	vld [tilespmem:s1+$0xFFFFFE90]  }
0x10c: {  	v19 =	vld [tilespmem:s16+$0xFFFFFE90]  }
0x10d: {  	v20 =	vld [tilespmem:s1+$0xFFFFFEA0]  }
0x10e: {  	[tilespmem:$0x1FCF0] =	vst v60;
	v60 =	vld [tilespmem:s16+$0x20]  }
0x10f: {  	v21 =	vld [tilespmem:s16+$0xFFFFFEA0]  }
0x110: {  	v22 =	vld [tilespmem:s1+$0xFFFFFEB0]  }
0x111: {  	v23 =	vld [tilespmem:s16+$0xFFFFFEB0]  }
0x112: {  	v24 =	vld [tilespmem:s1+$0xFFFFFEC0]  }
0x113: {  	[tilespmem:$0x1FD00] =	vst v60;
	v60 =	vld [tilespmem:s1+$0x30]  }
0x114: {  	v25 =	vld [tilespmem:s16+$0xFFFFFEC0]  }
0x115: {  	v26 =	vld [tilespmem:s1+$0xFFFFFED0]  }
0x116: {  	v27 =	vld [tilespmem:s16+$0xFFFFFED0]  }
0x117: {  	v28 =	vld [tilespmem:s1+$0xFFFFFEE0]  }
0x118: {  	[tilespmem:$0x1FD10] =	vst v60;
	v60 =	vld [tilespmem:s16+$0x30]  }
0x119: {  	v29 =	vld [tilespmem:s16+$0xFFFFFEE0]  }
0x11a: {  	v30 =	vld [tilespmem:s1+$0xFFFFFEF0]  }
0x11b: {  	v31 =	vld [tilespmem:s16+$0xFFFFFEF0]  }
0x11c: {  	v32 =	vld [tilespmem:s1+$0xFFFFFF00]  }
0x11d: {  	[tilespmem:$0x1FD20] =	vst v60;
	v60 =	vld [tilespmem:s1+$0x40]  }
0x11e: {  	v33 =	vld [tilespmem:s16+$0xFFFFFF00]  }
0x11f: {  	v34 =	vld [tilespmem:s1+$0xFFFFFF10]  }
0x120: {  	v35 =	vld [tilespmem:s16+$0xFFFFFF10]  }
0x121: {  	v36 =	vld [tilespmem:s1+$0xFFFFFF20]  }
0x122: {  	[tilespmem:$0x1FD30] =	vst v60;
	v60 =	vld [tilespmem:s16+$0x40]  }
0x123: {  	v37 =	vld [tilespmem:s16+$0xFFFFFF20]  }
0x124: {  	v38 =	vld [tilespmem:s1+$0xFFFFFF30]  }
0x125: {  	v39 =	vld [tilespmem:s16+$0xFFFFFF30]  }
0x126: {  	v40 =	vld [tilespmem:s1+$0xFFFFFF40]  }
0x127: {  	[tilespmem:$0x1FD40] =	vst v60;
	v60 =	vld [tilespmem:s1+$0x50]  }
0x128: {  	v41 =	vld [tilespmem:s16+$0xFFFFFF40]  }
0x129: {  	v42 =	vld [tilespmem:s1+$0xFFFFFF50]  }
0x12a: {  	v43 =	vld [tilespmem:s16+$0xFFFFFF50]  }
0x12b: {  	v44 =	vld [tilespmem:s1+$0xFFFFFF60]  }
0x12c: {  	[tilespmem:$0x1FD50] =	vst v60;
	v60 =	vld [tilespmem:s16+$0x50]  }
0x12d: {  	v45 =	vld [tilespmem:s16+$0xFFFFFF60]  }
0x12e: {  	v46 =	vld [tilespmem:s1+$0xFFFFFF70]  }
0x12f: {  	v47 =	vld [tilespmem:s16+$0xFFFFFF70]  }
0x130: {  	v48 =	vld [tilespmem:s1+$0xFFFFFF80]  }
0x131: {  	[tilespmem:$0x1FD60] =	vst v60;
	v60 =	vld [tilespmem:s1+$0x60]  }
0x132: {  	v49 =	vld [tilespmem:s16+$0xFFFFFF80]  }
0x133: {  	v50 =	vld [tilespmem:s1+$0xFFFFFF90]  }
0x134: {  	v51 =	vld [tilespmem:s16+$0xFFFFFF90]  }
0x135: {  	v52 =	vld [tilespmem:s1+$0xFFFFFFA0]  }
0x136: {  	[tilespmem:$0x1FD70] =	vst v60;
	v60 =	vld [tilespmem:s16+$0x60]  }
0x137: {  	v53 =	vld [tilespmem:s16+$0xFFFFFFA0]  }
0x138: {  	v54 =	vld [tilespmem:s1+$0xFFFFFFB0]  }
0x139: {  	v55 =	vld [tilespmem:s16+$0xFFFFFFB0]  }
0x13a: {  	v56 =	vld [tilespmem:s1+$0xFFFFFFC0]  }
0x13b: {  	[tilespmem:$0x1FD80] =	vst v60;
	v60 =	vld [tilespmem:s1+$0x70]  }
0x13c: {  	v57 =	vld [tilespmem:s16+$0xFFFFFFC0]  }
0x13d: {  	v58 =	vld [tilespmem:s1+$0xFFFFFFD0]  }
0x13e: {  	v63 =	vld [tilespmem:s1+$0xFFFFFFE0]  }
0x13f: {  	v59 =	vld [tilespmem:s16+$0xFFFFFFD0]  }
0x140: {  	[tilespmem:$0x1FD90] =	vst v60;
	v60 =	vld [tilespmem:s16+$0x70]  }
0x141: {  	v61 =	vld [tilespmem:s16+$0xFFFFFFE0]  }
0x142: {  	v62 =	vld [tilespmem:s1+$0xFFFFFFF0]  }
0x143: {  	[tilespmem:$0x1FCB0] =	vst v63;
	v63 =	vld [tilespmem:s16+$0xFFFFFFF0]  }
0x144: {  	[tilespmem:$0x1FCA0] =	vst v58;
	v58 =	vld [tilespmem:s16+$0x10]  }
0x145: {  	[tilespmem:$0x1FDA0] =	vst v60;
	v60 =	vld [tilespmem:s1+$0x80]  }
0x146: {  	v0 =	vmul.f32 v1, v0;
	v1 =	vld [tilespmem:s16+$0xC0]  }
0x147: {  	v8 =	vmul.f32 v9, v8;
	v9 =	vld [tilespmem:s16+$0xD0]  }
0x148: {  	v2 =	vmul.f32 v3, v2;
	v3 =	vld [tilespmem:s1+$0xE0]  }
0x149: {  	v4 =	vmul.f32 v5, v4;
	v5 =	vmul.f32 v7, v6;
	v6 =	vld [tilespmem:s16+$0xE0]  }
0x14a: {  	[tilespmem:$0x1FDB0] =	vst v60;
	v60 =	vld [tilespmem:s16+$0x80]  }
0x14b: {  	v7 =	vmul.f32 v11, v10;
	v10 =	vld [tilespmem:s1+$0xF0]  }
0x14c: {  	v11 =	vld [tilespmem:s16+$0x100]  }
0x14d: {  	v17 =	vmul.f32 v17, v16;
	v16 =	vld [tilespmem:s16+$0x110]  }
0x14e: {  	v19 =	vmul.f32 v19, v18;
	v18 =	vld [tilespmem:s1+$0x120]  }
0x14f: {  	[tilespmem:$0x1FDC0] =	vst v60;
	v60 =	vld [tilespmem:s1+$0x90]  }
0x150: {  	v21 =	vmul.f32 v21, v20;
	v20 =	vld [tilespmem:s16+$0x130]  }
0x151: {  	v23 =	vmul.f32 v23, v22;
	v22 =	vld [tilespmem:s1+$0x140];
	v0 =	vadd.f32 $0.0e+00, v0  }
0x152: {  	v35 =	vmul.f32 v35, v34;
	v34 =	vld [tilespmem:$0x1FCA0]  }
0x153: {  	v2 =	vadd.f32 $0.0e+00, v2;
	v0 =	vadd.f32 v8, v0;
	v8 =	vmul.f32 v13, v12;
	v12 =	vld [tilespmem:s16+$0xF0]  }
0x154: {  	[tilespmem:$0x1FDD0] =	vst v60;
	v60 =	vld [tilespmem:s16+$0x90]  }
0x155: {  	v2 =	vadd.f32 v7, v2;
	v13 =	vld [tilespmem:s1+$0x110]  }
0x156: {  	v0 =	vadd.f32 v17, v0;
	v17 =	vld [tilespmem:s1+$0x130]  }
0x157: {  	v25 =	vmul.f32 v25, v24;
	v4 =	vadd.f32 $0.0e+00, v4;
	v2 =	vadd.f32 v19, v2;
	v19 =	vld [tilespmem:s16+$0x140]  }
0x158: {  	v27 =	vmul.f32 v27, v26;
	v24 =	vmul.f32 v39, v38;
	v38 =	vld [tilespmem:$0x1FCD0]  }
0x159: {  	v4 =	vadd.f32 v8, v4;
	[tilespmem:$0x1FDE0] =	vst v60;
	v60 =	vld [tilespmem:s1+$0xA0]  }
0x15a: {  	v7 =	vmul.f32 v59, v34;
	v34 =	vld [tilespmem:s1+$0x1A0];
	v2 =	vadd.f32 v27, v2  }
0x15b: {  	v4 =	vadd.f32 v21, v4;
	v21 =	vld [tilespmem:s1+$0x150]  }
0x15c: {  	v33 =	vmul.f32 v33, v32;
	v0 =	vadd.f32 v25, v0;
	v2 =	vadd.f32 v35, v2;
	v35 =	vld [tilespmem:$0x1FCB0]  }
0x15d: {  	v26 =	vmul.f32 v43, v42;
	v39 =	vld [tilespmem:$0x1FCE0]  }
0x15e: {  	v29 =	vmul.f32 v29, v28;
	v25 =	vmul.f32 v41, v40;
	v0 =	vadd.f32 v33, v0;
	[tilespmem:$0x1FDF0] =	vst v60;
	v60 =	vld [tilespmem:s16+$0xA0]  }
0x15f: {  	v31 =	vmul.f32 v31, v30;
	v30 =	vmul.f32 v51, v50;
	v2 =	vadd.f32 v26, v2;
	v26 =	vld [tilespmem:s1+$0x160]  }
0x160: {  	v0 =	vadd.f32 v25, v0;
	v25 =	vld [tilespmem:s1+$0x170]  }
0x161: {  	v4 =	vadd.f32 v29, v4;
	v29 =	vmul.f32 v49, v48;
	v2 =	vadd.f32 v30, v2;
	v30 =	vld [tilespmem:s1+$0x180]  }
0x162: {  	v40 =	vld [tilespmem:$0x1FCF0]  }
0x163: {  	v0 =	vadd.f32 v29, v0;
	v2 =	vadd.f32 v7, v2;
	v29 =	vmul.f32 v58, v39;
	[tilespmem:$0x1FE00] =	vst v60;
	v60 =	vld [tilespmem:s1+$0xB0]  }
0x164: {  	v39 =	vld [tilespmem:s1+$0x1D0]  }
0x165: {  	v2 =	vadd.f32 v29, v2;
	v29 =	vld [tilespmem:s1+$0x190]  }
0x166: {  	v41 =	vld [tilespmem:$0x1FD00]  }
0x167: {  	v42 =	vld [tilespmem:$0x1FD10]  }
0x168: {  	[tilespmem:$0x1FE10] =	vst v60;
	v60 =	vld [tilespmem:s16+$0xB0]  }
0x169: {  	v43 =	vld [tilespmem:$0x1FD20]  }
0x16a: {  	v27 =	vmul.f32 v45, v44;
	v44 =	vld [tilespmem:$0x1FD30]  }
0x16b: {  	v45 =	vld [tilespmem:$0x1FD40]  }
0x16c: {  	v28 =	vmul.f32 v47, v46;
	v46 =	vld [tilespmem:$0x1FD50]  }
0x16d: {  	[tilespmem:$0x1FE20] =	vst v60;
	v60 =	vld [tilespmem:s1+$0xC0]  }
0x16e: {  	v47 =	vld [tilespmem:$0x1FD60]  }
0x16f: {  	v48 =	vld [tilespmem:$0x1FD70]  }
0x170: {  	v49 =	vld [tilespmem:$0x1FD80]  }
0x171: {  	v50 =	vld [tilespmem:$0x1FD90]  }
0x172: {  	[tilespmem:$0x1FE30] =	vst v60;
	v60 =	vld [tilespmem:s1+$0xD0]  }
0x173: {  	v51 =	vld [tilespmem:$0x1FDA0]  }
0x174: {  	v32 =	vmul.f32 v55, v54;
	v54 =	vld [tilespmem:$0x1FDD0]  }
0x175: {  	v55 =	vld [tilespmem:$0x1FDE0]  }
0x176: {  	v33 =	vmul.f32 v57, v56;
	v56 =	vld [tilespmem:$0x1FDF0]  }
0x177: {  	v5 =	vadd.f32 $0.0e+00, v5;
	v57 =	vld [tilespmem:$0x1FE00];
	[tilespmem:$0x1FE40] =	vst v60;
	v60 =	vmul.f32 v15, v14  }
0x178: {  	v58 =	vld [tilespmem:$0x1FE10]  }
0x179: {  	v59 =	vld [tilespmem:$0x1FE20];
	v5 =	vadd.f32 v60, v5  }
0x17a: {  	v8 =	vmul.f32 v61, v35;
	v61 =	vld [tilespmem:$0x1FE30]  }
0x17b: {  	v14 =	vld [tilespmem:s1+$0x100];
	v5 =	vadd.f32 v23, v5  }
0x17c: {  	v60 =	vmul.f32 v37, v36;
	v37 =	vld [tilespmem:$0x1FCC0]  }
0x17d: {  	v15 =	vld [tilespmem:s16+$0x120];
	v5 =	vadd.f32 v31, v5  }
0x17e: {  	v3 =	vmul.f32 v6, v3;
	v36 =	vmul.f32 v63, v62;
	v62 =	vld [tilespmem:$0x1FE40];
	v4 =	vadd.f32 v60, v4  }
0x17f: {  	v0 =	vadd.f32 v33, v0;
	v33 =	vmul.f32 v51, v50;
	v63 =	vld [tilespmem:s1+$0x1C0];
	v5 =	vadd.f32 v24, v5  }
0x180: {  	v35 =	vmul.f32 v59, v58;
	v23 =	vld [tilespmem:s16+$0x160];
	v4 =	vadd.f32 v27, v4;
	v31 =	vmul.f32 v53, v52  }
0x181: {  	v1 =	vmul.f32 v1, v61;
	v60 =	vld [tilespmem:s16+$0x1B0];
	v7 =	vmul.f32 v38, v37;
	v5 =	vadd.f32 v28, v5  }
0x182: {  	v52 =	vld [tilespmem:$0x1FDB0];
	v38 =	vmul.f32 v12, v10;
	v4 =	vadd.f32 v31, v4;
	v31 =	vmul.f32 v47, v46  }
0x183: {  	v53 =	vld [tilespmem:$0x1FDC0];
	v46 =	vmul.f32 v19, v22;
	v0 =	vadd.f32 v7, v0;
	v5 =	vadd.f32 v32, v5  }
0x184: {  	v27 =	vld [tilespmem:s16+$0x180];
	v7 =	vmul.f32 v43, v42;
	v4 =	vadd.f32 v8, v4;
	v8 =	vmul.f32 v41, v40  }
0x185: {  	v24 =	vld [tilespmem:s16+$0x150];
	v43 =	vmul.f32 v15, v18;
	v50 =	vmul.f32 v23, v26;
	v5 =	vadd.f32 v36, v5  }
0x186: {  	v47 =	vld [tilespmem:s16+$0x1E0];
	v2 =	vadd.f32 v31, v2;
	v4 =	vadd.f32 v8, v4;
	v8 =	vmul.f32 v45, v44  }
0x187: {  	v42 =	vld [tilespmem:s16+$0x1D0];
	v40 =	vmul.f32 v11, v14;
	v5 =	vadd.f32 v7, v5;
	v7 =	vmul.f32 v49, v48  }
0x188: {  	v28 =	vld [tilespmem:s16+$0x170];
	v41 =	vmul.f32 v16, v13;
	v0 =	vadd.f32 v8, v0;
	v8 =	vmul.f32 v53, v52  }
0x189: {  	v31 =	vld [tilespmem:s16+$0x1A0];
	v44 =	vmul.f32 v20, v17;
	v4 =	vadd.f32 v7, v4;
	v7 =	vmul.f32 v55, v54  }
0x18a: {  	v45 =	vld [tilespmem:s1+$0x1E0];
	v0 =	vadd.f32 v8, v0;
	v8 =	vmul.f32 v57, v56;
	v5 =	vadd.f32 v33, v5  }
0x18b: {  	v32 =	vld [tilespmem:s16+$0x190];
	v53 =	vmul.f32 v27, v30;
	v2 =	vadd.f32 v7, v2;
	v7 =	vmul.f32 v9, v62  }
0x18c: {  	v52 =	vld [tilespmem:s16+$0x1F0];
	v58 =	vmul.f32 v42, v39;
	v4 =	vadd.f32 v8, v4;
	v5 =	vadd.f32 v35, v5  }
0x18d: {  	v51 =	vmul.f32 v28, v25;
	v33 =	vld [tilespmem:s1+$0x1B0];
	v0 =	vadd.f32 v1, v0;
	v37 =	vadd.f32 v7, v2  }
0x18e: {  	v48 =	vmul.f32 v24, v21;
	v35 =	vld [tilespmem:s16+$0x1C0];
	v3 =	vadd.f32 v3, v4;
	v2 =	vadd.f32 v38, v5  }
0x18f: {  	v49 =	vld [tilespmem:s1+$0x1F0];
	v59 =	vmul.f32 v47, v45;
	v0 =	vadd.f32 v40, v0;
	v1 =	vadd.f32 v41, v37  }
0x190: {  	v54 =	vmul.f32 v32, v29;
	v3 =	vadd.f32 v43, v3;
	v2 =	vadd.f32 v44, v2  }
0x191: {  	v55 =	vmul.f32 v31, v34;
	v0 =	vadd.f32 v46, v0;
	v1 =	vadd.f32 v48, v1  }
0x192: {  	v56 =	vmul.f32 v60, v33;
	v3 =	vadd.f32 v50, v3;
	v2 =	vadd.f32 v51, v2  }
0x193: {  	v0 =	vadd.f32 v53, v0;
	v57 =	vmul.f32 v35, v63;
	v1 =	vadd.f32 v54, v1  }
0x194: {  	v60 =	vmul.f32 v52, v49;
	v3 =	vadd.f32 v55, v3;
	v2 =	vadd.f32 v56, v2  }
0x195: {  	v0 =	vadd.f32 v57, v0;
	v1 =	vadd.f32 v58, v1  }
0x196: {  	v3 =	vadd.f32 v59, v3;
	v2 =	vadd.f32 v60, v2;
	_ =	sdelay $0x1  }
0x197: {  	v0 =	vadd.f32 v1, v0;
	v61 =	vadd.f32 v2, v3;
	_ =	sdelay $0x1  }
0x198: {  	v0 =	vadd.f32 v61, v0  }
0x199: {  	s9 =	sshra.s32 s15, $0x2  }
0x19a: {  	v62 =	vld [tilespmem:s9+$0x17850];
	[tilespmem:$0x17A50] =	vst v0  }
0x19b: {  	[tilespmem:$0x17A60] =	vst v0  }
0x19c: {  	v63 =	vld [tilespmem:$0x17A58];
	_ =	sdelay $0x4  }
0x19d: {  	v0 =	vadd.f32 v0, v63;
	_ =	sdelay $0x1  }
0x19e: {  	v0 =	vadd.f32 v0, v62;
	_ =	sdelay $0x1  }
0x19f: {  	v0 =	vmul.f32 $1.442695020e+00, v0;
	_ =	sdelay $0x1  }
0x1a0: {  	(erf) = vpow2.f32 v0;
	_ =	sdelay $0x4  }
0x1a1: {  	p0 =	sne.s32 s15, $0x3C0  }
.Ltmp2:
0x1a2: {  	_ = 	snop;
	(pc) =	sbr.rel @p0 .LBB2_7-.Ltmp2, $3  }
0x1a3: {  	_ =	sdelay $0x1  }
0x1a4: {  	v0 =	vpop (erf)  }
0x1a5: {  	s15 =	sadd.s32 $0x40, s15;
	s1 =	sadd.s32 $0x400, s1;
	s16 =	sadd.s32 $0x400, s16;
	[tilespmem:s9+$0x17950] =	vst v0  }
0x1a6: {  	v0 =	vld [tilespmem:s13+$0x6400];
	_ =	sdelay $0x2  }
0x1a7: {  	s1 =	sadd.s32 s4, s13  }
0x1a8: {  	s1 =	sshll.u32 s1, $0x1  }
0x1a9: {  	s1 =	sadd.s32 s7, s1;
	[tilespmem:$0x17840] =	vst v0  }
0x1aa: {  	[hbm4b:s1+s3] =	stream.linear.scatter [tilespmem:s29], [sflag:$0x3], $0x100, $0x38;
	[tilespmem:$0x17A70] =	vst v63  }
0x1ab: {  	_ =	swait.ge [sflag:s14], $0x100  }
0x1ac: {  	p0 =	sne.s32 s0, $0x140;
	[sflag:s14] =	ssyncset.done $0x0  }
.Ltmp3:
0x1ad: {  	[sflag:s14] =	ssyncadd.s32 $0xFFFFFF00;
	(pc) =	sbr.rel @p0 .LBB2_4-.Ltmp3, $4  }
0x1ae: {  	[spmem:s2] =	stream.indirect.scatter.add.f32 [tilespmem:s29], [sflag:$0x3], $0x10, s30, s17, $0xb8;
	[tilespmem:$0x17A70] =	vst v63  }
0x1af: {  	_ =	swait.ge [sflag:s14], $0x100  }
0x1b0: {  	[sflag:s14] =	ssyncset.done $0x0  }
0x1b1: {  	[sflag:s14] =	ssyncadd.s32 $0xFFFFFF00  }
0x1b2: {  	_ =	swait.ge [sflag:s22], $0x4000  }
0x1b3: {  	[sflag:s22] =	ssyncset.done $0x0  }
0x1b4: {  	[sflag:s22] =	ssyncadd.s32 $0xFFFFC000  }
0x1b5: {  	s0 =	stileid.u32;
	_ =	swait.ge [sflag:s22], $0x4000  }
0x1b6: {  	s1 =	sshrl.u32 s8, $0x3;
	s31 =	sadd.s32 $0x1, s31;
	[sflag:s22] =	ssyncset.done $0x0  }
0x1b7: {  	s0 =	sshll.u32 s0, $0x6;
	p0 =	sne.s32 s31, s12;
	[sflag:s22] =	ssyncadd.s32 $0xFFFFC000  }
.Ltmp4:
0x1b8: {  	s0 =	sor.u32 $0x1C03, s0;
	[bflag:$0x0] =	sbarrier.arrive $0xFFFF;
	(pc) =	sbr.rel @p0 .LBB2_1-.Ltmp4, $4  }
0x1b9: {  	[hbm:s11], [sflag:s0] =	dma.local [spmem:s1], $0x500  }
0x1ba: {  	_ =	swait.ge [sflag:s14], $0x500  }
0x1bb: {  	[sflag:s14] =	ssyncset.done $0x0  }
0x1bc: {  	v0 =	vimm.f32 $0.0e+00;
	[sflag:s14] =	ssyncadd.s32 $0xFFFFFB00  }
0x1bd: {  	_ =	sfence.sel $0x180000  }
0x1be: {  	[bflag:$0x0] =	sbarrier.arrive $0xFFFF  }
0x1bf: {  	_ =	strace $0x9000004D  }
0x1c0: {  	s0 =	stileid.u32;
	[bflag:$0x2] =	sbarrier.arrive $0xFFFF  }
0x1c1: {  	p0 =	sne.s32 s0, $0x0;
	s0 =	rddreg [dreg:$0x2]  }
0x1c2: {  	s0 =	sadd.s32 @!p0 $0x100000, s0  }
0x1c3: {  	[sflag:s0] =	ssyncadd.tile.s32 @!p0 $0x1;
	_ =	shalt  }
.Lfunc_end2:
_tile_overlayer_lowered:
.L_overlay_start_2:
0x1c4: {  	(tag) =	ssettag $0x2  }
0x1c5: {  	s0 =	rddreg [dreg:$0x0];
	s2 =	stileid.u32  }
0x1c6: {  	s1 =	rddreg [dreg:$0x1];
	p0 =	sne.s32 s2, $0x0  }
0x1c7: {  	s3 =	rddreg [dreg:$0x2];
	[bflag:$0x3] =	sbarrier.arrive $0xFFFF;
	s2 =	simm.s32 @!p0 $0x1C03  }
0x1c8: {  	[timem:s3], [sflag:s2] =	dma.local @!p0 [hbm:s0], s1  }
0x1c9: {  	s0 =	simm.s32 @!p0 $0x3  }
0x1ca: {  	_ =	swait.ge @!p0 [sflag:s0], s1  }
0x1cb: {  	s1 =	ssub.s32 @!p0 $0x0, s1;
	[sflag:s0] =	ssyncset.done @!p0 $0x0  }
0x1cc: {  	[sflag:s0] =	ssyncadd.s32 @!p0 s1  }
0x1cd: {  	[bflag:$0x3] =	sbarrier.arrive $0xFFFF  }
0x1ce: {  	_ =	shalt  }

// kernel: kernel.14.cloned.1.call-start
scs
__scs_entry_jumppad:
0x0: {  	(pc) =	sbr.rel $0x88, $3  }
0x1: {  	(tag) =	ssettag $0x0;
	lr =	simm.s32 $0x1  }
0x2: {  	[smem:$0x3F8D] =	sst lr;
	_ =	strace $0xD0000000  }
0x3: {  	_ = 	snop  }
0x4: {  	_ = 	snop  }
0x5: {  	_ = 	snop  }
0x6: {  	_ = 	snop  }
0x7: {  	_ = 	snop  }
__scs_overlays_trampoline_lowered:
0x8: {  	[smem:$0x3F9C] =	sst s0  }
0x9: {  	[smem:$0x3F9D] =	sst s1  }
0xa: {  	[smem:$0x3F9E] =	sst s2  }
0xb: {  	[smem:$0x3F9F] =	sst s3  }
0xc: {  	[smem:$0x3FA0] =	sst s4  }
0xd: {  	[smem:$0x3FA1] =	sst s5  }
0xe: {  	[smem:$0x3FA2] =	sst s6  }
0xf: {  	[smem:$0x3FA3] =	sst s7  }
0x10: {  	[smem:$0x3FA4] =	sst s8  }
0x11: {  	[smem:$0x3FA5] =	sst s9;
	s0 =	simm.s32 @!p0 $0x0  }
0x12: {  	s1 =	sld [smem:$0x3F8B];
	s0 =	simm.s32 @p0 $0x1  }
0x13: {  	[smem:$0x3FA6] =	sst s0;
	s0 =	simm.s32 @!p1 $0x0  }
0x14: {  	s2 =	sld [smem:$0x3F8A];
	s0 =	simm.s32 @p1 $0x1  }
0x15: {  	[smem:$0x3FA7] =	sst s0;
	s0 =	simm.s32 @!p2 $0x0  }
0x16: {  	s3 =	sld [smem:$0x3FDB];
	s0 =	simm.s32 @p2 $0x1  }
0x17: {  	s4 =	simm.s32 $0x1BF5;
	[smem:$0x3FA9] =	sst s0  }
0x18: {  	s0 =	sld [smem:$0x3F8C];
	_ =	swait.ge [sflag:s4], $0x0  }
0x19: {  	s7 =	sld [smem:$0x3F8D]  }
0x1a: {  	s8 =	sadd.s32 $0xFFFFE003, lr  }
0x1b: {  	s9 =	sadd.s32 $0xFFFFFEF7, lr;
	s5 =	simm.s32 $0xFFFFFFFF;
	p2 =	slt.u32 s8, $0xFFFFF086  }
0x1c: {  	p1 =	slt.u32 s9, $0xF7A;
	s5 =	simm.s32 @!p2 $0x0  }
0x1d: {  	s5 =	simm.s32 @p1 $0x1;
	p0 =	seq.s32 s7, s2  }
0x1e: {  	s7 =	smul.u32 @!p0 $0xF7A, s2;
	p2 =	seq.s32 @!p0 s5, $0x0  }
0x1f: {  	s9 =	smul.u32 $0xF7A, s1;
	s8 =	simm.s32 @!p0 $0x1BF5;
	p2 =	por !p2, p0  }
0x20: {  	[sflag:s8] =	ssyncset.s32 @!p0 $0xFFFFF086;
	s6 =	sadd.s32 @!p0 s3, s7;
	s7 =	simm.s32 @!p0 $0x108  }
0x21: {  	s3 =	sadd.s32 s3, s9;
	s6 =	sadd.s32 @!p0 $0x88, s6;
	s7 =	simm.s32 @p2 $0x1082  }
0x22: {  	[simem:s7], [sflag:s8] =	dma.local @!p0 [hbm:s6], $0xF7A  }
0x23: {  	s9 =	sor.u32 $0xD0000000, s2;
	s6 =	simm.s32 $0x108;
	_ =	swait.ge @!p0 [sflag:s8], $0x0  }
0x24: {  	s3 =	sadd.s32 $0x88, s3;
	s6 =	simm.s32 @!p1 $0x1082;
	[sflag:s4] =	ssyncset.s32 $0xFFFFF086  }
0x25: {  	[simem:s6], [sflag:s4] =	dma.local [hbm:s3], $0xF7A  }
0x26: {  	[smem:$0x3F8D] =	sst s1;
	(tag) =	ssettag s2;
	_ =	strace s9  }
0x27: {  	s1 =	sld [smem:$0x3F9D]  }
0x28: {  	s2 =	sld [smem:$0x3F9E]  }
0x29: {  	s4 =	sld [smem:$0x3FA0]  }
0x2a: {  	p0 =	seq.s32 s5, $0x0;
	s5 =	sld [smem:$0x3FA1]  }
0x2b: {  	s6 =	sld [smem:$0x3FA2]  }
0x2c: {  	s7 =	sld [smem:$0x3FA3]  }
0x2d: {  	s3 =	simm.s32 $0x108;
	s8 =	sld [smem:$0x3FA4]  }
0x2e: {  	s3 =	simm.s32 @!p0 $0x1082;
	s9 =	sld [smem:$0x3FA5]  }
0x2f: {  	lr =	sadd.s32 s0, s3;
	s0 =	sld [smem:$0x3F9C]  }
0x30: {  	s3 =	sld [smem:$0x3F9F]  }
0x31: {  	[smem:$0x3FA8] =	sst s10  }
0x32: {  	s10 =	sld [smem:$0x3FA6];
	_ =	sdelay $0x3  }
0x33: {  	p0 =	seq.s32 s10, $0x1;
	s10 =	sld [smem:$0x3FA8];
	_ =	sdelay $0x3  }
0x34: {  	[smem:$0x3FA8] =	sst s10  }
0x35: {  	s10 =	sld [smem:$0x3FA7];
	_ =	sdelay $0x3  }
0x36: {  	p1 =	seq.s32 s10, $0x1;
	s10 =	sld [smem:$0x3FA8];
	_ =	sdelay $0x3  }
0x37: {  	[smem:$0x3FA8] =	sst s10  }
0x38: {  	s10 =	sld [smem:$0x3FA9]  }
0x39: {  	_ = 	snop;
	(pc) =	sbr.ind lr, $3  }
0x3a: {  	_ = 	snop  }
0x3b: {  	_ = 	snop  }
0x3c: {  	p2 =	seq.s32 s10, $0x1;
	s10 =	sld [smem:$0x3FA8]  }
0x3d: {  	_ =	shalt  }
0x3e: {  	_ =	shalt  }
0x3f: {  	_ =	shalt  }
0x40: {  	_ =	shalt  }
0x41: {  	_ =	shalt  }
0x42: {  	_ =	shalt  }
0x43: {  	_ =	shalt  }
0x44: {  	_ =	shalt  }
0x45: {  	_ =	shalt  }
0x46: {  	_ =	shalt  }
0x47: {  	_ =	shalt  }
0x48: {  	_ =	shalt  }
0x49: {  	_ =	shalt  }
0x4a: {  	_ =	shalt  }
0x4b: {  	_ =	shalt  }
0x4c: {  	_ =	shalt  }
0x4d: {  	_ =	shalt  }
0x4e: {  	_ =	shalt  }
0x4f: {  	_ =	shalt  }
0x50: {  	_ =	shalt  }
0x51: {  	_ =	shalt  }
0x52: {  	_ =	shalt  }
0x53: {  	_ =	shalt  }
0x54: {  	_ =	shalt  }
0x55: {  	_ =	shalt  }
0x56: {  	_ =	shalt  }
0x57: {  	_ =	shalt  }
0x58: {  	_ =	shalt  }
0x59: {  	_ =	shalt  }
0x5a: {  	_ =	shalt  }
0x5b: {  	_ =	shalt  }
0x5c: {  	_ =	shalt  }
0x5d: {  	_ =	shalt  }
0x5e: {  	_ =	shalt  }
0x5f: {  	_ =	shalt  }
0x60: {  	_ =	shalt  }
0x61: {  	_ =	shalt  }
0x62: {  	_ =	shalt  }
0x63: {  	_ =	shalt  }
0x64: {  	_ =	shalt  }
0x65: {  	_ =	shalt  }
0x66: {  	_ =	shalt  }
0x67: {  	_ =	shalt  }
0x68: {  	_ =	shalt  }
0x69: {  	_ =	shalt  }
0x6a: {  	_ =	shalt  }
0x6b: {  	_ =	shalt  }
0x6c: {  	_ =	shalt  }
0x6d: {  	_ =	shalt  }
0x6e: {  	_ =	shalt  }
0x6f: {  	_ =	shalt  }
0x70: {  	_ =	shalt  }
0x71: {  	_ =	shalt  }
0x72: {  	_ =	shalt  }
0x73: {  	_ =	shalt  }
0x74: {  	_ =	shalt  }
0x75: {  	_ =	shalt  }
0x76: {  	_ =	shalt  }
0x77: {  	_ =	shalt  }
0x78: {  	_ =	shalt  }
0x79: {  	_ =	shalt  }
0x7a: {  	_ =	shalt  }
0x7b: {  	_ =	shalt  }
0x7c: {  	_ =	shalt  }
0x7d: {  	_ =	shalt  }
0x7e: {  	_ =	shalt  }
0x7f: {  	_ =	shalt  }
0x80: {  	_ =	shalt  }
0x81: {  	_ =	shalt  }
0x82: {  	_ =	shalt  }
0x83: {  	_ =	shalt  }
0x84: {  	_ =	shalt  }
0x85: {  	_ =	shalt  }
0x86: {  	_ =	shalt  }
0x87: {  	_ =	shalt  }
.Lfunc_end0:
.L_simem_size_0:
called_computation.3_lowered:
.L_overlay_start_0:
0x88: {  	s2 =	sld [smem:$0x3FD9]  }
0x89: {  	s3 =	sld [smem:$0x3FFE];
	_ =	sdelay $0x1  }
0x8a: {  	s1 =	srdreg.scid  }
0x8b: {  	s0 =	sand.u32 $0x1, s1  }
0x8c: {  	s16 =	sshll.u32 s0, $0xA;
	s2 =	sadd.s32 s3, s2  }
0x8d: {  	s2 =	sadd.s32 s2, s16  }
0x8e: {  	[smem:$0x3FB4] =	sst s2  }
0x8f: {  	_ = 	snop  }
0x90: {  	(tm) =	ssettm $0x1  }
0x91: {  	s17 =	sld [smem:$0x3FFB];
	_ =	sdelay $0x3  }
0x92: {  	_ =	strace s17  }
0x93: {  	s2 =	sld [smem:$0x3FFC];
	_ =	sdelay $0x3  }
0x94: {  	_ =	strace s2  }
0x95: {  	s2 =	sld [smem:$0x3FFD];
	_ =	sdelay $0x3  }
0x96: {  	_ =	strace s2  }
0x97: {  	_ =	strace $0x8FFFFFFF  }
0x98: {  	s18 =	sld [smem:$0x3FDB];
	_ =	sdelay $0x1  }
0x99: {  	s19 =	simm.s32 $_scs_section_size  }
0x9a: {  	s4 =	simm.s32 $_size__tile_overlayer_lowered;
	s5 =	simm.s32 $_tile_overlayer_lowered  }
0x9b: {  	s22 =	simm.s32 $0x1BFF;
	s21 =	sshll.u32 s5, $0x1;
	s2 =	sadd.s32 s19, s18  }
0x9c: {  	s6 =	simm.s32 $0x0;
	s20 =	sshll.u32 s4, $0x1;
	s4 =	sadd.s32 s21, s2  }
0x9d: {  	[timem:s6], [sflag:s22] =	dma.local [hbm:s4], s20  }
0x9e: {  	_ =	swait.ge [sflag:s22], s20  }
0x9f: {  	s3 =	ssub.s32 $0x0, s20;
	[sflag:s22] =	ssyncset.done $0x0  }
0xa0: {  	[sflag:s22] =	ssyncadd.s32 s3;
	_ =	sdelay $0x1  }
0xa1: {  	s23 =	simm.s32 $0x1B8B  }
0xa2: {  	_ =	swait.ge [sflag:s23], $0x1  }
0xa3: {  	[sflag:s23] =	ssyncset.done $0x0  }
0xa4: {  	s25 =	simm.s32 $0x1B8E;
	s24 =	sld [smem:$0x3FFE];
	[sflag:s23] =	ssyncadd.s32 $0xFFFFFFFF  }
0xa5: {  	s26 =	simm.s32 $execute0_lowered;
	[smem:$0x3FD2] =	sst s25  }
0xa6: {  	s4 =	sshll.u32 s26, $0x1;
	_ =	strace $0x8000004F;
	[dreg:$0x1] =	wrdreg $0xFFFFFFFF  }
0xa7: {  	s28 =	simm.s32 $_size_execute0_lowered;
	s2 =	sadd.s32 s2, s4;
	[dreg:$0x0] =	wrdreg $0x0  }
0xa8: {  	s4 =	sshll.u32 s28, $0x1;
	[dreg:$0x2] =	wrdreg s2  }
0xa9: {  	[dreg:$0x3] =	wrdreg s4  }
0xaa: {  	[dreg:$0x4] =	wrdreg $0xC0  }
0xab: {  	_ =	task [dreg:s6], $0x5FFFF  }
0xac: {  	[dreg:$0x1] =	wrdreg $0xFFFFFFFF  }
0xad: {  	[dreg:$0x0] =	wrdreg $0x60  }
0xae: {  	[dreg:$0x2] =	wrdreg s24  }
0xaf: {  	[dreg:$0x3] =	wrdreg $0x0  }
0xb0: {  	[dreg:$0x4] =	wrdreg $0x9  }
0xb1: {  	_ =	task.clear_ibuf [dreg:s6], $0x5FFFF;
	_ =	strace $0x9000004F  }
0xb2: {  	s29 =	simm.s32 $0x9;
	_ =	strace $0x80000051  }
0xb3: {  	_ =	swait.ge [sflag:s29], $0x1  }
0xb4: {  	[sflag:s29] =	ssyncadd.s32 $0xFFFFFFFF  }
0xb5: {  	_ =	strace $0x90000051  }
0xb6: {  	_ =	sfence  }
0xb7: {  	s30 =	sld [smem:$0x0];
	_ =	sdelay $0x2  }
0xb8: {  	s31 =	sshll.u32 s1, $0xD;
	s1 =	sshrl.u32 s1, $0x2  }
0xb9: {  	s3 =	sand.u32 $0x4000, s31;
	s1 =	sadd.s32 s1, s30  }
0xba: {  	s0 =	sor.u32 s3, s0;
	s1 =	sshll.u32 s1, $0x11  }
0xbb: {  	s0 =	sor.u32 s1, s0  }
0xbc: {  	s0 =	sadd.s32 $0x8F2B, s0  }
0xbd: {  	[sflag:s0] =	ssyncadd.remote.s32 $0x1  }
0xbe: {  	_ =	sfence.sel $0xFFFF  }
0xbf: {  	[dreg:$0x0] =	wrdreg $0xFFFFFFFF;
	(pc) =	sbr.abs _section_cstart, $3  }
0xc0: {  	[dreg:$0x1] =	wrdreg $0xFFFFFFFF  }
0xc1: {  	_ =	task.clear_ibuf [dreg:s6], $0x2FFFF;
	_ =	strace $0x9FFFFFFF  }
0xc2: {  	(tm) =	ssettm $0x7FFFFFFF  }
0xc3: {  	_ =	shalt  }
tec
execute0_lowered:
.L_overlay_start_1:
0x0: {  	(tag) =	ssettag $0x1  }
0x1: {  	s0 =	rddreg [dreg:$0x0]  }
0x2: {  	s2 =	rddreg [dreg:$0x1];
	s1 =	simm.s32 $0x0;
	s9 =	stileid.u32  }
0x3: {  	s14 =	srdreg.scid;
	s28 =	simm.s32 $0x19000;
	s29 =	simm.s32 $0x40  }
0x4: {  	s30 =	simm.s32 $0x1D8C0;
	s31 =	simm.s32 $0x1B000;
	s12 =	simm.s32 $0x0  }
0x5: {  	[smem:$0x7FF] =	sst s1;
	s4 =	smul.u32 $0x2800, s9;
	s5 =	sadd.s32 $0x555200, s0  }
0x6: {  	s6 =	sadd.s32 $0x5F200, s0;
	s1 =	sand.u32 $0x1, s14;
	s8 =	smul.u32 $0x50000, s9  }
0x7: {  	s18 =	smul.u32 $0x280, s9;
	s7 =	ssub.s32 $0x2, s1;
	s1 =	sshll.u32 s1, $0x3  }
0x8: {  	_ =	strace $0x80000050;
	s3 =	sshrl.u32 s4, $0x3;
	[dreg:$0x6] =	wrdreg s1  }
0x9: {  	[dreg:$0x7] =	wrdreg s18;
	s3 =	sadd.s32 s3, s0;
	s0 =	sadd.s32 $0x7D5200, s0  }
0xa: {  	s17 =	sshrl.u32 s8, $0x2;
	[dreg:$0x3] =	wrdreg s0;
	s16 =	sadd.s32 $0xA64200, s3  }
0xb: {  	s11 =	sadd.s32 s17, s2;
	s3 =	sadd.s32 $0xA5F200, s3;
	[dreg:$0x4] =	wrdreg s16  }
0xc: {  	s23 =	smul.u32 $0x5000, s9;
	s19 =	sadd.s32 $0x2000, s11;
	[dreg:$0x5] =	wrdreg s3  }
0xd: {  	s9 =	simm.s32 $0x1D400;
	s20 =	sadd.s32 $0x4000, s11;
	[dreg:$0x8] =	wrdreg s19  }
0xe: {  	s15 =	sshrl.u32 s7, $0x1;
	s21 =	sadd.s32 $0x6000, s11;
	[dreg:$0x9] =	wrdreg s20  }
0xf: {  	s8 =	simm.s32 $0x1D840;
	s22 =	sadd.s32 $0x8000, s11;
	[dreg:$0xa] =	wrdreg s21  }
0x10: {  	s1 =	simm.s32 $0x2;
	s24 =	sadd.s32 $0xA000, s11;
	[dreg:$0xb] =	wrdreg s22  }
0x11: {  	s0 =	ssub.s32 s7, s15;
	s25 =	sadd.s32 $0xC000, s11;
	[dreg:$0xc] =	wrdreg s24  }
0x12: {  	s26 =	sadd.s32 $0xE000, s11;
	s7 =	simm.s32 $0x3;
	[dreg:$0xd] =	wrdreg s25  }
0x13: {  	[dreg:$0xe] =	wrdreg s26;
	s20 =	sadd.s32 $0x10000, s11;
	s21 =	sadd.s32 $0x12000, s11  }
0x14: {  	s22 =	sadd.s32 s6, s23;
	s0 =	smax.u32 s0, $0x1;
	s25 =	simm.s32 $0x5  }
0x15: {  	s24 =	simm.s32 $0x1D000;
	s26 =	simm.s32 $0x1;
	s3 =	simm.s32 $0x4  }
0x16: {  	v0 =	vimm.f32 $0.0e+00;
	s23 =	simm.s32 $0x1D880;
	[dreg:$0xf] =	wrdreg s0;
	s0 =	simm.s32 $0x1D800  }
.LBB2_1:
0x17: {  	[dreg:$0x10] =	wrdreg s12  }
0x18: {  	s10 =	simm.s32 $0x0;
	s17 =	rddreg [dreg:$0x4];
	s13 =	simm.s32 $0x14000  }
0x19: {  	[tilespmem:s13], [sflag:$0x5] =	stream.linear.gather [hbm4b:s17+s10], $0x2800, $0x38;
	[tilespmem:$0x1D900] =	vst v63  }
0x1a: {  	_ =	swait.ge [sflag:s25], $0x2800  }
0x1b: {  	[sflag:s25] =	ssyncset.done $0x0  }
0x1c: {  	s19 =	simm.s32 $0x16800;
	s18 =	rddreg [dreg:$0x5];
	[sflag:s25] =	ssyncadd.s32 $0xFFFFD800  }
0x1d: {  	[tilespmem:s19], [sflag:$0x5] =	stream.linear.gather [hbm4b:s18+s10], $0x2800, $0x38;
	[tilespmem:$0x1D900] =	vst v63  }
0x1e: {  	_ =	swait.ge [sflag:s25], $0x2800  }
0x1f: {  	[sflag:s25] =	ssyncset.done $0x0  }
0x20: {  	s10 =	simm.s32 $0x0;
	[sflag:s25] =	ssyncadd.s32 $0xFFFFD800  }
.LBB2_2:
0x21: {  	s12 =	simm.s32 $0x0;
	s13 =	simm.s32 $0x200  }
.LBB2_3:
0x22: {  	p0 =	sne.s32 s13, $0x7E00;
	[tilespmem:s12+$0x1B070] =	vst v0  }
0x23: {  	[tilespmem:s12+$0x19000] =	vst v0  }
0x24: {  	[tilespmem:s12+$0x1B000] =	vst v0  }
0x25: {  	[tilespmem:s12+$0x19010] =	vst v0  }
0x26: {  	[tilespmem:s12+$0x1B010] =	vst v0  }
0x27: {  	[tilespmem:s12+$0x19020] =	vst v0  }
0x28: {  	[tilespmem:s12+$0x1B020] =	vst v0  }
0x29: {  	[tilespmem:s12+$0x19030] =	vst v0  }
0x2a: {  	[tilespmem:s12+$0x1B030] =	vst v0  }
0x2b: {  	[tilespmem:s12+$0x19040] =	vst v0  }
0x2c: {  	[tilespmem:s12+$0x1B040] =	vst v0  }
.Ltmp0:
0x2d: {  	[tilespmem:s12+$0x19050] =	vst v0;
	(pc) =	sbr.rel @p0 .LBB2_3-.Ltmp0, $4  }
0x2e: {  	[tilespmem:s12+$0x1B050] =	vst v0  }
0x2f: {  	[tilespmem:s12+$0x19060] =	vst v0  }
0x30: {  	[tilespmem:s12+$0x1B060] =	vst v0  }
0x31: {  	[tilespmem:s12+$0x19070] =	vst v0;
	s12 =	sshra.s32 s13, $0x2;
	s13 =	sadd.s32 $0x200, s13  }
0x32: {  	[tilespmem:s12+$0x1B070] =	vst v0  }
0x33: {  	[tilespmem:s12+$0x19000] =	vst v0  }
0x34: {  	[tilespmem:s12+$0x1B000] =	vst v0  }
0x35: {  	[tilespmem:s12+$0x19010] =	vst v0  }
0x36: {  	[tilespmem:s12+$0x1B010] =	vst v0  }
0x37: {  	[tilespmem:s12+$0x19020] =	vst v0  }
0x38: {  	[tilespmem:s12+$0x1B020] =	vst v0  }
0x39: {  	[tilespmem:s12+$0x19030] =	vst v0  }
0x3a: {  	[tilespmem:s12+$0x1B030] =	vst v0  }
0x3b: {  	[tilespmem:s12+$0x19040] =	vst v0  }
0x3c: {  	[tilespmem:s12+$0x1B040] =	vst v0  }
0x3d: {  	[tilespmem:s12+$0x19050] =	vst v0  }
0x3e: {  	[tilespmem:s12+$0x1B050] =	vst v0  }
0x3f: {  	[tilespmem:s12+$0x19060] =	vst v0  }
0x40: {  	[tilespmem:s12+$0x1B060] =	vst v0  }
0x41: {  	[tilespmem:s12+$0x19070] =	vst v0  }
0x42: {  	[spmem:s11] =	stream.linear.scatter [tilespmem:s28], [sflag:$0x5], $0x2000, $0x38;
	[tilespmem:$0x1D900] =	vst v63  }
0x43: {  	_ =	swait.ge [sflag:s25], $0x2000  }
0x44: {  	[sflag:s25] =	ssyncset.done $0x0  }
0x45: {  	s19 =	rddreg [dreg:$0x8];
	[sflag:s25] =	ssyncadd.s32 $0xFFFFE000  }
0x46: {  	[spmem:s19] =	stream.linear.scatter [tilespmem:s28], [sflag:$0x5], $0x2000, $0x38;
	[tilespmem:$0x1D900] =	vst v63  }
0x47: {  	_ =	swait.ge [sflag:s25], $0x2000  }
0x48: {  	[sflag:s25] =	ssyncset.done $0x0  }
0x49: {  	s13 =	rddreg [dreg:$0x9];
	[sflag:s25] =	ssyncadd.s32 $0xFFFFE000  }
0x4a: {  	[spmem:s13] =	stream.linear.scatter [tilespmem:s28], [sflag:$0x5], $0x2000, $0x38;
	[tilespmem:$0x1D900] =	vst v63  }
0x4b: {  	_ =	swait.ge [sflag:s25], $0x2000  }
0x4c: {  	[sflag:s25] =	ssyncset.done $0x0  }
0x4d: {  	s14 =	rddreg [dreg:$0xa];
	[sflag:s25] =	ssyncadd.s32 $0xFFFFE000  }
0x4e: {  	[spmem:s14] =	stream.linear.scatter [tilespmem:s28], [sflag:$0x5], $0x2000, $0x38;
	[tilespmem:$0x1D900] =	vst v63  }
0x4f: {  	_ =	swait.ge [sflag:s25], $0x2000  }
0x50: {  	[sflag:s25] =	ssyncset.done $0x0  }
0x51: {  	s15 =	rddreg [dreg:$0xb];
	[sflag:s25] =	ssyncadd.s32 $0xFFFFE000  }
0x52: {  	[spmem:s15] =	stream.linear.scatter [tilespmem:s28], [sflag:$0x5], $0x2000, $0x38;
	[tilespmem:$0x1D900] =	vst v63  }
0x53: {  	_ =	swait.ge [sflag:s25], $0x2000  }
0x54: {  	[sflag:s25] =	ssyncset.done $0x0  }
0x55: {  	s16 =	rddreg [dreg:$0xc];
	[sflag:s25] =	ssyncadd.s32 $0xFFFFE000  }
0x56: {  	[spmem:s16] =	stream.linear.scatter [tilespmem:s28], [sflag:$0x5], $0x2000, $0x38;
	[tilespmem:$0x1D900] =	vst v63  }
0x57: {  	_ =	swait.ge [sflag:s25], $0x2000  }
0x58: {  	[sflag:s25] =	ssyncset.done $0x0  }
0x59: {  	s17 =	rddreg [dreg:$0xd];
	[sflag:s25] =	ssyncadd.s32 $0xFFFFE000  }
0x5a: {  	[spmem:s17] =	stream.linear.scatter [tilespmem:s28], [sflag:$0x5], $0x2000, $0x38;
	[tilespmem:$0x1D900] =	vst v63  }
0x5b: {  	_ =	swait.ge [sflag:s25], $0x2000  }
0x5c: {  	[sflag:s25] =	ssyncset.done $0x0  }
0x5d: {  	s18 =	rddreg [dreg:$0xe];
	[sflag:s25] =	ssyncadd.s32 $0xFFFFE000  }
0x5e: {  	[spmem:s18] =	stream.linear.scatter [tilespmem:s28], [sflag:$0x5], $0x2000, $0x38;
	[tilespmem:$0x1D900] =	vst v63  }
0x5f: {  	_ =	swait.ge [sflag:s25], $0x2000  }
0x60: {  	[sflag:s25] =	ssyncset.done $0x0  }
0x61: {  	[sflag:s25] =	ssyncadd.s32 $0xFFFFE000  }
0x62: {  	[spmem:s20] =	stream.linear.scatter [tilespmem:s28], [sflag:$0x5], $0x2000, $0x38;
	[tilespmem:$0x1D900] =	vst v63  }
0x63: {  	_ =	swait.ge [sflag:s25], $0x2000  }
0x64: {  	[sflag:s25] =	ssyncset.done $0x0  }
0x65: {  	[sflag:s25] =	ssyncadd.s32 $0xFFFFE000  }
0x66: {  	[spmem:s21] =	stream.linear.scatter [tilespmem:s28], [sflag:$0x5], $0x2000, $0x38;
	[tilespmem:$0x1D900] =	vst v63  }
0x67: {  	_ =	swait.ge [sflag:s25], $0x2000  }
0x68: {  	[sflag:s25] =	ssyncset.done $0x0  }
0x69: {  	[sflag:s25] =	ssyncadd.s32 $0xFFFFE000  }
0x6a: {  	[bflag:$0x0] =	sbarrier.arrive $0xFFFF  }
0x6b: {  	v1 =	vld [tilespmem:$0x14000]  }
0x6c: {  	v2 =	vld [tilespmem:$0x16800]  }
0x6d: {  	s19 =	rddreg [dreg:$0x6];
	v3 =	vld [tilespmem:$0x14010]  }
0x6e: {  	s12 =	sadd.s32 s19, s10  }
0x6f: {  	v4 =	vld [tilespmem:$0x16810];
	s12 =	smul.u32 $0x2800, s12  }
0x70: {  	v5 =	vld [tilespmem:$0x14020]  }
0x71: {  	v6 =	vld [tilespmem:$0x16820];
	v1 =	vadd.s32 s12, v1;
	[tilespmem:$0x1D8C0] =	vst v2  }
0x72: {  	v2 =	vadd.s32 s12, v3;
	[tilespmem:$0x1D840] =	vst v1;
	v1 =	vld [tilespmem:$0x14030]  }
0x73: {  	[tilespmem:$0x1D850] =	vst v2;
	v2 =	vld [tilespmem:$0x16830];
	_ =	sdelay $0x1  }
0x74: {  	[tilespmem:$0x1D8D0] =	vst v4  }
0x75: {  	v3 =	vadd.s32 s12, v5;
	[tilespmem:$0x1D8E0] =	vst v6  }
0x76: {  	[tilespmem:$0x1D860] =	vst v3  }
0x77: {  	v1 =	vadd.s32 s12, v1;
	[tilespmem:$0x1D8F0] =	vst v2  }
0x78: {  	[tilespmem:$0x1D870] =	vst v1  }
0x79: {  	[spmem:s2] =	stream.indirect.scatter.add.f32 [tilespmem:s31], [sflag:$0x4], $0x80, s30, s29, $0xb8;
	[tilespmem:$0x1D900] =	vst v63  }
0x7a: {  	v1 =	vld [tilespmem:$0x14000]  }
0x7b: {  	v2 =	vld [tilespmem:$0x16800]  }
0x7c: {  	v3 =	vld [tilespmem:$0x14010];
	_ =	sdelay $0x1  }
0x7d: {  	v61 =	vld [tilespmem:$0x16810]  }
0x7e: {  	v62 =	vld [tilespmem:$0x14020]  }
0x7f: {  	v63 =	vld [tilespmem:$0x16820];
	v1 =	vadd.s32 s12, v1;
	[tilespmem:$0x1D880] =	vst v2  }
0x80: {  	v2 =	vadd.s32 s12, v3;
	[tilespmem:$0x1D800] =	vst v1;
	v1 =	vld [tilespmem:$0x14030]  }
0x81: {  	[tilespmem:$0x1D810] =	vst v2;
	v2 =	vld [tilespmem:$0x16830];
	_ =	sdelay $0x1  }
0x82: {  	[tilespmem:$0x1D890] =	vst v61  }
0x83: {  	v3 =	vadd.s32 s12, v62;
	[tilespmem:$0x1D8A0] =	vst v63  }
0x84: {  	[tilespmem:$0x1D820] =	vst v3  }
0x85: {  	v1 =	vadd.s32 s12, v1;
	[tilespmem:$0x1D8B0] =	vst v2  }
0x86: {  	[tilespmem:$0x1D830] =	vst v1  }
0x87: {  	[tilespmem:s28], [sflag:$0x1] =	stream.indirect.gather [hbm4b:s5+s29], $0x80, s0, s29, $0xb8;
	[tilespmem:$0x1D900] =	vst v63  }
0x88: {  	s13 =	simm.s32 $0x0;
	s14 =	simm.s32 $0x0  }
0x89: {  	v1 =	vmov s12;
	[tilespmem:s24], [sflag:$0x1] =	stream.linear.gather [hbm4b:s22+s13], $0x400, $0x38;
	[tilespmem:$0x1D900] =	vst v63  }
.LBB2_5:
0x8a: {  	_ =	swait.ge [sflag:s26], $0x2000  }
0x8b: {  	[sflag:s26] =	ssyncset.done $0x0  }
0x8c: {  	[sflag:s26] =	ssyncadd.s32 $0xFFFFE000  }
0x8d: {  	_ =	swait.ge [sflag:s26], $0x400  }
0x8e: {  	[sflag:s26] =	ssyncset.done $0x0  }
0x8f: {  	[sflag:s26] =	ssyncadd.s32 $0xFFFFFC00  }
0x90: {  	_ =	swait.ge [sflag:s3], $0x2000  }
0x91: {  	[sflag:s3] =	ssyncset.done $0x0  }
0x92: {  	s15 =	sshll.u32 s14, $0x7;
	[sflag:s3] =	ssyncadd.s32 $0xFFFFE000  }
0x93: {  	v2 =	vld [tilespmem:s15+$0x14040];
	_ =	sdelay $0x4  }
0x94: {  	v2 =	vadd.s32 v1, v2  }
0x95: {  	[tilespmem:$0x1D840] =	vst v2  }
0x96: {  	v2 =	vld [tilespmem:s15+$0x16840];
	_ =	sdelay $0x4  }
0x97: {  	[tilespmem:$0x1D8C0] =	vst v2  }
0x98: {  	v2 =	vld [tilespmem:s15+$0x14050];
	_ =	sdelay $0x4  }
0x99: {  	v2 =	vadd.s32 v1, v2  }
0x9a: {  	[tilespmem:$0x1D850] =	vst v2  }
0x9b: {  	v2 =	vld [tilespmem:s15+$0x16850];
	_ =	sdelay $0x4  }
0x9c: {  	[tilespmem:$0x1D8D0] =	vst v2  }
0x9d: {  	v2 =	vld [tilespmem:s15+$0x14060];
	_ =	sdelay $0x4  }
0x9e: {  	v2 =	vadd.s32 v1, v2  }
0x9f: {  	[tilespmem:$0x1D860] =	vst v2  }
0xa0: {  	v2 =	vld [tilespmem:s15+$0x16860];
	_ =	sdelay $0x4  }
0xa1: {  	[tilespmem:$0x1D8E0] =	vst v2  }
0xa2: {  	v2 =	vld [tilespmem:s15+$0x14070];
	_ =	sdelay $0x4  }
0xa3: {  	v2 =	vadd.s32 v1, v2  }
0xa4: {  	[tilespmem:$0x1D870] =	vst v2  }
0xa5: {  	v2 =	vld [tilespmem:s15+$0x16870];
	_ =	sdelay $0x2  }
0xa6: {  	s15 =	sadd.s32 s15, s4  }
0xa7: {  	s15 =	sshll.u32 s15, $0x1  }
0xa8: {  	s15 =	sadd.s32 s6, s15;
	[tilespmem:$0x1D8F0] =	vst v2  }
0xa9: {  	[tilespmem:s31], [sflag:$0x2] =	stream.indirect.gather [hbm4b:s5+s29], $0x80, s8, s29, $0xb8;
	[tilespmem:$0x1D900] =	vst v63  }
0xaa: {  	s15 =	sadd.s32 $0x80, s15  }
0xab: {  	[tilespmem:s9], [sflag:$0x2] =	stream.linear.gather [hbm4b:s15+s13], $0x400, $0x38;
	[tilespmem:$0x1D900] =	vst v63  }
0xac: {  	s15 =	simm.s32 $0x19100  }
0xad: {  	s16 =	simm.s32 $0x0;
	v3 =	vld [tilespmem:s15+$0xFFFFFF70]  }
0xae: {  	v4 =	vld [tilespmem:s16+$0x1D000]  }
0xaf: {  	v5 =	vld [tilespmem:s15+$0xFFFFFF00]  }
0xb0: {  	v6 =	vld [tilespmem:s15+$0xFFFFFF20]  }
0xb1: {  	v2 =	vld [tilespmem:s15+$0xFFFFFF50]  }
0xb2: {  	v7 =	vld [tilespmem:s15+$0xFFFFFF30]  }
0xb3: {  	v9 =	vld [tilespmem:s15+$0xFFFFFF10];
	v3 =	vmul.f32 v3, v4  }
0xb4: {  	v10 =	vld [tilespmem:s15+$0xFFFFFF40];
	v5 =	vmul.f32 v5, v4  }
0xb5: {  	v8 =	vld [tilespmem:s15+$0xFFFFFF60];
	v6 =	vmul.f32 v6, v4;
	[tilespmem:s15+$0xFFFFFF70] =	vst v3  }
0xb6: {  	v2 =	vmul.f32 v2, v4;
	[tilespmem:s15+$0xFFFFFF00] =	vst v5  }
0xb7: {  	v3 =	vmul.f32 v7, v4;
	[tilespmem:s15+$0xFFFFFF20] =	vst v6  }
0xb8: {  	v5 =	vmul.f32 v9, v4;
	[tilespmem:s15+$0xFFFFFF50] =	vst v2  }
0xb9: {  	v2 =	vmul.f32 v10, v4;
	[tilespmem:s15+$0xFFFFFF30] =	vst v3  }
0xba: {  	v3 =	vmul.f32 v8, v4;
	[tilespmem:s15+$0xFFFFFF10] =	vst v5  }
0xbb: {  	[tilespmem:s15+$0xFFFFFF40] =	vst v2  }
0xbc: {  	[tilespmem:s15+$0xFFFFFF60] =	vst v3;
	v3 =	vld [tilespmem:s15+$0xFFFFFFD0]  }
0xbd: {  	v5 =	vld [tilespmem:s16+$0x1D010]  }
0xbe: {  	v2 =	vld [tilespmem:s15+$0xFFFFFFE0]  }
0xbf: {  	v6 =	vld [tilespmem:s15+$0xFFFFFF90]  }
0xc0: {  	v4 =	vld [tilespmem:s15+$0xFFFFFFF0]  }
0xc1: {  	v7 =	vld [tilespmem:s15+$0xFFFFFF80]  }
0xc2: {  	v8 =	vld [tilespmem:s15+$0xFFFFFFC0];
	v3 =	vmul.f32 v3, v5  }
0xc3: {  	v63 =	vld [tilespmem:s15+$0xFFFFFFA0];
	v2 =	vmul.f32 v2, v5  }
0xc4: {  	v62 =	vld [tilespmem:s15+$0xFFFFFFB0];
	v6 =	vmul.f32 v6, v5;
	[tilespmem:s15+$0xFFFFFFD0] =	vst v3  }
0xc5: {  	v4 =	vmul.f32 v4, v5;
	[tilespmem:s15+$0xFFFFFFE0] =	vst v2  }
0xc6: {  	v3 =	vmul.f32 v7, v5;
	[tilespmem:s15+$0xFFFFFF90] =	vst v6  }
0xc7: {  	v7 =	vmul.f32 v8, v5;
	v2 =	vld [tilespmem:s15+$0x20];
	[tilespmem:s15+$0xFFFFFFF0] =	vst v4  }
0xc8: {  	v8 =	vmul.f32 v63, v5;
	v6 =	vld [tilespmem:s15+$0x0];
	[tilespmem:s15+$0xFFFFFF80] =	vst v3  }
0xc9: {  	v5 =	vmul.f32 v62, v5;
	v4 =	vld [tilespmem:s15+$0x50];
	[tilespmem:s15+$0xFFFFFFC0] =	vst v7  }
0xca: {  	v3 =	vld [tilespmem:s15+$0x30];
	[tilespmem:s15+$0xFFFFFFA0] =	vst v8  }
0xcb: {  	v7 =	vld [tilespmem:s15+$0x10];
	[tilespmem:s15+$0xFFFFFFB0] =	vst v5  }
0xcc: {  	s17 =	simm.s32 $0x100;
	s18 =	simm.s32 $0x19100;
	v5 =	vld [tilespmem:s16+$0x1D020]  }
.LBB2_6:
0xcd: {  	p0 =	sne.s32 s17, $0xF00  }
0xce: {  	v8 =	vld [tilespmem:s15+$0x60];
	s18 =	sadd.s32 $0x200, s18;
	s19 =	smov.u32 s17;
	s17 =	sadd.s32 $0x100, s17  }
0xcf: {  	v9 =	vld [tilespmem:s15+$0x40]  }
0xd0: {  	v10 =	vld [tilespmem:s15+$0x70];
	_ =	sdelay $0x1  }
0xd1: {  	v6 =	vmul.f32 v6, v5;
	v7 =	vmul.f32 v7, v5  }
0xd2: {  	v2 =	vmul.f32 v2, v5;
	v3 =	vmul.f32 v3, v5  }
0xd3: {  	v8 =	vmul.f32 v8, v5;
	[tilespmem:s15+$0x0] =	vst v6;
	v6 =	vmul.f32 v9, v5  }
0xd4: {  	v4 =	vmul.f32 v4, v5;
	[tilespmem:s15+$0x20] =	vst v2;
	v5 =	vmul.f32 v10, v5;
	v9 =	vld [tilespmem:s15+$0xA0]  }
0xd5: {  	v2 =	vld [tilespmem:s18+$0x20];
	[tilespmem:s15+$0x10] =	vst v7  }
0xd6: {  	[tilespmem:s15+$0x30] =	vst v3;
	v7 =	vld [tilespmem:s15+$0x80]  }
0xd7: {  	v3 =	vld [tilespmem:s18+$0x30];
	[tilespmem:s15+$0x60] =	vst v8  }
0xd8: {  	[tilespmem:s15+$0x40] =	vst v6;
	v6 =	vld [tilespmem:s15+$0xE0]  }
0xd9: {  	[tilespmem:s15+$0x50] =	vst v4;
	v4 =	vld [tilespmem:s15+$0xD0]  }
0xda: {  	[tilespmem:s15+$0x70] =	vst v5;
	v5 =	vld [tilespmem:s15+$0x90]  }
0xdb: {  	v8 =	vld [tilespmem:s16+$0x1D030]  }
0xdc: {  	v10 =	vld [tilespmem:s15+$0xB0]  }
0xdd: {  	v11 =	vld [tilespmem:s15+$0xC0]  }
0xde: {  	v12 =	vld [tilespmem:s15+$0xF0];
	_ =	sdelay $0x1  }
0xdf: {  	v7 =	vmul.f32 v7, v8;
	v5 =	vmul.f32 v5, v8  }
0xe0: {  	v9 =	vmul.f32 v9, v8;
	v10 =	vmul.f32 v10, v8  }
0xe1: {  	v4 =	vmul.f32 v4, v8;
	[tilespmem:s15+$0x80] =	vst v7;
	v7 =	vmul.f32 v11, v8  }
0xe2: {  	v6 =	vmul.f32 v6, v8;
	[tilespmem:s15+$0xA0] =	vst v9;
	v8 =	vmul.f32 v12, v8  }
0xe3: {  	[tilespmem:s15+$0x90] =	vst v5  }
0xe4: {  	v5 =	vld [tilespmem:s18+$0xFFFFFF50];
	[tilespmem:s15+$0xD0] =	vst v4  }
0xe5: {  	v4 =	vld [tilespmem:s18+$0xFFFFFF30];
	[tilespmem:s15+$0xE0] =	vst v6  }
0xe6: {  	v6 =	vld [tilespmem:s18+$0xFFFFFF60];
	[tilespmem:s15+$0xC0] =	vst v7  }
0xe7: {  	v7 =	vld [tilespmem:s18+$0xFFFFFF70];
	[tilespmem:s15+$0xF0] =	vst v8  }
0xe8: {  	s16 =	sshra.s32 s19, $0x2;
	v8 =	vld [tilespmem:s18+$0xFFFFFF00];
	[tilespmem:s15+$0xB0] =	vst v10;
	s15 =	smov.u32 s18  }
0xe9: {  	v9 =	vld [tilespmem:s16+$0x1D000]  }
0xea: {  	v10 =	vld [tilespmem:s18+$0xFFFFFF20]  }
0xeb: {  	v11 =	vld [tilespmem:s18+$0xFFFFFF10]  }
0xec: {  	v12 =	vld [tilespmem:s18+$0xFFFFFF40];
	_ =	sdelay $0x1  }
0xed: {  	v8 =	vmul.f32 v8, v9;
	v7 =	vmul.f32 v7, v9  }
0xee: {  	v6 =	vmul.f32 v6, v9;
	v10 =	vmul.f32 v10, v9  }
0xef: {  	v4 =	vmul.f32 v4, v9;
	v11 =	vmul.f32 v11, v9;
	[tilespmem:s18+$0xFFFFFF70] =	vst v7  }
0xf0: {  	v5 =	vmul.f32 v5, v9;
	[tilespmem:s18+$0xFFFFFF00] =	vst v8;
	v7 =	vmul.f32 v12, v9  }
0xf1: {  	[tilespmem:s18+$0xFFFFFF20] =	vst v10  }
0xf2: {  	[tilespmem:s18+$0xFFFFFF30] =	vst v4;
	v4 =	vld [tilespmem:s18+$0xFFFFFFF0]  }
0xf3: {  	[tilespmem:s18+$0xFFFFFF50] =	vst v5;
	v5 =	vld [tilespmem:s18+$0xFFFFFFC0]  }
0xf4: {  	[tilespmem:s18+$0xFFFFFF10] =	vst v11;
	v8 =	vld [tilespmem:s18+$0xFFFFFFE0]  }
0xf5: {  	[tilespmem:s18+$0xFFFFFF60] =	vst v6;
	v6 =	vld [tilespmem:s18+$0xFFFFFFD0]  }
0xf6: {  	[tilespmem:s18+$0xFFFFFF40] =	vst v7;
	v7 =	vld [tilespmem:s18+$0xFFFFFF90]  }
0xf7: {  	v9 =	vld [tilespmem:s16+$0x1D010]  }
0xf8: {  	v10 =	vld [tilespmem:s18+$0xFFFFFF80]  }
0xf9: {  	v11 =	vld [tilespmem:s18+$0xFFFFFFB0]  }
0xfa: {  	v12 =	vld [tilespmem:s18+$0xFFFFFFA0];
	_ =	sdelay $0x1  }
0xfb: {  	v7 =	vmul.f32 v7, v9;
	v6 =	vmul.f32 v6, v9  }
0xfc: {  	v8 =	vmul.f32 v8, v9;
	v10 =	vmul.f32 v10, v9  }
0xfd: {  	v5 =	vmul.f32 v5, v9;
	v11 =	vmul.f32 v11, v9;
	[tilespmem:s18+$0xFFFFFFD0] =	vst v6  }
0xfe: {  	v4 =	vmul.f32 v4, v9;
	v6 =	vmul.f32 v12, v9;
	[tilespmem:s18+$0xFFFFFFE0] =	vst v8  }
0xff: {  	[tilespmem:s18+$0xFFFFFF90] =	vst v7  }
0x100: {  	[tilespmem:s18+$0xFFFFFF80] =	vst v10  }
.Ltmp1:
0x101: {  	[tilespmem:s18+$0xFFFFFFC0] =	vst v5;
	(pc) =	sbr.rel @p0 .LBB2_6-.Ltmp1, $4  }
0x102: {  	[tilespmem:s18+$0xFFFFFFA0] =	vst v6;
	v6 =	vld [tilespmem:s18+$0x0]  }
0x103: {  	[tilespmem:s18+$0xFFFFFFF0] =	vst v4;
	v7 =	vld [tilespmem:s18+$0x10]  }
0x104: {  	[tilespmem:s18+$0xFFFFFFB0] =	vst v11;
	v4 =	vld [tilespmem:s18+$0x50]  }
0x105: {  	v5 =	vld [tilespmem:s16+$0x1D020]  }
0x106: {  	_ =	sdelay $0x3  }
0x107: {  	v8 =	vld [tilespmem:s15+$0x60];
	v6 =	vmul.f32 v6, v5  }
0x108: {  	v9 =	vld [tilespmem:s15+$0x40];
	v2 =	vmul.f32 v2, v5  }
0x109: {  	v10 =	vld [tilespmem:s15+$0x70];
	v7 =	vmul.f32 v7, v5;
	[tilespmem:s15+$0x0] =	vst v6  }
0x10a: {  	v3 =	vmul.f32 v3, v5;
	[tilespmem:s15+$0x20] =	vst v2  }
0x10b: {  	v4 =	vmul.f32 v4, v5;
	[tilespmem:s15+$0x10] =	vst v7  }
0x10c: {  	v2 =	vmul.f32 v8, v5;
	[tilespmem:s15+$0x30] =	vst v3  }
0x10d: {  	v6 =	vmul.f32 v9, v5;
	[tilespmem:s15+$0x50] =	vst v4  }
0x10e: {  	[tilespmem:s15+$0x60] =	vst v2;
	v2 =	vmul.f32 v10, v5  }
0x10f: {  	[tilespmem:s15+$0x40] =	vst v6  }
0x110: {  	v3 =	vld [tilespmem:s15+$0x80];
	[tilespmem:s15+$0x70] =	vst v2  }
0x111: {  	v2 =	vld [tilespmem:s16+$0x1D030]  }
0x112: {  	v5 =	vld [tilespmem:s15+$0xA0]  }
0x113: {  	v6 =	vld [tilespmem:s15+$0x90]  }
0x114: {  	v4 =	vld [tilespmem:s15+$0xE0]  }
0x115: {  	v7 =	vld [tilespmem:s15+$0xD0]  }
0x116: {  	v58 =	vld [tilespmem:s15+$0xC0];
	v3 =	vmul.f32 v3, v2  }
0x117: {  	v59 =	vld [tilespmem:s15+$0xF0];
	v5 =	vmul.f32 v5, v2  }
0x118: {  	v8 =	vld [tilespmem:s15+$0xB0];
	v6 =	vmul.f32 v6, v2;
	[tilespmem:s15+$0x80] =	vst v3  }
0x119: {  	v4 =	vmul.f32 v4, v2;
	[tilespmem:s15+$0xA0] =	vst v5  }
0x11a: {  	v3 =	vmul.f32 v7, v2;
	[tilespmem:s15+$0x90] =	vst v6  }
0x11b: {  	v5 =	vmul.f32 v58, v2;
	[tilespmem:s15+$0xE0] =	vst v4  }
0x11c: {  	[tilespmem:s15+$0xD0] =	vst v3;
	v3 =	vmul.f32 v59, v2  }
0x11d: {  	v2 =	vmul.f32 v8, v2;
	[tilespmem:s15+$0xC0] =	vst v5  }
0x11e: {  	[tilespmem:s15+$0xF0] =	vst v3  }
0x11f: {  	[tilespmem:s15+$0xB0] =	vst v2  }
0x120: {  	[spmem:s2] =	stream.indirect.scatter.add.f32 [tilespmem:s28], [sflag:$0x3], $0x80, s23, s29, $0xb8;
	[tilespmem:$0x1D900] =	vst v63  }
0x121: {  	_ =	swait.ge [sflag:s1], $0x2000  }
0x122: {  	[sflag:s1] =	ssyncset.done $0x0  }
0x123: {  	[sflag:s1] =	ssyncadd.s32 $0xFFFFE000  }
0x124: {  	_ =	swait.ge [sflag:s1], $0x400  }
0x125: {  	[sflag:s1] =	ssyncset.done $0x0  }
0x126: {  	[sflag:s1] =	ssyncadd.s32 $0xFFFFFC00  }
0x127: {  	s18 =	sshll.u32 s14, $0x1;
	_ =	swait.ge [sflag:s7], $0x2000  }
0x128: {  	s15 =	smin.u32 s18, $0x9C;
	[sflag:s7] =	ssyncset.done $0x0  }
0x129: {  	s15 =	sshll.u32 s15, $0x6;
	[sflag:s7] =	ssyncadd.s32 $0xFFFFE000  }
0x12a: {  	v2 =	vld [tilespmem:s15+$0x14080];
	_ =	sdelay $0x4  }
0x12b: {  	v2 =	vadd.s32 v1, v2  }
0x12c: {  	[tilespmem:$0x1D800] =	vst v2  }
0x12d: {  	v2 =	vld [tilespmem:s15+$0x16880];
	_ =	sdelay $0x4  }
0x12e: {  	[tilespmem:$0x1D880] =	vst v2  }
0x12f: {  	v2 =	vld [tilespmem:s15+$0x14090];
	_ =	sdelay $0x4  }
0x130: {  	v2 =	vadd.s32 v1, v2  }
0x131: {  	[tilespmem:$0x1D810] =	vst v2  }
0x132: {  	v2 =	vld [tilespmem:s15+$0x16890];
	_ =	sdelay $0x4  }
0x133: {  	[tilespmem:$0x1D890] =	vst v2  }
0x134: {  	v2 =	vld [tilespmem:s15+$0x140A0];
	_ =	sdelay $0x4  }
0x135: {  	v2 =	vadd.s32 v1, v2  }
0x136: {  	[tilespmem:$0x1D820] =	vst v2  }
0x137: {  	v2 =	vld [tilespmem:s15+$0x168A0];
	_ =	sdelay $0x4  }
0x138: {  	[tilespmem:$0x1D8A0] =	vst v2  }
0x139: {  	v2 =	vld [tilespmem:s15+$0x140B0];
	_ =	sdelay $0x4  }
0x13a: {  	v2 =	vadd.s32 v1, v2  }
0x13b: {  	[tilespmem:$0x1D830] =	vst v2  }
0x13c: {  	v2 =	vld [tilespmem:s15+$0x168B0];
	_ =	sdelay $0x1  }
0x13d: {  	s15 =	sadd.s32 s4, s15  }
0x13e: {  	s15 =	sshll.u32 s15, $0x1  }
0x13f: {  	s15 =	sadd.s32 $0x100, s15  }
0x140: {  	s15 =	sand.u32 $0xFFF80, s15;
	[tilespmem:$0x1D8B0] =	vst v2  }
0x141: {  	[tilespmem:s28], [sflag:$0x1] =	stream.indirect.gather [hbm4b:s5+s29], $0x80, s0, s29, $0xb8;
	[tilespmem:$0x1D900] =	vst v63  }
0x142: {  	s19 =	simm.s32 $0x0;
	s15 =	sadd.s32 s6, s15  }
0x143: {  	[tilespmem:s24], [sflag:$0x1] =	stream.linear.gather [hbm4b:s15+s19], $0x400, $0x38;
	[tilespmem:$0x1D900] =	vst v63  }
0x144: {  	s15 =	simm.s32 $0x1B100  }
0x145: {  	s16 =	simm.s32 $0x0;
	v3 =	vld [tilespmem:s15+$0xFFFFFF70]  }
0x146: {  	v4 =	vld [tilespmem:s16+$0x1D400]  }
0x147: {  	v5 =	vld [tilespmem:s15+$0xFFFFFF00]  }
0x148: {  	v6 =	vld [tilespmem:s15+$0xFFFFFF20]  }
0x149: {  	v2 =	vld [tilespmem:s15+$0xFFFFFF50]  }
0x14a: {  	v7 =	vld [tilespmem:s15+$0xFFFFFF30]  }
0x14b: {  	v60 =	vld [tilespmem:s15+$0xFFFFFF10];
	v3 =	vmul.f32 v3, v4  }
0x14c: {  	v61 =	vld [tilespmem:s15+$0xFFFFFF40];
	v5 =	vmul.f32 v5, v4  }
0x14d: {  	v8 =	vld [tilespmem:s15+$0xFFFFFF60];
	v6 =	vmul.f32 v6, v4;
	[tilespmem:s15+$0xFFFFFF70] =	vst v3  }
0x14e: {  	v2 =	vmul.f32 v2, v4;
	[tilespmem:s15+$0xFFFFFF00] =	vst v5  }
0x14f: {  	v3 =	vmul.f32 v7, v4;
	[tilespmem:s15+$0xFFFFFF20] =	vst v6  }
0x150: {  	v5 =	vmul.f32 v60, v4;
	[tilespmem:s15+$0xFFFFFF50] =	vst v2  }
0x151: {  	v2 =	vmul.f32 v61, v4;
	[tilespmem:s15+$0xFFFFFF30] =	vst v3  }
0x152: {  	v3 =	vmul.f32 v8, v4;
	[tilespmem:s15+$0xFFFFFF10] =	vst v5  }
0x153: {  	[tilespmem:s15+$0xFFFFFF40] =	vst v2  }
0x154: {  	[tilespmem:s15+$0xFFFFFF60] =	vst v3;
	v3 =	vld [tilespmem:s15+$0xFFFFFFD0]  }
0x155: {  	v5 =	vld [tilespmem:s16+$0x1D410]  }
0x156: {  	v2 =	vld [tilespmem:s15+$0xFFFFFFE0]  }
0x157: {  	v6 =	vld [tilespmem:s15+$0xFFFFFF90]  }
0x158: {  	v4 =	vld [tilespmem:s15+$0xFFFFFFF0]  }
0x159: {  	v7 =	vld [tilespmem:s15+$0xFFFFFF80]  }
0x15a: {  	v8 =	vld [tilespmem:s15+$0xFFFFFFC0];
	v3 =	vmul.f32 v3, v5  }
0x15b: {  	v63 =	vld [tilespmem:s15+$0xFFFFFFA0];
	v2 =	vmul.f32 v2, v5  }
0x15c: {  	v62 =	vld [tilespmem:s15+$0xFFFFFFB0];
	v6 =	vmul.f32 v6, v5;
	[tilespmem:s15+$0xFFFFFFD0] =	vst v3  }
0x15d: {  	v4 =	vmul.f32 v4, v5;
	[tilespmem:s15+$0xFFFFFFE0] =	vst v2  }
0x15e: {  	v3 =	vmul.f32 v7, v5;
	[tilespmem:s15+$0xFFFFFF90] =	vst v6  }
0x15f: {  	v7 =	vmul.f32 v8, v5;
	v2 =	vld [tilespmem:s15+$0x20];
	[tilespmem:s15+$0xFFFFFFF0] =	vst v4  }
0x160: {  	v8 =	vmul.f32 v63, v5;
	v6 =	vld [tilespmem:s15+$0x0];
	[tilespmem:s15+$0xFFFFFF80] =	vst v3  }
0x161: {  	v5 =	vmul.f32 v62, v5;
	v4 =	vld [tilespmem:s15+$0x50];
	[tilespmem:s15+$0xFFFFFFC0] =	vst v7  }
0x162: {  	v3 =	vld [tilespmem:s15+$0x30];
	[tilespmem:s15+$0xFFFFFFA0] =	vst v8  }
0x163: {  	v7 =	vld [tilespmem:s15+$0x10];
	[tilespmem:s15+$0xFFFFFFB0] =	vst v5  }
0x164: {  	s17 =	simm.s32 $0x100;
	s18 =	simm.s32 $0x1B100;
	v5 =	vld [tilespmem:s16+$0x1D420]  }
.LBB2_8:
0x165: {  	p0 =	sne.s32 s17, $0xF00  }
0x166: {  	v8 =	vld [tilespmem:s15+$0x60];
	s18 =	sadd.s32 $0x200, s18;
	s19 =	smov.u32 s17;
	s17 =	sadd.s32 $0x100, s17  }
0x167: {  	v9 =	vld [tilespmem:s15+$0x40]  }
0x168: {  	v10 =	vld [tilespmem:s15+$0x70];
	_ =	sdelay $0x1  }
0x169: {  	v6 =	vmul.f32 v6, v5;
	v7 =	vmul.f32 v7, v5  }
0x16a: {  	v2 =	vmul.f32 v2, v5;
	v3 =	vmul.f32 v3, v5  }
0x16b: {  	v8 =	vmul.f32 v8, v5;
	[tilespmem:s15+$0x0] =	vst v6;
	v6 =	vmul.f32 v9, v5  }
0x16c: {  	v4 =	vmul.f32 v4, v5;
	[tilespmem:s15+$0x20] =	vst v2;
	v5 =	vmul.f32 v10, v5;
	v9 =	vld [tilespmem:s15+$0xA0]  }
0x16d: {  	v2 =	vld [tilespmem:s18+$0x20];
	[tilespmem:s15+$0x10] =	vst v7  }
0x16e: {  	[tilespmem:s15+$0x30] =	vst v3;
	v7 =	vld [tilespmem:s15+$0x80]  }
0x16f: {  	v3 =	vld [tilespmem:s18+$0x30];
	[tilespmem:s15+$0x60] =	vst v8  }
0x170: {  	[tilespmem:s15+$0x40] =	vst v6;
	v6 =	vld [tilespmem:s15+$0xE0]  }
0x171: {  	[tilespmem:s15+$0x50] =	vst v4;
	v4 =	vld [tilespmem:s15+$0xD0]  }
0x172: {  	[tilespmem:s15+$0x70] =	vst v5;
	v5 =	vld [tilespmem:s15+$0x90]  }
0x173: {  	v8 =	vld [tilespmem:s16+$0x1D430]  }
0x174: {  	v10 =	vld [tilespmem:s15+$0xB0]  }
0x175: {  	v11 =	vld [tilespmem:s15+$0xC0]  }
0x176: {  	v12 =	vld [tilespmem:s15+$0xF0];
	_ =	sdelay $0x1  }
0x177: {  	v7 =	vmul.f32 v7, v8;
	v5 =	vmul.f32 v5, v8  }
0x178: {  	v9 =	vmul.f32 v9, v8;
	v10 =	vmul.f32 v10, v8  }
0x179: {  	v4 =	vmul.f32 v4, v8;
	[tilespmem:s15+$0x80] =	vst v7;
	v7 =	vmul.f32 v11, v8  }
0x17a: {  	v6 =	vmul.f32 v6, v8;
	[tilespmem:s15+$0xA0] =	vst v9;
	v8 =	vmul.f32 v12, v8  }
0x17b: {  	[tilespmem:s15+$0x90] =	vst v5  }
0x17c: {  	v5 =	vld [tilespmem:s18+$0xFFFFFF50];
	[tilespmem:s15+$0xD0] =	vst v4  }
0x17d: {  	v4 =	vld [tilespmem:s18+$0xFFFFFF30];
	[tilespmem:s15+$0xE0] =	vst v6  }
0x17e: {  	v6 =	vld [tilespmem:s18+$0xFFFFFF60];
	[tilespmem:s15+$0xC0] =	vst v7  }
0x17f: {  	v7 =	vld [tilespmem:s18+$0xFFFFFF70];
	[tilespmem:s15+$0xF0] =	vst v8  }
0x180: {  	s16 =	sshra.s32 s19, $0x2;
	v8 =	vld [tilespmem:s18+$0xFFFFFF00];
	[tilespmem:s15+$0xB0] =	vst v10;
	s15 =	smov.u32 s18  }
0x181: {  	v9 =	vld [tilespmem:s16+$0x1D400]  }
0x182: {  	v10 =	vld [tilespmem:s18+$0xFFFFFF20]  }
0x183: {  	v11 =	vld [tilespmem:s18+$0xFFFFFF10]  }
0x184: {  	v12 =	vld [tilespmem:s18+$0xFFFFFF40];
	_ =	sdelay $0x1  }
0x185: {  	v8 =	vmul.f32 v8, v9;
	v7 =	vmul.f32 v7, v9  }
0x186: {  	v6 =	vmul.f32 v6, v9;
	v10 =	vmul.f32 v10, v9  }
0x187: {  	v4 =	vmul.f32 v4, v9;
	v11 =	vmul.f32 v11, v9;
	[tilespmem:s18+$0xFFFFFF70] =	vst v7  }
0x188: {  	v5 =	vmul.f32 v5, v9;
	[tilespmem:s18+$0xFFFFFF00] =	vst v8;
	v7 =	vmul.f32 v12, v9  }
0x189: {  	[tilespmem:s18+$0xFFFFFF20] =	vst v10  }
0x18a: {  	[tilespmem:s18+$0xFFFFFF30] =	vst v4;
	v4 =	vld [tilespmem:s18+$0xFFFFFFF0]  }
0x18b: {  	[tilespmem:s18+$0xFFFFFF50] =	vst v5;
	v5 =	vld [tilespmem:s18+$0xFFFFFFC0]  }
0x18c: {  	[tilespmem:s18+$0xFFFFFF10] =	vst v11;
	v8 =	vld [tilespmem:s18+$0xFFFFFFE0]  }
0x18d: {  	[tilespmem:s18+$0xFFFFFF60] =	vst v6;
	v6 =	vld [tilespmem:s18+$0xFFFFFFD0]  }
0x18e: {  	[tilespmem:s18+$0xFFFFFF40] =	vst v7;
	v7 =	vld [tilespmem:s18+$0xFFFFFF90]  }
0x18f: {  	v9 =	vld [tilespmem:s16+$0x1D410]  }
0x190: {  	v10 =	vld [tilespmem:s18+$0xFFFFFF80]  }
0x191: {  	v11 =	vld [tilespmem:s18+$0xFFFFFFB0]  }
0x192: {  	v12 =	vld [tilespmem:s18+$0xFFFFFFA0];
	_ =	sdelay $0x1  }
0x193: {  	v7 =	vmul.f32 v7, v9;
	v6 =	vmul.f32 v6, v9  }
0x194: {  	v8 =	vmul.f32 v8, v9;
	v10 =	vmul.f32 v10, v9  }
0x195: {  	v5 =	vmul.f32 v5, v9;
	v11 =	vmul.f32 v11, v9;
	[tilespmem:s18+$0xFFFFFFD0] =	vst v6  }
0x196: {  	v4 =	vmul.f32 v4, v9;
	v6 =	vmul.f32 v12, v9;
	[tilespmem:s18+$0xFFFFFFE0] =	vst v8  }
0x197: {  	[tilespmem:s18+$0xFFFFFF90] =	vst v7  }
0x198: {  	[tilespmem:s18+$0xFFFFFF80] =	vst v10  }
.Ltmp2:
0x199: {  	[tilespmem:s18+$0xFFFFFFC0] =	vst v5;
	(pc) =	sbr.rel @p0 .LBB2_8-.Ltmp2, $4  }
0x19a: {  	[tilespmem:s18+$0xFFFFFFA0] =	vst v6;
	v6 =	vld [tilespmem:s18+$0x0]  }
0x19b: {  	[tilespmem:s18+$0xFFFFFFF0] =	vst v4;
	v7 =	vld [tilespmem:s18+$0x10]  }
0x19c: {  	[tilespmem:s18+$0xFFFFFFB0] =	vst v11;
	v4 =	vld [tilespmem:s18+$0x50]  }
0x19d: {  	v5 =	vld [tilespmem:s16+$0x1D420]  }
0x19e: {  	_ =	sdelay $0x3  }
0x19f: {  	v8 =	vld [tilespmem:s15+$0x60];
	v6 =	vmul.f32 v6, v5  }
0x1a0: {  	v9 =	vld [tilespmem:s15+$0x40];
	v2 =	vmul.f32 v2, v5  }
0x1a1: {  	v10 =	vld [tilespmem:s15+$0x70];
	v7 =	vmul.f32 v7, v5;
	[tilespmem:s15+$0x0] =	vst v6  }
0x1a2: {  	v3 =	vmul.f32 v3, v5;
	[tilespmem:s15+$0x20] =	vst v2  }
0x1a3: {  	v4 =	vmul.f32 v4, v5;
	[tilespmem:s15+$0x10] =	vst v7  }
0x1a4: {  	v2 =	vmul.f32 v8, v5;
	[tilespmem:s15+$0x30] =	vst v3  }
0x1a5: {  	v55 =	vmul.f32 v9, v5;
	[tilespmem:s15+$0x50] =	vst v4  }
0x1a6: {  	[tilespmem:s15+$0x60] =	vst v2;
	v2 =	vmul.f32 v10, v5  }
0x1a7: {  	[tilespmem:s15+$0x40] =	vst v55  }
0x1a8: {  	v3 =	vld [tilespmem:s15+$0x80];
	[tilespmem:s15+$0x70] =	vst v2  }
0x1a9: {  	v2 =	vld [tilespmem:s16+$0x1D430]  }
0x1aa: {  	v56 =	vld [tilespmem:s15+$0xA0]  }
0x1ab: {  	v58 =	vld [tilespmem:s15+$0x90]  }
0x1ac: {  	v57 =	vld [tilespmem:s15+$0xE0]  }
0x1ad: {  	v59 =	vld [tilespmem:s15+$0xD0]  }
0x1ae: {  	v61 =	vld [tilespmem:s15+$0xC0];
	v3 =	vmul.f32 v3, v2  }
0x1af: {  	v62 =	vld [tilespmem:s15+$0xF0];
	v5 =	vmul.f32 v56, v2  }
0x1b0: {  	v60 =	vld [tilespmem:s15+$0xB0];
	v6 =	vmul.f32 v58, v2;
	[tilespmem:s15+$0x80] =	vst v3  }
0x1b1: {  	v4 =	vmul.f32 v57, v2;
	[tilespmem:s15+$0xA0] =	vst v5  }
0x1b2: {  	s14 =	sadd.s32 $0x1, s14;
	v3 =	vmul.f32 v59, v2;
	[tilespmem:s15+$0x90] =	vst v6  }
0x1b3: {  	p0 =	sne.s32 s14, $0x50;
	v63 =	vmul.f32 v61, v2;
	[tilespmem:s15+$0xE0] =	vst v4  }
.Ltmp3:
0x1b4: {  	[tilespmem:s15+$0xD0] =	vst v3;
	v3 =	vmul.f32 v62, v2;
	(pc) =	sbr.rel @p0 .LBB2_5-.Ltmp3, $4  }
0x1b5: {  	[tilespmem:s15+$0xC0] =	vst v63;
	v2 =	vmul.f32 v60, v2  }
0x1b6: {  	[tilespmem:s15+$0xF0] =	vst v3  }
0x1b7: {  	[tilespmem:s15+$0xB0] =	vst v2  }
0x1b8: {  	[spmem:s2] =	stream.indirect.scatter.add.f32 [tilespmem:s31], [sflag:$0x4], $0x80, s30, s29, $0xb8;
	[tilespmem:$0x1D900] =	vst v63  }
0x1b9: {  	_ =	swait.ge [sflag:s26], $0x2000  }
0x1ba: {  	[sflag:s26] =	ssyncset.done $0x0  }
0x1bb: {  	[sflag:s26] =	ssyncadd.s32 $0xFFFFE000  }
0x1bc: {  	_ =	swait.ge [sflag:s26], $0x400  }
0x1bd: {  	[sflag:s26] =	ssyncset.done $0x0  }
0x1be: {  	[sflag:s26] =	ssyncadd.s32 $0xFFFFFC00  }
0x1bf: {  	_ =	swait.ge [sflag:s3], $0x2000  }
0x1c0: {  	s18 =	stileid.u32;
	[sflag:s3] =	ssyncset.done $0x0  }
0x1c1: {  	s19 =	sshrl.u32 s11, $0x3;
	s13 =	rddreg [dreg:$0x7];
	[sflag:s3] =	ssyncadd.s32 $0xFFFFE000  }
0x1c2: {  	s10 =	sadd.s32 $0x1, s10;
	s12 =	sadd.s32 s13, s12;
	[bflag:$0x0] =	sbarrier.arrive $0xFFFF  }
0x1c3: {  	s13 =	sshll.u32 s18, $0x6;
	s12 =	sshll.u32 s12, $0x4;
	s14 =	rddreg [dreg:$0x3]  }
0x1c4: {  	p0 =	sne.s32 s10, $0x8;
	s13 =	sor.u32 $0x1C05, s13;
	s12 =	sadd.s32 s14, s12  }
0x1c5: {  	[hbm:s12], [sflag:s13] =	dma.local [spmem:s19], $0x2800  }
.Ltmp4:
0x1c6: {  	_ =	swait.ge [sflag:s25], $0x2800;
	(pc) =	sbr.rel @p0 .LBB2_2-.Ltmp4, $3  }
0x1c7: {  	[sflag:s25] =	ssyncset.done $0x0  }
0x1c8: {  	[sflag:s25] =	ssyncadd.s32 $0xFFFFD800  }
0x1c9: {  	[bflag:$0x0] =	sbarrier.arrive $0xFFFF;
	_ =	sdelay $0x1  }
0x1ca: {  	s12 =	rddreg [dreg:$0x10]  }
0x1cb: {  	s10 =	rddreg [dreg:$0xf];
	s12 =	sadd.s32 $0x1, s12  }
0x1cc: {  	p0 =	sne.s32 s12, s10  }
.Ltmp5:
0x1cd: {  	_ = 	snop;
	(pc) =	sbr.rel @p0 .LBB2_1-.Ltmp5, $1  }
0x1ce: {  	_ =	sdelay $0x3  }
0x1cf: {  	_ =	sfence.sel $0x180000  }
0x1d0: {  	[bflag:$0x0] =	sbarrier.arrive $0xFFFF  }
0x1d1: {  	_ =	strace $0x90000050  }
0x1d2: {  	s0 =	stileid.u32;
	[bflag:$0x2] =	sbarrier.arrive $0xFFFF  }
0x1d3: {  	p0 =	sne.s32 s0, $0x0;
	s0 =	rddreg [dreg:$0x2]  }
0x1d4: {  	s0 =	sadd.s32 @!p0 $0x100000, s0  }
0x1d5: {  	[sflag:s0] =	ssyncadd.tile.s32 @!p0 $0x1;
	_ =	shalt  }
.Lfunc_end2:
_tile_overlayer_lowered:
.L_overlay_start_2:
0x1d6: {  	(tag) =	ssettag $0x2  }
0x1d7: {  	s0 =	rddreg [dreg:$0x0];
	s2 =	stileid.u32  }
0x1d8: {  	s1 =	rddreg [dreg:$0x1];
	p0 =	sne.s32 s2, $0x0  }
0x1d9: {  	s3 =	rddreg [dreg:$0x2];
	[bflag:$0x3] =	sbarrier.arrive $0xFFFF;
	s2 =	simm.s32 @!p0 $0x1C05  }
0x1da: {  	[timem:s3], [sflag:s2] =	dma.local @!p0 [hbm:s0], s1  }
0x1db: {  	s0 =	simm.s32 @!p0 $0x5  }
0x1dc: {  	_ =	swait.ge @!p0 [sflag:s0], s1  }
0x1dd: {  	s1 =	ssub.s32 @!p0 $0x0, s1;
	[sflag:s0] =	ssyncset.done @!p0 $0x0  }
0x1de: {  	[sflag:s0] =	ssyncadd.s32 @!p0 s1  }
0x1df: {  	[bflag:$0x3] =	sbarrier.arrive $0xFFFF  }
0x1e0: {  	_ =	shalt  }

// kernel: kernel.17.cloned.1.call-start
scs
__scs_entry_jumppad:
0x0: {  	(pc) =	sbr.rel $0x88, $3  }
0x1: {  	(tag) =	ssettag $0x0;
	lr =	simm.s32 $0x1  }
0x2: {  	[smem:$0x3F8D] =	sst lr;
	_ =	strace $0xD0000000  }
0x3: {  	_ = 	snop  }
0x4: {  	_ = 	snop  }
0x5: {  	_ = 	snop  }
0x6: {  	_ = 	snop  }
0x7: {  	_ = 	snop  }
__scs_overlays_trampoline_lowered:
0x8: {  	[smem:$0x3F9C] =	sst s0  }
0x9: {  	[smem:$0x3F9D] =	sst s1  }
0xa: {  	[smem:$0x3F9E] =	sst s2  }
0xb: {  	[smem:$0x3F9F] =	sst s3  }
0xc: {  	[smem:$0x3FA0] =	sst s4  }
0xd: {  	[smem:$0x3FA1] =	sst s5  }
0xe: {  	[smem:$0x3FA2] =	sst s6  }
0xf: {  	[smem:$0x3FA3] =	sst s7  }
0x10: {  	[smem:$0x3FA4] =	sst s8  }
0x11: {  	[smem:$0x3FA5] =	sst s9;
	s0 =	simm.s32 @!p0 $0x0  }
0x12: {  	s1 =	sld [smem:$0x3F8B];
	s0 =	simm.s32 @p0 $0x1  }
0x13: {  	[smem:$0x3FA6] =	sst s0;
	s0 =	simm.s32 @!p1 $0x0  }
0x14: {  	s2 =	sld [smem:$0x3F8A];
	s0 =	simm.s32 @p1 $0x1  }
0x15: {  	[smem:$0x3FA7] =	sst s0;
	s0 =	simm.s32 @!p2 $0x0  }
0x16: {  	s3 =	sld [smem:$0x3FDB];
	s0 =	simm.s32 @p2 $0x1  }
0x17: {  	s4 =	simm.s32 $0x1BF5;
	[smem:$0x3FA9] =	sst s0  }
0x18: {  	s0 =	sld [smem:$0x3F8C];
	_ =	swait.ge [sflag:s4], $0x0  }
0x19: {  	s7 =	sld [smem:$0x3F8D]  }
0x1a: {  	s8 =	sadd.s32 $0xFFFFE003, lr  }
0x1b: {  	s9 =	sadd.s32 $0xFFFFFEF7, lr;
	s5 =	simm.s32 $0xFFFFFFFF;
	p2 =	slt.u32 s8, $0xFFFFF086  }
0x1c: {  	p1 =	slt.u32 s9, $0xF7A;
	s5 =	simm.s32 @!p2 $0x0  }
0x1d: {  	s5 =	simm.s32 @p1 $0x1;
	p0 =	seq.s32 s7, s2  }
0x1e: {  	s7 =	smul.u32 @!p0 $0xF7A, s2;
	p2 =	seq.s32 @!p0 s5, $0x0  }
0x1f: {  	s9 =	smul.u32 $0xF7A, s1;
	s8 =	simm.s32 @!p0 $0x1BF5;
	p2 =	por !p2, p0  }
0x20: {  	[sflag:s8] =	ssyncset.s32 @!p0 $0xFFFFF086;
	s6 =	sadd.s32 @!p0 s3, s7;
	s7 =	simm.s32 @!p0 $0x108  }
0x21: {  	s3 =	sadd.s32 s3, s9;
	s6 =	sadd.s32 @!p0 $0x88, s6;
	s7 =	simm.s32 @p2 $0x1082  }
0x22: {  	[simem:s7], [sflag:s8] =	dma.local @!p0 [hbm:s6], $0xF7A  }
0x23: {  	s9 =	sor.u32 $0xD0000000, s2;
	s6 =	simm.s32 $0x108;
	_ =	swait.ge @!p0 [sflag:s8], $0x0  }
0x24: {  	s3 =	sadd.s32 $0x88, s3;
	s6 =	simm.s32 @!p1 $0x1082;
	[sflag:s4] =	ssyncset.s32 $0xFFFFF086  }
0x25: {  	[simem:s6], [sflag:s4] =	dma.local [hbm:s3], $0xF7A  }
0x26: {  	[smem:$0x3F8D] =	sst s1;
	(tag) =	ssettag s2;
	_ =	strace s9  }
0x27: {  	s1 =	sld [smem:$0x3F9D]  }
0x28: {  	s2 =	sld [smem:$0x3F9E]  }
0x29: {  	s4 =	sld [smem:$0x3FA0]  }
0x2a: {  	p0 =	seq.s32 s5, $0x0;
	s5 =	sld [smem:$0x3FA1]  }
0x2b: {  	s6 =	sld [smem:$0x3FA2]  }
0x2c: {  	s7 =	sld [smem:$0x3FA3]  }
0x2d: {  	s3 =	simm.s32 $0x108;
	s8 =	sld [smem:$0x3FA4]  }
0x2e: {  	s3 =	simm.s32 @!p0 $0x1082;
	s9 =	sld [smem:$0x3FA5]  }
0x2f: {  	lr =	sadd.s32 s0, s3;
	s0 =	sld [smem:$0x3F9C]  }
0x30: {  	s3 =	sld [smem:$0x3F9F]  }
0x31: {  	[smem:$0x3FA8] =	sst s10  }
0x32: {  	s10 =	sld [smem:$0x3FA6];
	_ =	sdelay $0x3  }
0x33: {  	p0 =	seq.s32 s10, $0x1;
	s10 =	sld [smem:$0x3FA8];
	_ =	sdelay $0x3  }
0x34: {  	[smem:$0x3FA8] =	sst s10  }
0x35: {  	s10 =	sld [smem:$0x3FA7];
	_ =	sdelay $0x3  }
0x36: {  	p1 =	seq.s32 s10, $0x1;
	s10 =	sld [smem:$0x3FA8];
	_ =	sdelay $0x3  }
0x37: {  	[smem:$0x3FA8] =	sst s10  }
0x38: {  	s10 =	sld [smem:$0x3FA9]  }
0x39: {  	_ = 	snop;
	(pc) =	sbr.ind lr, $3  }
0x3a: {  	_ = 	snop  }
0x3b: {  	_ = 	snop  }
0x3c: {  	p2 =	seq.s32 s10, $0x1;
	s10 =	sld [smem:$0x3FA8]  }
0x3d: {  	_ =	shalt  }
0x3e: {  	_ =	shalt  }
0x3f: {  	_ =	shalt  }
0x40: {  	_ =	shalt  }
0x41: {  	_ =	shalt  }
0x42: {  	_ =	shalt  }
0x43: {  	_ =	shalt  }
0x44: {  	_ =	shalt  }
0x45: {  	_ =	shalt  }
0x46: {  	_ =	shalt  }
0x47: {  	_ =	shalt  }
0x48: {  	_ =	shalt  }
0x49: {  	_ =	shalt  }
0x4a: {  	_ =	shalt  }
0x4b: {  	_ =	shalt  }
0x4c: {  	_ =	shalt  }
0x4d: {  	_ =	shalt  }
0x4e: {  	_ =	shalt  }
0x4f: {  	_ =	shalt  }
0x50: {  	_ =	shalt  }
0x51: {  	_ =	shalt  }
0x52: {  	_ =	shalt  }
0x53: {  	_ =	shalt  }
0x54: {  	_ =	shalt  }
0x55: {  	_ =	shalt  }
0x56: {  	_ =	shalt  }
0x57: {  	_ =	shalt  }
0x58: {  	_ =	shalt  }
0x59: {  	_ =	shalt  }
0x5a: {  	_ =	shalt  }
0x5b: {  	_ =	shalt  }
0x5c: {  	_ =	shalt  }
0x5d: {  	_ =	shalt  }
0x5e: {  	_ =	shalt  }
0x5f: {  	_ =	shalt  }
0x60: {  	_ =	shalt  }
0x61: {  	_ =	shalt  }
0x62: {  	_ =	shalt  }
0x63: {  	_ =	shalt  }
0x64: {  	_ =	shalt  }
0x65: {  	_ =	shalt  }
0x66: {  	_ =	shalt  }
0x67: {  	_ =	shalt  }
0x68: {  	_ =	shalt  }
0x69: {  	_ =	shalt  }
0x6a: {  	_ =	shalt  }
0x6b: {  	_ =	shalt  }
0x6c: {  	_ =	shalt  }
0x6d: {  	_ =	shalt  }
0x6e: {  	_ =	shalt  }
0x6f: {  	_ =	shalt  }
0x70: {  	_ =	shalt  }
0x71: {  	_ =	shalt  }
0x72: {  	_ =	shalt  }
0x73: {  	_ =	shalt  }
0x74: {  	_ =	shalt  }
0x75: {  	_ =	shalt  }
0x76: {  	_ =	shalt  }
0x77: {  	_ =	shalt  }
0x78: {  	_ =	shalt  }
0x79: {  	_ =	shalt  }
0x7a: {  	_ =	shalt  }
0x7b: {  	_ =	shalt  }
0x7c: {  	_ =	shalt  }
0x7d: {  	_ =	shalt  }
0x7e: {  	_ =	shalt  }
0x7f: {  	_ =	shalt  }
0x80: {  	_ =	shalt  }
0x81: {  	_ =	shalt  }
0x82: {  	_ =	shalt  }
0x83: {  	_ =	shalt  }
0x84: {  	_ =	shalt  }
0x85: {  	_ =	shalt  }
0x86: {  	_ =	shalt  }
0x87: {  	_ =	shalt  }
.Lfunc_end0:
.L_simem_size_0:
called_computation.4_lowered:
.L_overlay_start_0:
0x88: {  	s2 =	sld [smem:$0x3FD9]  }
0x89: {  	s3 =	sld [smem:$0x3FFE];
	_ =	sdelay $0x1  }
0x8a: {  	s1 =	srdreg.scid  }
0x8b: {  	s0 =	sand.u32 $0x1, s1  }
0x8c: {  	s16 =	sshll.u32 s0, $0xA;
	s2 =	sadd.s32 s3, s2  }
0x8d: {  	s2 =	sadd.s32 s2, s16  }
0x8e: {  	[smem:$0x3FB4] =	sst s2  }
0x8f: {  	_ = 	snop  }
0x90: {  	(tm) =	ssettm $0x1  }
0x91: {  	s17 =	sld [smem:$0x3FFB];
	_ =	sdelay $0x3  }
0x92: {  	_ =	strace s17  }
0x93: {  	s2 =	sld [smem:$0x3FFC];
	_ =	sdelay $0x3  }
0x94: {  	_ =	strace s2  }
0x95: {  	s2 =	sld [smem:$0x3FFD];
	_ =	sdelay $0x3  }
0x96: {  	_ =	strace s2  }
0x97: {  	_ =	strace $0x8FFFFFFF  }
0x98: {  	s18 =	sld [smem:$0x3FDB];
	_ =	sdelay $0x1  }
0x99: {  	s19 =	simm.s32 $_scs_section_size  }
0x9a: {  	s4 =	simm.s32 $_size__tile_overlayer_lowered;
	s5 =	simm.s32 $_tile_overlayer_lowered  }
0x9b: {  	s22 =	simm.s32 $0x1BFF;
	s21 =	sshll.u32 s5, $0x1;
	s2 =	sadd.s32 s19, s18  }
0x9c: {  	s6 =	simm.s32 $0x0;
	s20 =	sshll.u32 s4, $0x1;
	s4 =	sadd.s32 s21, s2  }
0x9d: {  	[timem:s6], [sflag:s22] =	dma.local [hbm:s4], s20  }
0x9e: {  	_ =	swait.ge [sflag:s22], s20  }
0x9f: {  	s3 =	ssub.s32 $0x0, s20;
	[sflag:s22] =	ssyncset.done $0x0  }
0xa0: {  	[sflag:s22] =	ssyncadd.s32 s3;
	_ =	sdelay $0x1  }
0xa1: {  	s23 =	simm.s32 $0x1B8B  }
0xa2: {  	_ =	swait.ge [sflag:s23], $0x1  }
0xa3: {  	[sflag:s23] =	ssyncset.done $0x0  }
0xa4: {  	s25 =	simm.s32 $0x1B8E;
	s24 =	sld [smem:$0x3FFE];
	[sflag:s23] =	ssyncadd.s32 $0xFFFFFFFF  }
0xa5: {  	s26 =	simm.s32 $execute0_lowered;
	[smem:$0x3FD2] =	sst s25  }
0xa6: {  	s4 =	sshll.u32 s26, $0x1;
	_ =	strace $0x80000052;
	[dreg:$0x1] =	wrdreg $0xFFFFFFFF  }
0xa7: {  	s28 =	simm.s32 $_size_execute0_lowered;
	s2 =	sadd.s32 s2, s4;
	[dreg:$0x0] =	wrdreg $0x0  }
0xa8: {  	s4 =	sshll.u32 s28, $0x1;
	[dreg:$0x2] =	wrdreg s2  }
0xa9: {  	[dreg:$0x3] =	wrdreg s4  }
0xaa: {  	[dreg:$0x4] =	wrdreg $0xC0  }
0xab: {  	_ =	task [dreg:s6], $0x5FFFF  }
0xac: {  	[dreg:$0x1] =	wrdreg $0xFFFFFFFF  }
0xad: {  	[dreg:$0x0] =	wrdreg $0x60  }
0xae: {  	[dreg:$0x2] =	wrdreg s24  }
0xaf: {  	[dreg:$0x3] =	wrdreg $0x0  }
0xb0: {  	[dreg:$0x4] =	wrdreg $0x9  }
0xb1: {  	_ =	task.clear_ibuf [dreg:s6], $0x5FFFF;
	_ =	strace $0x90000052  }
0xb2: {  	s29 =	simm.s32 $0x9;
	_ =	strace $0x80000054  }
0xb3: {  	_ =	swait.ge [sflag:s29], $0x1  }
0xb4: {  	[sflag:s29] =	ssyncadd.s32 $0xFFFFFFFF  }
0xb5: {  	_ =	strace $0x90000054  }
0xb6: {  	_ =	sfence  }
0xb7: {  	s30 =	sld [smem:$0x0];
	_ =	sdelay $0x2  }
0xb8: {  	s31 =	sshll.u32 s1, $0xD;
	s1 =	sshrl.u32 s1, $0x2  }
0xb9: {  	s3 =	sand.u32 $0x4000, s31;
	s1 =	sadd.s32 s1, s30  }
0xba: {  	s0 =	sor.u32 s3, s0;
	s1 =	sshll.u32 s1, $0x11  }
0xbb: {  	s0 =	sor.u32 s1, s0  }
0xbc: {  	s0 =	sadd.s32 $0x8F2B, s0  }
0xbd: {  	[sflag:s0] =	ssyncadd.remote.s32 $0x1  }
0xbe: {  	_ =	sfence.sel $0xFFFF  }
0xbf: {  	[dreg:$0x0] =	wrdreg $0xFFFFFFFF;
	(pc) =	sbr.abs _section_cstart, $3  }
0xc0: {  	[dreg:$0x1] =	wrdreg $0xFFFFFFFF  }
0xc1: {  	_ =	task.clear_ibuf [dreg:s6], $0x2FFFF;
	_ =	strace $0x9FFFFFFF  }
0xc2: {  	(tm) =	ssettm $0x7FFFFFFF  }
0xc3: {  	_ =	shalt  }
tec
execute0_lowered:
.L_overlay_start_1:
0x0: {  	(tag) =	ssettag $0x1  }
0x1: {  	s9 =	rddreg [dreg:$0x0]  }
0x2: {  	s1 =	rddreg [dreg:$0x1];
	s3 =	simm.s32 $0x0;
	s2 =	srdreg.scid  }
0x3: {  	s15 =	simm.s32 $0x2900;
	s16 =	simm.s32 $0x2950;
	s17 =	simm.s32 $0x50  }
0x4: {  	s18 =	simm.s32 $0x29F0;
	s19 =	simm.s32 $0x2EF0;
	s20 =	simm.s32 $0x33F0  }
0x5: {  	s21 =	simm.s32 $0x1;
	[smem:$0x7FF] =	sst s3;
	s10 =	sand.u32 $0x1, s2  }
0x6: {  	s2 =	stileid.u32;
	s4 =	sadd.s32 $0xA200, s9;
	s22 =	smul.u32 $0x1400, s10  }
0x7: {  	s5 =	sadd.s32 $0x5200, s9;
	s6 =	sadd.s32 $0xF200, s9;
	s8 =	smul.u32 $0x140, s2  }
0x8: {  	s7 =	sadd.s32 $0xA5A200, s9;
	s12 =	smul.u32 $0x5200, s2;
	s10 =	ssub.s32 $0x2, s10  }
0x9: {  	_ =	strace $0x80000053;
	s14 =	smul.u32 $0x5000, s2;
	s13 =	sshrl.u32 s10, $0x1  }
0xa: {  	s11 =	sadd.s32 s8, s22;
	s8 =	sadd.s32 $0xA55200, s9;
	s12 =	sshrl.u32 s12, $0x2  }
0xb: {  	s13 =	ssub.s32 s10, s13;
	s10 =	smul.u32 $0x2710, s2;
	s23 =	sadd.s32 $0x1400, s22  }
0xc: {  	s31 =	sshrl.u32 s14, $0x2;
	s14 =	simm.s32 $0x2;
	v0 =	vmov s22;
	s22 =	simm.s32 $0x29A0  }
0xd: {  	s11 =	sshll.u32 s11, $0x1;
	s24 =	sadd.s32 s31, s1;
	v1 =	vmov s23;
	s23 =	simm.s32 $0x38F0  }
0xe: {  	s11 =	sadd.s32 s11, s9;
	s9 =	sadd.s32 s12, s1;
	s12 =	smax.u32 s13, $0x1  }
0xf: {  	v2 =	vimm.f32 $0.0e+00;
	s13 =	simm.s32 $0x1480;
	s24 =	sshrl.u32 s24, $0x3;
	s11 =	sadd.s32 $0x14200, s11  }
.LBB2_1:
0x10: {  	s25 =	simm.s32 $0x40;
	s26 =	simm.s32 $0x0  }
.LBB2_2:
0x11: {  	p0 =	sne.s32 s25, $0x51C0;
	[tilespmem:s26+$0x1480] =	vst v2;
	s26 =	smov.u32 s25;
	s25 =	sadd.s32 $0x40, s25  }
.Ltmp0:
0x12: {  	(pc) =	sbr.rel @p0 .LBB2_2-.Ltmp0, $2  }
0x13: {  	_ =	sdelay $0x2  }
0x14: {  	s26 =	sshra.s32 s26, $0x2  }
0x15: {  	[tilespmem:s26+$0x1480] =	vst v2  }
0x16: {  	[spmem:s9] =	stream.linear.scatter [tilespmem:s13], [sflag:$0x2], $0x1480, $0x38;
	[tilespmem:$0x3DF0] =	vst v63  }
0x17: {  	_ =	swait.ge [sflag:s14], $0x1480  }
0x18: {  	[sflag:s14] =	ssyncset.done $0x0  }
0x19: {  	[sflag:s14] =	ssyncadd.s32 $0xFFFFEB80  }
0x1a: {  	s25 =	simm.s32 $0x0;
	s26 =	simm.s32 $0x0;
	[bflag:$0x0] =	sbarrier.arrive $0xFFFF  }
.LBB2_4:
0x1b: {  	s28 =	smul.u32 $0x50, s26;
	_ =	sdelay $0x1  }
0x1c: {  	s28 =	sadd.s32 s10, s28  }
0x1d: {  	s28 =	sshrl.u32 s28, $0x3  }
0x1e: {  	s29 =	sadd.s32 s7, s28  }
0x1f: {  	[tilespmem:s15], [sflag:$0x2] =	stream.linear.gather [hbm4b:s29+s25], $0x50, $0x38;
	[tilespmem:$0x3DF0] =	vst v63  }
0x20: {  	_ =	swait.ge [sflag:s14], $0x50  }
0x21: {  	[sflag:s14] =	ssyncset.done $0x0  }
0x22: {  	s28 =	sadd.s32 s8, s28;
	[sflag:s14] =	ssyncadd.s32 $0xFFFFFFB0  }
0x23: {  	[tilespmem:s16], [sflag:$0x2] =	stream.linear.gather [hbm4b:s28+s25], $0x50, $0x38;
	[tilespmem:$0x3DF0] =	vst v63  }
0x24: {  	_ =	swait.ge [sflag:s14], $0x50  }
0x25: {  	[sflag:s14] =	ssyncset.done $0x0  }
0x26: {  	[sflag:s14] =	ssyncadd.s32 $0xFFFFFFB0  }
0x27: {  	v3 =	vld [tilespmem:$0x2950]  }
0x28: {  	v4 =	vld [tilespmem:$0x2960]  }
0x29: {  	v5 =	vld [tilespmem:$0x2970];
	_ =	sdelay $0x1  }
0x2a: {  	v6 =	vld [tilespmem:$0x2980]  }
0x2b: {  	v7 =	vld [tilespmem:$0x2990]  }
0x2c: {  	vm0 =	vge.s32 v3, v0;
	vm1 =	vlt.s32 v3, v1;
	v3 =	vsub.s32 v3, v0  }
0x2d: {  	vm7 =	vge.s32 v4, v0;
	vm8 =	vlt.s32 v4, v1;
	vm2 =	vge.s32 v5, v0  }
0x2e: {  	vm3 =	vlt.s32 v5, v1;
	v4 =	vsub.s32 v4, v0;
	v5 =	vsub.s32 v5, v0  }
0x2f: {  	vm10 =	vge.s32 v6, v0;
	vm11 =	vlt.s32 v6, v1;
	vm0 =	vmand vm0, vm1  }
0x30: {  	vm13 =	vge.s32 v7, v0;
	v3 =	vnsel vm0, $0x1400, v3;
	vm0 =	vmand vm7, vm8  }
0x31: {  	vm14 =	vlt.s32 v7, v1;
	vm9 =	vmand vm2, vm3;
	v4 =	vnsel vm0, $0x1400, v4;
	[tilespmem:$0x29A0] =	vst v3  }
0x32: {  	vm12 =	vmand vm10, vm11;
	v3 =	vnsel vm9, $0x1400, v5;
	[tilespmem:$0x29B0] =	vst v4;
	v4 =	vsub.s32 v6, v0  }
0x33: {  	vm15 =	vmand vm13, vm14;
	[tilespmem:$0x29C0] =	vst v3;
	v3 =	vsub.s32 v7, v0;
	v4 =	vnsel vm12, $0x1400, v4  }
0x34: {  	v3 =	vnsel vm15, $0x1400, v3;
	[tilespmem:$0x29D0] =	vst v4  }
0x35: {  	[tilespmem:$0x29E0] =	vst v3  }
0x36: {  	[tilespmem:s18], [sflag:$0x1] =	stream.indirect.gather [hbm4b:s4+s17], $0x10, s16, s17, $0xb8;
	[tilespmem:$0x3DF0] =	vst v63  }
0x37: {  	_ = 	snop  }
0x38: {  	[tilespmem:s19], [sflag:$0x1] =	stream.indirect.gather [hbm4b:s5+s17], $0x10, s15, s17, $0xb8;
	[tilespmem:$0x3DF0] =	vst v63  }
0x39: {  	_ = 	snop  }
0x3a: {  	[tilespmem:s20], [sflag:$0x1] =	stream.indirect.gather [hbm4b:s6+s17], $0x10, s15, s17, $0xb8;
	[tilespmem:$0x3DF0] =	vst v63  }
0x3b: {  	_ =	swait.ge [sflag:s21], $0x500  }
0x3c: {  	[sflag:s21] =	ssyncset.done $0x0  }
0x3d: {  	[sflag:s21] =	ssyncadd.s32 $0xFFFFFB00  }
0x3e: {  	_ =	swait.ge [sflag:s21], $0x500  }
0x3f: {  	[sflag:s21] =	ssyncset.done $0x0  }
0x40: {  	[sflag:s21] =	ssyncadd.s32 $0xFFFFFB00  }
0x41: {  	_ =	swait.ge [sflag:s21], $0x500  }
0x42: {  	[sflag:s21] =	ssyncset.done $0x0  }
0x43: {  	s29 =	simm.s32 $0x0;
	[sflag:s21] =	ssyncadd.s32 $0xFFFFFB00  }
0x44: {  	v3 =	vld [tilespmem:s29+$0x29F0]  }
0x45: {  	s28 =	simm.s32 $0x10;
	v4 =	vld [tilespmem:s29+$0x2EF0]  }
0x46: {  	v5 =	vld [tilespmem:s28+$0x29F0]  }
0x47: {  	v6 =	vld [tilespmem:s28+$0x2EF0];
	_ =	sdelay $0x2  }
0x48: {  	v3 =	vmul.f32 v4, v3;
	_ =	sdelay $0x1  }
0x49: {  	v4 =	vmul.f32 v6, v5;
	v5 =	vmul.f32 $1.442695020e+00, v3;
	_ =	sdelay $0x1  }
0x4a: {  	(erf) = vpow2.f32 v5  }
0x4b: {  	s30 =	simm.s32 $0x20;
	v6 =	vmul.f32 $1.442695020e+00, v4  }
0x4c: {  	v3 =	vld [tilespmem:s30+$0x29F0]  }
0x4d: {  	v5 =	vld [tilespmem:s30+$0x2EF0];
	(erf) = vpow2.f32 v6;
	_ =	sdelay $0x1  }
0x4e: {  	v4 =	vld [tilespmem:s29+$0x33F0]  }
0x4f: {  	s31 =	simm.s32 $0xC0  }
.LBB2_5:
0x50: {  	s0 =	sshra.s32 s31, $0x2;
	p0 =	sne.s32 s31, $0x13C0  }
.Ltmp1:
0x51: {  	s31 =	sadd.s32 $0x40, s31;
	v6 =	vmul.f32 v5, v3;
	v3 =	vld [tilespmem:s0+$0x29F0];
	(pc) =	sbr.rel @p0 .LBB2_5-.Ltmp1, $4  }
0x52: {  	v5 =	vld [tilespmem:s0+$0x2EF0];
	v7 =	vpop (erf)  }
0x53: {  	v6 =	vmul.f32 $1.442695020e+00, v6;
	v7 =	vmul.f32 v7, v4  }
0x54: {  	v4 =	vld [tilespmem:s28+$0x33F0]  }
0x55: {  	(erf) = vpow2.f32 v6;
	[tilespmem:s29+$0x38F0] =	vst v7;
	s29 =	smov.u32 s28;
	s28 =	smov.u32 s30;
	s30 =	smov.u32 s0  }
0x56: {  	_ = 	snop  }
0x57: {  	v3 =	vmul.f32 v5, v3;
	_ =	sdelay $0x1  }
0x58: {  	v3 =	vmul.f32 $1.442695020e+00, v3;
	_ =	sdelay $0x2  }
0x59: {  	(erf) = vpow2.f32 v3  }
0x5a: {  	v3 =	vpop (erf)  }
0x5b: {  	v3 =	vmul.f32 v3, v4;
	_ =	sdelay $0x1  }
0x5c: {  	v61 =	vld [tilespmem:s28+$0x33F0];
	[tilespmem:s29+$0x38F0] =	vst v3  }
0x5d: {  	v3 =	vld [tilespmem:s30+$0x33F0];
	_ =	sdelay $0x2  }
0x5e: {  	v62 =	vpop (erf)  }
0x5f: {  	v4 =	vmul.f32 v62, v61;
	v63 =	vpop (erf)  }
0x60: {  	s26 =	sadd.s32 $0x1, s26;
	v3 =	vmul.f32 v63, v3  }
0x61: {  	p0 =	sne.s32 s26, $0x7D;
	[tilespmem:s28+$0x38F0] =	vst v4  }
.Ltmp2:
0x62: {  	[tilespmem:s30+$0x38F0] =	vst v3;
	(pc) =	sbr.rel @p0 .LBB2_4-.Ltmp2, $4  }
0x63: {  	[spmem:s1] =	stream.indirect.scatter.add.f32 [tilespmem:s23], [sflag:$0x2], $0x10, s22, s17, $0xb8;
	[tilespmem:$0x3DF0] =	vst v63  }
0x64: {  	_ =	swait.ge [sflag:s14], $0x500  }
0x65: {  	[sflag:s14] =	ssyncset.done $0x0  }
0x66: {  	[sflag:s14] =	ssyncadd.s32 $0xFFFFFB00  }
0x67: {  	s3 =	sadd.s32 $0x1, s3  }
0x68: {  	s0 =	sshll.u32 s2, $0x6;
	p0 =	sne.s32 s3, s12  }
.Ltmp3:
0x69: {  	[bflag:$0x0] =	sbarrier.arrive $0xFFFF;
	s0 =	sor.u32 $0x1C02, s0;
	(pc) =	sbr.rel @p0 .LBB2_1-.Ltmp3, $4  }
0x6a: {  	[hbm:s11], [sflag:s0] =	dma.local [spmem:s24], $0x280  }
0x6b: {  	_ =	swait.ge [sflag:s14], $0x280  }
0x6c: {  	[sflag:s14] =	ssyncset.done $0x0  }
0x6d: {  	[sflag:s14] =	ssyncadd.s32 $0xFFFFFD80  }
0x6e: {  	_ =	sfence.sel $0x180000  }
0x6f: {  	[bflag:$0x0] =	sbarrier.arrive $0xFFFF  }
0x70: {  	_ =	strace $0x90000053  }
0x71: {  	[bflag:$0x2] =	sbarrier.arrive $0xFFFF  }
0x72: {  	p0 =	sne.s32 s2, $0x0;
	s0 =	rddreg [dreg:$0x2]  }
0x73: {  	s0 =	sadd.s32 @!p0 $0x100000, s0  }
0x74: {  	[sflag:s0] =	ssyncadd.tile.s32 @!p0 $0x1;
	_ =	shalt  }
.Lfunc_end2:
_tile_overlayer_lowered:
.L_overlay_start_2:
0x75: {  	(tag) =	ssettag $0x2  }
0x76: {  	s0 =	rddreg [dreg:$0x0];
	s2 =	stileid.u32  }
0x77: {  	s1 =	rddreg [dreg:$0x1];
	p0 =	sne.s32 s2, $0x0  }
0x78: {  	s3 =	rddreg [dreg:$0x2];
	[bflag:$0x3] =	sbarrier.arrive $0xFFFF;
	s2 =	simm.s32 @!p0 $0x1C02  }
0x79: {  	[timem:s3], [sflag:s2] =	dma.local @!p0 [hbm:s0], s1  }
0x7a: {  	s0 =	simm.s32 @!p0 $0x2  }
0x7b: {  	_ =	swait.ge @!p0 [sflag:s0], s1  }
0x7c: {  	s1 =	ssub.s32 @!p0 $0x0, s1;
	[sflag:s0] =	ssyncset.done @!p0 $0x0  }
0x7d: {  	[sflag:s0] =	ssyncadd.s32 @!p0 s1  }
0x7e: {  	[bflag:$0x3] =	sbarrier.arrive $0xFFFF  }
0x7f: {  	_ =	shalt  }

// kernel: sparse-core-data-format-call.1.cloned.1.call-start
scs
called_computation.1_lowered:
.L_overlay_start_0:
0x0: {  	s1 =	sld [smem:$0x3FD9]  }
0x1: {  	s2 =	sld [smem:$0x3FFE];
	_ =	sdelay $0x1  }
0x2: {  	s3 =	srdreg.scid  }
0x3: {  	s0 =	sand.u32 $0x1, s3  }
0x4: {  	s17 =	sshll.u32 s0, $0xA;
	s1 =	sadd.s32 s2, s1  }
0x5: {  	s1 =	sadd.s32 s1, s17  }
0x6: {  	[smem:$0x3FB4] =	sst s1  }
0x7: {  	_ = 	snop  }
0x8: {  	(tm) =	ssettm $0x1  }
0x9: {  	s18 =	sld [smem:$0x3FFB];
	_ =	sdelay $0x3  }
0xa: {  	_ =	strace s18  }
0xb: {  	s1 =	sld [smem:$0x3FFC];
	_ =	sdelay $0x3  }
0xc: {  	_ =	strace s1  }
0xd: {  	s1 =	sld [smem:$0x3FFD];
	_ =	sdelay $0x3  }
0xe: {  	_ =	strace s1  }
0xf: {  	_ =	strace $0x8FFFFFFF  }
0x10: {  	s19 =	sld [smem:$0x3FDB];
	_ =	sdelay $0x1  }
0x11: {  	s20 =	simm.s32 $_scs_section_size  }
0x12: {  	s4 =	simm.s32 $_size__tile_overlayer_lowered;
	s5 =	simm.s32 $_tile_overlayer_lowered  }
0x13: {  	s23 =	simm.s32 $0x1BFF;
	s22 =	sshll.u32 s5, $0x1;
	s1 =	sadd.s32 s20, s19  }
0x14: {  	s6 =	simm.s32 $0x0;
	s21 =	sshll.u32 s4, $0x1;
	s4 =	sadd.s32 s22, s1  }
0x15: {  	[timem:s6], [sflag:s23] =	dma.local [hbm:s4], s21  }
0x16: {  	_ =	swait.ge [sflag:s23], s21  }
0x17: {  	s2 =	ssub.s32 $0x0, s21;
	[sflag:s23] =	ssyncset.done $0x0  }
0x18: {  	[sflag:s23] =	ssyncadd.s32 s2;
	_ =	sdelay $0x1  }
0x19: {  	s24 =	simm.s32 $0x1B8B  }
0x1a: {  	_ =	swait.ge [sflag:s24], $0x1  }
0x1b: {  	[sflag:s24] =	ssyncset.done $0x0  }
0x1c: {  	s26 =	simm.s32 $0x1B8E;
	s25 =	sld [smem:$0x3FFE];
	[sflag:s24] =	ssyncadd.s32 $0xFFFFFFFF  }
0x1d: {  	s27 =	simm.s32 $execute0_lowered;
	[smem:$0x3FD2] =	sst s26  }
0x1e: {  	s4 =	sshll.u32 s27, $0x1;
	_ =	strace $0x80000046;
	[dreg:$0x1] =	wrdreg $0xFFFFFFFF  }
0x1f: {  	s28 =	simm.s32 $_size_execute0_lowered;
	s1 =	sadd.s32 s1, s4;
	[dreg:$0x0] =	wrdreg $0x0  }
0x20: {  	s4 =	sshll.u32 s28, $0x1;
	[dreg:$0x2] =	wrdreg s1  }
0x21: {  	[dreg:$0x3] =	wrdreg s4  }
0x22: {  	[dreg:$0x4] =	wrdreg $0xC0  }
0x23: {  	_ =	task [dreg:s6], $0x5FFFF  }
0x24: {  	[dreg:$0x1] =	wrdreg $0xFFFFFFFF  }
0x25: {  	[dreg:$0x0] =	wrdreg $0x60  }
0x26: {  	[dreg:$0x2] =	wrdreg s25  }
0x27: {  	[dreg:$0x3] =	wrdreg $0xA  }
0x28: {  	_ =	task.clear_ibuf [dreg:s6], $0x4FFFF;
	_ =	strace $0x90000046  }
0x29: {  	s29 =	simm.s32 $0xA;
	_ =	strace $0x80000048  }
0x2a: {  	_ =	swait.ge [sflag:s29], $0x1  }
0x2b: {  	[sflag:s29] =	ssyncadd.s32 $0xFFFFFFFF  }
0x2c: {  	_ =	strace $0x90000048  }
0x2d: {  	_ =	sfence  }
0x2e: {  	s30 =	sld [smem:$0x0];
	_ =	sdelay $0x2  }
0x2f: {  	s31 =	sshll.u32 s3, $0xD;
	s3 =	sshrl.u32 s3, $0x2  }
0x30: {  	s2 =	sand.u32 $0x4000, s31;
	s1 =	sadd.s32 s3, s30  }
0x31: {  	s0 =	sor.u32 s2, s0;
	s1 =	sshll.u32 s1, $0x11  }
0x32: {  	s0 =	sor.u32 s1, s0  }
0x33: {  	s0 =	sadd.s32 $0x8F2B, s0  }
0x34: {  	[sflag:s0] =	ssyncadd.remote.s32 $0x1  }
0x35: {  	_ =	sfence.sel $0xFFFF  }
0x36: {  	[dreg:$0x0] =	wrdreg $0xFFFFFFFF;
	(pc) =	sbr.abs _section_cstart, $3  }
0x37: {  	[dreg:$0x1] =	wrdreg $0xFFFFFFFF  }
0x38: {  	_ =	task.clear_ibuf [dreg:s6], $0x2FFFF;
	_ =	strace $0x9FFFFFFF  }
0x39: {  	(tm) =	ssettm $0x7FFFFFFF  }
tec
execute0_lowered:
.L_overlay_start_1:
0x0: {  	(tag) =	ssettag $0x1  }
0x1: {  	s0 =	srdreg.scid  }
0x2: {  	s1 =	sshll.u32 s0, $0x4  }
0x3: {  	s4 =	rddreg [dreg:$0x0];
	s0 =	stileid.u32;
	s1 =	sand.u32 $0x10, s1  }
0x4: {  	s7 =	simm.s32 $0x1;
	s8 =	simm.s32 $0x2;
	s1 =	sor.u32 s0, s1  }
0x5: {  	s9 =	simm.s32 $0x0;
	s12 =	simm.s32 $0x0;
	s2 =	sshll.u32 s1, $0x1  }
0x6: {  	s11 =	simm.s32 $0x0;
	s3 =	sadd.s32 $0x55200, s4;
	s6 =	ssub.s32 $0xA00, s2  }
.Ltmp0:
0x7: {  	s4 =	sadd.s32 $0x2D5200, s4;
	s5 =	sand.u32 $0x3E, s6;
	(pc) =	sbr.rel .LBB1_1-.Ltmp0, $4  }
0x8: {  	s1 =	rddreg [dreg:$0x1];
	_ =	strace $0x80000047;
	p0 =	sne.s32 s5, $0x0  }
0x9: {  	s6 =	sshrl.u32 s6, $0x6;
	s5 =	simm.s32 $0x1;
	s7 =	simm.s32 @!p0 $0x0  }
0xa: {  	s10 =	smov.u32 s2;
	[sflag:s5] =	ssyncpa.u1 $0x0;
	s6 =	sadd.s32 s7, s6  }
0xb: {  	[sflag:s8] =	ssyncpa.u1 $0x0;
	s8 =	simm.s32 $0x0;
	s7 =	sadd.s32 $0x1, s6  }
.LBB1_9:
0xc: {  	s14 =	sadd.s32 $0x40, s10  }
0xd: {  	p1 =	sgt.s32 s14, $0x9FF  }
0xe: {  	s14 =	smov.u32 @p1 s2;
	p1 =	sne.s32 s11, s7  }
.Ltmp1:
0xf: {  	p0 =	slt.u32 s11, $0x2;
	(pc) =	sbr.rel @!p1 .LBB1_10-.Ltmp1, $4  }
0x10: {  	s13 =	simm.s32 @!p0 $0x2  }
0x11: {  	s15 =	sadd.s32 $0x1, s11;
	_ =	swait.ge @!p0 [sflag:s13], $0x4000  }
0x12: {  	s12 =	smov.u32 s10;
	s9 =	sadd.s32 $0x4000, s9;
	[sflag:s13] =	ssyncset.done @!p0 $0x0  }
0x13: {  	s11 =	smov.u32 s15;
	s10 =	smov.u32 s14;
	[sflag:s13] =	ssyncadd.s32 @!p0 $0xFFFFC000  }
.LBB1_1:
0x14: {  	p0 =	sge.u32 s11, s6  }
0x15: {  	s13 =	sxor.u32 @!p0 $0xFFFFFFFF, s11  }
0x16: {  	s31 =	sadd.s32 $0xFFFFFFFF, s11;
	s14 =	sshll.u32 @!p0 s10, $0xA;
	s13 =	sshll.u32 @!p0 s13, $0xE  }
0x17: {  	s15 =	simm.s32 @!p0 $0x0;
	s14 =	sadd.s32 @!p0 s3, s14;
	s13 =	sand.u32 @!p0 $0x4000, s13  }
0x18: {  	[tilespmem:s13], [sflag:$0x1] =	stream.linear.gather @!p0 [hbm4b:s14+s15], $0x4000, $0x38;
	[tilespmem:$0x10000] =	vst v63  }
0x19: {  	p0 =	sge.u32 s31, s6  }
.Ltmp2:
0x1a: {  	_ = 	snop;
	(pc) =	sbr.rel @p0 .LBB1_9-.Ltmp2, $1  }
0x1b: {  	_ =	sdelay $0x3  }
0x1c: {  	s13 =	sshll.u32 s9, $0x2  }
0x1d: {  	_ =	swait.ge [sflag:s5], $0x4000;
	s14 =	sshll.u32 s11, $0xE;
	s16 =	simm.s32 $0x0  }
0x1e: {  	p1 =	por $0x1, $0x1;
	s13 =	sand.u32 $0x10000, s13;
	[sflag:s5] =	ssyncset.done $0x0  }
0x1f: {  	s14 =	sand.u32 $0x4000, s14;
	s15 =	sshrl.u32 s13, $0x2;
	[sflag:s5] =	ssyncadd.s32 $0xFFFFC000  }
0x20: {  	s13 =	sor.u32 $0x8000, s14;
	s14 =	sadd.s32 $0x8040, s15;
	s15 =	sadd.s32 $0x40, s15  }
.LBB1_3:
0x21: {  	s16 =	sshll.u32 s16, $0x2  }
0x22: {  	p0 =	por p1, p1;
	s17 =	sshra.s32 s16, $0x2  }
0x23: {  	s18 =	simm.s32 $0x0;
	s16 =	sadd.s32 s17, s14;
	s17 =	sadd.s32 s17, s15  }
.LBB1_4:
0x24: {  	v0 =	vmov s17;
	_ =	sdelay $0x3  }
0x25: {  	s20 =	simm.s32 $0x0  }
0x26: {  	v6 =	vld.idx.msk [tilespmem:v0+s20+$0x30 ss:$0x1], $0xffff  }
0x27: {  	v7 =	vld.idx.msk [tilespmem:v0+s20+$0xFFFFFFC0 ss:$0x1], $0xffff  }
0x28: {  	v5 =	vld.idx.msk [tilespmem:v0+s20+$0xFFFFFFD0 ss:$0x1], $0xffff  }
0x29: {  	v4 =	vld.idx.msk [tilespmem:v0+s20+$0xFFFFFFE0 ss:$0x1], $0xffff  }
0x2a: {  	v3 =	vld.idx.msk [tilespmem:v0+s20+$0xFFFFFFF0 ss:$0x1], $0xffff  }
0x2b: {  	v1 =	vld.idx.msk [tilespmem:v0+s20+$0x0 ss:$0x1], $0xffff  }
0x2c: {  	v2 =	vld.idx.msk [tilespmem:v0+s20+$0x10 ss:$0x1], $0xffff;
	[tilespmem:s16+$0x30] =	vst v6  }
0x2d: {  	s19 =	simm.s32 $0x80;
	s21 =	simm.s32 $0x400;
	[tilespmem:s16+$0xFFFFFFC0] =	vst v7;
	v6 =	vld.idx.msk [tilespmem:v0+s20+$0x20 ss:$0x1], $0xffff;
	s20 =	smov.u32 s16  }
.LBB1_5:
0x2e: {  	p1 =	sne.s32 s21, $0xE00;
	v7 =	vld.idx.msk [tilespmem:v0+s19+$0x30 ss:$0x1], $0xffff;
	[tilespmem:s20+$0xFFFFFFD0] =	vst v5  }
0x2f: {  	v8 =	vld.idx.msk [tilespmem:v0+s19+$0xFFFFFFC0 ss:$0x1], $0xffff;
	[tilespmem:s20+$0xFFFFFFE0] =	vst v4  }
0x30: {  	v5 =	vld.idx.msk [tilespmem:v0+s19+$0xFFFFFFD0 ss:$0x1], $0xffff;
	[tilespmem:s20+$0xFFFFFFF0] =	vst v3  }
.Ltmp3:
0x31: {  	v4 =	vld.idx.msk [tilespmem:v0+s19+$0xFFFFFFE0 ss:$0x1], $0xffff;
	[tilespmem:s20+$0x0] =	vst v1;
	(pc) =	sbr.rel @p1 .LBB1_5-.Ltmp3, $4  }
0x32: {  	v3 =	vld.idx.msk [tilespmem:v0+s19+$0xFFFFFFF0 ss:$0x1], $0xffff;
	[tilespmem:s20+$0x10] =	vst v2  }
0x33: {  	v1 =	vld.idx.msk [tilespmem:v0+s19+$0x0 ss:$0x1], $0xffff;
	[tilespmem:s20+$0x20] =	vst v6;
	s20 =	sadd.s32 $0x400, s20  }
0x34: {  	v2 =	vld.idx.msk [tilespmem:v0+s19+$0x10 ss:$0x1], $0xffff;
	[tilespmem:s20+$0x30] =	vst v7  }
0x35: {  	[tilespmem:s20+$0xFFFFFFC0] =	vst v8;
	v6 =	vld.idx.msk [tilespmem:v0+s19+$0x20 ss:$0x1], $0xffff;
	s19 =	sshra.s32 s21, $0x2;
	s21 =	sadd.s32 $0x200, s21  }
0x36: {  	_ =	sdelay $0x2  }
0x37: {  	[tilespmem:s20+$0xFFFFFFD0] =	vst v5  }
0x38: {  	v56 =	vld.idx.msk [tilespmem:v0+s19+$0x30 ss:$0x1], $0xffff;
	[tilespmem:s20+$0xFFFFFFE0] =	vst v4  }
0x39: {  	v57 =	vld.idx.msk [tilespmem:v0+s19+$0xFFFFFFC0 ss:$0x1], $0xffff;
	[tilespmem:s20+$0xFFFFFFF0] =	vst v3  }
0x3a: {  	v58 =	vld.idx.msk [tilespmem:v0+s19+$0xFFFFFFD0 ss:$0x1], $0xffff;
	[tilespmem:s20+$0x0] =	vst v1  }
0x3b: {  	v59 =	vld.idx.msk [tilespmem:v0+s19+$0xFFFFFFE0 ss:$0x1], $0xffff;
	[tilespmem:s20+$0x10] =	vst v2  }
0x3c: {  	v60 =	vld.idx.msk [tilespmem:v0+s19+$0xFFFFFFF0 ss:$0x1], $0xffff;
	s31 =	sadd.s32 $0x400, s20;
	[tilespmem:s20+$0x20] =	vst v6  }
0x3d: {  	v61 =	vld.idx.msk [tilespmem:v0+s19+$0x0 ss:$0x1], $0xffff;
	[tilespmem:s31+$0x30] =	vst v56  }
0x3e: {  	v62 =	vld.idx.msk [tilespmem:v0+s19+$0x10 ss:$0x1], $0xffff;
	s18 =	sadd.s32 $0x1, s18;
	[tilespmem:s31+$0xFFFFFFC0] =	vst v57  }
0x3f: {  	v63 =	vld.idx.msk [tilespmem:v0+s19+$0x20 ss:$0x1], $0xffff;
	p1 =	sne.s32 s18, $0x8;
	[tilespmem:s31+$0xFFFFFFD0] =	vst v58  }
.Ltmp4:
0x40: {  	[tilespmem:s31+$0xFFFFFFE0] =	vst v59;
	(pc) =	sbr.rel @p1 .LBB1_4-.Ltmp4, $4  }
0x41: {  	[tilespmem:s31+$0xFFFFFFF0] =	vst v60  }
0x42: {  	[tilespmem:s31+$0x0] =	vst v61  }
0x43: {  	[tilespmem:s31+$0x10] =	vst v62  }
0x44: {  	s16 =	sadd.s32 $0x80, s16;
	s17 =	sadd.s32 $0x400, s17;
	[tilespmem:s31+$0x20] =	vst v63  }
.Ltmp5:
0x45: {  	(pc) =	sbr.rel @p0 .LBB1_3-.Ltmp5, $2  }
0x46: {  	_ =	sdelay $0x2  }
0x47: {  	s16 =	simm.s32 $0x2000;
	p1 =	por $0x0, $0x0  }
.Ltmp6:
0x48: {  	(pc) =	sbr.rel .LBB1_9-.Ltmp6, $4  }
0x49: {  	_ = 	snop  }
0x4a: {  	s12 =	sshll.u32 s12, $0xA  }
0x4b: {  	s12 =	sadd.s32 s4, s12  }
0x4c: {  	[hbm4b:s12+s8] =	stream.linear.scatter [tilespmem:s13], [sflag:$0x2], $0x4000, $0x38;
	[tilespmem:$0x10000] =	vst v63  }
.LBB1_10:
0x4d: {  	_ =	sfence.sel $0x180000  }
0x4e: {  	s2 =	simm.s32 $0x1;
	[bflag:$0x0] =	sbarrier.arrive $0xFFFF  }
0x4f: {  	s31 =	simm.s32 $0x2;
	[sflag:s2] =	ssyncpa.u1 $0x1  }
0x50: {  	[sflag:s31] =	ssyncpa.u1 $0x1  }
0x51: {  	p0 =	sne.s32 s0, $0x0;
	_ =	strace $0x90000047  }
0x52: {  	s0 =	sadd.s32 @!p0 $0x100000, s1;
	[bflag:$0x2] =	sbarrier.arrive $0xFFFF  }
0x53: {  	[sflag:s0] =	ssyncadd.tile.s32 @!p0 $0x1;
	_ =	shalt  }
.Lfunc_end1:
_tile_overlayer_lowered:
.L_overlay_start_2:
0x54: {  	(tag) =	ssettag $0x2  }
0x55: {  	s0 =	rddreg [dreg:$0x0];
	s2 =	stileid.u32  }
0x56: {  	s1 =	rddreg [dreg:$0x1];
	p0 =	sne.s32 s2, $0x0  }
0x57: {  	s3 =	rddreg [dreg:$0x2];
	[bflag:$0x3] =	sbarrier.arrive $0xFFFF;
	s2 =	simm.s32 @!p0 $0x1C01  }
0x58: {  	[timem:s3], [sflag:s2] =	dma.local @!p0 [hbm:s0], s1  }
0x59: {  	s0 =	simm.s32 @!p0 $0x1  }
0x5a: {  	_ =	swait.ge @!p0 [sflag:s0], s1  }
0x5b: {  	s1 =	ssub.s32 @!p0 $0x0, s1;
	[sflag:s0] =	ssyncset.done @!p0 $0x0  }
0x5c: {  	[sflag:s0] =	ssyncadd.s32 @!p0 s1  }
0x5d: {  	[bflag:$0x3] =	sbarrier.arrive $0xFFFF  }
0x5e: {  	_ =	shalt  }

// kernel: sparse-core-data-format-call.cloned.1.call-start
scs
called_computation_lowered:
.L_overlay_start_0:
0x0: {  	s2 =	sld [smem:$0x3FD9]  }
0x1: {  	s3 =	sld [smem:$0x3FFE];
	_ =	sdelay $0x1  }
0x2: {  	s1 =	srdreg.scid  }
0x3: {  	s0 =	sand.u32 $0x1, s1  }
0x4: {  	s18 =	sshll.u32 s0, $0xA;
	s2 =	sadd.s32 s3, s2  }
0x5: {  	s2 =	sadd.s32 s2, s18  }
0x6: {  	[smem:$0x3FB4] =	sst s2  }
0x7: {  	_ = 	snop  }
0x8: {  	(tm) =	ssettm $0x1  }
0x9: {  	s19 =	sld [smem:$0x3FFB];
	_ =	sdelay $0x3  }
0xa: {  	_ =	strace s19  }
0xb: {  	s2 =	sld [smem:$0x3FFC];
	_ =	sdelay $0x3  }
0xc: {  	_ =	strace s2  }
0xd: {  	s2 =	sld [smem:$0x3FFD];
	_ =	sdelay $0x3  }
0xe: {  	_ =	strace s2  }
0xf: {  	_ =	strace $0x8FFFFFFF  }
0x10: {  	s20 =	sld [smem:$0x3FDB];
	_ =	sdelay $0x1  }
0x11: {  	s21 =	simm.s32 $_scs_section_size  }
0x12: {  	s4 =	simm.s32 $_size__tile_overlayer_lowered;
	s5 =	simm.s32 $_tile_overlayer_lowered  }
0x13: {  	s6 =	simm.s32 $0x1BFF;
	s22 =	sshll.u32 s5, $0x1;
	s3 =	sadd.s32 s21, s20  }
0x14: {  	s23 =	simm.s32 $0x0;
	s4 =	sshll.u32 s4, $0x1;
	s5 =	sadd.s32 s22, s3  }
0x15: {  	[timem:s23], [sflag:s6] =	dma.local [hbm:s5], s4  }
0x16: {  	_ =	swait.ge [sflag:s6], s4  }
0x17: {  	s4 =	ssub.s32 $0x0, s4;
	[sflag:s6] =	ssyncset.done $0x0  }
0x18: {  	[sflag:s6] =	ssyncadd.s32 s4;
	_ =	sdelay $0x1  }
0x19: {  	s24 =	simm.s32 $0x1B8B  }
0x1a: {  	_ =	swait.ge [sflag:s24], $0x1  }
0x1b: {  	[sflag:s24] =	ssyncset.done $0x0  }
0x1c: {  	[sflag:s24] =	ssyncadd.s32 $0xFFFFFFFF  }
0x1d: {  	s4 =	sld [smem:$0x0]  }
0x1e: {  	s5 =	sand.u32 $0xFFFFFFFE, s1  }
0x1f: {  	p0 =	sne.s32 s1, s5  }
0x20: {  	s5 =	sshll.u32 @p0 s5, $0xE  }
0x21: {  	s5 =	sadd.s32 @p0 $0x11B8D, s5;
	s6 =	sshll.u32 @p0 s4, $0x11  }
0x22: {  	s5 =	sor.u32 @p0 s6, s5  }
0x23: {  	[sflag:s5] =	ssyncadd.remote.s32 @p0 $0x1;
	_ =	sdelay $0x1  }
0x24: {  	s5 =	simm.s32 @p0 $0x1B8D  }
0x25: {  	_ =	swait.eq @p0 [sflag:s5], $0x1  }
0x26: {  	[sflag:s5] =	ssyncadd.s32 @p0 $0xFFFFFFFF  }
0x27: {  	s6 =	sshll.u32 @!p0 s1, $0xE  }
0x28: {  	s6 =	sor.u32 @!p0 $0x4000, s6;
	s5 =	simm.s32 @!p0 $0x1B8D  }
0x29: {  	s4 =	sshll.u32 @!p0 s4, $0x11;
	s6 =	sadd.s32 @!p0 $0x11B8D, s6;
	_ =	swait.eq @!p0 [sflag:s5], $0x1  }
0x2a: {  	s4 =	sor.u32 @!p0 s4, s6;
	[sflag:s5] =	ssyncadd.s32 @!p0 $0xFFFFFFFF  }
0x2b: {  	s26 =	simm.s32 $0x1B8E;
	s25 =	sld [smem:$0x3FFE];
	[sflag:s4] =	ssyncadd.remote.s32 @!p0 $0x1  }
0x2c: {  	s27 =	simm.s32 $execute0_lowered;
	[smem:$0x3FD2] =	sst s26  }
0x2d: {  	s5 =	sshll.u32 s27, $0x1;
	_ =	strace $0x80000049;
	[dreg:$0x1] =	wrdreg $0xFFFFFFFF  }
0x2e: {  	s28 =	simm.s32 $_size_execute0_lowered;
	s3 =	sadd.s32 s3, s5;
	[dreg:$0x0] =	wrdreg $0x0  }
0x2f: {  	s5 =	sshll.u32 s28, $0x1;
	[dreg:$0x2] =	wrdreg s3  }
0x30: {  	[dreg:$0x3] =	wrdreg s5  }
0x31: {  	[dreg:$0x4] =	wrdreg $0xC0  }
0x32: {  	_ =	task [dreg:s23], $0x5FFFF  }
0x33: {  	[dreg:$0x1] =	wrdreg $0xFFFFFFFF  }
0x34: {  	[dreg:$0x0] =	wrdreg $0x60  }
0x35: {  	[dreg:$0x2] =	wrdreg s25  }
0x36: {  	[dreg:$0x3] =	wrdreg $0x9  }
0x37: {  	_ =	task.clear_ibuf [dreg:s23], $0x4FFFF;
	_ =	strace $0x90000049  }
0x38: {  	s29 =	simm.s32 $0x9;
	_ =	strace $0x8000004B  }
0x39: {  	_ =	swait.ge [sflag:s29], $0x1  }
0x3a: {  	[sflag:s29] =	ssyncadd.s32 $0xFFFFFFFF  }
0x3b: {  	_ =	strace $0x9000004B  }
0x3c: {  	_ =	sfence  }
0x3d: {  	s30 =	sld [smem:$0x0];
	_ =	sdelay $0x2  }
0x3e: {  	s31 =	sshll.u32 s1, $0xD;
	s1 =	sshrl.u32 s1, $0x2  }
0x3f: {  	s4 =	sand.u32 $0x4000, s31;
	s1 =	sadd.s32 s1, s30  }
0x40: {  	s0 =	sor.u32 s4, s0;
	s1 =	sshll.u32 s1, $0x11  }
0x41: {  	s0 =	sor.u32 s1, s0  }
0x42: {  	s0 =	sadd.s32 $0x8F2B, s0  }
0x43: {  	[sflag:s0] =	ssyncadd.remote.s32 $0x1  }
0x44: {  	_ =	sfence.sel $0xFFFF  }
0x45: {  	[dreg:$0x0] =	wrdreg $0xFFFFFFFF;
	(pc) =	sbr.abs _section_cstart, $3  }
0x46: {  	[dreg:$0x1] =	wrdreg $0xFFFFFFFF  }
0x47: {  	_ =	task.clear_ibuf [dreg:s23], $0x2FFFF;
	_ =	strace $0x9FFFFFFF  }
0x48: {  	(tm) =	ssettm $0x7FFFFFFF  }
0x49: {  	_ =	shalt  }
tec
execute0_lowered:
.L_overlay_start_1:
0x0: {  	(tag) =	ssettag $0x1  }
0x1: {  	s0 =	srdreg.scid  }
0x2: {  	s1 =	sshll.u32 s0, $0x4  }
0x3: {  	s4 =	rddreg [dreg:$0x0];
	s0 =	stileid.u32;
	s1 =	sand.u32 $0x10, s1  }
0x4: {  	s7 =	simm.s32 $0x1;
	s8 =	simm.s32 $0x2;
	s2 =	sor.u32 s0, s1  }
0x5: {  	s9 =	simm.s32 $0x0;
	s12 =	simm.s32 $0x0;
	s2 =	sshll.u32 s2, $0x1  }
0x6: {  	s11 =	simm.s32 $0x0;
	s3 =	sadd.s32 $0x555200, s4;
	s6 =	ssub.s32 $0xA00, s2  }
.Ltmp0:
0x7: {  	s4 =	sadd.s32 $0x7D5200, s4;
	s5 =	sand.u32 $0x3E, s6;
	(pc) =	sbr.rel .LBB1_1-.Ltmp0, $4  }
0x8: {  	s1 =	rddreg [dreg:$0x1];
	_ =	strace $0x8000004A;
	p0 =	sne.s32 s5, $0x0  }
0x9: {  	s6 =	sshrl.u32 s6, $0x6;
	s5 =	simm.s32 $0x1;
	s7 =	simm.s32 @!p0 $0x0  }
0xa: {  	s10 =	smov.u32 s2;
	[sflag:s5] =	ssyncpa.u1 $0x0;
	s6 =	sadd.s32 s7, s6  }
0xb: {  	[sflag:s8] =	ssyncpa.u1 $0x0;
	s8 =	simm.s32 $0x0;
	s7 =	sadd.s32 $0x1, s6  }
.LBB1_9:
0xc: {  	s14 =	sadd.s32 $0x40, s10  }
0xd: {  	p1 =	sgt.s32 s14, $0x9FF  }
0xe: {  	s14 =	smov.u32 @p1 s2;
	p1 =	sne.s32 s11, s7  }
.Ltmp1:
0xf: {  	p0 =	slt.u32 s11, $0x2;
	(pc) =	sbr.rel @!p1 .LBB1_10-.Ltmp1, $4  }
0x10: {  	s13 =	simm.s32 @!p0 $0x2  }
0x11: {  	s15 =	sadd.s32 $0x1, s11;
	_ =	swait.ge @!p0 [sflag:s13], $0x4000  }
0x12: {  	s12 =	smov.u32 s10;
	s9 =	sadd.s32 $0x4000, s9;
	[sflag:s13] =	ssyncset.done @!p0 $0x0  }
0x13: {  	s11 =	smov.u32 s15;
	s10 =	smov.u32 s14;
	[sflag:s13] =	ssyncadd.s32 @!p0 $0xFFFFC000  }
.LBB1_1:
0x14: {  	p0 =	sge.u32 s11, s6  }
0x15: {  	s13 =	sxor.u32 @!p0 $0xFFFFFFFF, s11  }
0x16: {  	s31 =	sadd.s32 $0xFFFFFFFF, s11;
	s14 =	sshll.u32 @!p0 s10, $0xA;
	s13 =	sshll.u32 @!p0 s13, $0xE  }
0x17: {  	s15 =	simm.s32 @!p0 $0x0;
	s14 =	sadd.s32 @!p0 s3, s14;
	s13 =	sand.u32 @!p0 $0x4000, s13  }
0x18: {  	[tilespmem:s13], [sflag:$0x1] =	stream.linear.gather @!p0 [hbm4b:s14+s15], $0x4000, $0x38;
	[tilespmem:$0x10000] =	vst v63  }
0x19: {  	p0 =	sge.u32 s31, s6  }
.Ltmp2:
0x1a: {  	_ = 	snop;
	(pc) =	sbr.rel @p0 .LBB1_9-.Ltmp2, $1  }
0x1b: {  	_ =	sdelay $0x3  }
0x1c: {  	s13 =	sshll.u32 s9, $0x2  }
0x1d: {  	_ =	swait.ge [sflag:s5], $0x4000;
	s14 =	sshll.u32 s11, $0xE;
	s16 =	simm.s32 $0x0  }
0x1e: {  	p1 =	por $0x1, $0x1;
	s13 =	sand.u32 $0x10000, s13;
	[sflag:s5] =	ssyncset.done $0x0  }
0x1f: {  	s14 =	sand.u32 $0x4000, s14;
	s15 =	sshrl.u32 s13, $0x2;
	[sflag:s5] =	ssyncadd.s32 $0xFFFFC000  }
0x20: {  	s13 =	sor.u32 $0x8000, s14;
	s14 =	sadd.s32 $0x8040, s15;
	s15 =	sadd.s32 $0x40, s15  }
.LBB1_3:
0x21: {  	s16 =	sshll.u32 s16, $0x2  }
0x22: {  	p0 =	por p1, p1;
	s17 =	sshra.s32 s16, $0x2  }
0x23: {  	s18 =	simm.s32 $0x0;
	s16 =	sadd.s32 s17, s14;
	s17 =	sadd.s32 s17, s15  }
.LBB1_4:
0x24: {  	v0 =	vmov s17;
	_ =	sdelay $0x3  }
0x25: {  	s20 =	simm.s32 $0x0  }
0x26: {  	v6 =	vld.idx.msk [tilespmem:v0+s20+$0x30 ss:$0x1], $0xffff  }
0x27: {  	v7 =	vld.idx.msk [tilespmem:v0+s20+$0xFFFFFFC0 ss:$0x1], $0xffff  }
0x28: {  	v5 =	vld.idx.msk [tilespmem:v0+s20+$0xFFFFFFD0 ss:$0x1], $0xffff  }
0x29: {  	v4 =	vld.idx.msk [tilespmem:v0+s20+$0xFFFFFFE0 ss:$0x1], $0xffff  }
0x2a: {  	v3 =	vld.idx.msk [tilespmem:v0+s20+$0xFFFFFFF0 ss:$0x1], $0xffff  }
0x2b: {  	v1 =	vld.idx.msk [tilespmem:v0+s20+$0x0 ss:$0x1], $0xffff  }
0x2c: {  	v2 =	vld.idx.msk [tilespmem:v0+s20+$0x10 ss:$0x1], $0xffff;
	[tilespmem:s16+$0x30] =	vst v6  }
0x2d: {  	s19 =	simm.s32 $0x80;
	s21 =	simm.s32 $0x400;
	[tilespmem:s16+$0xFFFFFFC0] =	vst v7;
	v6 =	vld.idx.msk [tilespmem:v0+s20+$0x20 ss:$0x1], $0xffff;
	s20 =	smov.u32 s16  }
.LBB1_5:
0x2e: {  	p1 =	sne.s32 s21, $0xE00;
	v7 =	vld.idx.msk [tilespmem:v0+s19+$0x30 ss:$0x1], $0xffff;
	[tilespmem:s20+$0xFFFFFFD0] =	vst v5  }
0x2f: {  	v8 =	vld.idx.msk [tilespmem:v0+s19+$0xFFFFFFC0 ss:$0x1], $0xffff;
	[tilespmem:s20+$0xFFFFFFE0] =	vst v4  }
0x30: {  	v5 =	vld.idx.msk [tilespmem:v0+s19+$0xFFFFFFD0 ss:$0x1], $0xffff;
	[tilespmem:s20+$0xFFFFFFF0] =	vst v3  }
.Ltmp3:
0x31: {  	v4 =	vld.idx.msk [tilespmem:v0+s19+$0xFFFFFFE0 ss:$0x1], $0xffff;
	[tilespmem:s20+$0x0] =	vst v1;
	(pc) =	sbr.rel @p1 .LBB1_5-.Ltmp3, $4  }
0x32: {  	v3 =	vld.idx.msk [tilespmem:v0+s19+$0xFFFFFFF0 ss:$0x1], $0xffff;
	[tilespmem:s20+$0x10] =	vst v2  }
0x33: {  	v1 =	vld.idx.msk [tilespmem:v0+s19+$0x0 ss:$0x1], $0xffff;
	[tilespmem:s20+$0x20] =	vst v6;
	s20 =	sadd.s32 $0x400, s20  }
0x34: {  	v2 =	vld.idx.msk [tilespmem:v0+s19+$0x10 ss:$0x1], $0xffff;
	[tilespmem:s20+$0x30] =	vst v7  }
0x35: {  	[tilespmem:s20+$0xFFFFFFC0] =	vst v8;
	v6 =	vld.idx.msk [tilespmem:v0+s19+$0x20 ss:$0x1], $0xffff;
	s19 =	sshra.s32 s21, $0x2;
	s21 =	sadd.s32 $0x200, s21  }
0x36: {  	_ =	sdelay $0x2  }
0x37: {  	[tilespmem:s20+$0xFFFFFFD0] =	vst v5  }
0x38: {  	v56 =	vld.idx.msk [tilespmem:v0+s19+$0x30 ss:$0x1], $0xffff;
	[tilespmem:s20+$0xFFFFFFE0] =	vst v4  }
0x39: {  	v57 =	vld.idx.msk [tilespmem:v0+s19+$0xFFFFFFC0 ss:$0x1], $0xffff;
	[tilespmem:s20+$0xFFFFFFF0] =	vst v3  }
0x3a: {  	v58 =	vld.idx.msk [tilespmem:v0+s19+$0xFFFFFFD0 ss:$0x1], $0xffff;
	[tilespmem:s20+$0x0] =	vst v1  }
0x3b: {  	v59 =	vld.idx.msk [tilespmem:v0+s19+$0xFFFFFFE0 ss:$0x1], $0xffff;
	[tilespmem:s20+$0x10] =	vst v2  }
0x3c: {  	v60 =	vld.idx.msk [tilespmem:v0+s19+$0xFFFFFFF0 ss:$0x1], $0xffff;
	s31 =	sadd.s32 $0x400, s20;
	[tilespmem:s20+$0x20] =	vst v6  }
0x3d: {  	v61 =	vld.idx.msk [tilespmem:v0+s19+$0x0 ss:$0x1], $0xffff;
	[tilespmem:s31+$0x30] =	vst v56  }
0x3e: {  	v62 =	vld.idx.msk [tilespmem:v0+s19+$0x10 ss:$0x1], $0xffff;
	s18 =	sadd.s32 $0x1, s18;
	[tilespmem:s31+$0xFFFFFFC0] =	vst v57  }
0x3f: {  	v63 =	vld.idx.msk [tilespmem:v0+s19+$0x20 ss:$0x1], $0xffff;
	p1 =	sne.s32 s18, $0x8;
	[tilespmem:s31+$0xFFFFFFD0] =	vst v58  }
.Ltmp4:
0x40: {  	[tilespmem:s31+$0xFFFFFFE0] =	vst v59;
	(pc) =	sbr.rel @p1 .LBB1_4-.Ltmp4, $4  }
0x41: {  	[tilespmem:s31+$0xFFFFFFF0] =	vst v60  }
0x42: {  	[tilespmem:s31+$0x0] =	vst v61  }
0x43: {  	[tilespmem:s31+$0x10] =	vst v62  }
0x44: {  	s16 =	sadd.s32 $0x80, s16;
	s17 =	sadd.s32 $0x400, s17;
	[tilespmem:s31+$0x20] =	vst v63  }
.Ltmp5:
0x45: {  	(pc) =	sbr.rel @p0 .LBB1_3-.Ltmp5, $2  }
0x46: {  	_ =	sdelay $0x2  }
0x47: {  	s16 =	simm.s32 $0x2000;
	p1 =	por $0x0, $0x0  }
.Ltmp6:
0x48: {  	(pc) =	sbr.rel .LBB1_9-.Ltmp6, $4  }
0x49: {  	_ = 	snop  }
0x4a: {  	s12 =	sshll.u32 s12, $0xA  }
0x4b: {  	s12 =	sadd.s32 s4, s12  }
0x4c: {  	[hbm4b:s12+s8] =	stream.linear.scatter [tilespmem:s13], [sflag:$0x2], $0x4000, $0x38;
	[tilespmem:$0x10000] =	vst v63  }
.LBB1_10:
0x4d: {  	_ =	sfence.sel $0x180000  }
0x4e: {  	s2 =	simm.s32 $0x1;
	[bflag:$0x0] =	sbarrier.arrive $0xFFFF  }
0x4f: {  	s31 =	simm.s32 $0x2;
	[sflag:s2] =	ssyncpa.u1 $0x1  }
0x50: {  	[sflag:s31] =	ssyncpa.u1 $0x1  }
0x51: {  	p0 =	sne.s32 s0, $0x0;
	_ =	strace $0x9000004A  }
0x52: {  	s0 =	sadd.s32 @!p0 $0x100000, s1;
	[bflag:$0x2] =	sbarrier.arrive $0xFFFF  }
0x53: {  	[sflag:s0] =	ssyncadd.tile.s32 @!p0 $0x1;
	_ =	shalt  }
.Lfunc_end1:
_tile_overlayer_lowered:
.L_overlay_start_2:
0x54: {  	(tag) =	ssettag $0x2  }
0x55: {  	s0 =	rddreg [dreg:$0x0];
	s2 =	stileid.u32  }
0x56: {  	s1 =	rddreg [dreg:$0x1];
	p0 =	sne.s32 s2, $0x0  }
0x57: {  	s3 =	rddreg [dreg:$0x2];
	[bflag:$0x3] =	sbarrier.arrive $0xFFFF;
	s2 =	simm.s32 @!p0 $0x1C01  }
0x58: {  	[timem:s3], [sflag:s2] =	dma.local @!p0 [hbm:s0], s1  }
0x59: {  	s0 =	simm.s32 @!p0 $0x1  }
0x5a: {  	_ =	swait.ge @!p0 [sflag:s0], s1  }
0x5b: {  	s1 =	ssub.s32 @!p0 $0x0, s1;
	[sflag:s0] =	ssyncset.done @!p0 $0x0  }
0x5c: {  	[sflag:s0] =	ssyncadd.s32 @!p0 s1  }
0x5d: {  	[bflag:$0x3] =	sbarrier.arrive $0xFFFF  }
0x5e: {  	_ =	shalt  }

</sc_bundles>
